<compile_context>
chip_gen: v7x
topology: tpu7x:2x2x1
jax: 0.10.2.dev20260603
libtpu: 0.0.44.dev20260713+nightly
codegen_flags: <defaults>
</compile_context>

<pallas_src>
import functools

import jax
import jax.numpy as jnp
from jax import lax
from jax.experimental import pallas as pl
from jax.experimental.pallas import tpu as pltpu
from jax.experimental.pallas import tpu_sc as plsc

_LANE = 128


_NW = 32
_CH_ROWS = 4
_COLS = 4096


def _sc_body(x_hbm, o_hbm, in0, in1, ou0, ou1, is0, is1, os0, os1,
             *, rows_per_worker):
    nch = rows_per_worker // _CH_ROWS
    cid = lax.axis_index("c")
    sid = lax.axis_index("s")
    wid = sid * 2 + cid
    row0 = wid * rows_per_worker

    perm = (jax.lax.iota(jnp.int32, 16) ^ 1).reshape(16, 1)
    parityf = (jax.lax.iota(jnp.int32, 16) & 1).astype(jnp.float32)
    zerov = jnp.zeros((16,), jnp.float32)

    ins = (in0, in1)
    outs = (ou0, ou1)
    isems = (is0, is1)
    osems = (os0, os1)

    def chunk_rows(c):
        return pl.ds(row0 + c * _CH_ROWS, _CH_ROWS)

    pltpu.async_copy(x_hbm.at[chunk_rows(0)], in0, is0)
    pltpu.async_copy(x_hbm.at[chunk_rows(1)], in1, is1)

    def pair_body(p, carry):
        for b in range(2):
            ib, ob, isem, osem = ins[b], outs[b], isems[b], osems[b]
            c = 2 * p + b
            @pl.when(p > 0)
            def _():
                pltpu.make_async_copy(ob, o_hbm.at[chunk_rows(c - 2)],
                                      osem).wait()
            pltpu.make_async_copy(x_hbm.at[chunk_rows(c)], ib, isem).wait()

            for r in range(_CH_ROWS):
                def grp_body(k, _, r=r, ib=ib, ob=ob):
                    base = k * 256
                    for g in range(16):
                        off = base + g * 16
                        xv = ib[r, pl.ds(off, 16)]
                        pv = lax.gather(
                            xv, perm,
                            lax.GatherDimensionNumbers(
                                offset_dims=(),
                                collapsed_slice_dims=(0,),
                                start_index_map=(0,)),
                            (1,),
                            mode=lax.GatherScatterMode.PROMISE_IN_BOUNDS)
                        even = parityf == zerov
                        win = (xv > pv) | (even & (xv == pv))
                        ob[r, pl.ds(off, 16)] = jnp.where(win, xv, zerov)
                    return 0
                lax.fori_loop(0, _COLS // 256, grp_body, 0)

            pltpu.async_copy(ob, o_hbm.at[chunk_rows(c)], osem)

            @pl.when(c + 2 < nch)
            def _():
                pltpu.async_copy(x_hbm.at[chunk_rows(c + 2)], ib, isem)
        return carry

    lax.fori_loop(0, nch // 2, pair_body, 0)

    pltpu.make_async_copy(ou0, o_hbm.at[chunk_rows(nch - 2)], os0).wait()
    pltpu.make_async_copy(ou1, o_hbm.at[chunk_rows(nch - 1)], os1).wait()


def _lwta_sc(x2):
    rows = x2.shape[0]
    rows_per_worker = rows // _NW
    mesh = plsc.VectorSubcoreMesh(core_axis_name="c", subcore_axis_name="s")
    fn = pl.kernel(
        functools.partial(_sc_body, rows_per_worker=rows_per_worker),
        out_type=jax.ShapeDtypeStruct((rows, _COLS), jnp.float32),
        mesh=mesh,
        scratch_types=[
            pltpu.VMEM((_CH_ROWS, _COLS), jnp.float32),
            pltpu.VMEM((_CH_ROWS, _COLS), jnp.float32),
            pltpu.VMEM((_CH_ROWS, _COLS), jnp.float32),
            pltpu.VMEM((_CH_ROWS, _COLS), jnp.float32),
            pltpu.SemaphoreType.DMA,
            pltpu.SemaphoreType.DMA,
            pltpu.SemaphoreType.DMA,
            pltpu.SemaphoreType.DMA,
        ],
    )
    return fn(x2)



_ROWS_PER_BLOCK = 512


def _lwta_body(x_ref, o_ref):
    n = x_ref.shape[1]
    shape = (x_ref.shape[0], _LANE)
    lane = jax.lax.broadcasted_iota(jnp.int32, shape, dimension=1)
    even = (lane & 1) == 0
    odd = ~even
    zero = jnp.zeros(shape, x_ref.dtype)
    for j in range(n // _LANE):
        sl = pl.ds(j * _LANE, _LANE)
        x = x_ref[:, sl]
        left = pltpu.roll(x, _LANE - 1, axis=1)
        right = pltpu.roll(x, 1, axis=1)
        win = (even & (x >= left)) | (odd & (x > right))
        o_ref[:, sl] = jnp.where(win, x, zero)


def _lwta_tc(x2):
    rows = x2.shape[0]
    n_last = x2.shape[1]
    block = _ROWS_PER_BLOCK
    grid = (rows // block,)
    return pl.pallas_call(
        _lwta_body,
        grid=grid,
        in_specs=[pl.BlockSpec((block, n_last), lambda i: (i, 0))],
        out_specs=pl.BlockSpec((block, n_last), lambda i: (i, 0)),
        out_shape=jax.ShapeDtypeStruct((rows, n_last), x2.dtype),
    )(x2)


def kernel(x):
    orig_shape = x.shape
    x2 = x.reshape(-1, orig_shape[-1])
    out = _lwta_sc(x2)
    return out.reshape(orig_shape)

# --- scband reference (transcript-rebuilt; emitter-appended) ---
"""Pipeline reference for scband-lwta-31207232373204 (READ-ONLY COPY).

The authoritative reference and input builder live on the scoring server;
editing this copy changes nothing except your own understanding.
"""

import jax, jax.numpy as jnp
import numpy as np

K = 2

def setup_inputs(seed: int = 0) -> dict:
    key = jax.random.key(seed)
    x = jax.random.normal(key, (2, 8192, 4096), dtype=jnp.float32)
    return {"x": x}

def reference(x):
    k = K
    y = x.reshape(x.shape[:-1] + (-1, k))
    idx = y.argmax(axis=-1)
    indices = tuple(jnp.indices(y.shape[:-1])) + (idx,)
    m = jnp.zeros_like(y)
    m = m.at[indices].set(1)
    y = jnp.multiply(m, y).reshape(x.shape)
    return y

if __name__ == "__main__":
    import jax
    _d = setup_inputs()
    print(jax.jit(kernel)(*tuple(_d.values())))

</pallas_src>

<mosaic_0001>
#map = affine_map<(d0, d1) -> (0, 0)>
module attributes {stable_mosaic.version = 14 : i64} {
  func.func @_sc_body(%arg0: i32, %arg1: i32, %arg2: memref<16384x4096xf32, #tpu.memory_space<hbm>>, %arg3: memref<16384x4096xf32, #tpu.memory_space<hbm>>, %arg4: memref<4x4096xf32, #tpu.memory_space<vmem>>, %arg5: memref<4x4096xf32, #tpu.memory_space<vmem>>, %arg6: memref<4x4096xf32, #tpu.memory_space<vmem>>, %arg7: memref<4x4096xf32, #tpu.memory_space<vmem>>, %arg8: memref<!tpu.dma_semaphore, #tpu.memory_space<semaphore_mem>>, %arg9: memref<!tpu.dma_semaphore, #tpu.memory_space<semaphore_mem>>, %arg10: memref<!tpu.dma_semaphore, #tpu.memory_space<semaphore_mem>>, %arg11: memref<!tpu.dma_semaphore, #tpu.memory_space<semaphore_mem>>) attributes {dimension_semantics = [#tpu.dimension_semantics<core_parallel>, #tpu.dimension_semantics<subcore_parallel>], iteration_bounds = array<i64: 2, 16>, scalar_prefetch = 0 : i64, scratch_operands = 8 : i64, tpu.core_type = #tpu.core_type<sc_vector_subcore>, window_params = [{transform_indices = #map}, {transform_indices = #map}]} {
    %mul3A = arith.constant 2 : i32
    %mul3A_0 = arith.muli %arg1, %mul3A : i32
    %add3A = arith.addi %mul3A_0, %arg0 : i32
    %mul3A_1 = arith.constant 512 : i32
    %mul3A_2 = arith.muli %add3A, %mul3A_1 : i32
    %iota3A = tpu.iota {dimensions = array<i32: 0>} : vector<16xi32>
    %xor3A = arith.constant 1 : i32
    %xor3A_3 = vector.broadcast %xor3A : i32 to vector<16xi32>
    %xor3A_4 = arith.xori %iota3A, %xor3A_3 : vector<16xi32>
    %reshape3A = vector.shape_cast %xor3A_4 : vector<16xi32> to vector<16x1xi32>
    %iota3A_5 = tpu.iota {dimensions = array<i32: 0>} : vector<16xi32>
    %and3A = arith.constant 1 : i32
    %and3A_6 = vector.broadcast %and3A : i32 to vector<16xi32>
    %and3A_7 = arith.andi %iota3A_5, %and3A_6 : vector<16xi32>
    %convert_element_type3A = arith.sitofp %and3A_7 : vector<16xi32> to vector<16xf32>
    %broadcast_in_dim3A = arith.constant 0.000000e+00 : f32
    %broadcast_in_dim3A_8 = vector.broadcast %broadcast_in_dim3A : f32 to vector<16xf32>
    %add3A_9 = arith.constant 0 : i32
    %add3A_10 = arith.addi %mul3A_2, %add3A_9 : i32
    %dma_start3A = arith.constant 0 : i32
    %dma_start3A_11 = tpu.memref_slice %arg2[%add3A_10, %dma_start3A] : memref<16384x4096xf32, #tpu.memory_space<hbm>> -> memref<4x4096xf32, #tpu.memory_space<hbm>>
    %dma_start3A_12 = arith.constant 0 : i32
    %dma_start3A_13 = tpu.memref_slice %arg2[%add3A_10, %dma_start3A_12] : memref<16384x4096xf32, #tpu.memory_space<hbm>> -> memref<4x4096xf32, #tpu.memory_space<hbm>>
    tpu.enqueue_dma source(%dma_start3A_13 : memref<4x4096xf32, #tpu.memory_space<hbm>>) target(%arg4 : memref<4x4096xf32, #tpu.memory_space<vmem>>) target_semaphore(%arg8 : memref<!tpu.dma_semaphore, #tpu.memory_space<semaphore_mem>>)
    %add3A_14 = arith.constant 4 : i32
    %add3A_15 = arith.addi %mul3A_2, %add3A_14 : i32
    %dma_start3A_16 = arith.constant 0 : i32
    %dma_start3A_17 = tpu.memref_slice %arg2[%add3A_15, %dma_start3A_16] : memref<16384x4096xf32, #tpu.memory_space<hbm>> -> memref<4x4096xf32, #tpu.memory_space<hbm>>
    %dma_start3A_18 = arith.constant 0 : i32
    %dma_start3A_19 = tpu.memref_slice %arg2[%add3A_15, %dma_start3A_18] : memref<16384x4096xf32, #tpu.memory_space<hbm>> -> memref<4x4096xf32, #tpu.memory_space<hbm>>
    tpu.enqueue_dma source(%dma_start3A_19 : memref<4x4096xf32, #tpu.memory_space<hbm>>) target(%arg5 : memref<4x4096xf32, #tpu.memory_space<vmem>>) target_semaphore(%arg9 : memref<!tpu.dma_semaphore, #tpu.memory_space<semaphore_mem>>)
    %scan3A = arith.constant 0 : i32
    %scan3A_20 = arith.constant 0 : i32
    %scan3A_21 = arith.constant 64 : i32
    %scan3A_22 = arith.addi %scan3A_20, %scan3A_21 : i32
    %scan3A_23 = arith.constant 1 : i32
    scf.for %scan3A_36 = %scan3A_20 to %scan3A_22 step %scan3A_23  : i32 {
      %mul3A_37 = arith.constant 2 : i32
      %mul3A_38 = arith.muli %mul3A_37, %scan3A_36 : i32
      %add3A_39 = arith.constant 0 : i32
      %add3A_40 = arith.addi %mul3A_38, %add3A_39 : i32
      %gt3A = arith.constant 0 : i32
      %gt3A_41 = arith.cmpi sgt, %scan3A_36, %gt3A : i32
      %convert_element_type3A_42 = arith.extui %gt3A_41 : i1 to i32
      %cond3A = arith.constant 0 : i32
      %cond3A_43 = arith.cmpi ne, %convert_element_type3A_42, %cond3A : i32
      scf.if %cond3A_43 {
        %sub3A = arith.constant 2 : i32
        %sub3A_150 = arith.subi %add3A_40, %sub3A : i32
        %mul3A_151 = arith.constant 4 : i32
        %mul3A_152 = arith.muli %sub3A_150, %mul3A_151 : i32
        %add3A_153 = arith.addi %mul3A_2, %mul3A_152 : i32
        %dma_wait3A_154 = arith.constant 0 : i32
        %dma_wait3A_155 = tpu.memref_slice %arg3[%add3A_153, %dma_wait3A_154] : memref<16384x4096xf32, #tpu.memory_space<hbm>> -> memref<4x4096xf32, #tpu.memory_space<hbm>>
        %dma_wait3A_156 = arith.constant 0 : i32
        %dma_wait3A_157 = tpu.memref_slice %arg3[%add3A_153, %dma_wait3A_156] : memref<16384x4096xf32, #tpu.memory_space<hbm>> -> memref<4x4096xf32, #tpu.memory_space<hbm>>
        tpu.wait_dma2 semaphore(%arg10 : memref<!tpu.dma_semaphore, #tpu.memory_space<semaphore_mem>>) src(%arg6 : memref<4x4096xf32, #tpu.memory_space<vmem>>) dst(%dma_wait3A_157 : memref<4x4096xf32, #tpu.memory_space<hbm>>)
      } else {
      }
      %mul3A_44 = arith.constant 4 : i32
      %mul3A_45 = arith.muli %add3A_40, %mul3A_44 : i32
      %add3A_46 = arith.addi %mul3A_2, %mul3A_45 : i32
      %dma_wait3A_47 = arith.constant 0 : i32
      %dma_wait3A_48 = tpu.memref_slice %arg2[%add3A_46, %dma_wait3A_47] : memref<16384x4096xf32, #tpu.memory_space<hbm>> -> memref<4x4096xf32, #tpu.memory_space<hbm>>
      %dma_wait3A_49 = arith.constant 0 : i32
      %dma_wait3A_50 = tpu.memref_slice %arg2[%add3A_46, %dma_wait3A_49] : memref<16384x4096xf32, #tpu.memory_space<hbm>> -> memref<4x4096xf32, #tpu.memory_space<hbm>>
      tpu.wait_dma2 semaphore(%arg8 : memref<!tpu.dma_semaphore, #tpu.memory_space<semaphore_mem>>) src(%dma_wait3A_50 : memref<4x4096xf32, #tpu.memory_space<hbm>>) dst(%arg4 : memref<4x4096xf32, #tpu.memory_space<vmem>>)
      %scan3A_51 = arith.constant 0 : i32
      %scan3A_52 = arith.constant 0 : i32
      %scan3A_53 = arith.constant 16 : i32
      %scan3A_54 = arith.addi %scan3A_52, %scan3A_53 : i32
      %scan3A_55 = arith.constant 1 : i32
      %scan3A_56 = scf.for %scan3A_150 = %scan3A_52 to %scan3A_54 step %scan3A_55 iter_args(%scan3A_151 = %scan3A_51) -> (i32)  : i32 {
        %mul3A_152 = arith.constant 256 : i32
        %mul3A_153 = arith.muli %scan3A_150, %mul3A_152 : i32
        %add3A_154 = arith.constant 0 : i32
        %add3A_155 = arith.addi %mul3A_153, %add3A_154 : i32
        %get3A = arith.constant 0 : i32
        %get3A_156 = arith.index_cast %get3A : i32 to index
        %get3A_157 = arith.index_cast %add3A_155 : i32 to index
        %get3A_158 = tpu.vector_load %arg4[%get3A_156, %get3A_157] {strides = array<i32>} : memref<4x4096xf32, #tpu.memory_space<vmem>>, vector<1x16xf32>,
        %get3A_159 = vector.shape_cast %get3A_158 : vector<1x16xf32> to vector<16xf32>
        %gather3A = vector.shape_cast %reshape3A : vector<16x1xi32> to vector<16xi32>
        %gather3A_160 = tpu.dynamic_gather %get3A_159[%gather3A] in [0] : vector<16xf32>, vector<16xi32> -> vector<16xf32>
        %eq3A = arith.cmpf oeq, %convert_element_type3A, %broadcast_in_dim3A_8 : vector<16xf32>
        %gt3A_161 = arith.cmpf ogt, %get3A_159, %gather3A_160 : vector<16xf32>
        %eq3A_162 = arith.cmpf oeq, %get3A_159, %gather3A_160 : vector<16xf32>
        %and3A_163 = arith.andi %eq3A, %eq3A_162 : vector<16xi1>
        %or3A = arith.ori %gt3A_161, %and3A_163 : vector<16xi1>
        %select_n3A = arith.select %or3A, %get3A_159, %broadcast_in_dim3A_8 : vector<16xi1>, vector<16xf32>
        %swap3A = arith.constant 0 : i32
        %swap3A_164 = arith.index_cast %swap3A : i32 to index
        %swap3A_165 = arith.index_cast %add3A_155 : i32 to index
        %swap3A_166 = tpu.vector_load %arg6[%swap3A_164, %swap3A_165] {strides = array<i32>} : memref<4x4096xf32, #tpu.memory_space<vmem>>, vector<1x16xf32>,
        %swap3A_167 = vector.shape_cast %swap3A_166 : vector<1x16xf32> to vector<16xf32>
        %swap3A_168 = vector.shape_cast %select_n3A : vector<16xf32> to vector<1x16xf32>
        tpu.vector_store %arg6[%swap3A_164, %swap3A_165], %swap3A_168 {strides = array<i32>} : memref<4x4096xf32, #tpu.memory_space<vmem>>, vector<1x16xf32>,
        %add3A_169 = arith.constant 16 : i32
        %add3A_170 = arith.addi %mul3A_153, %add3A_169 : i32
        %get3A_171 = arith.constant 0 : i32
        %get3A_172 = arith.index_cast %get3A_171 : i32 to index
        %get3A_173 = arith.index_cast %add3A_170 : i32 to index
        %get3A_174 = tpu.vector_load %arg4[%get3A_172, %get3A_173] {strides = array<i32>} : memref<4x4096xf32, #tpu.memory_space<vmem>>, vector<1x16xf32>,
        %get3A_175 = vector.shape_cast %get3A_174 : vector<1x16xf32> to vector<16xf32>
        %gather3A_176 = vector.shape_cast %reshape3A : vector<16x1xi32> to vector<16xi32>
        %gather3A_177 = tpu.dynamic_gather %get3A_175[%gather3A_176] in [0] : vector<16xf32>, vector<16xi32> -> vector<16xf32>
        %eq3A_178 = arith.cmpf oeq, %convert_element_type3A, %broadcast_in_dim3A_8 : vector<16xf32>
        %gt3A_179 = arith.cmpf ogt, %get3A_175, %gather3A_177 : vector<16xf32>
        %eq3A_180 = arith.cmpf oeq, %get3A_175, %gather3A_177 : vector<16xf32>
        %and3A_181 = arith.andi %eq3A_178, %eq3A_180 : vector<16xi1>
        %or3A_182 = arith.ori %gt3A_179, %and3A_181 : vector<16xi1>
        %select_n3A_183 = arith.select %or3A_182, %get3A_175, %broadcast_in_dim3A_8 : vector<16xi1>, vector<16xf32>
        %swap3A_184 = arith.constant 0 : i32
        %swap3A_185 = arith.index_cast %swap3A_184 : i32 to index
        %swap3A_186 = arith.index_cast %add3A_170 : i32 to index
        %swap3A_187 = tpu.vector_load %arg6[%swap3A_185, %swap3A_186] {strides = array<i32>} : memref<4x4096xf32, #tpu.memory_space<vmem>>, vector<1x16xf32>,
        %swap3A_188 = vector.shape_cast %swap3A_187 : vector<1x16xf32> to vector<16xf32>
        %swap3A_189 = vector.shape_cast %select_n3A_183 : vector<16xf32> to vector<1x16xf32>
        tpu.vector_store %arg6[%swap3A_185, %swap3A_186], %swap3A_189 {strides = array<i32>} : memref<4x4096xf32, #tpu.memory_space<vmem>>, vector<1x16xf32>,
        %add3A_190 = arith.constant 32 : i32
        %add3A_191 = arith.addi %mul3A_153, %add3A_190 : i32
        %get3A_192 = arith.constant 0 : i32
        %get3A_193 = arith.index_cast %get3A_192 : i32 to index
        %get3A_194 = arith.index_cast %add3A_191 : i32 to index
        %get3A_195 = tpu.vector_load %arg4[%get3A_193, %get3A_194] {strides = array<i32>} : memref<4x4096xf32, #tpu.memory_space<vmem>>, vector<1x16xf32>,
        %get3A_196 = vector.shape_cast %get3A_195 : vector<1x16xf32> to vector<16xf32>
        %gather3A_197 = vector.shape_cast %reshape3A : vector<16x1xi32> to vector<16xi32>
        %gather3A_198 = tpu.dynamic_gather %get3A_196[%gather3A_197] in [0] : vector<16xf32>, vector<16xi32> -> vector<16xf32>
        %eq3A_199 = arith.cmpf oeq, %convert_element_type3A, %broadcast_in_dim3A_8 : vector<16xf32>
        %gt3A_200 = arith.cmpf ogt, %get3A_196, %gather3A_198 : vector<16xf32>
        %eq3A_201 = arith.cmpf oeq, %get3A_196, %gather3A_198 : vector<16xf32>
        %and3A_202 = arith.andi %eq3A_199, %eq3A_201 : vector<16xi1>
        %or3A_203 = arith.ori %gt3A_200, %and3A_202 : vector<16xi1>
        %select_n3A_204 = arith.select %or3A_203, %get3A_196, %broadcast_in_dim3A_8 : vector<16xi1>, vector<16xf32>
        %swap3A_205 = arith.constant 0 : i32
        %swap3A_206 = arith.index_cast %swap3A_205 : i32 to index
        %swap3A_207 = arith.index_cast %add3A_191 : i32 to index
        %swap3A_208 = tpu.vector_load %arg6[%swap3A_206, %swap3A_207] {strides = array<i32>} : memref<4x4096xf32, #tpu.memory_space<vmem>>, vector<1x16xf32>,
        %swap3A_209 = vector.shape_cast %swap3A_208 : vector<1x16xf32> to vector<16xf32>
        %swap3A_210 = vector.shape_cast %select_n3A_204 : vector<16xf32> to vector<1x16xf32>
        tpu.vector_store %arg6[%swap3A_206, %swap3A_207], %swap3A_210 {strides = array<i32>} : memref<4x4096xf32, #tpu.memory_space<vmem>>, vector<1x16xf32>,
        %add3A_211 = arith.constant 48 : i32
        %add3A_212 = arith.addi %mul3A_153, %add3A_211 : i32
        %get3A_213 = arith.constant 0 : i32
        %get3A_214 = arith.index_cast %get3A_213 : i32 to index
        %get3A_215 = arith.index_cast %add3A_212 : i32 to index
        %get3A_216 = tpu.vector_load %arg4[%get3A_214, %get3A_215] {strides = array<i32>} : memref<4x4096xf32, #tpu.memory_space<vmem>>, vector<1x16xf32>,
        %get3A_217 = vector.shape_cast %get3A_216 : vector<1x16xf32> to vector<16xf32>
        %gather3A_218 = vector.shape_cast %reshape3A : vector<16x1xi32> to vector<16xi32>
        %gather3A_219 = tpu.dynamic_gather %get3A_217[%gather3A_218] in [0] : vector<16xf32>, vector<16xi32> -> vector<16xf32>
        %eq3A_220 = arith.cmpf oeq, %convert_element_type3A, %broadcast_in_dim3A_8 : vector<16xf32>
        %gt3A_221 = arith.cmpf ogt, %get3A_217, %gather3A_219 : vector<16xf32>
        %eq3A_222 = arith.cmpf oeq, %get3A_217, %gather3A_219 : vector<16xf32>
        %and3A_223 = arith.andi %eq3A_220, %eq3A_222 : vector<16xi1>
        %or3A_224 = arith.ori %gt3A_221, %and3A_223 : vector<16xi1>
        %select_n3A_225 = arith.select %or3A_224, %get3A_217, %broadcast_in_dim3A_8 : vector<16xi1>, vector<16xf32>
        %swap3A_226 = arith.constant 0 : i32
        %swap3A_227 = arith.index_cast %swap3A_226 : i32 to index
        %swap3A_228 = arith.index_cast %add3A_212 : i32 to index
        %swap3A_229 = tpu.vector_load %arg6[%swap3A_227, %swap3A_228] {strides = array<i32>} : memref<4x4096xf32, #tpu.memory_space<vmem>>, vector<1x16xf32>,
        %swap3A_230 = vector.shape_cast %swap3A_229 : vector<1x16xf32> to vector<16xf32>
        %swap3A_231 = vector.shape_cast %select_n3A_225 : vector<16xf32> to vector<1x16xf32>
        tpu.vector_store %arg6[%swap3A_227, %swap3A_228], %swap3A_231 {strides = array<i32>} : memref<4x4096xf32, #tpu.memory_space<vmem>>, vector<1x16xf32>,
        %add3A_232 = arith.constant 64 : i32
        %add3A_233 = arith.addi %mul3A_153, %add3A_232 : i32
        %get3A_234 = arith.constant 0 : i32
        %get3A_235 = arith.index_cast %get3A_234 : i32 to index
        %get3A_236 = arith.index_cast %add3A_233 : i32 to index
        %get3A_237 = tpu.vector_load %arg4[%get3A_235, %get3A_236] {strides = array<i32>} : memref<4x4096xf32, #tpu.memory_space<vmem>>, vector<1x16xf32>,
        %get3A_238 = vector.shape_cast %get3A_237 : vector<1x16xf32> to vector<16xf32>
        %gather3A_239 = vector.shape_cast %reshape3A : vector<16x1xi32> to vector<16xi32>
        %gather3A_240 = tpu.dynamic_gather %get3A_238[%gather3A_239] in [0] : vector<16xf32>, vector<16xi32> -> vector<16xf32>
        %eq3A_241 = arith.cmpf oeq, %convert_element_type3A, %broadcast_in_dim3A_8 : vector<16xf32>
        %gt3A_242 = arith.cmpf ogt, %get3A_238, %gather3A_240 : vector<16xf32>
        %eq3A_243 = arith.cmpf oeq, %get3A_238, %gather3A_240 : vector<16xf32>
        %and3A_244 = arith.andi %eq3A_241, %eq3A_243 : vector<16xi1>
        %or3A_245 = arith.ori %gt3A_242, %and3A_244 : vector<16xi1>
        %select_n3A_246 = arith.select %or3A_245, %get3A_238, %broadcast_in_dim3A_8 : vector<16xi1>, vector<16xf32>
        %swap3A_247 = arith.constant 0 : i32
        %swap3A_248 = arith.index_cast %swap3A_247 : i32 to index
        %swap3A_249 = arith.index_cast %add3A_233 : i32 to index
        %swap3A_250 = tpu.vector_load %arg6[%swap3A_248, %swap3A_249] {strides = array<i32>} : memref<4x4096xf32, #tpu.memory_space<vmem>>, vector<1x16xf32>,
        %swap3A_251 = vector.shape_cast %swap3A_250 : vector<1x16xf32> to vector<16xf32>
        %swap3A_252 = vector.shape_cast %select_n3A_246 : vector<16xf32> to vector<1x16xf32>
        tpu.vector_store %arg6[%swap3A_248, %swap3A_249], %swap3A_252 {strides = array<i32>} : memref<4x4096xf32, #tpu.memory_space<vmem>>, vector<1x16xf32>,
        %add3A_253 = arith.constant 80 : i32
        %add3A_254 = arith.addi %mul3A_153, %add3A_253 : i32
        %get3A_255 = arith.constant 0 : i32
        %get3A_256 = arith.index_cast %get3A_255 : i32 to index
        %get3A_257 = arith.index_cast %add3A_254 : i32 to index
        %get3A_258 = tpu.vector_load %arg4[%get3A_256, %get3A_257] {strides = array<i32>} : memref<4x4096xf32, #tpu.memory_space<vmem>>, vector<1x16xf32>,
        %get3A_259 = vector.shape_cast %get3A_258 : vector<1x16xf32> to vector<16xf32>
        %gather3A_260 = vector.shape_cast %reshape3A : vector<16x1xi32> to vector<16xi32>
        %gather3A_261 = tpu.dynamic_gather %get3A_259[%gather3A_260] in [0] : vector<16xf32>, vector<16xi32> -> vector<16xf32>
        %eq3A_262 = arith.cmpf oeq, %convert_element_type3A, %broadcast_in_dim3A_8 : vector<16xf32>
        %gt3A_263 = arith.cmpf ogt, %get3A_259, %gather3A_261 : vector<16xf32>
        %eq3A_264 = arith.cmpf oeq, %get3A_259, %gather3A_261 : vector<16xf32>
        %and3A_265 = arith.andi %eq3A_262, %eq3A_264 : vector<16xi1>
        %or3A_266 = arith.ori %gt3A_263, %and3A_265 : vector<16xi1>
        %select_n3A_267 = arith.select %or3A_266, %get3A_259, %broadcast_in_dim3A_8 : vector<16xi1>, vector<16xf32>
        %swap3A_268 = arith.constant 0 : i32
        %swap3A_269 = arith.index_cast %swap3A_268 : i32 to index
        %swap3A_270 = arith.index_cast %add3A_254 : i32 to index
        %swap3A_271 = tpu.vector_load %arg6[%swap3A_269, %swap3A_270] {strides = array<i32>} : memref<4x4096xf32, #tpu.memory_space<vmem>>, vector<1x16xf32>,
        %swap3A_272 = vector.shape_cast %swap3A_271 : vector<1x16xf32> to vector<16xf32>
        %swap3A_273 = vector.shape_cast %select_n3A_267 : vector<16xf32> to vector<1x16xf32>
        tpu.vector_store %arg6[%swap3A_269, %swap3A_270], %swap3A_273 {strides = array<i32>} : memref<4x4096xf32, #tpu.memory_space<vmem>>, vector<1x16xf32>,
        %add3A_274 = arith.constant 96 : i32
        %add3A_275 = arith.addi %mul3A_153, %add3A_274 : i32
        %get3A_276 = arith.constant 0 : i32
        %get3A_277 = arith.index_cast %get3A_276 : i32 to index
        %get3A_278 = arith.index_cast %add3A_275 : i32 to index
        %get3A_279 = tpu.vector_load %arg4[%get3A_277, %get3A_278] {strides = array<i32>} : memref<4x4096xf32, #tpu.memory_space<vmem>>, vector<1x16xf32>,
        %get3A_280 = vector.shape_cast %get3A_279 : vector<1x16xf32> to vector<16xf32>
        %gather3A_281 = vector.shape_cast %reshape3A : vector<16x1xi32> to vector<16xi32>
        %gather3A_282 = tpu.dynamic_gather %get3A_280[%gather3A_281] in [0] : vector<16xf32>, vector<16xi32> -> vector<16xf32>
        %eq3A_283 = arith.cmpf oeq, %convert_element_type3A, %broadcast_in_dim3A_8 : vector<16xf32>
        %gt3A_284 = arith.cmpf ogt, %get3A_280, %gather3A_282 : vector<16xf32>
        %eq3A_285 = arith.cmpf oeq, %get3A_280, %gather3A_282 : vector<16xf32>
        %and3A_286 = arith.andi %eq3A_283, %eq3A_285 : vector<16xi1>
        %or3A_287 = arith.ori %gt3A_284, %and3A_286 : vector<16xi1>
        %select_n3A_288 = arith.select %or3A_287, %get3A_280, %broadcast_in_dim3A_8 : vector<16xi1>, vector<16xf32>
        %swap3A_289 = arith.constant 0 : i32
        %swap3A_290 = arith.index_cast %swap3A_289 : i32 to index
        %swap3A_291 = arith.index_cast %add3A_275 : i32 to index
        %swap3A_292 = tpu.vector_load %arg6[%swap3A_290, %swap3A_291] {strides = array<i32>} : memref<4x4096xf32, #tpu.memory_space<vmem>>, vector<1x16xf32>,
        %swap3A_293 = vector.shape_cast %swap3A_292 : vector<1x16xf32> to vector<16xf32>
        %swap3A_294 = vector.shape_cast %select_n3A_288 : vector<16xf32> to vector<1x16xf32>
        tpu.vector_store %arg6[%swap3A_290, %swap3A_291], %swap3A_294 {strides = array<i32>} : memref<4x4096xf32, #tpu.memory_space<vmem>>, vector<1x16xf32>,
        %add3A_295 = arith.constant 112 : i32
        %add3A_296 = arith.addi %mul3A_153, %add3A_295 : i32
        %get3A_297 = arith.constant 0 : i32
        %get3A_298 = arith.index_cast %get3A_297 : i32 to index
        %get3A_299 = arith.index_cast %add3A_296 : i32 to index
        %get3A_300 = tpu.vector_load %arg4[%get3A_298, %get3A_299] {strides = array<i32>} : memref<4x4096xf32, #tpu.memory_space<vmem>>, vector<1x16xf32>,
        %get3A_301 = vector.shape_cast %get3A_300 : vector<1x16xf32> to vector<16xf32>
        %gather3A_302 = vector.shape_cast %reshape3A : vector<16x1xi32> to vector<16xi32>
        %gather3A_303 = tpu.dynamic_gather %get3A_301[%gather3A_302] in [0] : vector<16xf32>, vector<16xi32> -> vector<16xf32>
        %eq3A_304 = arith.cmpf oeq, %convert_element_type3A, %broadcast_in_dim3A_8 : vector<16xf32>
        %gt3A_305 = arith.cmpf ogt, %get3A_301, %gather3A_303 : vector<16xf32>
        %eq3A_306 = arith.cmpf oeq, %get3A_301, %gather3A_303 : vector<16xf32>
        %and3A_307 = arith.andi %eq3A_304, %eq3A_306 : vector<16xi1>
        %or3A_308 = arith.ori %gt3A_305, %and3A_307 : vector<16xi1>
        %select_n3A_309 = arith.select %or3A_308, %get3A_301, %broadcast_in_dim3A_8 : vector<16xi1>, vector<16xf32>
        %swap3A_310 = arith.constant 0 : i32
        %swap3A_311 = arith.index_cast %swap3A_310 : i32 to index
        %swap3A_312 = arith.index_cast %add3A_296 : i32 to index
        %swap3A_313 = tpu.vector_load %arg6[%swap3A_311, %swap3A_312] {strides = array<i32>} : memref<4x4096xf32, #tpu.memory_space<vmem>>, vector<1x16xf32>,
        %swap3A_314 = vector.shape_cast %swap3A_313 : vector<1x16xf32> to vector<16xf32>
        %swap3A_315 = vector.shape_cast %select_n3A_309 : vector<16xf32> to vector<1x16xf32>
        tpu.vector_store %arg6[%swap3A_311, %swap3A_312], %swap3A_315 {strides = array<i32>} : memref<4x4096xf32, #tpu.memory_space<vmem>>, vector<1x16xf32>,
        %add3A_316 = arith.constant 128 : i32
        %add3A_317 = arith.addi %mul3A_153, %add3A_316 : i32
        %get3A_318 = arith.constant 0 : i32
        %get3A_319 = arith.index_cast %get3A_318 : i32 to index
        %get3A_320 = arith.index_cast %add3A_317 : i32 to index
        %get3A_321 = tpu.vector_load %arg4[%get3A_319, %get3A_320] {strides = array<i32>} : memref<4x4096xf32, #tpu.memory_space<vmem>>, vector<1x16xf32>,
        %get3A_322 = vector.shape_cast %get3A_321 : vector<1x16xf32> to vector<16xf32>
        %gather3A_323 = vector.shape_cast %reshape3A : vector<16x1xi32> to vector<16xi32>
        %gather3A_324 = tpu.dynamic_gather %get3A_322[%gather3A_323] in [0] : vector<16xf32>, vector<16xi32> -> vector<16xf32>
        %eq3A_325 = arith.cmpf oeq, %convert_element_type3A, %broadcast_in_dim3A_8 : vector<16xf32>
        %gt3A_326 = arith.cmpf ogt, %get3A_322, %gather3A_324 : vector<16xf32>
        %eq3A_327 = arith.cmpf oeq, %get3A_322, %gather3A_324 : vector<16xf32>
        %and3A_328 = arith.andi %eq3A_325, %eq3A_327 : vector<16xi1>
        %or3A_329 = arith.ori %gt3A_326, %and3A_328 : vector<16xi1>
        %select_n3A_330 = arith.select %or3A_329, %get3A_322, %broadcast_in_dim3A_8 : vector<16xi1>, vector<16xf32>
        %swap3A_331 = arith.constant 0 : i32
        %swap3A_332 = arith.index_cast %swap3A_331 : i32 to index
        %swap3A_333 = arith.index_cast %add3A_317 : i32 to index
        %swap3A_334 = tpu.vector_load %arg6[%swap3A_332, %swap3A_333] {strides = array<i32>} : memref<4x4096xf32, #tpu.memory_space<vmem>>, vector<1x16xf32>,
        %swap3A_335 = vector.shape_cast %swap3A_334 : vector<1x16xf32> to vector<16xf32>
        %swap3A_336 = vector.shape_cast %select_n3A_330 : vector<16xf32> to vector<1x16xf32>
        tpu.vector_store %arg6[%swap3A_332, %swap3A_333], %swap3A_336 {strides = array<i32>} : memref<4x4096xf32, #tpu.memory_space<vmem>>, vector<1x16xf32>,
        %add3A_337 = arith.constant 144 : i32
        %add3A_338 = arith.addi %mul3A_153, %add3A_337 : i32
        %get3A_339 = arith.constant 0 : i32
        %get3A_340 = arith.index_cast %get3A_339 : i32 to index
        %get3A_341 = arith.index_cast %add3A_338 : i32 to index
        %get3A_342 = tpu.vector_load %arg4[%get3A_340, %get3A_341] {strides = array<i32>} : memref<4x4096xf32, #tpu.memory_space<vmem>>, vector<1x16xf32>,
        %get3A_343 = vector.shape_cast %get3A_342 : vector<1x16xf32> to vector<16xf32>
        %gather3A_344 = vector.shape_cast %reshape3A : vector<16x1xi32> to vector<16xi32>
        %gather3A_345 = tpu.dynamic_gather %get3A_343[%gather3A_344] in [0] : vector<16xf32>, vector<16xi32> -> vector<16xf32>
        %eq3A_346 = arith.cmpf oeq, %convert_element_type3A, %broadcast_in_dim3A_8 : vector<16xf32>
        %gt3A_347 = arith.cmpf ogt, %get3A_343, %gather3A_345 : vector<16xf32>
        %eq3A_348 = arith.cmpf oeq, %get3A_343, %gather3A_345 : vector<16xf32>
        %and3A_349 = arith.andi %eq3A_346, %eq3A_348 : vector<16xi1>
        %or3A_350 = arith.ori %gt3A_347, %and3A_349 : vector<16xi1>
        %select_n3A_351 = arith.select %or3A_350, %get3A_343, %broadcast_in_dim3A_8 : vector<16xi1>, vector<16xf32>
        %swap3A_352 = arith.constant 0 : i32
        %swap3A_353 = arith.index_cast %swap3A_352 : i32 to index
        %swap3A_354 = arith.index_cast %add3A_338 : i32 to index
        %swap3A_355 = tpu.vector_load %arg6[%swap3A_353, %swap3A_354] {strides = array<i32>} : memref<4x4096xf32, #tpu.memory_space<vmem>>, vector<1x16xf32>,
        %swap3A_356 = vector.shape_cast %swap3A_355 : vector<1x16xf32> to vector<16xf32>
        %swap3A_357 = vector.shape_cast %select_n3A_351 : vector<16xf32> to vector<1x16xf32>
        tpu.vector_store %arg6[%swap3A_353, %swap3A_354], %swap3A_357 {strides = array<i32>} : memref<4x4096xf32, #tpu.memory_space<vmem>>, vector<1x16xf32>,
        %add3A_358 = arith.constant 160 : i32
        %add3A_359 = arith.addi %mul3A_153, %add3A_358 : i32
        %get3A_360 = arith.constant 0 : i32
        %get3A_361 = arith.index_cast %get3A_360 : i32 to index
        %get3A_362 = arith.index_cast %add3A_359 : i32 to index
        %get3A_363 = tpu.vector_load %arg4[%get3A_361, %get3A_362] {strides = array<i32>} : memref<4x4096xf32, #tpu.memory_space<vmem>>, vector<1x16xf32>,
        %get3A_364 = vector.shape_cast %get3A_363 : vector<1x16xf32> to vector<16xf32>
        %gather3A_365 = vector.shape_cast %reshape3A : vector<16x1xi32> to vector<16xi32>
        %gather3A_366 = tpu.dynamic_gather %get3A_364[%gather3A_365] in [0] : vector<16xf32>, vector<16xi32> -> vector<16xf32>
        %eq3A_367 = arith.cmpf oeq, %convert_element_type3A, %broadcast_in_dim3A_8 : vector<16xf32>
        %gt3A_368 = arith.cmpf ogt, %get3A_364, %gather3A_366 : vector<16xf32>
        %eq3A_369 = arith.cmpf oeq, %get3A_364, %gather3A_366 : vector<16xf32>
        %and3A_370 = arith.andi %eq3A_367, %eq3A_369 : vector<16xi1>
        %or3A_371 = arith.ori %gt3A_368, %and3A_370 : vector<16xi1>
        %select_n3A_372 = arith.select %or3A_371, %get3A_364, %broadcast_in_dim3A_8 : vector<16xi1>, vector<16xf32>
        %swap3A_373 = arith.constant 0 : i32
        %swap3A_374 = arith.index_cast %swap3A_373 : i32 to index
        %swap3A_375 = arith.index_cast %add3A_359 : i32 to index
        %swap3A_376 = tpu.vector_load %arg6[%swap3A_374, %swap3A_375] {strides = array<i32>} : memref<4x4096xf32, #tpu.memory_space<vmem>>, vector<1x16xf32>,
        %swap3A_377 = vector.shape_cast %swap3A_376 : vector<1x16xf32> to vector<16xf32>
        %swap3A_378 = vector.shape_cast %select_n3A_372 : vector<16xf32> to vector<1x16xf32>
        tpu.vector_store %arg6[%swap3A_374, %swap3A_375], %swap3A_378 {strides = array<i32>} : memref<4x4096xf32, #tpu.memory_space<vmem>>, vector<1x16xf32>,
        %add3A_379 = arith.constant 176 : i32
        %add3A_380 = arith.addi %mul3A_153, %add3A_379 : i32
        %get3A_381 = arith.constant 0 : i32
        %get3A_382 = arith.index_cast %get3A_381 : i32 to index
        %get3A_383 = arith.index_cast %add3A_380 : i32 to index
        %get3A_384 = tpu.vector_load %arg4[%get3A_382, %get3A_383] {strides = array<i32>} : memref<4x4096xf32, #tpu.memory_space<vmem>>, vector<1x16xf32>,
        %get3A_385 = vector.shape_cast %get3A_384 : vector<1x16xf32> to vector<16xf32>
        %gather3A_386 = vector.shape_cast %reshape3A : vector<16x1xi32> to vector<16xi32>
        %gather3A_387 = tpu.dynamic_gather %get3A_385[%gather3A_386] in [0] : vector<16xf32>, vector<16xi32> -> vector<16xf32>
        %eq3A_388 = arith.cmpf oeq, %convert_element_type3A, %broadcast_in_dim3A_8 : vector<16xf32>
        %gt3A_389 = arith.cmpf ogt, %get3A_385, %gather3A_387 : vector<16xf32>
        %eq3A_390 = arith.cmpf oeq, %get3A_385, %gather3A_387 : vector<16xf32>
        %and3A_391 = arith.andi %eq3A_388, %eq3A_390 : vector<16xi1>
        %or3A_392 = arith.ori %gt3A_389, %and3A_391 : vector<16xi1>
        %select_n3A_393 = arith.select %or3A_392, %get3A_385, %broadcast_in_dim3A_8 : vector<16xi1>, vector<16xf32>
        %swap3A_394 = arith.constant 0 : i32
        %swap3A_395 = arith.index_cast %swap3A_394 : i32 to index
        %swap3A_396 = arith.index_cast %add3A_380 : i32 to index
        %swap3A_397 = tpu.vector_load %arg6[%swap3A_395, %swap3A_396] {strides = array<i32>} : memref<4x4096xf32, #tpu.memory_space<vmem>>, vector<1x16xf32>,
        %swap3A_398 = vector.shape_cast %swap3A_397 : vector<1x16xf32> to vector<16xf32>
        %swap3A_399 = vector.shape_cast %select_n3A_393 : vector<16xf32> to vector<1x16xf32>
        tpu.vector_store %arg6[%swap3A_395, %swap3A_396], %swap3A_399 {strides = array<i32>} : memref<4x4096xf32, #tpu.memory_space<vmem>>, vector<1x16xf32>,
        %add3A_400 = arith.constant 192 : i32
        %add3A_401 = arith.addi %mul3A_153, %add3A_400 : i32
        %get3A_402 = arith.constant 0 : i32
        %get3A_403 = arith.index_cast %get3A_402 : i32 to index
        %get3A_404 = arith.index_cast %add3A_401 : i32 to index
        %get3A_405 = tpu.vector_load %arg4[%get3A_403, %get3A_404] {strides = array<i32>} : memref<4x4096xf32, #tpu.memory_space<vmem>>, vector<1x16xf32>,
        %get3A_406 = vector.shape_cast %get3A_405 : vector<1x16xf32> to vector<16xf32>
        %gather3A_407 = vector.shape_cast %reshape3A : vector<16x1xi32> to vector<16xi32>
        %gather3A_408 = tpu.dynamic_gather %get3A_406[%gather3A_407] in [0] : vector<16xf32>, vector<16xi32> -> vector<16xf32>
        %eq3A_409 = arith.cmpf oeq, %convert_element_type3A, %broadcast_in_dim3A_8 : vector<16xf32>
        %gt3A_410 = arith.cmpf ogt, %get3A_406, %gather3A_408 : vector<16xf32>
        %eq3A_411 = arith.cmpf oeq, %get3A_406, %gather3A_408 : vector<16xf32>
        %and3A_412 = arith.andi %eq3A_409, %eq3A_411 : vector<16xi1>
        %or3A_413 = arith.ori %gt3A_410, %and3A_412 : vector<16xi1>
        %select_n3A_414 = arith.select %or3A_413, %get3A_406, %broadcast_in_dim3A_8 : vector<16xi1>, vector<16xf32>
        %swap3A_415 = arith.constant 0 : i32
        %swap3A_416 = arith.index_cast %swap3A_415 : i32 to index
        %swap3A_417 = arith.index_cast %add3A_401 : i32 to index
        %swap3A_418 = tpu.vector_load %arg6[%swap3A_416, %swap3A_417] {strides = array<i32>} : memref<4x4096xf32, #tpu.memory_space<vmem>>, vector<1x16xf32>,
        %swap3A_419 = vector.shape_cast %swap3A_418 : vector<1x16xf32> to vector<16xf32>
        %swap3A_420 = vector.shape_cast %select_n3A_414 : vector<16xf32> to vector<1x16xf32>
        tpu.vector_store %arg6[%swap3A_416, %swap3A_417], %swap3A_420 {strides = array<i32>} : memref<4x4096xf32, #tpu.memory_space<vmem>>, vector<1x16xf32>,
        %add3A_421 = arith.constant 208 : i32
        %add3A_422 = arith.addi %mul3A_153, %add3A_421 : i32
        %get3A_423 = arith.constant 0 : i32
        %get3A_424 = arith.index_cast %get3A_423 : i32 to index
        %get3A_425 = arith.index_cast %add3A_422 : i32 to index
        %get3A_426 = tpu.vector_load %arg4[%get3A_424, %get3A_425] {strides = array<i32>} : memref<4x4096xf32, #tpu.memory_space<vmem>>, vector<1x16xf32>,
        %get3A_427 = vector.shape_cast %get3A_426 : vector<1x16xf32> to vector<16xf32>
        %gather3A_428 = vector.shape_cast %reshape3A : vector<16x1xi32> to vector<16xi32>
        %gather3A_429 = tpu.dynamic_gather %get3A_427[%gather3A_428] in [0] : vector<16xf32>, vector<16xi32> -> vector<16xf32>
        %eq3A_430 = arith.cmpf oeq, %convert_element_type3A, %broadcast_in_dim3A_8 : vector<16xf32>
        %gt3A_431 = arith.cmpf ogt, %get3A_427, %gather3A_429 : vector<16xf32>
        %eq3A_432 = arith.cmpf oeq, %get3A_427, %gather3A_429 : vector<16xf32>
        %and3A_433 = arith.andi %eq3A_430, %eq3A_432 : vector<16xi1>
        %or3A_434 = arith.ori %gt3A_431, %and3A_433 : vector<16xi1>
        %select_n3A_435 = arith.select %or3A_434, %get3A_427, %broadcast_in_dim3A_8 : vector<16xi1>, vector<16xf32>
        %swap3A_436 = arith.constant 0 : i32
        %swap3A_437 = arith.index_cast %swap3A_436 : i32 to index
        %swap3A_438 = arith.index_cast %add3A_422 : i32 to index
        %swap3A_439 = tpu.vector_load %arg6[%swap3A_437, %swap3A_438] {strides = array<i32>} : memref<4x4096xf32, #tpu.memory_space<vmem>>, vector<1x16xf32>,
        %swap3A_440 = vector.shape_cast %swap3A_439 : vector<1x16xf32> to vector<16xf32>
        %swap3A_441 = vector.shape_cast %select_n3A_435 : vector<16xf32> to vector<1x16xf32>
        tpu.vector_store %arg6[%swap3A_437, %swap3A_438], %swap3A_441 {strides = array<i32>} : memref<4x4096xf32, #tpu.memory_space<vmem>>, vector<1x16xf32>,
        %add3A_442 = arith.constant 224 : i32
        %add3A_443 = arith.addi %mul3A_153, %add3A_442 : i32
        %get3A_444 = arith.constant 0 : i32
        %get3A_445 = arith.index_cast %get3A_444 : i32 to index
        %get3A_446 = arith.index_cast %add3A_443 : i32 to index
        %get3A_447 = tpu.vector_load %arg4[%get3A_445, %get3A_446] {strides = array<i32>} : memref<4x4096xf32, #tpu.memory_space<vmem>>, vector<1x16xf32>,
        %get3A_448 = vector.shape_cast %get3A_447 : vector<1x16xf32> to vector<16xf32>
        %gather3A_449 = vector.shape_cast %reshape3A : vector<16x1xi32> to vector<16xi32>
        %gather3A_450 = tpu.dynamic_gather %get3A_448[%gather3A_449] in [0] : vector<16xf32>, vector<16xi32> -> vector<16xf32>
        %eq3A_451 = arith.cmpf oeq, %convert_element_type3A, %broadcast_in_dim3A_8 : vector<16xf32>
        %gt3A_452 = arith.cmpf ogt, %get3A_448, %gather3A_450 : vector<16xf32>
        %eq3A_453 = arith.cmpf oeq, %get3A_448, %gather3A_450 : vector<16xf32>
        %and3A_454 = arith.andi %eq3A_451, %eq3A_453 : vector<16xi1>
        %or3A_455 = arith.ori %gt3A_452, %and3A_454 : vector<16xi1>
        %select_n3A_456 = arith.select %or3A_455, %get3A_448, %broadcast_in_dim3A_8 : vector<16xi1>, vector<16xf32>
        %swap3A_457 = arith.constant 0 : i32
        %swap3A_458 = arith.index_cast %swap3A_457 : i32 to index
        %swap3A_459 = arith.index_cast %add3A_443 : i32 to index
        %swap3A_460 = tpu.vector_load %arg6[%swap3A_458, %swap3A_459] {strides = array<i32>} : memref<4x4096xf32, #tpu.memory_space<vmem>>, vector<1x16xf32>,
        %swap3A_461 = vector.shape_cast %swap3A_460 : vector<1x16xf32> to vector<16xf32>
        %swap3A_462 = vector.shape_cast %select_n3A_456 : vector<16xf32> to vector<1x16xf32>
        tpu.vector_store %arg6[%swap3A_458, %swap3A_459], %swap3A_462 {strides = array<i32>} : memref<4x4096xf32, #tpu.memory_space<vmem>>, vector<1x16xf32>,
        %add3A_463 = arith.constant 240 : i32
        %add3A_464 = arith.addi %mul3A_153, %add3A_463 : i32
        %get3A_465 = arith.constant 0 : i32
        %get3A_466 = arith.index_cast %get3A_465 : i32 to index
        %get3A_467 = arith.index_cast %add3A_464 : i32 to index
        %get3A_468 = tpu.vector_load %arg4[%get3A_466, %get3A_467] {strides = array<i32>} : memref<4x4096xf32, #tpu.memory_space<vmem>>, vector<1x16xf32>,
        %get3A_469 = vector.shape_cast %get3A_468 : vector<1x16xf32> to vector<16xf32>
        %gather3A_470 = vector.shape_cast %reshape3A : vector<16x1xi32> to vector<16xi32>
        %gather3A_471 = tpu.dynamic_gather %get3A_469[%gather3A_470] in [0] : vector<16xf32>, vector<16xi32> -> vector<16xf32>
        %eq3A_472 = arith.cmpf oeq, %convert_element_type3A, %broadcast_in_dim3A_8 : vector<16xf32>
        %gt3A_473 = arith.cmpf ogt, %get3A_469, %gather3A_471 : vector<16xf32>
        %eq3A_474 = arith.cmpf oeq, %get3A_469, %gather3A_471 : vector<16xf32>
        %and3A_475 = arith.andi %eq3A_472, %eq3A_474 : vector<16xi1>
        %or3A_476 = arith.ori %gt3A_473, %and3A_475 : vector<16xi1>
        %select_n3A_477 = arith.select %or3A_476, %get3A_469, %broadcast_in_dim3A_8 : vector<16xi1>, vector<16xf32>
        %swap3A_478 = arith.constant 0 : i32
        %swap3A_479 = arith.index_cast %swap3A_478 : i32 to index
        %swap3A_480 = arith.index_cast %add3A_464 : i32 to index
        %swap3A_481 = tpu.vector_load %arg6[%swap3A_479, %swap3A_480] {strides = array<i32>} : memref<4x4096xf32, #tpu.memory_space<vmem>>, vector<1x16xf32>,
        %swap3A_482 = vector.shape_cast %swap3A_481 : vector<1x16xf32> to vector<16xf32>
        %swap3A_483 = vector.shape_cast %select_n3A_477 : vector<16xf32> to vector<1x16xf32>
        tpu.vector_store %arg6[%swap3A_479, %swap3A_480], %swap3A_483 {strides = array<i32>} : memref<4x4096xf32, #tpu.memory_space<vmem>>, vector<1x16xf32>,
        %scan3A_484 = arith.constant 0 : i32
        scf.yield %scan3A_484 : i32
      }
      %scan3A_57 = arith.constant 16 : i32
      %scan3A_58 = arith.constant 0 : i32
      %scan3A_59 = arith.constant 0 : i32
      %scan3A_60 = arith.constant 16 : i32
      %scan3A_61 = arith.addi %scan3A_59, %scan3A_60 : i32
      %scan3A_62 = arith.constant 1 : i32
      %scan3A_63 = scf.for %scan3A_150 = %scan3A_59 to %scan3A_61 step %scan3A_62 iter_args(%scan3A_151 = %scan3A_58) -> (i32)  : i32 {
        %mul3A_152 = arith.constant 256 : i32
        %mul3A_153 = arith.muli %scan3A_150, %mul3A_152 : i32
        %add3A_154 = arith.constant 0 : i32
        %add3A_155 = arith.addi %mul3A_153, %add3A_154 : i32
        %get3A = arith.constant 1 : i32
        %get3A_156 = arith.index_cast %get3A : i32 to index
        %get3A_157 = arith.index_cast %add3A_155 : i32 to index
        %get3A_158 = tpu.vector_load %arg4[%get3A_156, %get3A_157] {strides = array<i32>} : memref<4x4096xf32, #tpu.memory_space<vmem>>, vector<1x16xf32>,
        %get3A_159 = vector.shape_cast %get3A_158 : vector<1x16xf32> to vector<16xf32>
        %gather3A = vector.shape_cast %reshape3A : vector<16x1xi32> to vector<16xi32>
        %gather3A_160 = tpu.dynamic_gather %get3A_159[%gather3A] in [0] : vector<16xf32>, vector<16xi32> -> vector<16xf32>
        %eq3A = arith.cmpf oeq, %convert_element_type3A, %broadcast_in_dim3A_8 : vector<16xf32>
        %gt3A_161 = arith.cmpf ogt, %get3A_159, %gather3A_160 : vector<16xf32>
        %eq3A_162 = arith.cmpf oeq, %get3A_159, %gather3A_160 : vector<16xf32>
        %and3A_163 = arith.andi %eq3A, %eq3A_162 : vector<16xi1>
        %or3A = arith.ori %gt3A_161, %and3A_163 : vector<16xi1>
        %select_n3A = arith.select %or3A, %get3A_159, %broadcast_in_dim3A_8 : vector<16xi1>, vector<16xf32>
        %swap3A = arith.constant 1 : i32
        %swap3A_164 = arith.index_cast %swap3A : i32 to index
        %swap3A_165 = arith.index_cast %add3A_155 : i32 to index
        %swap3A_166 = tpu.vector_load %arg6[%swap3A_164, %swap3A_165] {strides = array<i32>} : memref<4x4096xf32, #tpu.memory_space<vmem>>, vector<1x16xf32>,
        %swap3A_167 = vector.shape_cast %swap3A_166 : vector<1x16xf32> to vector<16xf32>
        %swap3A_168 = vector.shape_cast %select_n3A : vector<16xf32> to vector<1x16xf32>
        tpu.vector_store %arg6[%swap3A_164, %swap3A_165], %swap3A_168 {strides = array<i32>} : memref<4x4096xf32, #tpu.memory_space<vmem>>, vector<1x16xf32>,
        %add3A_169 = arith.constant 16 : i32
        %add3A_170 = arith.addi %mul3A_153, %add3A_169 : i32
        %get3A_171 = arith.constant 1 : i32
        %get3A_172 = arith.index_cast %get3A_171 : i32 to index
        %get3A_173 = arith.index_cast %add3A_170 : i32 to index
        %get3A_174 = tpu.vector_load %arg4[%get3A_172, %get3A_173] {strides = array<i32>} : memref<4x4096xf32, #tpu.memory_space<vmem>>, vector<1x16xf32>,
        %get3A_175 = vector.shape_cast %get3A_174 : vector<1x16xf32> to vector<16xf32>
        %gather3A_176 = vector.shape_cast %reshape3A : vector<16x1xi32> to vector<16xi32>
        %gather3A_177 = tpu.dynamic_gather %get3A_175[%gather3A_176] in [0] : vector<16xf32>, vector<16xi32> -> vector<16xf32>
        %eq3A_178 = arith.cmpf oeq, %convert_element_type3A, %broadcast_in_dim3A_8 : vector<16xf32>
        %gt3A_179 = arith.cmpf ogt, %get3A_175, %gather3A_177 : vector<16xf32>
        %eq3A_180 = arith.cmpf oeq, %get3A_175, %gather3A_177 : vector<16xf32>
        %and3A_181 = arith.andi %eq3A_178, %eq3A_180 : vector<16xi1>
        %or3A_182 = arith.ori %gt3A_179, %and3A_181 : vector<16xi1>
        %select_n3A_183 = arith.select %or3A_182, %get3A_175, %broadcast_in_dim3A_8 : vector<16xi1>, vector<16xf32>
        %swap3A_184 = arith.constant 1 : i32
        %swap3A_185 = arith.index_cast %swap3A_184 : i32 to index
        %swap3A_186 = arith.index_cast %add3A_170 : i32 to index
        %swap3A_187 = tpu.vector_load %arg6[%swap3A_185, %swap3A_186] {strides = array<i32>} : memref<4x4096xf32, #tpu.memory_space<vmem>>, vector<1x16xf32>,
        %swap3A_188 = vector.shape_cast %swap3A_187 : vector<1x16xf32> to vector<16xf32>
        %swap3A_189 = vector.shape_cast %select_n3A_183 : vector<16xf32> to vector<1x16xf32>
        tpu.vector_store %arg6[%swap3A_185, %swap3A_186], %swap3A_189 {strides = array<i32>} : memref<4x4096xf32, #tpu.memory_space<vmem>>, vector<1x16xf32>,
        %add3A_190 = arith.constant 32 : i32
        %add3A_191 = arith.addi %mul3A_153, %add3A_190 : i32
        %get3A_192 = arith.constant 1 : i32
        %get3A_193 = arith.index_cast %get3A_192 : i32 to index
        %get3A_194 = arith.index_cast %add3A_191 : i32 to index
        %get3A_195 = tpu.vector_load %arg4[%get3A_193, %get3A_194] {strides = array<i32>} : memref<4x4096xf32, #tpu.memory_space<vmem>>, vector<1x16xf32>,
        %get3A_196 = vector.shape_cast %get3A_195 : vector<1x16xf32> to vector<16xf32>
        %gather3A_197 = vector.shape_cast %reshape3A : vector<16x1xi32> to vector<16xi32>
        %gather3A_198 = tpu.dynamic_gather %get3A_196[%gather3A_197] in [0] : vector<16xf32>, vector<16xi32> -> vector<16xf32>
        %eq3A_199 = arith.cmpf oeq, %convert_element_type3A, %broadcast_in_dim3A_8 : vector<16xf32>
        %gt3A_200 = arith.cmpf ogt, %get3A_196, %gather3A_198 : vector<16xf32>
        %eq3A_201 = arith.cmpf oeq, %get3A_196, %gather3A_198 : vector<16xf32>
        %and3A_202 = arith.andi %eq3A_199, %eq3A_201 : vector<16xi1>
        %or3A_203 = arith.ori %gt3A_200, %and3A_202 : vector<16xi1>
        %select_n3A_204 = arith.select %or3A_203, %get3A_196, %broadcast_in_dim3A_8 : vector<16xi1>, vector<16xf32>
        %swap3A_205 = arith.constant 1 : i32
        %swap3A_206 = arith.index_cast %swap3A_205 : i32 to index
        %swap3A_207 = arith.index_cast %add3A_191 : i32 to index
        %swap3A_208 = tpu.vector_load %arg6[%swap3A_206, %swap3A_207] {strides = array<i32>} : memref<4x4096xf32, #tpu.memory_space<vmem>>, vector<1x16xf32>,
        %swap3A_209 = vector.shape_cast %swap3A_208 : vector<1x16xf32> to vector<16xf32>
        %swap3A_210 = vector.shape_cast %select_n3A_204 : vector<16xf32> to vector<1x16xf32>
        tpu.vector_store %arg6[%swap3A_206, %swap3A_207], %swap3A_210 {strides = array<i32>} : memref<4x4096xf32, #tpu.memory_space<vmem>>, vector<1x16xf32>,
        %add3A_211 = arith.constant 48 : i32
        %add3A_212 = arith.addi %mul3A_153, %add3A_211 : i32
        %get3A_213 = arith.constant 1 : i32
        %get3A_214 = arith.index_cast %get3A_213 : i32 to index
        %get3A_215 = arith.index_cast %add3A_212 : i32 to index
        %get3A_216 = tpu.vector_load %arg4[%get3A_214, %get3A_215] {strides = array<i32>} : memref<4x4096xf32, #tpu.memory_space<vmem>>, vector<1x16xf32>,
        %get3A_217 = vector.shape_cast %get3A_216 : vector<1x16xf32> to vector<16xf32>
        %gather3A_218 = vector.shape_cast %reshape3A : vector<16x1xi32> to vector<16xi32>
        %gather3A_219 = tpu.dynamic_gather %get3A_217[%gather3A_218] in [0] : vector<16xf32>, vector<16xi32> -> vector<16xf32>
        %eq3A_220 = arith.cmpf oeq, %convert_element_type3A, %broadcast_in_dim3A_8 : vector<16xf32>
        %gt3A_221 = arith.cmpf ogt, %get3A_217, %gather3A_219 : vector<16xf32>
        %eq3A_222 = arith.cmpf oeq, %get3A_217, %gather3A_219 : vector<16xf32>
        %and3A_223 = arith.andi %eq3A_220, %eq3A_222 : vector<16xi1>
        %or3A_224 = arith.ori %gt3A_221, %and3A_223 : vector<16xi1>
        %select_n3A_225 = arith.select %or3A_224, %get3A_217, %broadcast_in_dim3A_8 : vector<16xi1>, vector<16xf32>
        %swap3A_226 = arith.constant 1 : i32
        %swap3A_227 = arith.index_cast %swap3A_226 : i32 to index
        %swap3A_228 = arith.index_cast %add3A_212 : i32 to index
        %swap3A_229 = tpu.vector_load %arg6[%swap3A_227, %swap3A_228] {strides = array<i32>} : memref<4x4096xf32, #tpu.memory_space<vmem>>, vector<1x16xf32>,
        %swap3A_230 = vector.shape_cast %swap3A_229 : vector<1x16xf32> to vector<16xf32>
        %swap3A_231 = vector.shape_cast %select_n3A_225 : vector<16xf32> to vector<1x16xf32>
        tpu.vector_store %arg6[%swap3A_227, %swap3A_228], %swap3A_231 {strides = array<i32>} : memref<4x4096xf32, #tpu.memory_space<vmem>>, vector<1x16xf32>,
        %add3A_232 = arith.constant 64 : i32
        %add3A_233 = arith.addi %mul3A_153, %add3A_232 : i32
        %get3A_234 = arith.constant 1 : i32
        %get3A_235 = arith.index_cast %get3A_234 : i32 to index
        %get3A_236 = arith.index_cast %add3A_233 : i32 to index
        %get3A_237 = tpu.vector_load %arg4[%get3A_235, %get3A_236] {strides = array<i32>} : memref<4x4096xf32, #tpu.memory_space<vmem>>, vector<1x16xf32>,
        %get3A_238 = vector.shape_cast %get3A_237 : vector<1x16xf32> to vector<16xf32>
        %gather3A_239 = vector.shape_cast %reshape3A : vector<16x1xi32> to vector<16xi32>
        %gather3A_240 = tpu.dynamic_gather %get3A_238[%gather3A_239] in [0] : vector<16xf32>, vector<16xi32> -> vector<16xf32>
        %eq3A_241 = arith.cmpf oeq, %convert_element_type3A, %broadcast_in_dim3A_8 : vector<16xf32>
        %gt3A_242 = arith.cmpf ogt, %get3A_238, %gather3A_240 : vector<16xf32>
        %eq3A_243 = arith.cmpf oeq, %get3A_238, %gather3A_240 : vector<16xf32>
        %and3A_244 = arith.andi %eq3A_241, %eq3A_243 : vector<16xi1>
        %or3A_245 = arith.ori %gt3A_242, %and3A_244 : vector<16xi1>
        %select_n3A_246 = arith.select %or3A_245, %get3A_238, %broadcast_in_dim3A_8 : vector<16xi1>, vector<16xf32>
        %swap3A_247 = arith.constant 1 : i32
        %swap3A_248 = arith.index_cast %swap3A_247 : i32 to index
        %swap3A_249 = arith.index_cast %add3A_233 : i32 to index
        %swap3A_250 = tpu.vector_load %arg6[%swap3A_248, %swap3A_249] {strides = array<i32>} : memref<4x4096xf32, #tpu.memory_space<vmem>>, vector<1x16xf32>,
        %swap3A_251 = vector.shape_cast %swap3A_250 : vector<1x16xf32> to vector<16xf32>
        %swap3A_252 = vector.shape_cast %select_n3A_246 : vector<16xf32> to vector<1x16xf32>
        tpu.vector_store %arg6[%swap3A_248, %swap3A_249], %swap3A_252 {strides = array<i32>} : memref<4x4096xf32, #tpu.memory_space<vmem>>, vector<1x16xf32>,
        %add3A_253 = arith.constant 80 : i32
        %add3A_254 = arith.addi %mul3A_153, %add3A_253 : i32
        %get3A_255 = arith.constant 1 : i32
        %get3A_256 = arith.index_cast %get3A_255 : i32 to index
        %get3A_257 = arith.index_cast %add3A_254 : i32 to index
        %get3A_258 = tpu.vector_load %arg4[%get3A_256, %get3A_257] {strides = array<i32>} : memref<4x4096xf32, #tpu.memory_space<vmem>>, vector<1x16xf32>,
        %get3A_259 = vector.shape_cast %get3A_258 : vector<1x16xf32> to vector<16xf32>
        %gather3A_260 = vector.shape_cast %reshape3A : vector<16x1xi32> to vector<16xi32>
        %gather3A_261 = tpu.dynamic_gather %get3A_259[%gather3A_260] in [0] : vector<16xf32>, vector<16xi32> -> vector<16xf32>
        %eq3A_262 = arith.cmpf oeq, %convert_element_type3A, %broadcast_in_dim3A_8 : vector<16xf32>
        %gt3A_263 = arith.cmpf ogt, %get3A_259, %gather3A_261 : vector<16xf32>
        %eq3A_264 = arith.cmpf oeq, %get3A_259, %gather3A_261 : vector<16xf32>
        %and3A_265 = arith.andi %eq3A_262, %eq3A_264 : vector<16xi1>
        %or3A_266 = arith.ori %gt3A_263, %and3A_265 : vector<16xi1>
        %select_n3A_267 = arith.select %or3A_266, %get3A_259, %broadcast_in_dim3A_8 : vector<16xi1>, vector<16xf32>
        %swap3A_268 = arith.constant 1 : i32
        %swap3A_269 = arith.index_cast %swap3A_268 : i32 to index
        %swap3A_270 = arith.index_cast %add3A_254 : i32 to index
        %swap3A_271 = tpu.vector_load %arg6[%swap3A_269, %swap3A_270] {strides = array<i32>} : memref<4x4096xf32, #tpu.memory_space<vmem>>, vector<1x16xf32>,
        %swap3A_272 = vector.shape_cast %swap3A_271 : vector<1x16xf32> to vector<16xf32>
        %swap3A_273 = vector.shape_cast %select_n3A_267 : vector<16xf32> to vector<1x16xf32>
        tpu.vector_store %arg6[%swap3A_269, %swap3A_270], %swap3A_273 {strides = array<i32>} : memref<4x4096xf32, #tpu.memory_space<vmem>>, vector<1x16xf32>,
        %add3A_274 = arith.constant 96 : i32
        %add3A_275 = arith.addi %mul3A_153, %add3A_274 : i32
        %get3A_276 = arith.constant 1 : i32
        %get3A_277 = arith.index_cast %get3A_276 : i32 to index
        %get3A_278 = arith.index_cast %add3A_275 : i32 to index
        %get3A_279 = tpu.vector_load %arg4[%get3A_277, %get3A_278] {strides = array<i32>} : memref<4x4096xf32, #tpu.memory_space<vmem>>, vector<1x16xf32>,
        %get3A_280 = vector.shape_cast %get3A_279 : vector<1x16xf32> to vector<16xf32>
        %gather3A_281 = vector.shape_cast %reshape3A : vector<16x1xi32> to vector<16xi32>
        %gather3A_282 = tpu.dynamic_gather %get3A_280[%gather3A_281] in [0] : vector<16xf32>, vector<16xi32> -> vector<16xf32>
        %eq3A_283 = arith.cmpf oeq, %convert_element_type3A, %broadcast_in_dim3A_8 : vector<16xf32>
        %gt3A_284 = arith.cmpf ogt, %get3A_280, %gather3A_282 : vector<16xf32>
        %eq3A_285 = arith.cmpf oeq, %get3A_280, %gather3A_282 : vector<16xf32>
        %and3A_286 = arith.andi %eq3A_283, %eq3A_285 : vector<16xi1>
        %or3A_287 = arith.ori %gt3A_284, %and3A_286 : vector<16xi1>
        %select_n3A_288 = arith.select %or3A_287, %get3A_280, %broadcast_in_dim3A_8 : vector<16xi1>, vector<16xf32>
        %swap3A_289 = arith.constant 1 : i32
        %swap3A_290 = arith.index_cast %swap3A_289 : i32 to index
        %swap3A_291 = arith.index_cast %add3A_275 : i32 to index
        %swap3A_292 = tpu.vector_load %arg6[%swap3A_290, %swap3A_291] {strides = array<i32>} : memref<4x4096xf32, #tpu.memory_space<vmem>>, vector<1x16xf32>,
        %swap3A_293 = vector.shape_cast %swap3A_292 : vector<1x16xf32> to vector<16xf32>
        %swap3A_294 = vector.shape_cast %select_n3A_288 : vector<16xf32> to vector<1x16xf32>
        tpu.vector_store %arg6[%swap3A_290, %swap3A_291], %swap3A_294 {strides = array<i32>} : memref<4x4096xf32, #tpu.memory_space<vmem>>, vector<1x16xf32>,
        %add3A_295 = arith.constant 112 : i32
        %add3A_296 = arith.addi %mul3A_153, %add3A_295 : i32
        %get3A_297 = arith.constant 1 : i32
        %get3A_298 = arith.index_cast %get3A_297 : i32 to index
        %get3A_299 = arith.index_cast %add3A_296 : i32 to index
        %get3A_300 = tpu.vector_load %arg4[%get3A_298, %get3A_299] {strides = array<i32>} : memref<4x4096xf32, #tpu.memory_space<vmem>>, vector<1x16xf32>,
        %get3A_301 = vector.shape_cast %get3A_300 : vector<1x16xf32> to vector<16xf32>
        %gather3A_302 = vector.shape_cast %reshape3A : vector<16x1xi32> to vector<16xi32>
        %gather3A_303 = tpu.dynamic_gather %get3A_301[%gather3A_302] in [0] : vector<16xf32>, vector<16xi32> -> vector<16xf32>
        %eq3A_304 = arith.cmpf oeq, %convert_element_type3A, %broadcast_in_dim3A_8 : vector<16xf32>
        %gt3A_305 = arith.cmpf ogt, %get3A_301, %gather3A_303 : vector<16xf32>
        %eq3A_306 = arith.cmpf oeq, %get3A_301, %gather3A_303 : vector<16xf32>
        %and3A_307 = arith.andi %eq3A_304, %eq3A_306 : vector<16xi1>
        %or3A_308 = arith.ori %gt3A_305, %and3A_307 : vector<16xi1>
        %select_n3A_309 = arith.select %or3A_308, %get3A_301, %broadcast_in_dim3A_8 : vector<16xi1>, vector<16xf32>
        %swap3A_310 = arith.constant 1 : i32
        %swap3A_311 = arith.index_cast %swap3A_310 : i32 to index
        %swap3A_312 = arith.index_cast %add3A_296 : i32 to index
        %swap3A_313 = tpu.vector_load %arg6[%swap3A_311, %swap3A_312] {strides = array<i32>} : memref<4x4096xf32, #tpu.memory_space<vmem>>, vector<1x16xf32>,
        %swap3A_314 = vector.shape_cast %swap3A_313 : vector<1x16xf32> to vector<16xf32>
        %swap3A_315 = vector.shape_cast %select_n3A_309 : vector<16xf32> to vector<1x16xf32>
        tpu.vector_store %arg6[%swap3A_311, %swap3A_312], %swap3A_315 {strides = array<i32>} : memref<4x4096xf32, #tpu.memory_space<vmem>>, vector<1x16xf32>,
        %add3A_316 = arith.constant 128 : i32
        %add3A_317 = arith.addi %mul3A_153, %add3A_316 : i32
        %get3A_318 = arith.constant 1 : i32
        %get3A_319 = arith.index_cast %get3A_318 : i32 to index
        %get3A_320 = arith.index_cast %add3A_317 : i32 to index
        %get3A_321 = tpu.vector_load %arg4[%get3A_319, %get3A_320] {strides = array<i32>} : memref<4x4096xf32, #tpu.memory_space<vmem>>, vector<1x16xf32>,
        %get3A_322 = vector.shape_cast %get3A_321 : vector<1x16xf32> to vector<16xf32>
        %gather3A_323 = vector.shape_cast %reshape3A : vector<16x1xi32> to vector<16xi32>
        %gather3A_324 = tpu.dynamic_gather %get3A_322[%gather3A_323] in [0] : vector<16xf32>, vector<16xi32> -> vector<16xf32>
        %eq3A_325 = arith.cmpf oeq, %convert_element_type3A, %broadcast_in_dim3A_8 : vector<16xf32>
        %gt3A_326 = arith.cmpf ogt, %get3A_322, %gather3A_324 : vector<16xf32>
        %eq3A_327 = arith.cmpf oeq, %get3A_322, %gather3A_324 : vector<16xf32>
        %and3A_328 = arith.andi %eq3A_325, %eq3A_327 : vector<16xi1>
        %or3A_329 = arith.ori %gt3A_326, %and3A_328 : vector<16xi1>
        %select_n3A_330 = arith.select %or3A_329, %get3A_322, %broadcast_in_dim3A_8 : vector<16xi1>, vector<16xf32>
        %swap3A_331 = arith.constant 1 : i32
        %swap3A_332 = arith.index_cast %swap3A_331 : i32 to index
        %swap3A_333 = arith.index_cast %add3A_317 : i32 to index
        %swap3A_334 = tpu.vector_load %arg6[%swap3A_332, %swap3A_333] {strides = array<i32>} : memref<4x4096xf32, #tpu.memory_space<vmem>>, vector<1x16xf32>,
        %swap3A_335 = vector.shape_cast %swap3A_334 : vector<1x16xf32> to vector<16xf32>
        %swap3A_336 = vector.shape_cast %select_n3A_330 : vector<16xf32> to vector<1x16xf32>
        tpu.vector_store %arg6[%swap3A_332, %swap3A_333], %swap3A_336 {strides = array<i32>} : memref<4x4096xf32, #tpu.memory_space<vmem>>, vector<1x16xf32>,
        %add3A_337 = arith.constant 144 : i32
        %add3A_338 = arith.addi %mul3A_153, %add3A_337 : i32
        %get3A_339 = arith.constant 1 : i32
        %get3A_340 = arith.index_cast %get3A_339 : i32 to index
        %get3A_341 = arith.index_cast %add3A_338 : i32 to index
        %get3A_342 = tpu.vector_load %arg4[%get3A_340, %get3A_341] {strides = array<i32>} : memref<4x4096xf32, #tpu.memory_space<vmem>>, vector<1x16xf32>,
        %get3A_343 = vector.shape_cast %get3A_342 : vector<1x16xf32> to vector<16xf32>
        %gather3A_344 = vector.shape_cast %reshape3A : vector<16x1xi32> to vector<16xi32>
        %gather3A_345 = tpu.dynamic_gather %get3A_343[%gather3A_344] in [0] : vector<16xf32>, vector<16xi32> -> vector<16xf32>
        %eq3A_346 = arith.cmpf oeq, %convert_element_type3A, %broadcast_in_dim3A_8 : vector<16xf32>
        %gt3A_347 = arith.cmpf ogt, %get3A_343, %gather3A_345 : vector<16xf32>
        %eq3A_348 = arith.cmpf oeq, %get3A_343, %gather3A_345 : vector<16xf32>
        %and3A_349 = arith.andi %eq3A_346, %eq3A_348 : vector<16xi1>
        %or3A_350 = arith.ori %gt3A_347, %and3A_349 : vector<16xi1>
        %select_n3A_351 = arith.select %or3A_350, %get3A_343, %broadcast_in_dim3A_8 : vector<16xi1>, vector<16xf32>
        %swap3A_352 = arith.constant 1 : i32
        %swap3A_353 = arith.index_cast %swap3A_352 : i32 to index
        %swap3A_354 = arith.index_cast %add3A_338 : i32 to index
        %swap3A_355 = tpu.vector_load %arg6[%swap3A_353, %swap3A_354] {strides = array<i32>} : memref<4x4096xf32, #tpu.memory_space<vmem>>, vector<1x16xf32>,
        %swap3A_356 = vector.shape_cast %swap3A_355 : vector<1x16xf32> to vector<16xf32>
        %swap3A_357 = vector.shape_cast %select_n3A_351 : vector<16xf32> to vector<1x16xf32>
        tpu.vector_store %arg6[%swap3A_353, %swap3A_354], %swap3A_357 {strides = array<i32>} : memref<4x4096xf32, #tpu.memory_space<vmem>>, vector<1x16xf32>,
        %add3A_358 = arith.constant 160 : i32
        %add3A_359 = arith.addi %mul3A_153, %add3A_358 : i32
        %get3A_360 = arith.constant 1 : i32
        %get3A_361 = arith.index_cast %get3A_360 : i32 to index
        %get3A_362 = arith.index_cast %add3A_359 : i32 to index
        %get3A_363 = tpu.vector_load %arg4[%get3A_361, %get3A_362] {strides = array<i32>} : memref<4x4096xf32, #tpu.memory_space<vmem>>, vector<1x16xf32>,
        %get3A_364 = vector.shape_cast %get3A_363 : vector<1x16xf32> to vector<16xf32>
        %gather3A_365 = vector.shape_cast %reshape3A : vector<16x1xi32> to vector<16xi32>
        %gather3A_366 = tpu.dynamic_gather %get3A_364[%gather3A_365] in [0] : vector<16xf32>, vector<16xi32> -> vector<16xf32>
        %eq3A_367 = arith.cmpf oeq, %convert_element_type3A, %broadcast_in_dim3A_8 : vector<16xf32>
        %gt3A_368 = arith.cmpf ogt, %get3A_364, %gather3A_366 : vector<16xf32>
        %eq3A_369 = arith.cmpf oeq, %get3A_364, %gather3A_366 : vector<16xf32>
        %and3A_370 = arith.andi %eq3A_367, %eq3A_369 : vector<16xi1>
        %or3A_371 = arith.ori %gt3A_368, %and3A_370 : vector<16xi1>
        %select_n3A_372 = arith.select %or3A_371, %get3A_364, %broadcast_in_dim3A_8 : vector<16xi1>, vector<16xf32>
        %swap3A_373 = arith.constant 1 : i32
        %swap3A_374 = arith.index_cast %swap3A_373 : i32 to index
        %swap3A_375 = arith.index_cast %add3A_359 : i32 to index
        %swap3A_376 = tpu.vector_load %arg6[%swap3A_374, %swap3A_375] {strides = array<i32>} : memref<4x4096xf32, #tpu.memory_space<vmem>>, vector<1x16xf32>,
        %swap3A_377 = vector.shape_cast %swap3A_376 : vector<1x16xf32> to vector<16xf32>
        %swap3A_378 = vector.shape_cast %select_n3A_372 : vector<16xf32> to vector<1x16xf32>
        tpu.vector_store %arg6[%swap3A_374, %swap3A_375], %swap3A_378 {strides = array<i32>} : memref<4x4096xf32, #tpu.memory_space<vmem>>, vector<1x16xf32>,
        %add3A_379 = arith.constant 176 : i32
        %add3A_380 = arith.addi %mul3A_153, %add3A_379 : i32
        %get3A_381 = arith.constant 1 : i32
        %get3A_382 = arith.index_cast %get3A_381 : i32 to index
        %get3A_383 = arith.index_cast %add3A_380 : i32 to index
        %get3A_384 = tpu.vector_load %arg4[%get3A_382, %get3A_383] {strides = array<i32>} : memref<4x4096xf32, #tpu.memory_space<vmem>>, vector<1x16xf32>,
        %get3A_385 = vector.shape_cast %get3A_384 : vector<1x16xf32> to vector<16xf32>
        %gather3A_386 = vector.shape_cast %reshape3A : vector<16x1xi32> to vector<16xi32>
        %gather3A_387 = tpu.dynamic_gather %get3A_385[%gather3A_386] in [0] : vector<16xf32>, vector<16xi32> -> vector<16xf32>
        %eq3A_388 = arith.cmpf oeq, %convert_element_type3A, %broadcast_in_dim3A_8 : vector<16xf32>
        %gt3A_389 = arith.cmpf ogt, %get3A_385, %gather3A_387 : vector<16xf32>
        %eq3A_390 = arith.cmpf oeq, %get3A_385, %gather3A_387 : vector<16xf32>
        %and3A_391 = arith.andi %eq3A_388, %eq3A_390 : vector<16xi1>
        %or3A_392 = arith.ori %gt3A_389, %and3A_391 : vector<16xi1>
        %select_n3A_393 = arith.select %or3A_392, %get3A_385, %broadcast_in_dim3A_8 : vector<16xi1>, vector<16xf32>
        %swap3A_394 = arith.constant 1 : i32
        %swap3A_395 = arith.index_cast %swap3A_394 : i32 to index
        %swap3A_396 = arith.index_cast %add3A_380 : i32 to index
        %swap3A_397 = tpu.vector_load %arg6[%swap3A_395, %swap3A_396] {strides = array<i32>} : memref<4x4096xf32, #tpu.memory_space<vmem>>, vector<1x16xf32>,
        %swap3A_398 = vector.shape_cast %swap3A_397 : vector<1x16xf32> to vector<16xf32>
        %swap3A_399 = vector.shape_cast %select_n3A_393 : vector<16xf32> to vector<1x16xf32>
        tpu.vector_store %arg6[%swap3A_395, %swap3A_396], %swap3A_399 {strides = array<i32>} : memref<4x4096xf32, #tpu.memory_space<vmem>>, vector<1x16xf32>,
        %add3A_400 = arith.constant 192 : i32
        %add3A_401 = arith.addi %mul3A_153, %add3A_400 : i32
        %get3A_402 = arith.constant 1 : i32
        %get3A_403 = arith.index_cast %get3A_402 : i32 to index
        %get3A_404 = arith.index_cast %add3A_401 : i32 to index
        %get3A_405 = tpu.vector_load %arg4[%get3A_403, %get3A_404] {strides = array<i32>} : memref<4x4096xf32, #tpu.memory_space<vmem>>, vector<1x16xf32>,
        %get3A_406 = vector.shape_cast %get3A_405 : vector<1x16xf32> to vector<16xf32>
        %gather3A_407 = vector.shape_cast %reshape3A : vector<16x1xi32> to vector<16xi32>
        %gather3A_408 = tpu.dynamic_gather %get3A_406[%gather3A_407] in [0] : vector<16xf32>, vector<16xi32> -> vector<16xf32>
        %eq3A_409 = arith.cmpf oeq, %convert_element_type3A, %broadcast_in_dim3A_8 : vector<16xf32>
        %gt3A_410 = arith.cmpf ogt, %get3A_406, %gather3A_408 : vector<16xf32>
        %eq3A_411 = arith.cmpf oeq, %get3A_406, %gather3A_408 : vector<16xf32>
        %and3A_412 = arith.andi %eq3A_409, %eq3A_411 : vector<16xi1>
        %or3A_413 = arith.ori %gt3A_410, %and3A_412 : vector<16xi1>
        %select_n3A_414 = arith.select %or3A_413, %get3A_406, %broadcast_in_dim3A_8 : vector<16xi1>, vector<16xf32>
        %swap3A_415 = arith.constant 1 : i32
        %swap3A_416 = arith.index_cast %swap3A_415 : i32 to index
        %swap3A_417 = arith.index_cast %add3A_401 : i32 to index
        %swap3A_418 = tpu.vector_load %arg6[%swap3A_416, %swap3A_417] {strides = array<i32>} : memref<4x4096xf32, #tpu.memory_space<vmem>>, vector<1x16xf32>,
        %swap3A_419 = vector.shape_cast %swap3A_418 : vector<1x16xf32> to vector<16xf32>
        %swap3A_420 = vector.shape_cast %select_n3A_414 : vector<16xf32> to vector<1x16xf32>
        tpu.vector_store %arg6[%swap3A_416, %swap3A_417], %swap3A_420 {strides = array<i32>} : memref<4x4096xf32, #tpu.memory_space<vmem>>, vector<1x16xf32>,
        %add3A_421 = arith.constant 208 : i32
        %add3A_422 = arith.addi %mul3A_153, %add3A_421 : i32
        %get3A_423 = arith.constant 1 : i32
        %get3A_424 = arith.index_cast %get3A_423 : i32 to index
        %get3A_425 = arith.index_cast %add3A_422 : i32 to index
        %get3A_426 = tpu.vector_load %arg4[%get3A_424, %get3A_425] {strides = array<i32>} : memref<4x4096xf32, #tpu.memory_space<vmem>>, vector<1x16xf32>,
        %get3A_427 = vector.shape_cast %get3A_426 : vector<1x16xf32> to vector<16xf32>
        %gather3A_428 = vector.shape_cast %reshape3A : vector<16x1xi32> to vector<16xi32>
        %gather3A_429 = tpu.dynamic_gather %get3A_427[%gather3A_428] in [0] : vector<16xf32>, vector<16xi32> -> vector<16xf32>
        %eq3A_430 = arith.cmpf oeq, %convert_element_type3A, %broadcast_in_dim3A_8 : vector<16xf32>
        %gt3A_431 = arith.cmpf ogt, %get3A_427, %gather3A_429 : vector<16xf32>
        %eq3A_432 = arith.cmpf oeq, %get3A_427, %gather3A_429 : vector<16xf32>
        %and3A_433 = arith.andi %eq3A_430, %eq3A_432 : vector<16xi1>
        %or3A_434 = arith.ori %gt3A_431, %and3A_433 : vector<16xi1>
        %select_n3A_435 = arith.select %or3A_434, %get3A_427, %broadcast_in_dim3A_8 : vector<16xi1>, vector<16xf32>
        %swap3A_436 = arith.constant 1 : i32
        %swap3A_437 = arith.index_cast %swap3A_436 : i32 to index
        %swap3A_438 = arith.index_cast %add3A_422 : i32 to index
        %swap3A_439 = tpu.vector_load %arg6[%swap3A_437, %swap3A_438] {strides = array<i32>} : memref<4x4096xf32, #tpu.memory_space<vmem>>, vector<1x16xf32>,
        %swap3A_440 = vector.shape_cast %swap3A_439 : vector<1x16xf32> to vector<16xf32>
        %swap3A_441 = vector.shape_cast %select_n3A_435 : vector<16xf32> to vector<1x16xf32>
        tpu.vector_store %arg6[%swap3A_437, %swap3A_438], %swap3A_441 {strides = array<i32>} : memref<4x4096xf32, #tpu.memory_space<vmem>>, vector<1x16xf32>,
        %add3A_442 = arith.constant 224 : i32
        %add3A_443 = arith.addi %mul3A_153, %add3A_442 : i32
        %get3A_444 = arith.constant 1 : i32
        %get3A_445 = arith.index_cast %get3A_444 : i32 to index
        %get3A_446 = arith.index_cast %add3A_443 : i32 to index
        %get3A_447 = tpu.vector_load %arg4[%get3A_445, %get3A_446] {strides = array<i32>} : memref<4x4096xf32, #tpu.memory_space<vmem>>, vector<1x16xf32>,
        %get3A_448 = vector.shape_cast %get3A_447 : vector<1x16xf32> to vector<16xf32>
        %gather3A_449 = vector.shape_cast %reshape3A : vector<16x1xi32> to vector<16xi32>
        %gather3A_450 = tpu.dynamic_gather %get3A_448[%gather3A_449] in [0] : vector<16xf32>, vector<16xi32> -> vector<16xf32>
        %eq3A_451 = arith.cmpf oeq, %convert_element_type3A, %broadcast_in_dim3A_8 : vector<16xf32>
        %gt3A_452 = arith.cmpf ogt, %get3A_448, %gather3A_450 : vector<16xf32>
        %eq3A_453 = arith.cmpf oeq, %get3A_448, %gather3A_450 : vector<16xf32>
        %and3A_454 = arith.andi %eq3A_451, %eq3A_453 : vector<16xi1>
        %or3A_455 = arith.ori %gt3A_452, %and3A_454 : vector<16xi1>
        %select_n3A_456 = arith.select %or3A_455, %get3A_448, %broadcast_in_dim3A_8 : vector<16xi1>, vector<16xf32>
        %swap3A_457 = arith.constant 1 : i32
        %swap3A_458 = arith.index_cast %swap3A_457 : i32 to index
        %swap3A_459 = arith.index_cast %add3A_443 : i32 to index
        %swap3A_460 = tpu.vector_load %arg6[%swap3A_458, %swap3A_459] {strides = array<i32>} : memref<4x4096xf32, #tpu.memory_space<vmem>>, vector<1x16xf32>,
        %swap3A_461 = vector.shape_cast %swap3A_460 : vector<1x16xf32> to vector<16xf32>
        %swap3A_462 = vector.shape_cast %select_n3A_456 : vector<16xf32> to vector<1x16xf32>
        tpu.vector_store %arg6[%swap3A_458, %swap3A_459], %swap3A_462 {strides = array<i32>} : memref<4x4096xf32, #tpu.memory_space<vmem>>, vector<1x16xf32>,
        %add3A_463 = arith.constant 240 : i32
        %add3A_464 = arith.addi %mul3A_153, %add3A_463 : i32
        %get3A_465 = arith.constant 1 : i32
        %get3A_466 = arith.index_cast %get3A_465 : i32 to index
        %get3A_467 = arith.index_cast %add3A_464 : i32 to index
        %get3A_468 = tpu.vector_load %arg4[%get3A_466, %get3A_467] {strides = array<i32>} : memref<4x4096xf32, #tpu.memory_space<vmem>>, vector<1x16xf32>,
        %get3A_469 = vector.shape_cast %get3A_468 : vector<1x16xf32> to vector<16xf32>
        %gather3A_470 = vector.shape_cast %reshape3A : vector<16x1xi32> to vector<16xi32>
        %gather3A_471 = tpu.dynamic_gather %get3A_469[%gather3A_470] in [0] : vector<16xf32>, vector<16xi32> -> vector<16xf32>
        %eq3A_472 = arith.cmpf oeq, %convert_element_type3A, %broadcast_in_dim3A_8 : vector<16xf32>
        %gt3A_473 = arith.cmpf ogt, %get3A_469, %gather3A_471 : vector<16xf32>
        %eq3A_474 = arith.cmpf oeq, %get3A_469, %gather3A_471 : vector<16xf32>
        %and3A_475 = arith.andi %eq3A_472, %eq3A_474 : vector<16xi1>
        %or3A_476 = arith.ori %gt3A_473, %and3A_475 : vector<16xi1>
        %select_n3A_477 = arith.select %or3A_476, %get3A_469, %broadcast_in_dim3A_8 : vector<16xi1>, vector<16xf32>
        %swap3A_478 = arith.constant 1 : i32
        %swap3A_479 = arith.index_cast %swap3A_478 : i32 to index
        %swap3A_480 = arith.index_cast %add3A_464 : i32 to index
        %swap3A_481 = tpu.vector_load %arg6[%swap3A_479, %swap3A_480] {strides = array<i32>} : memref<4x4096xf32, #tpu.memory_space<vmem>>, vector<1x16xf32>,
        %swap3A_482 = vector.shape_cast %swap3A_481 : vector<1x16xf32> to vector<16xf32>
        %swap3A_483 = vector.shape_cast %select_n3A_477 : vector<16xf32> to vector<1x16xf32>
        tpu.vector_store %arg6[%swap3A_479, %swap3A_480], %swap3A_483 {strides = array<i32>} : memref<4x4096xf32, #tpu.memory_space<vmem>>, vector<1x16xf32>,
        %scan3A_484 = arith.constant 0 : i32
        scf.yield %scan3A_484 : i32
      }
      %scan3A_64 = arith.constant 16 : i32
      %scan3A_65 = arith.constant 0 : i32
      %scan3A_66 = arith.constant 0 : i32
      %scan3A_67 = arith.constant 16 : i32
      %scan3A_68 = arith.addi %scan3A_66, %scan3A_67 : i32
      %scan3A_69 = arith.constant 1 : i32
      %scan3A_70 = scf.for %scan3A_150 = %scan3A_66 to %scan3A_68 step %scan3A_69 iter_args(%scan3A_151 = %scan3A_65) -> (i32)  : i32 {
        %mul3A_152 = arith.constant 256 : i32
        %mul3A_153 = arith.muli %scan3A_150, %mul3A_152 : i32
        %add3A_154 = arith.constant 0 : i32
        %add3A_155 = arith.addi %mul3A_153, %add3A_154 : i32
        %get3A = arith.constant 2 : i32
        %get3A_156 = arith.index_cast %get3A : i32 to index
        %get3A_157 = arith.index_cast %add3A_155 : i32 to index
        %get3A_158 = tpu.vector_load %arg4[%get3A_156, %get3A_157] {strides = array<i32>} : memref<4x4096xf32, #tpu.memory_space<vmem>>, vector<1x16xf32>,
        %get3A_159 = vector.shape_cast %get3A_158 : vector<1x16xf32> to vector<16xf32>
        %gather3A = vector.shape_cast %reshape3A : vector<16x1xi32> to vector<16xi32>
        %gather3A_160 = tpu.dynamic_gather %get3A_159[%gather3A] in [0] : vector<16xf32>, vector<16xi32> -> vector<16xf32>
        %eq3A = arith.cmpf oeq, %convert_element_type3A, %broadcast_in_dim3A_8 : vector<16xf32>
        %gt3A_161 = arith.cmpf ogt, %get3A_159, %gather3A_160 : vector<16xf32>
        %eq3A_162 = arith.cmpf oeq, %get3A_159, %gather3A_160 : vector<16xf32>
        %and3A_163 = arith.andi %eq3A, %eq3A_162 : vector<16xi1>
        %or3A = arith.ori %gt3A_161, %and3A_163 : vector<16xi1>
        %select_n3A = arith.select %or3A, %get3A_159, %broadcast_in_dim3A_8 : vector<16xi1>, vector<16xf32>
        %swap3A = arith.constant 2 : i32
        %swap3A_164 = arith.index_cast %swap3A : i32 to index
        %swap3A_165 = arith.index_cast %add3A_155 : i32 to index
        %swap3A_166 = tpu.vector_load %arg6[%swap3A_164, %swap3A_165] {strides = array<i32>} : memref<4x4096xf32, #tpu.memory_space<vmem>>, vector<1x16xf32>,
        %swap3A_167 = vector.shape_cast %swap3A_166 : vector<1x16xf32> to vector<16xf32>
        %swap3A_168 = vector.shape_cast %select_n3A : vector<16xf32> to vector<1x16xf32>
        tpu.vector_store %arg6[%swap3A_164, %swap3A_165], %swap3A_168 {strides = array<i32>} : memref<4x4096xf32, #tpu.memory_space<vmem>>, vector<1x16xf32>,
        %add3A_169 = arith.constant 16 : i32
        %add3A_170 = arith.addi %mul3A_153, %add3A_169 : i32
        %get3A_171 = arith.constant 2 : i32
        %get3A_172 = arith.index_cast %get3A_171 : i32 to index
        %get3A_173 = arith.index_cast %add3A_170 : i32 to index
        %get3A_174 = tpu.vector_load %arg4[%get3A_172, %get3A_173] {strides = array<i32>} : memref<4x4096xf32, #tpu.memory_space<vmem>>, vector<1x16xf32>,
        %get3A_175 = vector.shape_cast %get3A_174 : vector<1x16xf32> to vector<16xf32>
        %gather3A_176 = vector.shape_cast %reshape3A : vector<16x1xi32> to vector<16xi32>
        %gather3A_177 = tpu.dynamic_gather %get3A_175[%gather3A_176] in [0] : vector<16xf32>, vector<16xi32> -> vector<16xf32>
        %eq3A_178 = arith.cmpf oeq, %convert_element_type3A, %broadcast_in_dim3A_8 : vector<16xf32>
        %gt3A_179 = arith.cmpf ogt, %get3A_175, %gather3A_177 : vector<16xf32>
        %eq3A_180 = arith.cmpf oeq, %get3A_175, %gather3A_177 : vector<16xf32>
        %and3A_181 = arith.andi %eq3A_178, %eq3A_180 : vector<16xi1>
        %or3A_182 = arith.ori %gt3A_179, %and3A_181 : vector<16xi1>
        %select_n3A_183 = arith.select %or3A_182, %get3A_175, %broadcast_in_dim3A_8 : vector<16xi1>, vector<16xf32>
        %swap3A_184 = arith.constant 2 : i32
        %swap3A_185 = arith.index_cast %swap3A_184 : i32 to index
        %swap3A_186 = arith.index_cast %add3A_170 : i32 to index
        %swap3A_187 = tpu.vector_load %arg6[%swap3A_185, %swap3A_186] {strides = array<i32>} : memref<4x4096xf32, #tpu.memory_space<vmem>>, vector<1x16xf32>,
        %swap3A_188 = vector.shape_cast %swap3A_187 : vector<1x16xf32> to vector<16xf32>
        %swap3A_189 = vector.shape_cast %select_n3A_183 : vector<16xf32> to vector<1x16xf32>
        tpu.vector_store %arg6[%swap3A_185, %swap3A_186], %swap3A_189 {strides = array<i32>} : memref<4x4096xf32, #tpu.memory_space<vmem>>, vector<1x16xf32>,
        %add3A_190 = arith.constant 32 : i32
        %add3A_191 = arith.addi %mul3A_153, %add3A_190 : i32
        %get3A_192 = arith.constant 2 : i32
        %get3A_193 = arith.index_cast %get3A_192 : i32 to index
        %get3A_194 = arith.index_cast %add3A_191 : i32 to index
        %get3A_195 = tpu.vector_load %arg4[%get3A_193, %get3A_194] {strides = array<i32>} : memref<4x4096xf32, #tpu.memory_space<vmem>>, vector<1x16xf32>,
        %get3A_196 = vector.shape_cast %get3A_195 : vector<1x16xf32> to vector<16xf32>
        %gather3A_197 = vector.shape_cast %reshape3A : vector<16x1xi32> to vector<16xi32>
        %gather3A_198 = tpu.dynamic_gather %get3A_196[%gather3A_197] in [0] : vector<16xf32>, vector<16xi32> -> vector<16xf32>
        %eq3A_199 = arith.cmpf oeq, %convert_element_type3A, %broadcast_in_dim3A_8 : vector<16xf32>
        %gt3A_200 = arith.cmpf ogt, %get3A_196, %gather3A_198 : vector<16xf32>
        %eq3A_201 = arith.cmpf oeq, %get3A_196, %gather3A_198 : vector<16xf32>
        %and3A_202 = arith.andi %eq3A_199, %eq3A_201 : vector<16xi1>
        %or3A_203 = arith.ori %gt3A_200, %and3A_202 : vector<16xi1>
        %select_n3A_204 = arith.select %or3A_203, %get3A_196, %broadcast_in_dim3A_8 : vector<16xi1>, vector<16xf32>
        %swap3A_205 = arith.constant 2 : i32
        %swap3A_206 = arith.index_cast %swap3A_205 : i32 to index
        %swap3A_207 = arith.index_cast %add3A_191 : i32 to index
        %swap3A_208 = tpu.vector_load %arg6[%swap3A_206, %swap3A_207] {strides = array<i32>} : memref<4x4096xf32, #tpu.memory_space<vmem>>, vector<1x16xf32>,
        %swap3A_209 = vector.shape_cast %swap3A_208 : vector<1x16xf32> to vector<16xf32>
        %swap3A_210 = vector.shape_cast %select_n3A_204 : vector<16xf32> to vector<1x16xf32>
        tpu.vector_store %arg6[%swap3A_206, %swap3A_207], %swap3A_210 {strides = array<i32>} : memref<4x4096xf32, #tpu.memory_space<vmem>>, vector<1x16xf32>,
        %add3A_211 = arith.constant 48 : i32
        %add3A_212 = arith.addi %mul3A_153, %add3A_211 : i32
        %get3A_213 = arith.constant 2 : i32
        %get3A_214 = arith.index_cast %get3A_213 : i32 to index
        %get3A_215 = arith.index_cast %add3A_212 : i32 to index
        %get3A_216 = tpu.vector_load %arg4[%get3A_214, %get3A_215] {strides = array<i32>} : memref<4x4096xf32, #tpu.memory_space<vmem>>, vector<1x16xf32>,
        %get3A_217 = vector.shape_cast %get3A_216 : vector<1x16xf32> to vector<16xf32>
        %gather3A_218 = vector.shape_cast %reshape3A : vector<16x1xi32> to vector<16xi32>
        %gather3A_219 = tpu.dynamic_gather %get3A_217[%gather3A_218] in [0] : vector<16xf32>, vector<16xi32> -> vector<16xf32>
        %eq3A_220 = arith.cmpf oeq, %convert_element_type3A, %broadcast_in_dim3A_8 : vector<16xf32>
        %gt3A_221 = arith.cmpf ogt, %get3A_217, %gather3A_219 : vector<16xf32>
        %eq3A_222 = arith.cmpf oeq, %get3A_217, %gather3A_219 : vector<16xf32>
        %and3A_223 = arith.andi %eq3A_220, %eq3A_222 : vector<16xi1>
        %or3A_224 = arith.ori %gt3A_221, %and3A_223 : vector<16xi1>
        %select_n3A_225 = arith.select %or3A_224, %get3A_217, %broadcast_in_dim3A_8 : vector<16xi1>, vector<16xf32>
        %swap3A_226 = arith.constant 2 : i32
        %swap3A_227 = arith.index_cast %swap3A_226 : i32 to index
        %swap3A_228 = arith.index_cast %add3A_212 : i32 to index
        %swap3A_229 = tpu.vector_load %arg6[%swap3A_227, %swap3A_228] {strides = array<i32>} : memref<4x4096xf32, #tpu.memory_space<vmem>>, vector<1x16xf32>,
        %swap3A_230 = vector.shape_cast %swap3A_229 : vector<1x16xf32> to vector<16xf32>
        %swap3A_231 = vector.shape_cast %select_n3A_225 : vector<16xf32> to vector<1x16xf32>
        tpu.vector_store %arg6[%swap3A_227, %swap3A_228], %swap3A_231 {strides = array<i32>} : memref<4x4096xf32, #tpu.memory_space<vmem>>, vector<1x16xf32>,
        %add3A_232 = arith.constant 64 : i32
        %add3A_233 = arith.addi %mul3A_153, %add3A_232 : i32
        %get3A_234 = arith.constant 2 : i32
        %get3A_235 = arith.index_cast %get3A_234 : i32 to index
        %get3A_236 = arith.index_cast %add3A_233 : i32 to index
        %get3A_237 = tpu.vector_load %arg4[%get3A_235, %get3A_236] {strides = array<i32>} : memref<4x4096xf32, #tpu.memory_space<vmem>>, vector<1x16xf32>,
        %get3A_238 = vector.shape_cast %get3A_237 : vector<1x16xf32> to vector<16xf32>
        %gather3A_239 = vector.shape_cast %reshape3A : vector<16x1xi32> to vector<16xi32>
        %gather3A_240 = tpu.dynamic_gather %get3A_238[%gather3A_239] in [0] : vector<16xf32>, vector<16xi32> -> vector<16xf32>
        %eq3A_241 = arith.cmpf oeq, %convert_element_type3A, %broadcast_in_dim3A_8 : vector<16xf32>
        %gt3A_242 = arith.cmpf ogt, %get3A_238, %gather3A_240 : vector<16xf32>
        %eq3A_243 = arith.cmpf oeq, %get3A_238, %gather3A_240 : vector<16xf32>
        %and3A_244 = arith.andi %eq3A_241, %eq3A_243 : vector<16xi1>
        %or3A_245 = arith.ori %gt3A_242, %and3A_244 : vector<16xi1>
        %select_n3A_246 = arith.select %or3A_245, %get3A_238, %broadcast_in_dim3A_8 : vector<16xi1>, vector<16xf32>
        %swap3A_247 = arith.constant 2 : i32
        %swap3A_248 = arith.index_cast %swap3A_247 : i32 to index
        %swap3A_249 = arith.index_cast %add3A_233 : i32 to index
        %swap3A_250 = tpu.vector_load %arg6[%swap3A_248, %swap3A_249] {strides = array<i32>} : memref<4x4096xf32, #tpu.memory_space<vmem>>, vector<1x16xf32>,
        %swap3A_251 = vector.shape_cast %swap3A_250 : vector<1x16xf32> to vector<16xf32>
        %swap3A_252 = vector.shape_cast %select_n3A_246 : vector<16xf32> to vector<1x16xf32>
        tpu.vector_store %arg6[%swap3A_248, %swap3A_249], %swap3A_252 {strides = array<i32>} : memref<4x4096xf32, #tpu.memory_space<vmem>>, vector<1x16xf32>,
        %add3A_253 = arith.constant 80 : i32
        %add3A_254 = arith.addi %mul3A_153, %add3A_253 : i32
        %get3A_255 = arith.constant 2 : i32
        %get3A_256 = arith.index_cast %get3A_255 : i32 to index
        %get3A_257 = arith.index_cast %add3A_254 : i32 to index
        %get3A_258 = tpu.vector_load %arg4[%get3A_256, %get3A_257] {strides = array<i32>} : memref<4x4096xf32, #tpu.memory_space<vmem>>, vector<1x16xf32>,
        %get3A_259 = vector.shape_cast %get3A_258 : vector<1x16xf32> to vector<16xf32>
        %gather3A_260 = vector.shape_cast %reshape3A : vector<16x1xi32> to vector<16xi32>
        %gather3A_261 = tpu.dynamic_gather %get3A_259[%gather3A_260] in [0] : vector<16xf32>, vector<16xi32> -> vector<16xf32>
        %eq3A_262 = arith.cmpf oeq, %convert_element_type3A, %broadcast_in_dim3A_8 : vector<16xf32>
        %gt3A_263 = arith.cmpf ogt, %get3A_259, %gather3A_261 : vector<16xf32>
        %eq3A_264 = arith.cmpf oeq, %get3A_259, %gather3A_261 : vector<16xf32>
        %and3A_265 = arith.andi %eq3A_262, %eq3A_264 : vector<16xi1>
        %or3A_266 = arith.ori %gt3A_263, %and3A_265 : vector<16xi1>
        %select_n3A_267 = arith.select %or3A_266, %get3A_259, %broadcast_in_dim3A_8 : vector<16xi1>, vector<16xf32>
        %swap3A_268 = arith.constant 2 : i32
        %swap3A_269 = arith.index_cast %swap3A_268 : i32 to index
        %swap3A_270 = arith.index_cast %add3A_254 : i32 to index
        %swap3A_271 = tpu.vector_load %arg6[%swap3A_269, %swap3A_270] {strides = array<i32>} : memref<4x4096xf32, #tpu.memory_space<vmem>>, vector<1x16xf32>,
        %swap3A_272 = vector.shape_cast %swap3A_271 : vector<1x16xf32> to vector<16xf32>
        %swap3A_273 = vector.shape_cast %select_n3A_267 : vector<16xf32> to vector<1x16xf32>
        tpu.vector_store %arg6[%swap3A_269, %swap3A_270], %swap3A_273 {strides = array<i32>} : memref<4x4096xf32, #tpu.memory_space<vmem>>, vector<1x16xf32>,
        %add3A_274 = arith.constant 96 : i32
        %add3A_275 = arith.addi %mul3A_153, %add3A_274 : i32
        %get3A_276 = arith.constant 2 : i32
        %get3A_277 = arith.index_cast %get3A_276 : i32 to index
        %get3A_278 = arith.index_cast %add3A_275 : i32 to index
        %get3A_279 = tpu.vector_load %arg4[%get3A_277, %get3A_278] {strides = array<i32>} : memref<4x4096xf32, #tpu.memory_space<vmem>>, vector<1x16xf32>,
        %get3A_280 = vector.shape_cast %get3A_279 : vector<1x16xf32> to vector<16xf32>
        %gather3A_281 = vector.shape_cast %reshape3A : vector<16x1xi32> to vector<16xi32>
        %gather3A_282 = tpu.dynamic_gather %get3A_280[%gather3A_281] in [0] : vector<16xf32>, vector<16xi32> -> vector<16xf32>
        %eq3A_283 = arith.cmpf oeq, %convert_element_type3A, %broadcast_in_dim3A_8 : vector<16xf32>
        %gt3A_284 = arith.cmpf ogt, %get3A_280, %gather3A_282 : vector<16xf32>
        %eq3A_285 = arith.cmpf oeq, %get3A_280, %gather3A_282 : vector<16xf32>
        %and3A_286 = arith.andi %eq3A_283, %eq3A_285 : vector<16xi1>
        %or3A_287 = arith.ori %gt3A_284, %and3A_286 : vector<16xi1>
        %select_n3A_288 = arith.select %or3A_287, %get3A_280, %broadcast_in_dim3A_8 : vector<16xi1>, vector<16xf32>
        %swap3A_289 = arith.constant 2 : i32
        %swap3A_290 = arith.index_cast %swap3A_289 : i32 to index
        %swap3A_291 = arith.index_cast %add3A_275 : i32 to index
        %swap3A_292 = tpu.vector_load %arg6[%swap3A_290, %swap3A_291] {strides = array<i32>} : memref<4x4096xf32, #tpu.memory_space<vmem>>, vector<1x16xf32>,
        %swap3A_293 = vector.shape_cast %swap3A_292 : vector<1x16xf32> to vector<16xf32>
        %swap3A_294 = vector.shape_cast %select_n3A_288 : vector<16xf32> to vector<1x16xf32>
        tpu.vector_store %arg6[%swap3A_290, %swap3A_291], %swap3A_294 {strides = array<i32>} : memref<4x4096xf32, #tpu.memory_space<vmem>>, vector<1x16xf32>,
        %add3A_295 = arith.constant 112 : i32
        %add3A_296 = arith.addi %mul3A_153, %add3A_295 : i32
        %get3A_297 = arith.constant 2 : i32
        %get3A_298 = arith.index_cast %get3A_297 : i32 to index
        %get3A_299 = arith.index_cast %add3A_296 : i32 to index
        %get3A_300 = tpu.vector_load %arg4[%get3A_298, %get3A_299] {strides = array<i32>} : memref<4x4096xf32, #tpu.memory_space<vmem>>, vector<1x16xf32>,
        %get3A_301 = vector.shape_cast %get3A_300 : vector<1x16xf32> to vector<16xf32>
        %gather3A_302 = vector.shape_cast %reshape3A : vector<16x1xi32> to vector<16xi32>
        %gather3A_303 = tpu.dynamic_gather %get3A_301[%gather3A_302] in [0] : vector<16xf32>, vector<16xi32> -> vector<16xf32>
        %eq3A_304 = arith.cmpf oeq, %convert_element_type3A, %broadcast_in_dim3A_8 : vector<16xf32>
        %gt3A_305 = arith.cmpf ogt, %get3A_301, %gather3A_303 : vector<16xf32>
        %eq3A_306 = arith.cmpf oeq, %get3A_301, %gather3A_303 : vector<16xf32>
        %and3A_307 = arith.andi %eq3A_304, %eq3A_306 : vector<16xi1>
        %or3A_308 = arith.ori %gt3A_305, %and3A_307 : vector<16xi1>
        %select_n3A_309 = arith.select %or3A_308, %get3A_301, %broadcast_in_dim3A_8 : vector<16xi1>, vector<16xf32>
        %swap3A_310 = arith.constant 2 : i32
        %swap3A_311 = arith.index_cast %swap3A_310 : i32 to index
        %swap3A_312 = arith.index_cast %add3A_296 : i32 to index
        %swap3A_313 = tpu.vector_load %arg6[%swap3A_311, %swap3A_312] {strides = array<i32>} : memref<4x4096xf32, #tpu.memory_space<vmem>>, vector<1x16xf32>,
        %swap3A_314 = vector.shape_cast %swap3A_313 : vector<1x16xf32> to vector<16xf32>
        %swap3A_315 = vector.shape_cast %select_n3A_309 : vector<16xf32> to vector<1x16xf32>
        tpu.vector_store %arg6[%swap3A_311, %swap3A_312], %swap3A_315 {strides = array<i32>} : memref<4x4096xf32, #tpu.memory_space<vmem>>, vector<1x16xf32>,
        %add3A_316 = arith.constant 128 : i32
        %add3A_317 = arith.addi %mul3A_153, %add3A_316 : i32
        %get3A_318 = arith.constant 2 : i32
        %get3A_319 = arith.index_cast %get3A_318 : i32 to index
        %get3A_320 = arith.index_cast %add3A_317 : i32 to index
        %get3A_321 = tpu.vector_load %arg4[%get3A_319, %get3A_320] {strides = array<i32>} : memref<4x4096xf32, #tpu.memory_space<vmem>>, vector<1x16xf32>,
        %get3A_322 = vector.shape_cast %get3A_321 : vector<1x16xf32> to vector<16xf32>
        %gather3A_323 = vector.shape_cast %reshape3A : vector<16x1xi32> to vector<16xi32>
        %gather3A_324 = tpu.dynamic_gather %get3A_322[%gather3A_323] in [0] : vector<16xf32>, vector<16xi32> -> vector<16xf32>
        %eq3A_325 = arith.cmpf oeq, %convert_element_type3A, %broadcast_in_dim3A_8 : vector<16xf32>
        %gt3A_326 = arith.cmpf ogt, %get3A_322, %gather3A_324 : vector<16xf32>
        %eq3A_327 = arith.cmpf oeq, %get3A_322, %gather3A_324 : vector<16xf32>
        %and3A_328 = arith.andi %eq3A_325, %eq3A_327 : vector<16xi1>
        %or3A_329 = arith.ori %gt3A_326, %and3A_328 : vector<16xi1>
        %select_n3A_330 = arith.select %or3A_329, %get3A_322, %broadcast_in_dim3A_8 : vector<16xi1>, vector<16xf32>
        %swap3A_331 = arith.constant 2 : i32
        %swap3A_332 = arith.index_cast %swap3A_331 : i32 to index
        %swap3A_333 = arith.index_cast %add3A_317 : i32 to index
        %swap3A_334 = tpu.vector_load %arg6[%swap3A_332, %swap3A_333] {strides = array<i32>} : memref<4x4096xf32, #tpu.memory_space<vmem>>, vector<1x16xf32>,
        %swap3A_335 = vector.shape_cast %swap3A_334 : vector<1x16xf32> to vector<16xf32>
        %swap3A_336 = vector.shape_cast %select_n3A_330 : vector<16xf32> to vector<1x16xf32>
        tpu.vector_store %arg6[%swap3A_332, %swap3A_333], %swap3A_336 {strides = array<i32>} : memref<4x4096xf32, #tpu.memory_space<vmem>>, vector<1x16xf32>,
        %add3A_337 = arith.constant 144 : i32
        %add3A_338 = arith.addi %mul3A_153, %add3A_337 : i32
        %get3A_339 = arith.constant 2 : i32
        %get3A_340 = arith.index_cast %get3A_339 : i32 to index
        %get3A_341 = arith.index_cast %add3A_338 : i32 to index
        %get3A_342 = tpu.vector_load %arg4[%get3A_340, %get3A_341] {strides = array<i32>} : memref<4x4096xf32, #tpu.memory_space<vmem>>, vector<1x16xf32>,
        %get3A_343 = vector.shape_cast %get3A_342 : vector<1x16xf32> to vector<16xf32>
        %gather3A_344 = vector.shape_cast %reshape3A : vector<16x1xi32> to vector<16xi32>
        %gather3A_345 = tpu.dynamic_gather %get3A_343[%gather3A_344] in [0] : vector<16xf32>, vector<16xi32> -> vector<16xf32>
        %eq3A_346 = arith.cmpf oeq, %convert_element_type3A, %broadcast_in_dim3A_8 : vector<16xf32>
        %gt3A_347 = arith.cmpf ogt, %get3A_343, %gather3A_345 : vector<16xf32>
        %eq3A_348 = arith.cmpf oeq, %get3A_343, %gather3A_345 : vector<16xf32>
        %and3A_349 = arith.andi %eq3A_346, %eq3A_348 : vector<16xi1>
        %or3A_350 = arith.ori %gt3A_347, %and3A_349 : vector<16xi1>
        %select_n3A_351 = arith.select %or3A_350, %get3A_343, %broadcast_in_dim3A_8 : vector<16xi1>, vector<16xf32>
        %swap3A_352 = arith.constant 2 : i32
        %swap3A_353 = arith.index_cast %swap3A_352 : i32 to index
        %swap3A_354 = arith.index_cast %add3A_338 : i32 to index
        %swap3A_355 = tpu.vector_load %arg6[%swap3A_353, %swap3A_354] {strides = array<i32>} : memref<4x4096xf32, #tpu.memory_space<vmem>>, vector<1x16xf32>,
        %swap3A_356 = vector.shape_cast %swap3A_355 : vector<1x16xf32> to vector<16xf32>
        %swap3A_357 = vector.shape_cast %select_n3A_351 : vector<16xf32> to vector<1x16xf32>
        tpu.vector_store %arg6[%swap3A_353, %swap3A_354], %swap3A_357 {strides = array<i32>} : memref<4x4096xf32, #tpu.memory_space<vmem>>, vector<1x16xf32>,
        %add3A_358 = arith.constant 160 : i32
        %add3A_359 = arith.addi %mul3A_153, %add3A_358 : i32
        %get3A_360 = arith.constant 2 : i32
        %get3A_361 = arith.index_cast %get3A_360 : i32 to index
        %get3A_362 = arith.index_cast %add3A_359 : i32 to index
        %get3A_363 = tpu.vector_load %arg4[%get3A_361, %get3A_362] {strides = array<i32>} : memref<4x4096xf32, #tpu.memory_space<vmem>>, vector<1x16xf32>,
        %get3A_364 = vector.shape_cast %get3A_363 : vector<1x16xf32> to vector<16xf32>
        %gather3A_365 = vector.shape_cast %reshape3A : vector<16x1xi32> to vector<16xi32>
        %gather3A_366 = tpu.dynamic_gather %get3A_364[%gather3A_365] in [0] : vector<16xf32>, vector<16xi32> -> vector<16xf32>
        %eq3A_367 = arith.cmpf oeq, %convert_element_type3A, %broadcast_in_dim3A_8 : vector<16xf32>
        %gt3A_368 = arith.cmpf ogt, %get3A_364, %gather3A_366 : vector<16xf32>
        %eq3A_369 = arith.cmpf oeq, %get3A_364, %gather3A_366 : vector<16xf32>
        %and3A_370 = arith.andi %eq3A_367, %eq3A_369 : vector<16xi1>
        %or3A_371 = arith.ori %gt3A_368, %and3A_370 : vector<16xi1>
        %select_n3A_372 = arith.select %or3A_371, %get3A_364, %broadcast_in_dim3A_8 : vector<16xi1>, vector<16xf32>
        %swap3A_373 = arith.constant 2 : i32
        %swap3A_374 = arith.index_cast %swap3A_373 : i32 to index
        %swap3A_375 = arith.index_cast %add3A_359 : i32 to index
        %swap3A_376 = tpu.vector_load %arg6[%swap3A_374, %swap3A_375] {strides = array<i32>} : memref<4x4096xf32, #tpu.memory_space<vmem>>, vector<1x16xf32>,
        %swap3A_377 = vector.shape_cast %swap3A_376 : vector<1x16xf32> to vector<16xf32>
        %swap3A_378 = vector.shape_cast %select_n3A_372 : vector<16xf32> to vector<1x16xf32>
        tpu.vector_store %arg6[%swap3A_374, %swap3A_375], %swap3A_378 {strides = array<i32>} : memref<4x4096xf32, #tpu.memory_space<vmem>>, vector<1x16xf32>,
        %add3A_379 = arith.constant 176 : i32
        %add3A_380 = arith.addi %mul3A_153, %add3A_379 : i32
        %get3A_381 = arith.constant 2 : i32
        %get3A_382 = arith.index_cast %get3A_381 : i32 to index
        %get3A_383 = arith.index_cast %add3A_380 : i32 to index
        %get3A_384 = tpu.vector_load %arg4[%get3A_382, %get3A_383] {strides = array<i32>} : memref<4x4096xf32, #tpu.memory_space<vmem>>, vector<1x16xf32>,
        %get3A_385 = vector.shape_cast %get3A_384 : vector<1x16xf32> to vector<16xf32>
        %gather3A_386 = vector.shape_cast %reshape3A : vector<16x1xi32> to vector<16xi32>
        %gather3A_387 = tpu.dynamic_gather %get3A_385[%gather3A_386] in [0] : vector<16xf32>, vector<16xi32> -> vector<16xf32>
        %eq3A_388 = arith.cmpf oeq, %convert_element_type3A, %broadcast_in_dim3A_8 : vector<16xf32>
        %gt3A_389 = arith.cmpf ogt, %get3A_385, %gather3A_387 : vector<16xf32>
        %eq3A_390 = arith.cmpf oeq, %get3A_385, %gather3A_387 : vector<16xf32>
        %and3A_391 = arith.andi %eq3A_388, %eq3A_390 : vector<16xi1>
        %or3A_392 = arith.ori %gt3A_389, %and3A_391 : vector<16xi1>
        %select_n3A_393 = arith.select %or3A_392, %get3A_385, %broadcast_in_dim3A_8 : vector<16xi1>, vector<16xf32>
        %swap3A_394 = arith.constant 2 : i32
        %swap3A_395 = arith.index_cast %swap3A_394 : i32 to index
        %swap3A_396 = arith.index_cast %add3A_380 : i32 to index
        %swap3A_397 = tpu.vector_load %arg6[%swap3A_395, %swap3A_396] {strides = array<i32>} : memref<4x4096xf32, #tpu.memory_space<vmem>>, vector<1x16xf32>,
        %swap3A_398 = vector.shape_cast %swap3A_397 : vector<1x16xf32> to vector<16xf32>
        %swap3A_399 = vector.shape_cast %select_n3A_393 : vector<16xf32> to vector<1x16xf32>
        tpu.vector_store %arg6[%swap3A_395, %swap3A_396], %swap3A_399 {strides = array<i32>} : memref<4x4096xf32, #tpu.memory_space<vmem>>, vector<1x16xf32>,
        %add3A_400 = arith.constant 192 : i32
        %add3A_401 = arith.addi %mul3A_153, %add3A_400 : i32
        %get3A_402 = arith.constant 2 : i32
        %get3A_403 = arith.index_cast %get3A_402 : i32 to index
        %get3A_404 = arith.index_cast %add3A_401 : i32 to index
        %get3A_405 = tpu.vector_load %arg4[%get3A_403, %get3A_404] {strides = array<i32>} : memref<4x4096xf32, #tpu.memory_space<vmem>>, vector<1x16xf32>,
        %get3A_406 = vector.shape_cast %get3A_405 : vector<1x16xf32> to vector<16xf32>
        %gather3A_407 = vector.shape_cast %reshape3A : vector<16x1xi32> to vector<16xi32>
        %gather3A_408 = tpu.dynamic_gather %get3A_406[%gather3A_407] in [0] : vector<16xf32>, vector<16xi32> -> vector<16xf32>
        %eq3A_409 = arith.cmpf oeq, %convert_element_type3A, %broadcast_in_dim3A_8 : vector<16xf32>
        %gt3A_410 = arith.cmpf ogt, %get3A_406, %gather3A_408 : vector<16xf32>
        %eq3A_411 = arith.cmpf oeq, %get3A_406, %gather3A_408 : vector<16xf32>
        %and3A_412 = arith.andi %eq3A_409, %eq3A_411 : vector<16xi1>
        %or3A_413 = arith.ori %gt3A_410, %and3A_412 : vector<16xi1>
        %select_n3A_414 = arith.select %or3A_413, %get3A_406, %broadcast_in_dim3A_8 : vector<16xi1>, vector<16xf32>
        %swap3A_415 = arith.constant 2 : i32
        %swap3A_416 = arith.index_cast %swap3A_415 : i32 to index
        %swap3A_417 = arith.index_cast %add3A_401 : i32 to index
        %swap3A_418 = tpu.vector_load %arg6[%swap3A_416, %swap3A_417] {strides = array<i32>} : memref<4x4096xf32, #tpu.memory_space<vmem>>, vector<1x16xf32>,
        %swap3A_419 = vector.shape_cast %swap3A_418 : vector<1x16xf32> to vector<16xf32>
        %swap3A_420 = vector.shape_cast %select_n3A_414 : vector<16xf32> to vector<1x16xf32>
        tpu.vector_store %arg6[%swap3A_416, %swap3A_417], %swap3A_420 {strides = array<i32>} : memref<4x4096xf32, #tpu.memory_space<vmem>>, vector<1x16xf32>,
        %add3A_421 = arith.constant 208 : i32
        %add3A_422 = arith.addi %mul3A_153, %add3A_421 : i32
        %get3A_423 = arith.constant 2 : i32
        %get3A_424 = arith.index_cast %get3A_423 : i32 to index
        %get3A_425 = arith.index_cast %add3A_422 : i32 to index
        %get3A_426 = tpu.vector_load %arg4[%get3A_424, %get3A_425] {strides = array<i32>} : memref<4x4096xf32, #tpu.memory_space<vmem>>, vector<1x16xf32>,
        %get3A_427 = vector.shape_cast %get3A_426 : vector<1x16xf32> to vector<16xf32>
        %gather3A_428 = vector.shape_cast %reshape3A : vector<16x1xi32> to vector<16xi32>
        %gather3A_429 = tpu.dynamic_gather %get3A_427[%gather3A_428] in [0] : vector<16xf32>, vector<16xi32> -> vector<16xf32>
        %eq3A_430 = arith.cmpf oeq, %convert_element_type3A, %broadcast_in_dim3A_8 : vector<16xf32>
        %gt3A_431 = arith.cmpf ogt, %get3A_427, %gather3A_429 : vector<16xf32>
        %eq3A_432 = arith.cmpf oeq, %get3A_427, %gather3A_429 : vector<16xf32>
        %and3A_433 = arith.andi %eq3A_430, %eq3A_432 : vector<16xi1>
        %or3A_434 = arith.ori %gt3A_431, %and3A_433 : vector<16xi1>
        %select_n3A_435 = arith.select %or3A_434, %get3A_427, %broadcast_in_dim3A_8 : vector<16xi1>, vector<16xf32>
        %swap3A_436 = arith.constant 2 : i32
        %swap3A_437 = arith.index_cast %swap3A_436 : i32 to index
        %swap3A_438 = arith.index_cast %add3A_422 : i32 to index
        %swap3A_439 = tpu.vector_load %arg6[%swap3A_437, %swap3A_438] {strides = array<i32>} : memref<4x4096xf32, #tpu.memory_space<vmem>>, vector<1x16xf32>,
        %swap3A_440 = vector.shape_cast %swap3A_439 : vector<1x16xf32> to vector<16xf32>
        %swap3A_441 = vector.shape_cast %select_n3A_435 : vector<16xf32> to vector<1x16xf32>
        tpu.vector_store %arg6[%swap3A_437, %swap3A_438], %swap3A_441 {strides = array<i32>} : memref<4x4096xf32, #tpu.memory_space<vmem>>, vector<1x16xf32>,
        %add3A_442 = arith.constant 224 : i32
        %add3A_443 = arith.addi %mul3A_153, %add3A_442 : i32
        %get3A_444 = arith.constant 2 : i32
        %get3A_445 = arith.index_cast %get3A_444 : i32 to index
        %get3A_446 = arith.index_cast %add3A_443 : i32 to index
        %get3A_447 = tpu.vector_load %arg4[%get3A_445, %get3A_446] {strides = array<i32>} : memref<4x4096xf32, #tpu.memory_space<vmem>>, vector<1x16xf32>,
        %get3A_448 = vector.shape_cast %get3A_447 : vector<1x16xf32> to vector<16xf32>
        %gather3A_449 = vector.shape_cast %reshape3A : vector<16x1xi32> to vector<16xi32>
        %gather3A_450 = tpu.dynamic_gather %get3A_448[%gather3A_449] in [0] : vector<16xf32>, vector<16xi32> -> vector<16xf32>
        %eq3A_451 = arith.cmpf oeq, %convert_element_type3A, %broadcast_in_dim3A_8 : vector<16xf32>
        %gt3A_452 = arith.cmpf ogt, %get3A_448, %gather3A_450 : vector<16xf32>
        %eq3A_453 = arith.cmpf oeq, %get3A_448, %gather3A_450 : vector<16xf32>
        %and3A_454 = arith.andi %eq3A_451, %eq3A_453 : vector<16xi1>
        %or3A_455 = arith.ori %gt3A_452, %and3A_454 : vector<16xi1>
        %select_n3A_456 = arith.select %or3A_455, %get3A_448, %broadcast_in_dim3A_8 : vector<16xi1>, vector<16xf32>
        %swap3A_457 = arith.constant 2 : i32
        %swap3A_458 = arith.index_cast %swap3A_457 : i32 to index
        %swap3A_459 = arith.index_cast %add3A_443 : i32 to index
        %swap3A_460 = tpu.vector_load %arg6[%swap3A_458, %swap3A_459] {strides = array<i32>} : memref<4x4096xf32, #tpu.memory_space<vmem>>, vector<1x16xf32>,
        %swap3A_461 = vector.shape_cast %swap3A_460 : vector<1x16xf32> to vector<16xf32>
        %swap3A_462 = vector.shape_cast %select_n3A_456 : vector<16xf32> to vector<1x16xf32>
        tpu.vector_store %arg6[%swap3A_458, %swap3A_459], %swap3A_462 {strides = array<i32>} : memref<4x4096xf32, #tpu.memory_space<vmem>>, vector<1x16xf32>,
        %add3A_463 = arith.constant 240 : i32
        %add3A_464 = arith.addi %mul3A_153, %add3A_463 : i32
        %get3A_465 = arith.constant 2 : i32
        %get3A_466 = arith.index_cast %get3A_465 : i32 to index
        %get3A_467 = arith.index_cast %add3A_464 : i32 to index
        %get3A_468 = tpu.vector_load %arg4[%get3A_466, %get3A_467] {strides = array<i32>} : memref<4x4096xf32, #tpu.memory_space<vmem>>, vector<1x16xf32>,
        %get3A_469 = vector.shape_cast %get3A_468 : vector<1x16xf32> to vector<16xf32>
        %gather3A_470 = vector.shape_cast %reshape3A : vector<16x1xi32> to vector<16xi32>
        %gather3A_471 = tpu.dynamic_gather %get3A_469[%gather3A_470] in [0] : vector<16xf32>, vector<16xi32> -> vector<16xf32>
        %eq3A_472 = arith.cmpf oeq, %convert_element_type3A, %broadcast_in_dim3A_8 : vector<16xf32>
        %gt3A_473 = arith.cmpf ogt, %get3A_469, %gather3A_471 : vector<16xf32>
        %eq3A_474 = arith.cmpf oeq, %get3A_469, %gather3A_471 : vector<16xf32>
        %and3A_475 = arith.andi %eq3A_472, %eq3A_474 : vector<16xi1>
        %or3A_476 = arith.ori %gt3A_473, %and3A_475 : vector<16xi1>
        %select_n3A_477 = arith.select %or3A_476, %get3A_469, %broadcast_in_dim3A_8 : vector<16xi1>, vector<16xf32>
        %swap3A_478 = arith.constant 2 : i32
        %swap3A_479 = arith.index_cast %swap3A_478 : i32 to index
        %swap3A_480 = arith.index_cast %add3A_464 : i32 to index
        %swap3A_481 = tpu.vector_load %arg6[%swap3A_479, %swap3A_480] {strides = array<i32>} : memref<4x4096xf32, #tpu.memory_space<vmem>>, vector<1x16xf32>,
        %swap3A_482 = vector.shape_cast %swap3A_481 : vector<1x16xf32> to vector<16xf32>
        %swap3A_483 = vector.shape_cast %select_n3A_477 : vector<16xf32> to vector<1x16xf32>
        tpu.vector_store %arg6[%swap3A_479, %swap3A_480], %swap3A_483 {strides = array<i32>} : memref<4x4096xf32, #tpu.memory_space<vmem>>, vector<1x16xf32>,
        %scan3A_484 = arith.constant 0 : i32
        scf.yield %scan3A_484 : i32
      }
      %scan3A_71 = arith.constant 16 : i32
      %scan3A_72 = arith.constant 0 : i32
      %scan3A_73 = arith.constant 0 : i32
      %scan3A_74 = arith.constant 16 : i32
      %scan3A_75 = arith.addi %scan3A_73, %scan3A_74 : i32
      %scan3A_76 = arith.constant 1 : i32
      %scan3A_77 = scf.for %scan3A_150 = %scan3A_73 to %scan3A_75 step %scan3A_76 iter_args(%scan3A_151 = %scan3A_72) -> (i32)  : i32 {
        %mul3A_152 = arith.constant 256 : i32
        %mul3A_153 = arith.muli %scan3A_150, %mul3A_152 : i32
        %add3A_154 = arith.constant 0 : i32
        %add3A_155 = arith.addi %mul3A_153, %add3A_154 : i32
        %get3A = arith.constant 3 : i32
        %get3A_156 = arith.index_cast %get3A : i32 to index
        %get3A_157 = arith.index_cast %add3A_155 : i32 to index
        %get3A_158 = tpu.vector_load %arg4[%get3A_156, %get3A_157] {strides = array<i32>} : memref<4x4096xf32, #tpu.memory_space<vmem>>, vector<1x16xf32>,
        %get3A_159 = vector.shape_cast %get3A_158 : vector<1x16xf32> to vector<16xf32>
        %gather3A = vector.shape_cast %reshape3A : vector<16x1xi32> to vector<16xi32>
        %gather3A_160 = tpu.dynamic_gather %get3A_159[%gather3A] in [0] : vector<16xf32>, vector<16xi32> -> vector<16xf32>
        %eq3A = arith.cmpf oeq, %convert_element_type3A, %broadcast_in_dim3A_8 : vector<16xf32>
        %gt3A_161 = arith.cmpf ogt, %get3A_159, %gather3A_160 : vector<16xf32>
        %eq3A_162 = arith.cmpf oeq, %get3A_159, %gather3A_160 : vector<16xf32>
        %and3A_163 = arith.andi %eq3A, %eq3A_162 : vector<16xi1>
        %or3A = arith.ori %gt3A_161, %and3A_163 : vector<16xi1>
        %select_n3A = arith.select %or3A, %get3A_159, %broadcast_in_dim3A_8 : vector<16xi1>, vector<16xf32>
        %swap3A = arith.constant 3 : i32
        %swap3A_164 = arith.index_cast %swap3A : i32 to index
        %swap3A_165 = arith.index_cast %add3A_155 : i32 to index
        %swap3A_166 = tpu.vector_load %arg6[%swap3A_164, %swap3A_165] {strides = array<i32>} : memref<4x4096xf32, #tpu.memory_space<vmem>>, vector<1x16xf32>,
        %swap3A_167 = vector.shape_cast %swap3A_166 : vector<1x16xf32> to vector<16xf32>
        %swap3A_168 = vector.shape_cast %select_n3A : vector<16xf32> to vector<1x16xf32>
        tpu.vector_store %arg6[%swap3A_164, %swap3A_165], %swap3A_168 {strides = array<i32>} : memref<4x4096xf32, #tpu.memory_space<vmem>>, vector<1x16xf32>,
        %add3A_169 = arith.constant 16 : i32
        %add3A_170 = arith.addi %mul3A_153, %add3A_169 : i32
        %get3A_171 = arith.constant 3 : i32
        %get3A_172 = arith.index_cast %get3A_171 : i32 to index
        %get3A_173 = arith.index_cast %add3A_170 : i32 to index
        %get3A_174 = tpu.vector_load %arg4[%get3A_172, %get3A_173] {strides = array<i32>} : memref<4x4096xf32, #tpu.memory_space<vmem>>, vector<1x16xf32>,
        %get3A_175 = vector.shape_cast %get3A_174 : vector<1x16xf32> to vector<16xf32>
        %gather3A_176 = vector.shape_cast %reshape3A : vector<16x1xi32> to vector<16xi32>
        %gather3A_177 = tpu.dynamic_gather %get3A_175[%gather3A_176] in [0] : vector<16xf32>, vector<16xi32> -> vector<16xf32>
        %eq3A_178 = arith.cmpf oeq, %convert_element_type3A, %broadcast_in_dim3A_8 : vector<16xf32>
        %gt3A_179 = arith.cmpf ogt, %get3A_175, %gather3A_177 : vector<16xf32>
        %eq3A_180 = arith.cmpf oeq, %get3A_175, %gather3A_177 : vector<16xf32>
        %and3A_181 = arith.andi %eq3A_178, %eq3A_180 : vector<16xi1>
        %or3A_182 = arith.ori %gt3A_179, %and3A_181 : vector<16xi1>
        %select_n3A_183 = arith.select %or3A_182, %get3A_175, %broadcast_in_dim3A_8 : vector<16xi1>, vector<16xf32>
        %swap3A_184 = arith.constant 3 : i32
        %swap3A_185 = arith.index_cast %swap3A_184 : i32 to index
        %swap3A_186 = arith.index_cast %add3A_170 : i32 to index
        %swap3A_187 = tpu.vector_load %arg6[%swap3A_185, %swap3A_186] {strides = array<i32>} : memref<4x4096xf32, #tpu.memory_space<vmem>>, vector<1x16xf32>,
        %swap3A_188 = vector.shape_cast %swap3A_187 : vector<1x16xf32> to vector<16xf32>
        %swap3A_189 = vector.shape_cast %select_n3A_183 : vector<16xf32> to vector<1x16xf32>
        tpu.vector_store %arg6[%swap3A_185, %swap3A_186], %swap3A_189 {strides = array<i32>} : memref<4x4096xf32, #tpu.memory_space<vmem>>, vector<1x16xf32>,
        %add3A_190 = arith.constant 32 : i32
        %add3A_191 = arith.addi %mul3A_153, %add3A_190 : i32
        %get3A_192 = arith.constant 3 : i32
        %get3A_193 = arith.index_cast %get3A_192 : i32 to index
        %get3A_194 = arith.index_cast %add3A_191 : i32 to index
        %get3A_195 = tpu.vector_load %arg4[%get3A_193, %get3A_194] {strides = array<i32>} : memref<4x4096xf32, #tpu.memory_space<vmem>>, vector<1x16xf32>,
        %get3A_196 = vector.shape_cast %get3A_195 : vector<1x16xf32> to vector<16xf32>
        %gather3A_197 = vector.shape_cast %reshape3A : vector<16x1xi32> to vector<16xi32>
        %gather3A_198 = tpu.dynamic_gather %get3A_196[%gather3A_197] in [0] : vector<16xf32>, vector<16xi32> -> vector<16xf32>
        %eq3A_199 = arith.cmpf oeq, %convert_element_type3A, %broadcast_in_dim3A_8 : vector<16xf32>
        %gt3A_200 = arith.cmpf ogt, %get3A_196, %gather3A_198 : vector<16xf32>
        %eq3A_201 = arith.cmpf oeq, %get3A_196, %gather3A_198 : vector<16xf32>
        %and3A_202 = arith.andi %eq3A_199, %eq3A_201 : vector<16xi1>
        %or3A_203 = arith.ori %gt3A_200, %and3A_202 : vector<16xi1>
        %select_n3A_204 = arith.select %or3A_203, %get3A_196, %broadcast_in_dim3A_8 : vector<16xi1>, vector<16xf32>
        %swap3A_205 = arith.constant 3 : i32
        %swap3A_206 = arith.index_cast %swap3A_205 : i32 to index
        %swap3A_207 = arith.index_cast %add3A_191 : i32 to index
        %swap3A_208 = tpu.vector_load %arg6[%swap3A_206, %swap3A_207] {strides = array<i32>} : memref<4x4096xf32, #tpu.memory_space<vmem>>, vector<1x16xf32>,
        %swap3A_209 = vector.shape_cast %swap3A_208 : vector<1x16xf32> to vector<16xf32>
        %swap3A_210 = vector.shape_cast %select_n3A_204 : vector<16xf32> to vector<1x16xf32>
        tpu.vector_store %arg6[%swap3A_206, %swap3A_207], %swap3A_210 {strides = array<i32>} : memref<4x4096xf32, #tpu.memory_space<vmem>>, vector<1x16xf32>,
        %add3A_211 = arith.constant 48 : i32
        %add3A_212 = arith.addi %mul3A_153, %add3A_211 : i32
        %get3A_213 = arith.constant 3 : i32
        %get3A_214 = arith.index_cast %get3A_213 : i32 to index
        %get3A_215 = arith.index_cast %add3A_212 : i32 to index
        %get3A_216 = tpu.vector_load %arg4[%get3A_214, %get3A_215] {strides = array<i32>} : memref<4x4096xf32, #tpu.memory_space<vmem>>, vector<1x16xf32>,
        %get3A_217 = vector.shape_cast %get3A_216 : vector<1x16xf32> to vector<16xf32>
        %gather3A_218 = vector.shape_cast %reshape3A : vector<16x1xi32> to vector<16xi32>
        %gather3A_219 = tpu.dynamic_gather %get3A_217[%gather3A_218] in [0] : vector<16xf32>, vector<16xi32> -> vector<16xf32>
        %eq3A_220 = arith.cmpf oeq, %convert_element_type3A, %broadcast_in_dim3A_8 : vector<16xf32>
        %gt3A_221 = arith.cmpf ogt, %get3A_217, %gather3A_219 : vector<16xf32>
        %eq3A_222 = arith.cmpf oeq, %get3A_217, %gather3A_219 : vector<16xf32>
        %and3A_223 = arith.andi %eq3A_220, %eq3A_222 : vector<16xi1>
        %or3A_224 = arith.ori %gt3A_221, %and3A_223 : vector<16xi1>
        %select_n3A_225 = arith.select %or3A_224, %get3A_217, %broadcast_in_dim3A_8 : vector<16xi1>, vector<16xf32>
        %swap3A_226 = arith.constant 3 : i32
        %swap3A_227 = arith.index_cast %swap3A_226 : i32 to index
        %swap3A_228 = arith.index_cast %add3A_212 : i32 to index
        %swap3A_229 = tpu.vector_load %arg6[%swap3A_227, %swap3A_228] {strides = array<i32>} : memref<4x4096xf32, #tpu.memory_space<vmem>>, vector<1x16xf32>,
        %swap3A_230 = vector.shape_cast %swap3A_229 : vector<1x16xf32> to vector<16xf32>
        %swap3A_231 = vector.shape_cast %select_n3A_225 : vector<16xf32> to vector<1x16xf32>
        tpu.vector_store %arg6[%swap3A_227, %swap3A_228], %swap3A_231 {strides = array<i32>} : memref<4x4096xf32, #tpu.memory_space<vmem>>, vector<1x16xf32>,
        %add3A_232 = arith.constant 64 : i32
        %add3A_233 = arith.addi %mul3A_153, %add3A_232 : i32
        %get3A_234 = arith.constant 3 : i32
        %get3A_235 = arith.index_cast %get3A_234 : i32 to index
        %get3A_236 = arith.index_cast %add3A_233 : i32 to index
        %get3A_237 = tpu.vector_load %arg4[%get3A_235, %get3A_236] {strides = array<i32>} : memref<4x4096xf32, #tpu.memory_space<vmem>>, vector<1x16xf32>,
        %get3A_238 = vector.shape_cast %get3A_237 : vector<1x16xf32> to vector<16xf32>
        %gather3A_239 = vector.shape_cast %reshape3A : vector<16x1xi32> to vector<16xi32>
        %gather3A_240 = tpu.dynamic_gather %get3A_238[%gather3A_239] in [0] : vector<16xf32>, vector<16xi32> -> vector<16xf32>
        %eq3A_241 = arith.cmpf oeq, %convert_element_type3A, %broadcast_in_dim3A_8 : vector<16xf32>
        %gt3A_242 = arith.cmpf ogt, %get3A_238, %gather3A_240 : vector<16xf32>
        %eq3A_243 = arith.cmpf oeq, %get3A_238, %gather3A_240 : vector<16xf32>
        %and3A_244 = arith.andi %eq3A_241, %eq3A_243 : vector<16xi1>
        %or3A_245 = arith.ori %gt3A_242, %and3A_244 : vector<16xi1>
        %select_n3A_246 = arith.select %or3A_245, %get3A_238, %broadcast_in_dim3A_8 : vector<16xi1>, vector<16xf32>
        %swap3A_247 = arith.constant 3 : i32
        %swap3A_248 = arith.index_cast %swap3A_247 : i32 to index
        %swap3A_249 = arith.index_cast %add3A_233 : i32 to index
        %swap3A_250 = tpu.vector_load %arg6[%swap3A_248, %swap3A_249] {strides = array<i32>} : memref<4x4096xf32, #tpu.memory_space<vmem>>, vector<1x16xf32>,
        %swap3A_251 = vector.shape_cast %swap3A_250 : vector<1x16xf32> to vector<16xf32>
        %swap3A_252 = vector.shape_cast %select_n3A_246 : vector<16xf32> to vector<1x16xf32>
        tpu.vector_store %arg6[%swap3A_248, %swap3A_249], %swap3A_252 {strides = array<i32>} : memref<4x4096xf32, #tpu.memory_space<vmem>>, vector<1x16xf32>,
        %add3A_253 = arith.constant 80 : i32
        %add3A_254 = arith.addi %mul3A_153, %add3A_253 : i32
        %get3A_255 = arith.constant 3 : i32
        %get3A_256 = arith.index_cast %get3A_255 : i32 to index
        %get3A_257 = arith.index_cast %add3A_254 : i32 to index
        %get3A_258 = tpu.vector_load %arg4[%get3A_256, %get3A_257] {strides = array<i32>} : memref<4x4096xf32, #tpu.memory_space<vmem>>, vector<1x16xf32>,
        %get3A_259 = vector.shape_cast %get3A_258 : vector<1x16xf32> to vector<16xf32>
        %gather3A_260 = vector.shape_cast %reshape3A : vector<16x1xi32> to vector<16xi32>
        %gather3A_261 = tpu.dynamic_gather %get3A_259[%gather3A_260] in [0] : vector<16xf32>, vector<16xi32> -> vector<16xf32>
        %eq3A_262 = arith.cmpf oeq, %convert_element_type3A, %broadcast_in_dim3A_8 : vector<16xf32>
        %gt3A_263 = arith.cmpf ogt, %get3A_259, %gather3A_261 : vector<16xf32>
        %eq3A_264 = arith.cmpf oeq, %get3A_259, %gather3A_261 : vector<16xf32>
        %and3A_265 = arith.andi %eq3A_262, %eq3A_264 : vector<16xi1>
        %or3A_266 = arith.ori %gt3A_263, %and3A_265 : vector<16xi1>
        %select_n3A_267 = arith.select %or3A_266, %get3A_259, %broadcast_in_dim3A_8 : vector<16xi1>, vector<16xf32>
        %swap3A_268 = arith.constant 3 : i32
        %swap3A_269 = arith.index_cast %swap3A_268 : i32 to index
        %swap3A_270 = arith.index_cast %add3A_254 : i32 to index
        %swap3A_271 = tpu.vector_load %arg6[%swap3A_269, %swap3A_270] {strides = array<i32>} : memref<4x4096xf32, #tpu.memory_space<vmem>>, vector<1x16xf32>,
        %swap3A_272 = vector.shape_cast %swap3A_271 : vector<1x16xf32> to vector<16xf32>
        %swap3A_273 = vector.shape_cast %select_n3A_267 : vector<16xf32> to vector<1x16xf32>
        tpu.vector_store %arg6[%swap3A_269, %swap3A_270], %swap3A_273 {strides = array<i32>} : memref<4x4096xf32, #tpu.memory_space<vmem>>, vector<1x16xf32>,
        %add3A_274 = arith.constant 96 : i32
        %add3A_275 = arith.addi %mul3A_153, %add3A_274 : i32
        %get3A_276 = arith.constant 3 : i32
        %get3A_277 = arith.index_cast %get3A_276 : i32 to index
        %get3A_278 = arith.index_cast %add3A_275 : i32 to index
        %get3A_279 = tpu.vector_load %arg4[%get3A_277, %get3A_278] {strides = array<i32>} : memref<4x4096xf32, #tpu.memory_space<vmem>>, vector<1x16xf32>,
        %get3A_280 = vector.shape_cast %get3A_279 : vector<1x16xf32> to vector<16xf32>
        %gather3A_281 = vector.shape_cast %reshape3A : vector<16x1xi32> to vector<16xi32>
        %gather3A_282 = tpu.dynamic_gather %get3A_280[%gather3A_281] in [0] : vector<16xf32>, vector<16xi32> -> vector<16xf32>
        %eq3A_283 = arith.cmpf oeq, %convert_element_type3A, %broadcast_in_dim3A_8 : vector<16xf32>
        %gt3A_284 = arith.cmpf ogt, %get3A_280, %gather3A_282 : vector<16xf32>
        %eq3A_285 = arith.cmpf oeq, %get3A_280, %gather3A_282 : vector<16xf32>
        %and3A_286 = arith.andi %eq3A_283, %eq3A_285 : vector<16xi1>
        %or3A_287 = arith.ori %gt3A_284, %and3A_286 : vector<16xi1>
        %select_n3A_288 = arith.select %or3A_287, %get3A_280, %broadcast_in_dim3A_8 : vector<16xi1>, vector<16xf32>
        %swap3A_289 = arith.constant 3 : i32
        %swap3A_290 = arith.index_cast %swap3A_289 : i32 to index
        %swap3A_291 = arith.index_cast %add3A_275 : i32 to index
        %swap3A_292 = tpu.vector_load %arg6[%swap3A_290, %swap3A_291] {strides = array<i32>} : memref<4x4096xf32, #tpu.memory_space<vmem>>, vector<1x16xf32>,
        %swap3A_293 = vector.shape_cast %swap3A_292 : vector<1x16xf32> to vector<16xf32>
        %swap3A_294 = vector.shape_cast %select_n3A_288 : vector<16xf32> to vector<1x16xf32>
        tpu.vector_store %arg6[%swap3A_290, %swap3A_291], %swap3A_294 {strides = array<i32>} : memref<4x4096xf32, #tpu.memory_space<vmem>>, vector<1x16xf32>,
        %add3A_295 = arith.constant 112 : i32
        %add3A_296 = arith.addi %mul3A_153, %add3A_295 : i32
        %get3A_297 = arith.constant 3 : i32
        %get3A_298 = arith.index_cast %get3A_297 : i32 to index
        %get3A_299 = arith.index_cast %add3A_296 : i32 to index
        %get3A_300 = tpu.vector_load %arg4[%get3A_298, %get3A_299] {strides = array<i32>} : memref<4x4096xf32, #tpu.memory_space<vmem>>, vector<1x16xf32>,
        %get3A_301 = vector.shape_cast %get3A_300 : vector<1x16xf32> to vector<16xf32>
        %gather3A_302 = vector.shape_cast %reshape3A : vector<16x1xi32> to vector<16xi32>
        %gather3A_303 = tpu.dynamic_gather %get3A_301[%gather3A_302] in [0] : vector<16xf32>, vector<16xi32> -> vector<16xf32>
        %eq3A_304 = arith.cmpf oeq, %convert_element_type3A, %broadcast_in_dim3A_8 : vector<16xf32>
        %gt3A_305 = arith.cmpf ogt, %get3A_301, %gather3A_303 : vector<16xf32>
        %eq3A_306 = arith.cmpf oeq, %get3A_301, %gather3A_303 : vector<16xf32>
        %and3A_307 = arith.andi %eq3A_304, %eq3A_306 : vector<16xi1>
        %or3A_308 = arith.ori %gt3A_305, %and3A_307 : vector<16xi1>
        %select_n3A_309 = arith.select %or3A_308, %get3A_301, %broadcast_in_dim3A_8 : vector<16xi1>, vector<16xf32>
        %swap3A_310 = arith.constant 3 : i32
        %swap3A_311 = arith.index_cast %swap3A_310 : i32 to index
        %swap3A_312 = arith.index_cast %add3A_296 : i32 to index
        %swap3A_313 = tpu.vector_load %arg6[%swap3A_311, %swap3A_312] {strides = array<i32>} : memref<4x4096xf32, #tpu.memory_space<vmem>>, vector<1x16xf32>,
        %swap3A_314 = vector.shape_cast %swap3A_313 : vector<1x16xf32> to vector<16xf32>
        %swap3A_315 = vector.shape_cast %select_n3A_309 : vector<16xf32> to vector<1x16xf32>
        tpu.vector_store %arg6[%swap3A_311, %swap3A_312], %swap3A_315 {strides = array<i32>} : memref<4x4096xf32, #tpu.memory_space<vmem>>, vector<1x16xf32>,
        %add3A_316 = arith.constant 128 : i32
        %add3A_317 = arith.addi %mul3A_153, %add3A_316 : i32
        %get3A_318 = arith.constant 3 : i32
        %get3A_319 = arith.index_cast %get3A_318 : i32 to index
        %get3A_320 = arith.index_cast %add3A_317 : i32 to index
        %get3A_321 = tpu.vector_load %arg4[%get3A_319, %get3A_320] {strides = array<i32>} : memref<4x4096xf32, #tpu.memory_space<vmem>>, vector<1x16xf32>,
        %get3A_322 = vector.shape_cast %get3A_321 : vector<1x16xf32> to vector<16xf32>
        %gather3A_323 = vector.shape_cast %reshape3A : vector<16x1xi32> to vector<16xi32>
        %gather3A_324 = tpu.dynamic_gather %get3A_322[%gather3A_323] in [0] : vector<16xf32>, vector<16xi32> -> vector<16xf32>
        %eq3A_325 = arith.cmpf oeq, %convert_element_type3A, %broadcast_in_dim3A_8 : vector<16xf32>
        %gt3A_326 = arith.cmpf ogt, %get3A_322, %gather3A_324 : vector<16xf32>
        %eq3A_327 = arith.cmpf oeq, %get3A_322, %gather3A_324 : vector<16xf32>
        %and3A_328 = arith.andi %eq3A_325, %eq3A_327 : vector<16xi1>
        %or3A_329 = arith.ori %gt3A_326, %and3A_328 : vector<16xi1>
        %select_n3A_330 = arith.select %or3A_329, %get3A_322, %broadcast_in_dim3A_8 : vector<16xi1>, vector<16xf32>
        %swap3A_331 = arith.constant 3 : i32
        %swap3A_332 = arith.index_cast %swap3A_331 : i32 to index
        %swap3A_333 = arith.index_cast %add3A_317 : i32 to index
        %swap3A_334 = tpu.vector_load %arg6[%swap3A_332, %swap3A_333] {strides = array<i32>} : memref<4x4096xf32, #tpu.memory_space<vmem>>, vector<1x16xf32>,
        %swap3A_335 = vector.shape_cast %swap3A_334 : vector<1x16xf32> to vector<16xf32>
        %swap3A_336 = vector.shape_cast %select_n3A_330 : vector<16xf32> to vector<1x16xf32>
        tpu.vector_store %arg6[%swap3A_332, %swap3A_333], %swap3A_336 {strides = array<i32>} : memref<4x4096xf32, #tpu.memory_space<vmem>>, vector<1x16xf32>,
        %add3A_337 = arith.constant 144 : i32
        %add3A_338 = arith.addi %mul3A_153, %add3A_337 : i32
        %get3A_339 = arith.constant 3 : i32
        %get3A_340 = arith.index_cast %get3A_339 : i32 to index
        %get3A_341 = arith.index_cast %add3A_338 : i32 to index
        %get3A_342 = tpu.vector_load %arg4[%get3A_340, %get3A_341] {strides = array<i32>} : memref<4x4096xf32, #tpu.memory_space<vmem>>, vector<1x16xf32>,
        %get3A_343 = vector.shape_cast %get3A_342 : vector<1x16xf32> to vector<16xf32>
        %gather3A_344 = vector.shape_cast %reshape3A : vector<16x1xi32> to vector<16xi32>
        %gather3A_345 = tpu.dynamic_gather %get3A_343[%gather3A_344] in [0] : vector<16xf32>, vector<16xi32> -> vector<16xf32>
        %eq3A_346 = arith.cmpf oeq, %convert_element_type3A, %broadcast_in_dim3A_8 : vector<16xf32>
        %gt3A_347 = arith.cmpf ogt, %get3A_343, %gather3A_345 : vector<16xf32>
        %eq3A_348 = arith.cmpf oeq, %get3A_343, %gather3A_345 : vector<16xf32>
        %and3A_349 = arith.andi %eq3A_346, %eq3A_348 : vector<16xi1>
        %or3A_350 = arith.ori %gt3A_347, %and3A_349 : vector<16xi1>
        %select_n3A_351 = arith.select %or3A_350, %get3A_343, %broadcast_in_dim3A_8 : vector<16xi1>, vector<16xf32>
        %swap3A_352 = arith.constant 3 : i32
        %swap3A_353 = arith.index_cast %swap3A_352 : i32 to index
        %swap3A_354 = arith.index_cast %add3A_338 : i32 to index
        %swap3A_355 = tpu.vector_load %arg6[%swap3A_353, %swap3A_354] {strides = array<i32>} : memref<4x4096xf32, #tpu.memory_space<vmem>>, vector<1x16xf32>,
        %swap3A_356 = vector.shape_cast %swap3A_355 : vector<1x16xf32> to vector<16xf32>
        %swap3A_357 = vector.shape_cast %select_n3A_351 : vector<16xf32> to vector<1x16xf32>
        tpu.vector_store %arg6[%swap3A_353, %swap3A_354], %swap3A_357 {strides = array<i32>} : memref<4x4096xf32, #tpu.memory_space<vmem>>, vector<1x16xf32>,
        %add3A_358 = arith.constant 160 : i32
        %add3A_359 = arith.addi %mul3A_153, %add3A_358 : i32
        %get3A_360 = arith.constant 3 : i32
        %get3A_361 = arith.index_cast %get3A_360 : i32 to index
        %get3A_362 = arith.index_cast %add3A_359 : i32 to index
        %get3A_363 = tpu.vector_load %arg4[%get3A_361, %get3A_362] {strides = array<i32>} : memref<4x4096xf32, #tpu.memory_space<vmem>>, vector<1x16xf32>,
        %get3A_364 = vector.shape_cast %get3A_363 : vector<1x16xf32> to vector<16xf32>
        %gather3A_365 = vector.shape_cast %reshape3A : vector<16x1xi32> to vector<16xi32>
        %gather3A_366 = tpu.dynamic_gather %get3A_364[%gather3A_365] in [0] : vector<16xf32>, vector<16xi32> -> vector<16xf32>
        %eq3A_367 = arith.cmpf oeq, %convert_element_type3A, %broadcast_in_dim3A_8 : vector<16xf32>
        %gt3A_368 = arith.cmpf ogt, %get3A_364, %gather3A_366 : vector<16xf32>
        %eq3A_369 = arith.cmpf oeq, %get3A_364, %gather3A_366 : vector<16xf32>
        %and3A_370 = arith.andi %eq3A_367, %eq3A_369 : vector<16xi1>
        %or3A_371 = arith.ori %gt3A_368, %and3A_370 : vector<16xi1>
        %select_n3A_372 = arith.select %or3A_371, %get3A_364, %broadcast_in_dim3A_8 : vector<16xi1>, vector<16xf32>
        %swap3A_373 = arith.constant 3 : i32
        %swap3A_374 = arith.index_cast %swap3A_373 : i32 to index
        %swap3A_375 = arith.index_cast %add3A_359 : i32 to index
        %swap3A_376 = tpu.vector_load %arg6[%swap3A_374, %swap3A_375] {strides = array<i32>} : memref<4x4096xf32, #tpu.memory_space<vmem>>, vector<1x16xf32>,
        %swap3A_377 = vector.shape_cast %swap3A_376 : vector<1x16xf32> to vector<16xf32>
        %swap3A_378 = vector.shape_cast %select_n3A_372 : vector<16xf32> to vector<1x16xf32>
        tpu.vector_store %arg6[%swap3A_374, %swap3A_375], %swap3A_378 {strides = array<i32>} : memref<4x4096xf32, #tpu.memory_space<vmem>>, vector<1x16xf32>,
        %add3A_379 = arith.constant 176 : i32
        %add3A_380 = arith.addi %mul3A_153, %add3A_379 : i32
        %get3A_381 = arith.constant 3 : i32
        %get3A_382 = arith.index_cast %get3A_381 : i32 to index
        %get3A_383 = arith.index_cast %add3A_380 : i32 to index
        %get3A_384 = tpu.vector_load %arg4[%get3A_382, %get3A_383] {strides = array<i32>} : memref<4x4096xf32, #tpu.memory_space<vmem>>, vector<1x16xf32>,
        %get3A_385 = vector.shape_cast %get3A_384 : vector<1x16xf32> to vector<16xf32>
        %gather3A_386 = vector.shape_cast %reshape3A : vector<16x1xi32> to vector<16xi32>
        %gather3A_387 = tpu.dynamic_gather %get3A_385[%gather3A_386] in [0] : vector<16xf32>, vector<16xi32> -> vector<16xf32>
        %eq3A_388 = arith.cmpf oeq, %convert_element_type3A, %broadcast_in_dim3A_8 : vector<16xf32>
        %gt3A_389 = arith.cmpf ogt, %get3A_385, %gather3A_387 : vector<16xf32>
        %eq3A_390 = arith.cmpf oeq, %get3A_385, %gather3A_387 : vector<16xf32>
        %and3A_391 = arith.andi %eq3A_388, %eq3A_390 : vector<16xi1>
        %or3A_392 = arith.ori %gt3A_389, %and3A_391 : vector<16xi1>
        %select_n3A_393 = arith.select %or3A_392, %get3A_385, %broadcast_in_dim3A_8 : vector<16xi1>, vector<16xf32>
        %swap3A_394 = arith.constant 3 : i32
        %swap3A_395 = arith.index_cast %swap3A_394 : i32 to index
        %swap3A_396 = arith.index_cast %add3A_380 : i32 to index
        %swap3A_397 = tpu.vector_load %arg6[%swap3A_395, %swap3A_396] {strides = array<i32>} : memref<4x4096xf32, #tpu.memory_space<vmem>>, vector<1x16xf32>,
        %swap3A_398 = vector.shape_cast %swap3A_397 : vector<1x16xf32> to vector<16xf32>
        %swap3A_399 = vector.shape_cast %select_n3A_393 : vector<16xf32> to vector<1x16xf32>
        tpu.vector_store %arg6[%swap3A_395, %swap3A_396], %swap3A_399 {strides = array<i32>} : memref<4x4096xf32, #tpu.memory_space<vmem>>, vector<1x16xf32>,
        %add3A_400 = arith.constant 192 : i32
        %add3A_401 = arith.addi %mul3A_153, %add3A_400 : i32
        %get3A_402 = arith.constant 3 : i32
        %get3A_403 = arith.index_cast %get3A_402 : i32 to index
        %get3A_404 = arith.index_cast %add3A_401 : i32 to index
        %get3A_405 = tpu.vector_load %arg4[%get3A_403, %get3A_404] {strides = array<i32>} : memref<4x4096xf32, #tpu.memory_space<vmem>>, vector<1x16xf32>,
        %get3A_406 = vector.shape_cast %get3A_405 : vector<1x16xf32> to vector<16xf32>
        %gather3A_407 = vector.shape_cast %reshape3A : vector<16x1xi32> to vector<16xi32>
        %gather3A_408 = tpu.dynamic_gather %get3A_406[%gather3A_407] in [0] : vector<16xf32>, vector<16xi32> -> vector<16xf32>
        %eq3A_409 = arith.cmpf oeq, %convert_element_type3A, %broadcast_in_dim3A_8 : vector<16xf32>
        %gt3A_410 = arith.cmpf ogt, %get3A_406, %gather3A_408 : vector<16xf32>
        %eq3A_411 = arith.cmpf oeq, %get3A_406, %gather3A_408 : vector<16xf32>
        %and3A_412 = arith.andi %eq3A_409, %eq3A_411 : vector<16xi1>
        %or3A_413 = arith.ori %gt3A_410, %and3A_412 : vector<16xi1>
        %select_n3A_414 = arith.select %or3A_413, %get3A_406, %broadcast_in_dim3A_8 : vector<16xi1>, vector<16xf32>
        %swap3A_415 = arith.constant 3 : i32
        %swap3A_416 = arith.index_cast %swap3A_415 : i32 to index
        %swap3A_417 = arith.index_cast %add3A_401 : i32 to index
        %swap3A_418 = tpu.vector_load %arg6[%swap3A_416, %swap3A_417] {strides = array<i32>} : memref<4x4096xf32, #tpu.memory_space<vmem>>, vector<1x16xf32>,
        %swap3A_419 = vector.shape_cast %swap3A_418 : vector<1x16xf32> to vector<16xf32>
        %swap3A_420 = vector.shape_cast %select_n3A_414 : vector<16xf32> to vector<1x16xf32>
        tpu.vector_store %arg6[%swap3A_416, %swap3A_417], %swap3A_420 {strides = array<i32>} : memref<4x4096xf32, #tpu.memory_space<vmem>>, vector<1x16xf32>,
        %add3A_421 = arith.constant 208 : i32
        %add3A_422 = arith.addi %mul3A_153, %add3A_421 : i32
        %get3A_423 = arith.constant 3 : i32
        %get3A_424 = arith.index_cast %get3A_423 : i32 to index
        %get3A_425 = arith.index_cast %add3A_422 : i32 to index
        %get3A_426 = tpu.vector_load %arg4[%get3A_424, %get3A_425] {strides = array<i32>} : memref<4x4096xf32, #tpu.memory_space<vmem>>, vector<1x16xf32>,
        %get3A_427 = vector.shape_cast %get3A_426 : vector<1x16xf32> to vector<16xf32>
        %gather3A_428 = vector.shape_cast %reshape3A : vector<16x1xi32> to vector<16xi32>
        %gather3A_429 = tpu.dynamic_gather %get3A_427[%gather3A_428] in [0] : vector<16xf32>, vector<16xi32> -> vector<16xf32>
        %eq3A_430 = arith.cmpf oeq, %convert_element_type3A, %broadcast_in_dim3A_8 : vector<16xf32>
        %gt3A_431 = arith.cmpf ogt, %get3A_427, %gather3A_429 : vector<16xf32>
        %eq3A_432 = arith.cmpf oeq, %get3A_427, %gather3A_429 : vector<16xf32>
        %and3A_433 = arith.andi %eq3A_430, %eq3A_432 : vector<16xi1>
        %or3A_434 = arith.ori %gt3A_431, %and3A_433 : vector<16xi1>
        %select_n3A_435 = arith.select %or3A_434, %get3A_427, %broadcast_in_dim3A_8 : vector<16xi1>, vector<16xf32>
        %swap3A_436 = arith.constant 3 : i32
        %swap3A_437 = arith.index_cast %swap3A_436 : i32 to index
        %swap3A_438 = arith.index_cast %add3A_422 : i32 to index
        %swap3A_439 = tpu.vector_load %arg6[%swap3A_437, %swap3A_438] {strides = array<i32>} : memref<4x4096xf32, #tpu.memory_space<vmem>>, vector<1x16xf32>,
        %swap3A_440 = vector.shape_cast %swap3A_439 : vector<1x16xf32> to vector<16xf32>
        %swap3A_441 = vector.shape_cast %select_n3A_435 : vector<16xf32> to vector<1x16xf32>
        tpu.vector_store %arg6[%swap3A_437, %swap3A_438], %swap3A_441 {strides = array<i32>} : memref<4x4096xf32, #tpu.memory_space<vmem>>, vector<1x16xf32>,
        %add3A_442 = arith.constant 224 : i32
        %add3A_443 = arith.addi %mul3A_153, %add3A_442 : i32
        %get3A_444 = arith.constant 3 : i32
        %get3A_445 = arith.index_cast %get3A_444 : i32 to index
        %get3A_446 = arith.index_cast %add3A_443 : i32 to index
        %get3A_447 = tpu.vector_load %arg4[%get3A_445, %get3A_446] {strides = array<i32>} : memref<4x4096xf32, #tpu.memory_space<vmem>>, vector<1x16xf32>,
        %get3A_448 = vector.shape_cast %get3A_447 : vector<1x16xf32> to vector<16xf32>
        %gather3A_449 = vector.shape_cast %reshape3A : vector<16x1xi32> to vector<16xi32>
        %gather3A_450 = tpu.dynamic_gather %get3A_448[%gather3A_449] in [0] : vector<16xf32>, vector<16xi32> -> vector<16xf32>
        %eq3A_451 = arith.cmpf oeq, %convert_element_type3A, %broadcast_in_dim3A_8 : vector<16xf32>
        %gt3A_452 = arith.cmpf ogt, %get3A_448, %gather3A_450 : vector<16xf32>
        %eq3A_453 = arith.cmpf oeq, %get3A_448, %gather3A_450 : vector<16xf32>
        %and3A_454 = arith.andi %eq3A_451, %eq3A_453 : vector<16xi1>
        %or3A_455 = arith.ori %gt3A_452, %and3A_454 : vector<16xi1>
        %select_n3A_456 = arith.select %or3A_455, %get3A_448, %broadcast_in_dim3A_8 : vector<16xi1>, vector<16xf32>
        %swap3A_457 = arith.constant 3 : i32
        %swap3A_458 = arith.index_cast %swap3A_457 : i32 to index
        %swap3A_459 = arith.index_cast %add3A_443 : i32 to index
        %swap3A_460 = tpu.vector_load %arg6[%swap3A_458, %swap3A_459] {strides = array<i32>} : memref<4x4096xf32, #tpu.memory_space<vmem>>, vector<1x16xf32>,
        %swap3A_461 = vector.shape_cast %swap3A_460 : vector<1x16xf32> to vector<16xf32>
        %swap3A_462 = vector.shape_cast %select_n3A_456 : vector<16xf32> to vector<1x16xf32>
        tpu.vector_store %arg6[%swap3A_458, %swap3A_459], %swap3A_462 {strides = array<i32>} : memref<4x4096xf32, #tpu.memory_space<vmem>>, vector<1x16xf32>,
        %add3A_463 = arith.constant 240 : i32
        %add3A_464 = arith.addi %mul3A_153, %add3A_463 : i32
        %get3A_465 = arith.constant 3 : i32
        %get3A_466 = arith.index_cast %get3A_465 : i32 to index
        %get3A_467 = arith.index_cast %add3A_464 : i32 to index
        %get3A_468 = tpu.vector_load %arg4[%get3A_466, %get3A_467] {strides = array<i32>} : memref<4x4096xf32, #tpu.memory_space<vmem>>, vector<1x16xf32>,
        %get3A_469 = vector.shape_cast %get3A_468 : vector<1x16xf32> to vector<16xf32>
        %gather3A_470 = vector.shape_cast %reshape3A : vector<16x1xi32> to vector<16xi32>
        %gather3A_471 = tpu.dynamic_gather %get3A_469[%gather3A_470] in [0] : vector<16xf32>, vector<16xi32> -> vector<16xf32>
        %eq3A_472 = arith.cmpf oeq, %convert_element_type3A, %broadcast_in_dim3A_8 : vector<16xf32>
        %gt3A_473 = arith.cmpf ogt, %get3A_469, %gather3A_471 : vector<16xf32>
        %eq3A_474 = arith.cmpf oeq, %get3A_469, %gather3A_471 : vector<16xf32>
        %and3A_475 = arith.andi %eq3A_472, %eq3A_474 : vector<16xi1>
        %or3A_476 = arith.ori %gt3A_473, %and3A_475 : vector<16xi1>
        %select_n3A_477 = arith.select %or3A_476, %get3A_469, %broadcast_in_dim3A_8 : vector<16xi1>, vector<16xf32>
        %swap3A_478 = arith.constant 3 : i32
        %swap3A_479 = arith.index_cast %swap3A_478 : i32 to index
        %swap3A_480 = arith.index_cast %add3A_464 : i32 to index
        %swap3A_481 = tpu.vector_load %arg6[%swap3A_479, %swap3A_480] {strides = array<i32>} : memref<4x4096xf32, #tpu.memory_space<vmem>>, vector<1x16xf32>,
        %swap3A_482 = vector.shape_cast %swap3A_481 : vector<1x16xf32> to vector<16xf32>
        %swap3A_483 = vector.shape_cast %select_n3A_477 : vector<16xf32> to vector<1x16xf32>
        tpu.vector_store %arg6[%swap3A_479, %swap3A_480], %swap3A_483 {strides = array<i32>} : memref<4x4096xf32, #tpu.memory_space<vmem>>, vector<1x16xf32>,
        %scan3A_484 = arith.constant 0 : i32
        scf.yield %scan3A_484 : i32
      }
      %scan3A_78 = arith.constant 16 : i32
      %mul3A_79 = arith.constant 4 : i32
      %mul3A_80 = arith.muli %add3A_40, %mul3A_79 : i32
      %add3A_81 = arith.addi %mul3A_2, %mul3A_80 : i32
      %dma_start3A_82 = arith.constant 0 : i32
      %dma_start3A_83 = tpu.memref_slice %arg3[%add3A_81, %dma_start3A_82] : memref<16384x4096xf32, #tpu.memory_space<hbm>> -> memref<4x4096xf32, #tpu.memory_space<hbm>>
      %dma_start3A_84 = arith.constant 0 : i32
      %dma_start3A_85 = tpu.memref_slice %arg3[%add3A_81, %dma_start3A_84] : memref<16384x4096xf32, #tpu.memory_space<hbm>> -> memref<4x4096xf32, #tpu.memory_space<hbm>>
      tpu.enqueue_dma source(%arg6 : memref<4x4096xf32, #tpu.memory_space<vmem>>) target(%dma_start3A_85 : memref<4x4096xf32, #tpu.memory_space<hbm>>) target_semaphore(%arg10 : memref<!tpu.dma_semaphore, #tpu.memory_space<semaphore_mem>>)
      %add3A_86 = arith.constant 2 : i32
      %add3A_87 = arith.addi %add3A_40, %add3A_86 : i32
      %lt3A = arith.constant 128 : i32
      %lt3A_88 = arith.cmpi slt, %add3A_87, %lt3A : i32
      %convert_element_type3A_89 = arith.extui %lt3A_88 : i1 to i32
      %cond3A_90 = arith.constant 0 : i32
      %cond3A_91 = arith.cmpi ne, %convert_element_type3A_89, %cond3A_90 : i32
      scf.if %cond3A_91 {
        %add3A_150 = arith.constant 2 : i32
        %add3A_151 = arith.addi %add3A_40, %add3A_150 : i32
        %mul3A_152 = arith.constant 4 : i32
        %mul3A_153 = arith.muli %add3A_151, %mul3A_152 : i32
        %add3A_154 = arith.addi %mul3A_2, %mul3A_153 : i32
        %dma_start3A_155 = arith.constant 0 : i32
        %dma_start3A_156 = tpu.memref_slice %arg2[%add3A_154, %dma_start3A_155] : memref<16384x4096xf32, #tpu.memory_space<hbm>> -> memref<4x4096xf32, #tpu.memory_space<hbm>>
        %dma_start3A_157 = arith.constant 0 : i32
        %dma_start3A_158 = tpu.memref_slice %arg2[%add3A_154, %dma_start3A_157] : memref<16384x4096xf32, #tpu.memory_space<hbm>> -> memref<4x4096xf32, #tpu.memory_space<hbm>>
        tpu.enqueue_dma source(%dma_start3A_158 : memref<4x4096xf32, #tpu.memory_space<hbm>>) target(%arg4 : memref<4x4096xf32, #tpu.memory_space<vmem>>) target_semaphore(%arg8 : memref<!tpu.dma_semaphore, #tpu.memory_space<semaphore_mem>>)
      } else {
      }
      %mul3A_92 = arith.constant 2 : i32
      %mul3A_93 = arith.muli %mul3A_92, %scan3A_36 : i32
      %add3A_94 = arith.constant 1 : i32
      %add3A_95 = arith.addi %mul3A_93, %add3A_94 : i32
      %gt3A_96 = arith.constant 0 : i32
      %gt3A_97 = arith.cmpi sgt, %scan3A_36, %gt3A_96 : i32
      %convert_element_type3A_98 = arith.extui %gt3A_97 : i1 to i32
      %cond3A_99 = arith.constant 0 : i32
      %cond3A_100 = arith.cmpi ne, %convert_element_type3A_98, %cond3A_99 : i32
      scf.if %cond3A_100 {
        %sub3A = arith.constant 2 : i32
        %sub3A_150 = arith.subi %add3A_95, %sub3A : i32
        %mul3A_151 = arith.constant 4 : i32
        %mul3A_152 = arith.muli %sub3A_150, %mul3A_151 : i32
        %add3A_153 = arith.addi %mul3A_2, %mul3A_152 : i32
        %dma_wait3A_154 = arith.constant 0 : i32
        %dma_wait3A_155 = tpu.memref_slice %arg3[%add3A_153, %dma_wait3A_154] : memref<16384x4096xf32, #tpu.memory_space<hbm>> -> memref<4x4096xf32, #tpu.memory_space<hbm>>
        %dma_wait3A_156 = arith.constant 0 : i32
        %dma_wait3A_157 = tpu.memref_slice %arg3[%add3A_153, %dma_wait3A_156] : memref<16384x4096xf32, #tpu.memory_space<hbm>> -> memref<4x4096xf32, #tpu.memory_space<hbm>>
        tpu.wait_dma2 semaphore(%arg11 : memref<!tpu.dma_semaphore, #tpu.memory_space<semaphore_mem>>) src(%arg7 : memref<4x4096xf32, #tpu.memory_space<vmem>>) dst(%dma_wait3A_157 : memref<4x4096xf32, #tpu.memory_space<hbm>>)
      } else {
      }
      %mul3A_101 = arith.constant 4 : i32
      %mul3A_102 = arith.muli %add3A_95, %mul3A_101 : i32
      %add3A_103 = arith.addi %mul3A_2, %mul3A_102 : i32
      %dma_wait3A_104 = arith.constant 0 : i32
      %dma_wait3A_105 = tpu.memref_slice %arg2[%add3A_103, %dma_wait3A_104] : memref<16384x4096xf32, #tpu.memory_space<hbm>> -> memref<4x4096xf32, #tpu.memory_space<hbm>>
      %dma_wait3A_106 = arith.constant 0 : i32
      %dma_wait3A_107 = tpu.memref_slice %arg2[%add3A_103, %dma_wait3A_106] : memref<16384x4096xf32, #tpu.memory_space<hbm>> -> memref<4x4096xf32, #tpu.memory_space<hbm>>
      tpu.wait_dma2 semaphore(%arg9 : memref<!tpu.dma_semaphore, #tpu.memory_space<semaphore_mem>>) src(%dma_wait3A_107 : memref<4x4096xf32, #tpu.memory_space<hbm>>) dst(%arg5 : memref<4x4096xf32, #tpu.memory_space<vmem>>)
      %scan3A_108 = arith.constant 0 : i32
      %scan3A_109 = arith.constant 0 : i32
      %scan3A_110 = arith.constant 16 : i32
      %scan3A_111 = arith.addi %scan3A_109, %scan3A_110 : i32
      %scan3A_112 = arith.constant 1 : i32
      %scan3A_113 = scf.for %scan3A_150 = %scan3A_109 to %scan3A_111 step %scan3A_112 iter_args(%scan3A_151 = %scan3A_108) -> (i32)  : i32 {
        %mul3A_152 = arith.constant 256 : i32
        %mul3A_153 = arith.muli %scan3A_150, %mul3A_152 : i32
        %add3A_154 = arith.constant 0 : i32
        %add3A_155 = arith.addi %mul3A_153, %add3A_154 : i32
        %get3A = arith.constant 0 : i32
        %get3A_156 = arith.index_cast %get3A : i32 to index
        %get3A_157 = arith.index_cast %add3A_155 : i32 to index
        %get3A_158 = tpu.vector_load %arg5[%get3A_156, %get3A_157] {strides = array<i32>} : memref<4x4096xf32, #tpu.memory_space<vmem>>, vector<1x16xf32>,
        %get3A_159 = vector.shape_cast %get3A_158 : vector<1x16xf32> to vector<16xf32>
        %gather3A = vector.shape_cast %reshape3A : vector<16x1xi32> to vector<16xi32>
        %gather3A_160 = tpu.dynamic_gather %get3A_159[%gather3A] in [0] : vector<16xf32>, vector<16xi32> -> vector<16xf32>
        %eq3A = arith.cmpf oeq, %convert_element_type3A, %broadcast_in_dim3A_8 : vector<16xf32>
        %gt3A_161 = arith.cmpf ogt, %get3A_159, %gather3A_160 : vector<16xf32>
        %eq3A_162 = arith.cmpf oeq, %get3A_159, %gather3A_160 : vector<16xf32>
        %and3A_163 = arith.andi %eq3A, %eq3A_162 : vector<16xi1>
        %or3A = arith.ori %gt3A_161, %and3A_163 : vector<16xi1>
        %select_n3A = arith.select %or3A, %get3A_159, %broadcast_in_dim3A_8 : vector<16xi1>, vector<16xf32>
        %swap3A = arith.constant 0 : i32
        %swap3A_164 = arith.index_cast %swap3A : i32 to index
        %swap3A_165 = arith.index_cast %add3A_155 : i32 to index
        %swap3A_166 = tpu.vector_load %arg7[%swap3A_164, %swap3A_165] {strides = array<i32>} : memref<4x4096xf32, #tpu.memory_space<vmem>>, vector<1x16xf32>,
        %swap3A_167 = vector.shape_cast %swap3A_166 : vector<1x16xf32> to vector<16xf32>
        %swap3A_168 = vector.shape_cast %select_n3A : vector<16xf32> to vector<1x16xf32>
        tpu.vector_store %arg7[%swap3A_164, %swap3A_165], %swap3A_168 {strides = array<i32>} : memref<4x4096xf32, #tpu.memory_space<vmem>>, vector<1x16xf32>,
        %add3A_169 = arith.constant 16 : i32
        %add3A_170 = arith.addi %mul3A_153, %add3A_169 : i32
        %get3A_171 = arith.constant 0 : i32
        %get3A_172 = arith.index_cast %get3A_171 : i32 to index
        %get3A_173 = arith.index_cast %add3A_170 : i32 to index
        %get3A_174 = tpu.vector_load %arg5[%get3A_172, %get3A_173] {strides = array<i32>} : memref<4x4096xf32, #tpu.memory_space<vmem>>, vector<1x16xf32>,
        %get3A_175 = vector.shape_cast %get3A_174 : vector<1x16xf32> to vector<16xf32>
        %gather3A_176 = vector.shape_cast %reshape3A : vector<16x1xi32> to vector<16xi32>
        %gather3A_177 = tpu.dynamic_gather %get3A_175[%gather3A_176] in [0] : vector<16xf32>, vector<16xi32> -> vector<16xf32>
        %eq3A_178 = arith.cmpf oeq, %convert_element_type3A, %broadcast_in_dim3A_8 : vector<16xf32>
        %gt3A_179 = arith.cmpf ogt, %get3A_175, %gather3A_177 : vector<16xf32>
        %eq3A_180 = arith.cmpf oeq, %get3A_175, %gather3A_177 : vector<16xf32>
        %and3A_181 = arith.andi %eq3A_178, %eq3A_180 : vector<16xi1>
        %or3A_182 = arith.ori %gt3A_179, %and3A_181 : vector<16xi1>
        %select_n3A_183 = arith.select %or3A_182, %get3A_175, %broadcast_in_dim3A_8 : vector<16xi1>, vector<16xf32>
        %swap3A_184 = arith.constant 0 : i32
        %swap3A_185 = arith.index_cast %swap3A_184 : i32 to index
        %swap3A_186 = arith.index_cast %add3A_170 : i32 to index
        %swap3A_187 = tpu.vector_load %arg7[%swap3A_185, %swap3A_186] {strides = array<i32>} : memref<4x4096xf32, #tpu.memory_space<vmem>>, vector<1x16xf32>,
        %swap3A_188 = vector.shape_cast %swap3A_187 : vector<1x16xf32> to vector<16xf32>
        %swap3A_189 = vector.shape_cast %select_n3A_183 : vector<16xf32> to vector<1x16xf32>
        tpu.vector_store %arg7[%swap3A_185, %swap3A_186], %swap3A_189 {strides = array<i32>} : memref<4x4096xf32, #tpu.memory_space<vmem>>, vector<1x16xf32>,
        %add3A_190 = arith.constant 32 : i32
        %add3A_191 = arith.addi %mul3A_153, %add3A_190 : i32
        %get3A_192 = arith.constant 0 : i32
        %get3A_193 = arith.index_cast %get3A_192 : i32 to index
        %get3A_194 = arith.index_cast %add3A_191 : i32 to index
        %get3A_195 = tpu.vector_load %arg5[%get3A_193, %get3A_194] {strides = array<i32>} : memref<4x4096xf32, #tpu.memory_space<vmem>>, vector<1x16xf32>,
        %get3A_196 = vector.shape_cast %get3A_195 : vector<1x16xf32> to vector<16xf32>
        %gather3A_197 = vector.shape_cast %reshape3A : vector<16x1xi32> to vector<16xi32>
        %gather3A_198 = tpu.dynamic_gather %get3A_196[%gather3A_197] in [0] : vector<16xf32>, vector<16xi32> -> vector<16xf32>
        %eq3A_199 = arith.cmpf oeq, %convert_element_type3A, %broadcast_in_dim3A_8 : vector<16xf32>
        %gt3A_200 = arith.cmpf ogt, %get3A_196, %gather3A_198 : vector<16xf32>
        %eq3A_201 = arith.cmpf oeq, %get3A_196, %gather3A_198 : vector<16xf32>
        %and3A_202 = arith.andi %eq3A_199, %eq3A_201 : vector<16xi1>
        %or3A_203 = arith.ori %gt3A_200, %and3A_202 : vector<16xi1>
        %select_n3A_204 = arith.select %or3A_203, %get3A_196, %broadcast_in_dim3A_8 : vector<16xi1>, vector<16xf32>
        %swap3A_205 = arith.constant 0 : i32
        %swap3A_206 = arith.index_cast %swap3A_205 : i32 to index
        %swap3A_207 = arith.index_cast %add3A_191 : i32 to index
        %swap3A_208 = tpu.vector_load %arg7[%swap3A_206, %swap3A_207] {strides = array<i32>} : memref<4x4096xf32, #tpu.memory_space<vmem>>, vector<1x16xf32>,
        %swap3A_209 = vector.shape_cast %swap3A_208 : vector<1x16xf32> to vector<16xf32>
        %swap3A_210 = vector.shape_cast %select_n3A_204 : vector<16xf32> to vector<1x16xf32>
        tpu.vector_store %arg7[%swap3A_206, %swap3A_207], %swap3A_210 {strides = array<i32>} : memref<4x4096xf32, #tpu.memory_space<vmem>>, vector<1x16xf32>,
        %add3A_211 = arith.constant 48 : i32
        %add3A_212 = arith.addi %mul3A_153, %add3A_211 : i32
        %get3A_213 = arith.constant 0 : i32
        %get3A_214 = arith.index_cast %get3A_213 : i32 to index
        %get3A_215 = arith.index_cast %add3A_212 : i32 to index
        %get3A_216 = tpu.vector_load %arg5[%get3A_214, %get3A_215] {strides = array<i32>} : memref<4x4096xf32, #tpu.memory_space<vmem>>, vector<1x16xf32>,
        %get3A_217 = vector.shape_cast %get3A_216 : vector<1x16xf32> to vector<16xf32>
        %gather3A_218 = vector.shape_cast %reshape3A : vector<16x1xi32> to vector<16xi32>
        %gather3A_219 = tpu.dynamic_gather %get3A_217[%gather3A_218] in [0] : vector<16xf32>, vector<16xi32> -> vector<16xf32>
        %eq3A_220 = arith.cmpf oeq, %convert_element_type3A, %broadcast_in_dim3A_8 : vector<16xf32>
        %gt3A_221 = arith.cmpf ogt, %get3A_217, %gather3A_219 : vector<16xf32>
        %eq3A_222 = arith.cmpf oeq, %get3A_217, %gather3A_219 : vector<16xf32>
        %and3A_223 = arith.andi %eq3A_220, %eq3A_222 : vector<16xi1>
        %or3A_224 = arith.ori %gt3A_221, %and3A_223 : vector<16xi1>
        %select_n3A_225 = arith.select %or3A_224, %get3A_217, %broadcast_in_dim3A_8 : vector<16xi1>, vector<16xf32>
        %swap3A_226 = arith.constant 0 : i32
        %swap3A_227 = arith.index_cast %swap3A_226 : i32 to index
        %swap3A_228 = arith.index_cast %add3A_212 : i32 to index
        %swap3A_229 = tpu.vector_load %arg7[%swap3A_227, %swap3A_228] {strides = array<i32>} : memref<4x4096xf32, #tpu.memory_space<vmem>>, vector<1x16xf32>,
        %swap3A_230 = vector.shape_cast %swap3A_229 : vector<1x16xf32> to vector<16xf32>
        %swap3A_231 = vector.shape_cast %select_n3A_225 : vector<16xf32> to vector<1x16xf32>
        tpu.vector_store %arg7[%swap3A_227, %swap3A_228], %swap3A_231 {strides = array<i32>} : memref<4x4096xf32, #tpu.memory_space<vmem>>, vector<1x16xf32>,
        %add3A_232 = arith.constant 64 : i32
        %add3A_233 = arith.addi %mul3A_153, %add3A_232 : i32
        %get3A_234 = arith.constant 0 : i32
        %get3A_235 = arith.index_cast %get3A_234 : i32 to index
        %get3A_236 = arith.index_cast %add3A_233 : i32 to index
        %get3A_237 = tpu.vector_load %arg5[%get3A_235, %get3A_236] {strides = array<i32>} : memref<4x4096xf32, #tpu.memory_space<vmem>>, vector<1x16xf32>,
        %get3A_238 = vector.shape_cast %get3A_237 : vector<1x16xf32> to vector<16xf32>
        %gather3A_239 = vector.shape_cast %reshape3A : vector<16x1xi32> to vector<16xi32>
        %gather3A_240 = tpu.dynamic_gather %get3A_238[%gather3A_239] in [0] : vector<16xf32>, vector<16xi32> -> vector<16xf32>
        %eq3A_241 = arith.cmpf oeq, %convert_element_type3A, %broadcast_in_dim3A_8 : vector<16xf32>
        %gt3A_242 = arith.cmpf ogt, %get3A_238, %gather3A_240 : vector<16xf32>
        %eq3A_243 = arith.cmpf oeq, %get3A_238, %gather3A_240 : vector<16xf32>
        %and3A_244 = arith.andi %eq3A_241, %eq3A_243 : vector<16xi1>
        %or3A_245 = arith.ori %gt3A_242, %and3A_244 : vector<16xi1>
        %select_n3A_246 = arith.select %or3A_245, %get3A_238, %broadcast_in_dim3A_8 : vector<16xi1>, vector<16xf32>
        %swap3A_247 = arith.constant 0 : i32
        %swap3A_248 = arith.index_cast %swap3A_247 : i32 to index
        %swap3A_249 = arith.index_cast %add3A_233 : i32 to index
        %swap3A_250 = tpu.vector_load %arg7[%swap3A_248, %swap3A_249] {strides = array<i32>} : memref<4x4096xf32, #tpu.memory_space<vmem>>, vector<1x16xf32>,
        %swap3A_251 = vector.shape_cast %swap3A_250 : vector<1x16xf32> to vector<16xf32>
        %swap3A_252 = vector.shape_cast %select_n3A_246 : vector<16xf32> to vector<1x16xf32>
        tpu.vector_store %arg7[%swap3A_248, %swap3A_249], %swap3A_252 {strides = array<i32>} : memref<4x4096xf32, #tpu.memory_space<vmem>>, vector<1x16xf32>,
        %add3A_253 = arith.constant 80 : i32
        %add3A_254 = arith.addi %mul3A_153, %add3A_253 : i32
        %get3A_255 = arith.constant 0 : i32
        %get3A_256 = arith.index_cast %get3A_255 : i32 to index
        %get3A_257 = arith.index_cast %add3A_254 : i32 to index
        %get3A_258 = tpu.vector_load %arg5[%get3A_256, %get3A_257] {strides = array<i32>} : memref<4x4096xf32, #tpu.memory_space<vmem>>, vector<1x16xf32>,
        %get3A_259 = vector.shape_cast %get3A_258 : vector<1x16xf32> to vector<16xf32>
        %gather3A_260 = vector.shape_cast %reshape3A : vector<16x1xi32> to vector<16xi32>
        %gather3A_261 = tpu.dynamic_gather %get3A_259[%gather3A_260] in [0] : vector<16xf32>, vector<16xi32> -> vector<16xf32>
        %eq3A_262 = arith.cmpf oeq, %convert_element_type3A, %broadcast_in_dim3A_8 : vector<16xf32>
        %gt3A_263 = arith.cmpf ogt, %get3A_259, %gather3A_261 : vector<16xf32>
        %eq3A_264 = arith.cmpf oeq, %get3A_259, %gather3A_261 : vector<16xf32>
        %and3A_265 = arith.andi %eq3A_262, %eq3A_264 : vector<16xi1>
        %or3A_266 = arith.ori %gt3A_263, %and3A_265 : vector<16xi1>
        %select_n3A_267 = arith.select %or3A_266, %get3A_259, %broadcast_in_dim3A_8 : vector<16xi1>, vector<16xf32>
        %swap3A_268 = arith.constant 0 : i32
        %swap3A_269 = arith.index_cast %swap3A_268 : i32 to index
        %swap3A_270 = arith.index_cast %add3A_254 : i32 to index
        %swap3A_271 = tpu.vector_load %arg7[%swap3A_269, %swap3A_270] {strides = array<i32>} : memref<4x4096xf32, #tpu.memory_space<vmem>>, vector<1x16xf32>,
        %swap3A_272 = vector.shape_cast %swap3A_271 : vector<1x16xf32> to vector<16xf32>
        %swap3A_273 = vector.shape_cast %select_n3A_267 : vector<16xf32> to vector<1x16xf32>
        tpu.vector_store %arg7[%swap3A_269, %swap3A_270], %swap3A_273 {strides = array<i32>} : memref<4x4096xf32, #tpu.memory_space<vmem>>, vector<1x16xf32>,
        %add3A_274 = arith.constant 96 : i32
        %add3A_275 = arith.addi %mul3A_153, %add3A_274 : i32
        %get3A_276 = arith.constant 0 : i32
        %get3A_277 = arith.index_cast %get3A_276 : i32 to index
        %get3A_278 = arith.index_cast %add3A_275 : i32 to index
        %get3A_279 = tpu.vector_load %arg5[%get3A_277, %get3A_278] {strides = array<i32>} : memref<4x4096xf32, #tpu.memory_space<vmem>>, vector<1x16xf32>,
        %get3A_280 = vector.shape_cast %get3A_279 : vector<1x16xf32> to vector<16xf32>
        %gather3A_281 = vector.shape_cast %reshape3A : vector<16x1xi32> to vector<16xi32>
        %gather3A_282 = tpu.dynamic_gather %get3A_280[%gather3A_281] in [0] : vector<16xf32>, vector<16xi32> -> vector<16xf32>
        %eq3A_283 = arith.cmpf oeq, %convert_element_type3A, %broadcast_in_dim3A_8 : vector<16xf32>
        %gt3A_284 = arith.cmpf ogt, %get3A_280, %gather3A_282 : vector<16xf32>
        %eq3A_285 = arith.cmpf oeq, %get3A_280, %gather3A_282 : vector<16xf32>
        %and3A_286 = arith.andi %eq3A_283, %eq3A_285 : vector<16xi1>
        %or3A_287 = arith.ori %gt3A_284, %and3A_286 : vector<16xi1>
        %select_n3A_288 = arith.select %or3A_287, %get3A_280, %broadcast_in_dim3A_8 : vector<16xi1>, vector<16xf32>
        %swap3A_289 = arith.constant 0 : i32
        %swap3A_290 = arith.index_cast %swap3A_289 : i32 to index
        %swap3A_291 = arith.index_cast %add3A_275 : i32 to index
        %swap3A_292 = tpu.vector_load %arg7[%swap3A_290, %swap3A_291] {strides = array<i32>} : memref<4x4096xf32, #tpu.memory_space<vmem>>, vector<1x16xf32>,
        %swap3A_293 = vector.shape_cast %swap3A_292 : vector<1x16xf32> to vector<16xf32>
        %swap3A_294 = vector.shape_cast %select_n3A_288 : vector<16xf32> to vector<1x16xf32>
        tpu.vector_store %arg7[%swap3A_290, %swap3A_291], %swap3A_294 {strides = array<i32>} : memref<4x4096xf32, #tpu.memory_space<vmem>>, vector<1x16xf32>,
        %add3A_295 = arith.constant 112 : i32
        %add3A_296 = arith.addi %mul3A_153, %add3A_295 : i32
        %get3A_297 = arith.constant 0 : i32
        %get3A_298 = arith.index_cast %get3A_297 : i32 to index
        %get3A_299 = arith.index_cast %add3A_296 : i32 to index
        %get3A_300 = tpu.vector_load %arg5[%get3A_298, %get3A_299] {strides = array<i32>} : memref<4x4096xf32, #tpu.memory_space<vmem>>, vector<1x16xf32>,
        %get3A_301 = vector.shape_cast %get3A_300 : vector<1x16xf32> to vector<16xf32>
        %gather3A_302 = vector.shape_cast %reshape3A : vector<16x1xi32> to vector<16xi32>
        %gather3A_303 = tpu.dynamic_gather %get3A_301[%gather3A_302] in [0] : vector<16xf32>, vector<16xi32> -> vector<16xf32>
        %eq3A_304 = arith.cmpf oeq, %convert_element_type3A, %broadcast_in_dim3A_8 : vector<16xf32>
        %gt3A_305 = arith.cmpf ogt, %get3A_301, %gather3A_303 : vector<16xf32>
        %eq3A_306 = arith.cmpf oeq, %get3A_301, %gather3A_303 : vector<16xf32>
        %and3A_307 = arith.andi %eq3A_304, %eq3A_306 : vector<16xi1>
        %or3A_308 = arith.ori %gt3A_305, %and3A_307 : vector<16xi1>
        %select_n3A_309 = arith.select %or3A_308, %get3A_301, %broadcast_in_dim3A_8 : vector<16xi1>, vector<16xf32>
        %swap3A_310 = arith.constant 0 : i32
        %swap3A_311 = arith.index_cast %swap3A_310 : i32 to index
        %swap3A_312 = arith.index_cast %add3A_296 : i32 to index
        %swap3A_313 = tpu.vector_load %arg7[%swap3A_311, %swap3A_312] {strides = array<i32>} : memref<4x4096xf32, #tpu.memory_space<vmem>>, vector<1x16xf32>,
        %swap3A_314 = vector.shape_cast %swap3A_313 : vector<1x16xf32> to vector<16xf32>
        %swap3A_315 = vector.shape_cast %select_n3A_309 : vector<16xf32> to vector<1x16xf32>
        tpu.vector_store %arg7[%swap3A_311, %swap3A_312], %swap3A_315 {strides = array<i32>} : memref<4x4096xf32, #tpu.memory_space<vmem>>, vector<1x16xf32>,
        %add3A_316 = arith.constant 128 : i32
        %add3A_317 = arith.addi %mul3A_153, %add3A_316 : i32
        %get3A_318 = arith.constant 0 : i32
        %get3A_319 = arith.index_cast %get3A_318 : i32 to index
        %get3A_320 = arith.index_cast %add3A_317 : i32 to index
        %get3A_321 = tpu.vector_load %arg5[%get3A_319, %get3A_320] {strides = array<i32>} : memref<4x4096xf32, #tpu.memory_space<vmem>>, vector<1x16xf32>,
        %get3A_322 = vector.shape_cast %get3A_321 : vector<1x16xf32> to vector<16xf32>
        %gather3A_323 = vector.shape_cast %reshape3A : vector<16x1xi32> to vector<16xi32>
        %gather3A_324 = tpu.dynamic_gather %get3A_322[%gather3A_323] in [0] : vector<16xf32>, vector<16xi32> -> vector<16xf32>
        %eq3A_325 = arith.cmpf oeq, %convert_element_type3A, %broadcast_in_dim3A_8 : vector<16xf32>
        %gt3A_326 = arith.cmpf ogt, %get3A_322, %gather3A_324 : vector<16xf32>
        %eq3A_327 = arith.cmpf oeq, %get3A_322, %gather3A_324 : vector<16xf32>
        %and3A_328 = arith.andi %eq3A_325, %eq3A_327 : vector<16xi1>
        %or3A_329 = arith.ori %gt3A_326, %and3A_328 : vector<16xi1>
        %select_n3A_330 = arith.select %or3A_329, %get3A_322, %broadcast_in_dim3A_8 : vector<16xi1>, vector<16xf32>
        %swap3A_331 = arith.constant 0 : i32
        %swap3A_332 = arith.index_cast %swap3A_331 : i32 to index
        %swap3A_333 = arith.index_cast %add3A_317 : i32 to index
        %swap3A_334 = tpu.vector_load %arg7[%swap3A_332, %swap3A_333] {strides = array<i32>} : memref<4x4096xf32, #tpu.memory_space<vmem>>, vector<1x16xf32>,
        %swap3A_335 = vector.shape_cast %swap3A_334 : vector<1x16xf32> to vector<16xf32>
        %swap3A_336 = vector.shape_cast %select_n3A_330 : vector<16xf32> to vector<1x16xf32>
        tpu.vector_store %arg7[%swap3A_332, %swap3A_333], %swap3A_336 {strides = array<i32>} : memref<4x4096xf32, #tpu.memory_space<vmem>>, vector<1x16xf32>,
        %add3A_337 = arith.constant 144 : i32
        %add3A_338 = arith.addi %mul3A_153, %add3A_337 : i32
        %get3A_339 = arith.constant 0 : i32
        %get3A_340 = arith.index_cast %get3A_339 : i32 to index
        %get3A_341 = arith.index_cast %add3A_338 : i32 to index
        %get3A_342 = tpu.vector_load %arg5[%get3A_340, %get3A_341] {strides = array<i32>} : memref<4x4096xf32, #tpu.memory_space<vmem>>, vector<1x16xf32>,
        %get3A_343 = vector.shape_cast %get3A_342 : vector<1x16xf32> to vector<16xf32>
        %gather3A_344 = vector.shape_cast %reshape3A : vector<16x1xi32> to vector<16xi32>
        %gather3A_345 = tpu.dynamic_gather %get3A_343[%gather3A_344] in [0] : vector<16xf32>, vector<16xi32> -> vector<16xf32>
        %eq3A_346 = arith.cmpf oeq, %convert_element_type3A, %broadcast_in_dim3A_8 : vector<16xf32>
        %gt3A_347 = arith.cmpf ogt, %get3A_343, %gather3A_345 : vector<16xf32>
        %eq3A_348 = arith.cmpf oeq, %get3A_343, %gather3A_345 : vector<16xf32>
        %and3A_349 = arith.andi %eq3A_346, %eq3A_348 : vector<16xi1>
        %or3A_350 = arith.ori %gt3A_347, %and3A_349 : vector<16xi1>
        %select_n3A_351 = arith.select %or3A_350, %get3A_343, %broadcast_in_dim3A_8 : vector<16xi1>, vector<16xf32>
        %swap3A_352 = arith.constant 0 : i32
        %swap3A_353 = arith.index_cast %swap3A_352 : i32 to index
        %swap3A_354 = arith.index_cast %add3A_338 : i32 to index
        %swap3A_355 = tpu.vector_load %arg7[%swap3A_353, %swap3A_354] {strides = array<i32>} : memref<4x4096xf32, #tpu.memory_space<vmem>>, vector<1x16xf32>,
        %swap3A_356 = vector.shape_cast %swap3A_355 : vector<1x16xf32> to vector<16xf32>
        %swap3A_357 = vector.shape_cast %select_n3A_351 : vector<16xf32> to vector<1x16xf32>
        tpu.vector_store %arg7[%swap3A_353, %swap3A_354], %swap3A_357 {strides = array<i32>} : memref<4x4096xf32, #tpu.memory_space<vmem>>, vector<1x16xf32>,
        %add3A_358 = arith.constant 160 : i32
        %add3A_359 = arith.addi %mul3A_153, %add3A_358 : i32
        %get3A_360 = arith.constant 0 : i32
        %get3A_361 = arith.index_cast %get3A_360 : i32 to index
        %get3A_362 = arith.index_cast %add3A_359 : i32 to index
        %get3A_363 = tpu.vector_load %arg5[%get3A_361, %get3A_362] {strides = array<i32>} : memref<4x4096xf32, #tpu.memory_space<vmem>>, vector<1x16xf32>,
        %get3A_364 = vector.shape_cast %get3A_363 : vector<1x16xf32> to vector<16xf32>
        %gather3A_365 = vector.shape_cast %reshape3A : vector<16x1xi32> to vector<16xi32>
        %gather3A_366 = tpu.dynamic_gather %get3A_364[%gather3A_365] in [0] : vector<16xf32>, vector<16xi32> -> vector<16xf32>
        %eq3A_367 = arith.cmpf oeq, %convert_element_type3A, %broadcast_in_dim3A_8 : vector<16xf32>
        %gt3A_368 = arith.cmpf ogt, %get3A_364, %gather3A_366 : vector<16xf32>
        %eq3A_369 = arith.cmpf oeq, %get3A_364, %gather3A_366 : vector<16xf32>
        %and3A_370 = arith.andi %eq3A_367, %eq3A_369 : vector<16xi1>
        %or3A_371 = arith.ori %gt3A_368, %and3A_370 : vector<16xi1>
        %select_n3A_372 = arith.select %or3A_371, %get3A_364, %broadcast_in_dim3A_8 : vector<16xi1>, vector<16xf32>
        %swap3A_373 = arith.constant 0 : i32
        %swap3A_374 = arith.index_cast %swap3A_373 : i32 to index
        %swap3A_375 = arith.index_cast %add3A_359 : i32 to index
        %swap3A_376 = tpu.vector_load %arg7[%swap3A_374, %swap3A_375] {strides = array<i32>} : memref<4x4096xf32, #tpu.memory_space<vmem>>, vector<1x16xf32>,
        %swap3A_377 = vector.shape_cast %swap3A_376 : vector<1x16xf32> to vector<16xf32>
        %swap3A_378 = vector.shape_cast %select_n3A_372 : vector<16xf32> to vector<1x16xf32>
        tpu.vector_store %arg7[%swap3A_374, %swap3A_375], %swap3A_378 {strides = array<i32>} : memref<4x4096xf32, #tpu.memory_space<vmem>>, vector<1x16xf32>,
        %add3A_379 = arith.constant 176 : i32
        %add3A_380 = arith.addi %mul3A_153, %add3A_379 : i32
        %get3A_381 = arith.constant 0 : i32
        %get3A_382 = arith.index_cast %get3A_381 : i32 to index
        %get3A_383 = arith.index_cast %add3A_380 : i32 to index
        %get3A_384 = tpu.vector_load %arg5[%get3A_382, %get3A_383] {strides = array<i32>} : memref<4x4096xf32, #tpu.memory_space<vmem>>, vector<1x16xf32>,
        %get3A_385 = vector.shape_cast %get3A_384 : vector<1x16xf32> to vector<16xf32>
        %gather3A_386 = vector.shape_cast %reshape3A : vector<16x1xi32> to vector<16xi32>
        %gather3A_387 = tpu.dynamic_gather %get3A_385[%gather3A_386] in [0] : vector<16xf32>, vector<16xi32> -> vector<16xf32>
        %eq3A_388 = arith.cmpf oeq, %convert_element_type3A, %broadcast_in_dim3A_8 : vector<16xf32>
        %gt3A_389 = arith.cmpf ogt, %get3A_385, %gather3A_387 : vector<16xf32>
        %eq3A_390 = arith.cmpf oeq, %get3A_385, %gather3A_387 : vector<16xf32>
        %and3A_391 = arith.andi %eq3A_388, %eq3A_390 : vector<16xi1>
        %or3A_392 = arith.ori %gt3A_389, %and3A_391 : vector<16xi1>
        %select_n3A_393 = arith.select %or3A_392, %get3A_385, %broadcast_in_dim3A_8 : vector<16xi1>, vector<16xf32>
        %swap3A_394 = arith.constant 0 : i32
        %swap3A_395 = arith.index_cast %swap3A_394 : i32 to index
        %swap3A_396 = arith.index_cast %add3A_380 : i32 to index
        %swap3A_397 = tpu.vector_load %arg7[%swap3A_395, %swap3A_396] {strides = array<i32>} : memref<4x4096xf32, #tpu.memory_space<vmem>>, vector<1x16xf32>,
        %swap3A_398 = vector.shape_cast %swap3A_397 : vector<1x16xf32> to vector<16xf32>
        %swap3A_399 = vector.shape_cast %select_n3A_393 : vector<16xf32> to vector<1x16xf32>
        tpu.vector_store %arg7[%swap3A_395, %swap3A_396], %swap3A_399 {strides = array<i32>} : memref<4x4096xf32, #tpu.memory_space<vmem>>, vector<1x16xf32>,
        %add3A_400 = arith.constant 192 : i32
        %add3A_401 = arith.addi %mul3A_153, %add3A_400 : i32
        %get3A_402 = arith.constant 0 : i32
        %get3A_403 = arith.index_cast %get3A_402 : i32 to index
        %get3A_404 = arith.index_cast %add3A_401 : i32 to index
        %get3A_405 = tpu.vector_load %arg5[%get3A_403, %get3A_404] {strides = array<i32>} : memref<4x4096xf32, #tpu.memory_space<vmem>>, vector<1x16xf32>,
        %get3A_406 = vector.shape_cast %get3A_405 : vector<1x16xf32> to vector<16xf32>
        %gather3A_407 = vector.shape_cast %reshape3A : vector<16x1xi32> to vector<16xi32>
        %gather3A_408 = tpu.dynamic_gather %get3A_406[%gather3A_407] in [0] : vector<16xf32>, vector<16xi32> -> vector<16xf32>
        %eq3A_409 = arith.cmpf oeq, %convert_element_type3A, %broadcast_in_dim3A_8 : vector<16xf32>
        %gt3A_410 = arith.cmpf ogt, %get3A_406, %gather3A_408 : vector<16xf32>
        %eq3A_411 = arith.cmpf oeq, %get3A_406, %gather3A_408 : vector<16xf32>
        %and3A_412 = arith.andi %eq3A_409, %eq3A_411 : vector<16xi1>
        %or3A_413 = arith.ori %gt3A_410, %and3A_412 : vector<16xi1>
        %select_n3A_414 = arith.select %or3A_413, %get3A_406, %broadcast_in_dim3A_8 : vector<16xi1>, vector<16xf32>
        %swap3A_415 = arith.constant 0 : i32
        %swap3A_416 = arith.index_cast %swap3A_415 : i32 to index
        %swap3A_417 = arith.index_cast %add3A_401 : i32 to index
        %swap3A_418 = tpu.vector_load %arg7[%swap3A_416, %swap3A_417] {strides = array<i32>} : memref<4x4096xf32, #tpu.memory_space<vmem>>, vector<1x16xf32>,
        %swap3A_419 = vector.shape_cast %swap3A_418 : vector<1x16xf32> to vector<16xf32>
        %swap3A_420 = vector.shape_cast %select_n3A_414 : vector<16xf32> to vector<1x16xf32>
        tpu.vector_store %arg7[%swap3A_416, %swap3A_417], %swap3A_420 {strides = array<i32>} : memref<4x4096xf32, #tpu.memory_space<vmem>>, vector<1x16xf32>,
        %add3A_421 = arith.constant 208 : i32
        %add3A_422 = arith.addi %mul3A_153, %add3A_421 : i32
        %get3A_423 = arith.constant 0 : i32
        %get3A_424 = arith.index_cast %get3A_423 : i32 to index
        %get3A_425 = arith.index_cast %add3A_422 : i32 to index
        %get3A_426 = tpu.vector_load %arg5[%get3A_424, %get3A_425] {strides = array<i32>} : memref<4x4096xf32, #tpu.memory_space<vmem>>, vector<1x16xf32>,
        %get3A_427 = vector.shape_cast %get3A_426 : vector<1x16xf32> to vector<16xf32>
        %gather3A_428 = vector.shape_cast %reshape3A : vector<16x1xi32> to vector<16xi32>
        %gather3A_429 = tpu.dynamic_gather %get3A_427[%gather3A_428] in [0] : vector<16xf32>, vector<16xi32> -> vector<16xf32>
        %eq3A_430 = arith.cmpf oeq, %convert_element_type3A, %broadcast_in_dim3A_8 : vector<16xf32>
        %gt3A_431 = arith.cmpf ogt, %get3A_427, %gather3A_429 : vector<16xf32>
        %eq3A_432 = arith.cmpf oeq, %get3A_427, %gather3A_429 : vector<16xf32>
        %and3A_433 = arith.andi %eq3A_430, %eq3A_432 : vector<16xi1>
        %or3A_434 = arith.ori %gt3A_431, %and3A_433 : vector<16xi1>
        %select_n3A_435 = arith.select %or3A_434, %get3A_427, %broadcast_in_dim3A_8 : vector<16xi1>, vector<16xf32>
        %swap3A_436 = arith.constant 0 : i32
        %swap3A_437 = arith.index_cast %swap3A_436 : i32 to index
        %swap3A_438 = arith.index_cast %add3A_422 : i32 to index
        %swap3A_439 = tpu.vector_load %arg7[%swap3A_437, %swap3A_438] {strides = array<i32>} : memref<4x4096xf32, #tpu.memory_space<vmem>>, vector<1x16xf32>,
        %swap3A_440 = vector.shape_cast %swap3A_439 : vector<1x16xf32> to vector<16xf32>
        %swap3A_441 = vector.shape_cast %select_n3A_435 : vector<16xf32> to vector<1x16xf32>
        tpu.vector_store %arg7[%swap3A_437, %swap3A_438], %swap3A_441 {strides = array<i32>} : memref<4x4096xf32, #tpu.memory_space<vmem>>, vector<1x16xf32>,
        %add3A_442 = arith.constant 224 : i32
        %add3A_443 = arith.addi %mul3A_153, %add3A_442 : i32
        %get3A_444 = arith.constant 0 : i32
        %get3A_445 = arith.index_cast %get3A_444 : i32 to index
        %get3A_446 = arith.index_cast %add3A_443 : i32 to index
        %get3A_447 = tpu.vector_load %arg5[%get3A_445, %get3A_446] {strides = array<i32>} : memref<4x4096xf32, #tpu.memory_space<vmem>>, vector<1x16xf32>,
        %get3A_448 = vector.shape_cast %get3A_447 : vector<1x16xf32> to vector<16xf32>
        %gather3A_449 = vector.shape_cast %reshape3A : vector<16x1xi32> to vector<16xi32>
        %gather3A_450 = tpu.dynamic_gather %get3A_448[%gather3A_449] in [0] : vector<16xf32>, vector<16xi32> -> vector<16xf32>
        %eq3A_451 = arith.cmpf oeq, %convert_element_type3A, %broadcast_in_dim3A_8 : vector<16xf32>
        %gt3A_452 = arith.cmpf ogt, %get3A_448, %gather3A_450 : vector<16xf32>
        %eq3A_453 = arith.cmpf oeq, %get3A_448, %gather3A_450 : vector<16xf32>
        %and3A_454 = arith.andi %eq3A_451, %eq3A_453 : vector<16xi1>
        %or3A_455 = arith.ori %gt3A_452, %and3A_454 : vector<16xi1>
        %select_n3A_456 = arith.select %or3A_455, %get3A_448, %broadcast_in_dim3A_8 : vector<16xi1>, vector<16xf32>
        %swap3A_457 = arith.constant 0 : i32
        %swap3A_458 = arith.index_cast %swap3A_457 : i32 to index
        %swap3A_459 = arith.index_cast %add3A_443 : i32 to index
        %swap3A_460 = tpu.vector_load %arg7[%swap3A_458, %swap3A_459] {strides = array<i32>} : memref<4x4096xf32, #tpu.memory_space<vmem>>, vector<1x16xf32>,
        %swap3A_461 = vector.shape_cast %swap3A_460 : vector<1x16xf32> to vector<16xf32>
        %swap3A_462 = vector.shape_cast %select_n3A_456 : vector<16xf32> to vector<1x16xf32>
        tpu.vector_store %arg7[%swap3A_458, %swap3A_459], %swap3A_462 {strides = array<i32>} : memref<4x4096xf32, #tpu.memory_space<vmem>>, vector<1x16xf32>,
        %add3A_463 = arith.constant 240 : i32
        %add3A_464 = arith.addi %mul3A_153, %add3A_463 : i32
        %get3A_465 = arith.constant 0 : i32
        %get3A_466 = arith.index_cast %get3A_465 : i32 to index
        %get3A_467 = arith.index_cast %add3A_464 : i32 to index
        %get3A_468 = tpu.vector_load %arg5[%get3A_466, %get3A_467] {strides = array<i32>} : memref<4x4096xf32, #tpu.memory_space<vmem>>, vector<1x16xf32>,
        %get3A_469 = vector.shape_cast %get3A_468 : vector<1x16xf32> to vector<16xf32>
        %gather3A_470 = vector.shape_cast %reshape3A : vector<16x1xi32> to vector<16xi32>
        %gather3A_471 = tpu.dynamic_gather %get3A_469[%gather3A_470] in [0] : vector<16xf32>, vector<16xi32> -> vector<16xf32>
        %eq3A_472 = arith.cmpf oeq, %convert_element_type3A, %broadcast_in_dim3A_8 : vector<16xf32>
        %gt3A_473 = arith.cmpf ogt, %get3A_469, %gather3A_471 : vector<16xf32>
        %eq3A_474 = arith.cmpf oeq, %get3A_469, %gather3A_471 : vector<16xf32>
        %and3A_475 = arith.andi %eq3A_472, %eq3A_474 : vector<16xi1>
        %or3A_476 = arith.ori %gt3A_473, %and3A_475 : vector<16xi1>
        %select_n3A_477 = arith.select %or3A_476, %get3A_469, %broadcast_in_dim3A_8 : vector<16xi1>, vector<16xf32>
        %swap3A_478 = arith.constant 0 : i32
        %swap3A_479 = arith.index_cast %swap3A_478 : i32 to index
        %swap3A_480 = arith.index_cast %add3A_464 : i32 to index
        %swap3A_481 = tpu.vector_load %arg7[%swap3A_479, %swap3A_480] {strides = array<i32>} : memref<4x4096xf32, #tpu.memory_space<vmem>>, vector<1x16xf32>,
        %swap3A_482 = vector.shape_cast %swap3A_481 : vector<1x16xf32> to vector<16xf32>
        %swap3A_483 = vector.shape_cast %select_n3A_477 : vector<16xf32> to vector<1x16xf32>
        tpu.vector_store %arg7[%swap3A_479, %swap3A_480], %swap3A_483 {strides = array<i32>} : memref<4x4096xf32, #tpu.memory_space<vmem>>, vector<1x16xf32>,
        %scan3A_484 = arith.constant 0 : i32
        scf.yield %scan3A_484 : i32
      }
      %scan3A_114 = arith.constant 16 : i32
      %scan3A_115 = arith.constant 0 : i32
      %scan3A_116 = arith.constant 0 : i32
      %scan3A_117 = arith.constant 16 : i32
      %scan3A_118 = arith.addi %scan3A_116, %scan3A_117 : i32
      %scan3A_119 = arith.constant 1 : i32
      %scan3A_120 = scf.for %scan3A_150 = %scan3A_116 to %scan3A_118 step %scan3A_119 iter_args(%scan3A_151 = %scan3A_115) -> (i32)  : i32 {
        %mul3A_152 = arith.constant 256 : i32
        %mul3A_153 = arith.muli %scan3A_150, %mul3A_152 : i32
        %add3A_154 = arith.constant 0 : i32
        %add3A_155 = arith.addi %mul3A_153, %add3A_154 : i32
        %get3A = arith.constant 1 : i32
        %get3A_156 = arith.index_cast %get3A : i32 to index
        %get3A_157 = arith.index_cast %add3A_155 : i32 to index
        %get3A_158 = tpu.vector_load %arg5[%get3A_156, %get3A_157] {strides = array<i32>} : memref<4x4096xf32, #tpu.memory_space<vmem>>, vector<1x16xf32>,
        %get3A_159 = vector.shape_cast %get3A_158 : vector<1x16xf32> to vector<16xf32>
        %gather3A = vector.shape_cast %reshape3A : vector<16x1xi32> to vector<16xi32>
        %gather3A_160 = tpu.dynamic_gather %get3A_159[%gather3A] in [0] : vector<16xf32>, vector<16xi32> -> vector<16xf32>
        %eq3A = arith.cmpf oeq, %convert_element_type3A, %broadcast_in_dim3A_8 : vector<16xf32>
        %gt3A_161 = arith.cmpf ogt, %get3A_159, %gather3A_160 : vector<16xf32>
        %eq3A_162 = arith.cmpf oeq, %get3A_159, %gather3A_160 : vector<16xf32>
        %and3A_163 = arith.andi %eq3A, %eq3A_162 : vector<16xi1>
        %or3A = arith.ori %gt3A_161, %and3A_163 : vector<16xi1>
        %select_n3A = arith.select %or3A, %get3A_159, %broadcast_in_dim3A_8 : vector<16xi1>, vector<16xf32>
        %swap3A = arith.constant 1 : i32
        %swap3A_164 = arith.index_cast %swap3A : i32 to index
        %swap3A_165 = arith.index_cast %add3A_155 : i32 to index
        %swap3A_166 = tpu.vector_load %arg7[%swap3A_164, %swap3A_165] {strides = array<i32>} : memref<4x4096xf32, #tpu.memory_space<vmem>>, vector<1x16xf32>,
        %swap3A_167 = vector.shape_cast %swap3A_166 : vector<1x16xf32> to vector<16xf32>
        %swap3A_168 = vector.shape_cast %select_n3A : vector<16xf32> to vector<1x16xf32>
        tpu.vector_store %arg7[%swap3A_164, %swap3A_165], %swap3A_168 {strides = array<i32>} : memref<4x4096xf32, #tpu.memory_space<vmem>>, vector<1x16xf32>,
        %add3A_169 = arith.constant 16 : i32
        %add3A_170 = arith.addi %mul3A_153, %add3A_169 : i32
        %get3A_171 = arith.constant 1 : i32
        %get3A_172 = arith.index_cast %get3A_171 : i32 to index
        %get3A_173 = arith.index_cast %add3A_170 : i32 to index
        %get3A_174 = tpu.vector_load %arg5[%get3A_172, %get3A_173] {strides = array<i32>} : memref<4x4096xf32, #tpu.memory_space<vmem>>, vector<1x16xf32>,
        %get3A_175 = vector.shape_cast %get3A_174 : vector<1x16xf32> to vector<16xf32>
        %gather3A_176 = vector.shape_cast %reshape3A : vector<16x1xi32> to vector<16xi32>
        %gather3A_177 = tpu.dynamic_gather %get3A_175[%gather3A_176] in [0] : vector<16xf32>, vector<16xi32> -> vector<16xf32>
        %eq3A_178 = arith.cmpf oeq, %convert_element_type3A, %broadcast_in_dim3A_8 : vector<16xf32>
        %gt3A_179 = arith.cmpf ogt, %get3A_175, %gather3A_177 : vector<16xf32>
        %eq3A_180 = arith.cmpf oeq, %get3A_175, %gather3A_177 : vector<16xf32>
        %and3A_181 = arith.andi %eq3A_178, %eq3A_180 : vector<16xi1>
        %or3A_182 = arith.ori %gt3A_179, %and3A_181 : vector<16xi1>
        %select_n3A_183 = arith.select %or3A_182, %get3A_175, %broadcast_in_dim3A_8 : vector<16xi1>, vector<16xf32>
        %swap3A_184 = arith.constant 1 : i32
        %swap3A_185 = arith.index_cast %swap3A_184 : i32 to index
        %swap3A_186 = arith.index_cast %add3A_170 : i32 to index
        %swap3A_187 = tpu.vector_load %arg7[%swap3A_185, %swap3A_186] {strides = array<i32>} : memref<4x4096xf32, #tpu.memory_space<vmem>>, vector<1x16xf32>,
        %swap3A_188 = vector.shape_cast %swap3A_187 : vector<1x16xf32> to vector<16xf32>
        %swap3A_189 = vector.shape_cast %select_n3A_183 : vector<16xf32> to vector<1x16xf32>
        tpu.vector_store %arg7[%swap3A_185, %swap3A_186], %swap3A_189 {strides = array<i32>} : memref<4x4096xf32, #tpu.memory_space<vmem>>, vector<1x16xf32>,
        %add3A_190 = arith.constant 32 : i32
        %add3A_191 = arith.addi %mul3A_153, %add3A_190 : i32
        %get3A_192 = arith.constant 1 : i32
        %get3A_193 = arith.index_cast %get3A_192 : i32 to index
        %get3A_194 = arith.index_cast %add3A_191 : i32 to index
        %get3A_195 = tpu.vector_load %arg5[%get3A_193, %get3A_194] {strides = array<i32>} : memref<4x4096xf32, #tpu.memory_space<vmem>>, vector<1x16xf32>,
        %get3A_196 = vector.shape_cast %get3A_195 : vector<1x16xf32> to vector<16xf32>
        %gather3A_197 = vector.shape_cast %reshape3A : vector<16x1xi32> to vector<16xi32>
        %gather3A_198 = tpu.dynamic_gather %get3A_196[%gather3A_197] in [0] : vector<16xf32>, vector<16xi32> -> vector<16xf32>
        %eq3A_199 = arith.cmpf oeq, %convert_element_type3A, %broadcast_in_dim3A_8 : vector<16xf32>
        %gt3A_200 = arith.cmpf ogt, %get3A_196, %gather3A_198 : vector<16xf32>
        %eq3A_201 = arith.cmpf oeq, %get3A_196, %gather3A_198 : vector<16xf32>
        %and3A_202 = arith.andi %eq3A_199, %eq3A_201 : vector<16xi1>
        %or3A_203 = arith.ori %gt3A_200, %and3A_202 : vector<16xi1>
        %select_n3A_204 = arith.select %or3A_203, %get3A_196, %broadcast_in_dim3A_8 : vector<16xi1>, vector<16xf32>
        %swap3A_205 = arith.constant 1 : i32
        %swap3A_206 = arith.index_cast %swap3A_205 : i32 to index
        %swap3A_207 = arith.index_cast %add3A_191 : i32 to index
        %swap3A_208 = tpu.vector_load %arg7[%swap3A_206, %swap3A_207] {strides = array<i32>} : memref<4x4096xf32, #tpu.memory_space<vmem>>, vector<1x16xf32>,
        %swap3A_209 = vector.shape_cast %swap3A_208 : vector<1x16xf32> to vector<16xf32>
        %swap3A_210 = vector.shape_cast %select_n3A_204 : vector<16xf32> to vector<1x16xf32>
        tpu.vector_store %arg7[%swap3A_206, %swap3A_207], %swap3A_210 {strides = array<i32>} : memref<4x4096xf32, #tpu.memory_space<vmem>>, vector<1x16xf32>,
        %add3A_211 = arith.constant 48 : i32
        %add3A_212 = arith.addi %mul3A_153, %add3A_211 : i32
        %get3A_213 = arith.constant 1 : i32
        %get3A_214 = arith.index_cast %get3A_213 : i32 to index
        %get3A_215 = arith.index_cast %add3A_212 : i32 to index
        %get3A_216 = tpu.vector_load %arg5[%get3A_214, %get3A_215] {strides = array<i32>} : memref<4x4096xf32, #tpu.memory_space<vmem>>, vector<1x16xf32>,
        %get3A_217 = vector.shape_cast %get3A_216 : vector<1x16xf32> to vector<16xf32>
        %gather3A_218 = vector.shape_cast %reshape3A : vector<16x1xi32> to vector<16xi32>
        %gather3A_219 = tpu.dynamic_gather %get3A_217[%gather3A_218] in [0] : vector<16xf32>, vector<16xi32> -> vector<16xf32>
        %eq3A_220 = arith.cmpf oeq, %convert_element_type3A, %broadcast_in_dim3A_8 : vector<16xf32>
        %gt3A_221 = arith.cmpf ogt, %get3A_217, %gather3A_219 : vector<16xf32>
        %eq3A_222 = arith.cmpf oeq, %get3A_217, %gather3A_219 : vector<16xf32>
        %and3A_223 = arith.andi %eq3A_220, %eq3A_222 : vector<16xi1>
        %or3A_224 = arith.ori %gt3A_221, %and3A_223 : vector<16xi1>
        %select_n3A_225 = arith.select %or3A_224, %get3A_217, %broadcast_in_dim3A_8 : vector<16xi1>, vector<16xf32>
        %swap3A_226 = arith.constant 1 : i32
        %swap3A_227 = arith.index_cast %swap3A_226 : i32 to index
        %swap3A_228 = arith.index_cast %add3A_212 : i32 to index
        %swap3A_229 = tpu.vector_load %arg7[%swap3A_227, %swap3A_228] {strides = array<i32>} : memref<4x4096xf32, #tpu.memory_space<vmem>>, vector<1x16xf32>,
        %swap3A_230 = vector.shape_cast %swap3A_229 : vector<1x16xf32> to vector<16xf32>
        %swap3A_231 = vector.shape_cast %select_n3A_225 : vector<16xf32> to vector<1x16xf32>
        tpu.vector_store %arg7[%swap3A_227, %swap3A_228], %swap3A_231 {strides = array<i32>} : memref<4x4096xf32, #tpu.memory_space<vmem>>, vector<1x16xf32>,
        %add3A_232 = arith.constant 64 : i32
        %add3A_233 = arith.addi %mul3A_153, %add3A_232 : i32
        %get3A_234 = arith.constant 1 : i32
        %get3A_235 = arith.index_cast %get3A_234 : i32 to index
        %get3A_236 = arith.index_cast %add3A_233 : i32 to index
        %get3A_237 = tpu.vector_load %arg5[%get3A_235, %get3A_236] {strides = array<i32>} : memref<4x4096xf32, #tpu.memory_space<vmem>>, vector<1x16xf32>,
        %get3A_238 = vector.shape_cast %get3A_237 : vector<1x16xf32> to vector<16xf32>
        %gather3A_239 = vector.shape_cast %reshape3A : vector<16x1xi32> to vector<16xi32>
        %gather3A_240 = tpu.dynamic_gather %get3A_238[%gather3A_239] in [0] : vector<16xf32>, vector<16xi32> -> vector<16xf32>
        %eq3A_241 = arith.cmpf oeq, %convert_element_type3A, %broadcast_in_dim3A_8 : vector<16xf32>
        %gt3A_242 = arith.cmpf ogt, %get3A_238, %gather3A_240 : vector<16xf32>
        %eq3A_243 = arith.cmpf oeq, %get3A_238, %gather3A_240 : vector<16xf32>
        %and3A_244 = arith.andi %eq3A_241, %eq3A_243 : vector<16xi1>
        %or3A_245 = arith.ori %gt3A_242, %and3A_244 : vector<16xi1>
        %select_n3A_246 = arith.select %or3A_245, %get3A_238, %broadcast_in_dim3A_8 : vector<16xi1>, vector<16xf32>
        %swap3A_247 = arith.constant 1 : i32
        %swap3A_248 = arith.index_cast %swap3A_247 : i32 to index
        %swap3A_249 = arith.index_cast %add3A_233 : i32 to index
        %swap3A_250 = tpu.vector_load %arg7[%swap3A_248, %swap3A_249] {strides = array<i32>} : memref<4x4096xf32, #tpu.memory_space<vmem>>, vector<1x16xf32>,
        %swap3A_251 = vector.shape_cast %swap3A_250 : vector<1x16xf32> to vector<16xf32>
        %swap3A_252 = vector.shape_cast %select_n3A_246 : vector<16xf32> to vector<1x16xf32>
        tpu.vector_store %arg7[%swap3A_248, %swap3A_249], %swap3A_252 {strides = array<i32>} : memref<4x4096xf32, #tpu.memory_space<vmem>>, vector<1x16xf32>,
        %add3A_253 = arith.constant 80 : i32
        %add3A_254 = arith.addi %mul3A_153, %add3A_253 : i32
        %get3A_255 = arith.constant 1 : i32
        %get3A_256 = arith.index_cast %get3A_255 : i32 to index
        %get3A_257 = arith.index_cast %add3A_254 : i32 to index
        %get3A_258 = tpu.vector_load %arg5[%get3A_256, %get3A_257] {strides = array<i32>} : memref<4x4096xf32, #tpu.memory_space<vmem>>, vector<1x16xf32>,
        %get3A_259 = vector.shape_cast %get3A_258 : vector<1x16xf32> to vector<16xf32>
        %gather3A_260 = vector.shape_cast %reshape3A : vector<16x1xi32> to vector<16xi32>
        %gather3A_261 = tpu.dynamic_gather %get3A_259[%gather3A_260] in [0] : vector<16xf32>, vector<16xi32> -> vector<16xf32>
        %eq3A_262 = arith.cmpf oeq, %convert_element_type3A, %broadcast_in_dim3A_8 : vector<16xf32>
        %gt3A_263 = arith.cmpf ogt, %get3A_259, %gather3A_261 : vector<16xf32>
        %eq3A_264 = arith.cmpf oeq, %get3A_259, %gather3A_261 : vector<16xf32>
        %and3A_265 = arith.andi %eq3A_262, %eq3A_264 : vector<16xi1>
        %or3A_266 = arith.ori %gt3A_263, %and3A_265 : vector<16xi1>
        %select_n3A_267 = arith.select %or3A_266, %get3A_259, %broadcast_in_dim3A_8 : vector<16xi1>, vector<16xf32>
        %swap3A_268 = arith.constant 1 : i32
        %swap3A_269 = arith.index_cast %swap3A_268 : i32 to index
        %swap3A_270 = arith.index_cast %add3A_254 : i32 to index
        %swap3A_271 = tpu.vector_load %arg7[%swap3A_269, %swap3A_270] {strides = array<i32>} : memref<4x4096xf32, #tpu.memory_space<vmem>>, vector<1x16xf32>,
        %swap3A_272 = vector.shape_cast %swap3A_271 : vector<1x16xf32> to vector<16xf32>
        %swap3A_273 = vector.shape_cast %select_n3A_267 : vector<16xf32> to vector<1x16xf32>
        tpu.vector_store %arg7[%swap3A_269, %swap3A_270], %swap3A_273 {strides = array<i32>} : memref<4x4096xf32, #tpu.memory_space<vmem>>, vector<1x16xf32>,
        %add3A_274 = arith.constant 96 : i32
        %add3A_275 = arith.addi %mul3A_153, %add3A_274 : i32
        %get3A_276 = arith.constant 1 : i32
        %get3A_277 = arith.index_cast %get3A_276 : i32 to index
        %get3A_278 = arith.index_cast %add3A_275 : i32 to index
        %get3A_279 = tpu.vector_load %arg5[%get3A_277, %get3A_278] {strides = array<i32>} : memref<4x4096xf32, #tpu.memory_space<vmem>>, vector<1x16xf32>,
        %get3A_280 = vector.shape_cast %get3A_279 : vector<1x16xf32> to vector<16xf32>
        %gather3A_281 = vector.shape_cast %reshape3A : vector<16x1xi32> to vector<16xi32>
        %gather3A_282 = tpu.dynamic_gather %get3A_280[%gather3A_281] in [0] : vector<16xf32>, vector<16xi32> -> vector<16xf32>
        %eq3A_283 = arith.cmpf oeq, %convert_element_type3A, %broadcast_in_dim3A_8 : vector<16xf32>
        %gt3A_284 = arith.cmpf ogt, %get3A_280, %gather3A_282 : vector<16xf32>
        %eq3A_285 = arith.cmpf oeq, %get3A_280, %gather3A_282 : vector<16xf32>
        %and3A_286 = arith.andi %eq3A_283, %eq3A_285 : vector<16xi1>
        %or3A_287 = arith.ori %gt3A_284, %and3A_286 : vector<16xi1>
        %select_n3A_288 = arith.select %or3A_287, %get3A_280, %broadcast_in_dim3A_8 : vector<16xi1>, vector<16xf32>
        %swap3A_289 = arith.constant 1 : i32
        %swap3A_290 = arith.index_cast %swap3A_289 : i32 to index
        %swap3A_291 = arith.index_cast %add3A_275 : i32 to index
        %swap3A_292 = tpu.vector_load %arg7[%swap3A_290, %swap3A_291] {strides = array<i32>} : memref<4x4096xf32, #tpu.memory_space<vmem>>, vector<1x16xf32>,
        %swap3A_293 = vector.shape_cast %swap3A_292 : vector<1x16xf32> to vector<16xf32>
        %swap3A_294 = vector.shape_cast %select_n3A_288 : vector<16xf32> to vector<1x16xf32>
        tpu.vector_store %arg7[%swap3A_290, %swap3A_291], %swap3A_294 {strides = array<i32>} : memref<4x4096xf32, #tpu.memory_space<vmem>>, vector<1x16xf32>,
        %add3A_295 = arith.constant 112 : i32
        %add3A_296 = arith.addi %mul3A_153, %add3A_295 : i32
        %get3A_297 = arith.constant 1 : i32
        %get3A_298 = arith.index_cast %get3A_297 : i32 to index
        %get3A_299 = arith.index_cast %add3A_296 : i32 to index
        %get3A_300 = tpu.vector_load %arg5[%get3A_298, %get3A_299] {strides = array<i32>} : memref<4x4096xf32, #tpu.memory_space<vmem>>, vector<1x16xf32>,
        %get3A_301 = vector.shape_cast %get3A_300 : vector<1x16xf32> to vector<16xf32>
        %gather3A_302 = vector.shape_cast %reshape3A : vector<16x1xi32> to vector<16xi32>
        %gather3A_303 = tpu.dynamic_gather %get3A_301[%gather3A_302] in [0] : vector<16xf32>, vector<16xi32> -> vector<16xf32>
        %eq3A_304 = arith.cmpf oeq, %convert_element_type3A, %broadcast_in_dim3A_8 : vector<16xf32>
        %gt3A_305 = arith.cmpf ogt, %get3A_301, %gather3A_303 : vector<16xf32>
        %eq3A_306 = arith.cmpf oeq, %get3A_301, %gather3A_303 : vector<16xf32>
        %and3A_307 = arith.andi %eq3A_304, %eq3A_306 : vector<16xi1>
        %or3A_308 = arith.ori %gt3A_305, %and3A_307 : vector<16xi1>
        %select_n3A_309 = arith.select %or3A_308, %get3A_301, %broadcast_in_dim3A_8 : vector<16xi1>, vector<16xf32>
        %swap3A_310 = arith.constant 1 : i32
        %swap3A_311 = arith.index_cast %swap3A_310 : i32 to index
        %swap3A_312 = arith.index_cast %add3A_296 : i32 to index
        %swap3A_313 = tpu.vector_load %arg7[%swap3A_311, %swap3A_312] {strides = array<i32>} : memref<4x4096xf32, #tpu.memory_space<vmem>>, vector<1x16xf32>,
        %swap3A_314 = vector.shape_cast %swap3A_313 : vector<1x16xf32> to vector<16xf32>
        %swap3A_315 = vector.shape_cast %select_n3A_309 : vector<16xf32> to vector<1x16xf32>
        tpu.vector_store %arg7[%swap3A_311, %swap3A_312], %swap3A_315 {strides = array<i32>} : memref<4x4096xf32, #tpu.memory_space<vmem>>, vector<1x16xf32>,
        %add3A_316 = arith.constant 128 : i32
        %add3A_317 = arith.addi %mul3A_153, %add3A_316 : i32
        %get3A_318 = arith.constant 1 : i32
        %get3A_319 = arith.index_cast %get3A_318 : i32 to index
        %get3A_320 = arith.index_cast %add3A_317 : i32 to index
        %get3A_321 = tpu.vector_load %arg5[%get3A_319, %get3A_320] {strides = array<i32>} : memref<4x4096xf32, #tpu.memory_space<vmem>>, vector<1x16xf32>,
        %get3A_322 = vector.shape_cast %get3A_321 : vector<1x16xf32> to vector<16xf32>
        %gather3A_323 = vector.shape_cast %reshape3A : vector<16x1xi32> to vector<16xi32>
        %gather3A_324 = tpu.dynamic_gather %get3A_322[%gather3A_323] in [0] : vector<16xf32>, vector<16xi32> -> vector<16xf32>
        %eq3A_325 = arith.cmpf oeq, %convert_element_type3A, %broadcast_in_dim3A_8 : vector<16xf32>
        %gt3A_326 = arith.cmpf ogt, %get3A_322, %gather3A_324 : vector<16xf32>
        %eq3A_327 = arith.cmpf oeq, %get3A_322, %gather3A_324 : vector<16xf32>
        %and3A_328 = arith.andi %eq3A_325, %eq3A_327 : vector<16xi1>
        %or3A_329 = arith.ori %gt3A_326, %and3A_328 : vector<16xi1>
        %select_n3A_330 = arith.select %or3A_329, %get3A_322, %broadcast_in_dim3A_8 : vector<16xi1>, vector<16xf32>
        %swap3A_331 = arith.constant 1 : i32
        %swap3A_332 = arith.index_cast %swap3A_331 : i32 to index
        %swap3A_333 = arith.index_cast %add3A_317 : i32 to index
        %swap3A_334 = tpu.vector_load %arg7[%swap3A_332, %swap3A_333] {strides = array<i32>} : memref<4x4096xf32, #tpu.memory_space<vmem>>, vector<1x16xf32>,
        %swap3A_335 = vector.shape_cast %swap3A_334 : vector<1x16xf32> to vector<16xf32>
        %swap3A_336 = vector.shape_cast %select_n3A_330 : vector<16xf32> to vector<1x16xf32>
        tpu.vector_store %arg7[%swap3A_332, %swap3A_333], %swap3A_336 {strides = array<i32>} : memref<4x4096xf32, #tpu.memory_space<vmem>>, vector<1x16xf32>,
        %add3A_337 = arith.constant 144 : i32
        %add3A_338 = arith.addi %mul3A_153, %add3A_337 : i32
        %get3A_339 = arith.constant 1 : i32
        %get3A_340 = arith.index_cast %get3A_339 : i32 to index
        %get3A_341 = arith.index_cast %add3A_338 : i32 to index
        %get3A_342 = tpu.vector_load %arg5[%get3A_340, %get3A_341] {strides = array<i32>} : memref<4x4096xf32, #tpu.memory_space<vmem>>, vector<1x16xf32>,
        %get3A_343 = vector.shape_cast %get3A_342 : vector<1x16xf32> to vector<16xf32>
        %gather3A_344 = vector.shape_cast %reshape3A : vector<16x1xi32> to vector<16xi32>
        %gather3A_345 = tpu.dynamic_gather %get3A_343[%gather3A_344] in [0] : vector<16xf32>, vector<16xi32> -> vector<16xf32>
        %eq3A_346 = arith.cmpf oeq, %convert_element_type3A, %broadcast_in_dim3A_8 : vector<16xf32>
        %gt3A_347 = arith.cmpf ogt, %get3A_343, %gather3A_345 : vector<16xf32>
        %eq3A_348 = arith.cmpf oeq, %get3A_343, %gather3A_345 : vector<16xf32>
        %and3A_349 = arith.andi %eq3A_346, %eq3A_348 : vector<16xi1>
        %or3A_350 = arith.ori %gt3A_347, %and3A_349 : vector<16xi1>
        %select_n3A_351 = arith.select %or3A_350, %get3A_343, %broadcast_in_dim3A_8 : vector<16xi1>, vector<16xf32>
        %swap3A_352 = arith.constant 1 : i32
        %swap3A_353 = arith.index_cast %swap3A_352 : i32 to index
        %swap3A_354 = arith.index_cast %add3A_338 : i32 to index
        %swap3A_355 = tpu.vector_load %arg7[%swap3A_353, %swap3A_354] {strides = array<i32>} : memref<4x4096xf32, #tpu.memory_space<vmem>>, vector<1x16xf32>,
        %swap3A_356 = vector.shape_cast %swap3A_355 : vector<1x16xf32> to vector<16xf32>
        %swap3A_357 = vector.shape_cast %select_n3A_351 : vector<16xf32> to vector<1x16xf32>
        tpu.vector_store %arg7[%swap3A_353, %swap3A_354], %swap3A_357 {strides = array<i32>} : memref<4x4096xf32, #tpu.memory_space<vmem>>, vector<1x16xf32>,
        %add3A_358 = arith.constant 160 : i32
        %add3A_359 = arith.addi %mul3A_153, %add3A_358 : i32
        %get3A_360 = arith.constant 1 : i32
        %get3A_361 = arith.index_cast %get3A_360 : i32 to index
        %get3A_362 = arith.index_cast %add3A_359 : i32 to index
        %get3A_363 = tpu.vector_load %arg5[%get3A_361, %get3A_362] {strides = array<i32>} : memref<4x4096xf32, #tpu.memory_space<vmem>>, vector<1x16xf32>,
        %get3A_364 = vector.shape_cast %get3A_363 : vector<1x16xf32> to vector<16xf32>
        %gather3A_365 = vector.shape_cast %reshape3A : vector<16x1xi32> to vector<16xi32>
        %gather3A_366 = tpu.dynamic_gather %get3A_364[%gather3A_365] in [0] : vector<16xf32>, vector<16xi32> -> vector<16xf32>
        %eq3A_367 = arith.cmpf oeq, %convert_element_type3A, %broadcast_in_dim3A_8 : vector<16xf32>
        %gt3A_368 = arith.cmpf ogt, %get3A_364, %gather3A_366 : vector<16xf32>
        %eq3A_369 = arith.cmpf oeq, %get3A_364, %gather3A_366 : vector<16xf32>
        %and3A_370 = arith.andi %eq3A_367, %eq3A_369 : vector<16xi1>
        %or3A_371 = arith.ori %gt3A_368, %and3A_370 : vector<16xi1>
        %select_n3A_372 = arith.select %or3A_371, %get3A_364, %broadcast_in_dim3A_8 : vector<16xi1>, vector<16xf32>
        %swap3A_373 = arith.constant 1 : i32
        %swap3A_374 = arith.index_cast %swap3A_373 : i32 to index
        %swap3A_375 = arith.index_cast %add3A_359 : i32 to index
        %swap3A_376 = tpu.vector_load %arg7[%swap3A_374, %swap3A_375] {strides = array<i32>} : memref<4x4096xf32, #tpu.memory_space<vmem>>, vector<1x16xf32>,
        %swap3A_377 = vector.shape_cast %swap3A_376 : vector<1x16xf32> to vector<16xf32>
        %swap3A_378 = vector.shape_cast %select_n3A_372 : vector<16xf32> to vector<1x16xf32>
        tpu.vector_store %arg7[%swap3A_374, %swap3A_375], %swap3A_378 {strides = array<i32>} : memref<4x4096xf32, #tpu.memory_space<vmem>>, vector<1x16xf32>,
        %add3A_379 = arith.constant 176 : i32
        %add3A_380 = arith.addi %mul3A_153, %add3A_379 : i32
        %get3A_381 = arith.constant 1 : i32
        %get3A_382 = arith.index_cast %get3A_381 : i32 to index
        %get3A_383 = arith.index_cast %add3A_380 : i32 to index
        %get3A_384 = tpu.vector_load %arg5[%get3A_382, %get3A_383] {strides = array<i32>} : memref<4x4096xf32, #tpu.memory_space<vmem>>, vector<1x16xf32>,
        %get3A_385 = vector.shape_cast %get3A_384 : vector<1x16xf32> to vector<16xf32>
        %gather3A_386 = vector.shape_cast %reshape3A : vector<16x1xi32> to vector<16xi32>
        %gather3A_387 = tpu.dynamic_gather %get3A_385[%gather3A_386] in [0] : vector<16xf32>, vector<16xi32> -> vector<16xf32>
        %eq3A_388 = arith.cmpf oeq, %convert_element_type3A, %broadcast_in_dim3A_8 : vector<16xf32>
        %gt3A_389 = arith.cmpf ogt, %get3A_385, %gather3A_387 : vector<16xf32>
        %eq3A_390 = arith.cmpf oeq, %get3A_385, %gather3A_387 : vector<16xf32>
        %and3A_391 = arith.andi %eq3A_388, %eq3A_390 : vector<16xi1>
        %or3A_392 = arith.ori %gt3A_389, %and3A_391 : vector<16xi1>
        %select_n3A_393 = arith.select %or3A_392, %get3A_385, %broadcast_in_dim3A_8 : vector<16xi1>, vector<16xf32>
        %swap3A_394 = arith.constant 1 : i32
        %swap3A_395 = arith.index_cast %swap3A_394 : i32 to index
        %swap3A_396 = arith.index_cast %add3A_380 : i32 to index
        %swap3A_397 = tpu.vector_load %arg7[%swap3A_395, %swap3A_396] {strides = array<i32>} : memref<4x4096xf32, #tpu.memory_space<vmem>>, vector<1x16xf32>,
        %swap3A_398 = vector.shape_cast %swap3A_397 : vector<1x16xf32> to vector<16xf32>
        %swap3A_399 = vector.shape_cast %select_n3A_393 : vector<16xf32> to vector<1x16xf32>
        tpu.vector_store %arg7[%swap3A_395, %swap3A_396], %swap3A_399 {strides = array<i32>} : memref<4x4096xf32, #tpu.memory_space<vmem>>, vector<1x16xf32>,
        %add3A_400 = arith.constant 192 : i32
        %add3A_401 = arith.addi %mul3A_153, %add3A_400 : i32
        %get3A_402 = arith.constant 1 : i32
        %get3A_403 = arith.index_cast %get3A_402 : i32 to index
        %get3A_404 = arith.index_cast %add3A_401 : i32 to index
        %get3A_405 = tpu.vector_load %arg5[%get3A_403, %get3A_404] {strides = array<i32>} : memref<4x4096xf32, #tpu.memory_space<vmem>>, vector<1x16xf32>,
        %get3A_406 = vector.shape_cast %get3A_405 : vector<1x16xf32> to vector<16xf32>
        %gather3A_407 = vector.shape_cast %reshape3A : vector<16x1xi32> to vector<16xi32>
        %gather3A_408 = tpu.dynamic_gather %get3A_406[%gather3A_407] in [0] : vector<16xf32>, vector<16xi32> -> vector<16xf32>
        %eq3A_409 = arith.cmpf oeq, %convert_element_type3A, %broadcast_in_dim3A_8 : vector<16xf32>
        %gt3A_410 = arith.cmpf ogt, %get3A_406, %gather3A_408 : vector<16xf32>
        %eq3A_411 = arith.cmpf oeq, %get3A_406, %gather3A_408 : vector<16xf32>
        %and3A_412 = arith.andi %eq3A_409, %eq3A_411 : vector<16xi1>
        %or3A_413 = arith.ori %gt3A_410, %and3A_412 : vector<16xi1>
        %select_n3A_414 = arith.select %or3A_413, %get3A_406, %broadcast_in_dim3A_8 : vector<16xi1>, vector<16xf32>
        %swap3A_415 = arith.constant 1 : i32
        %swap3A_416 = arith.index_cast %swap3A_415 : i32 to index
        %swap3A_417 = arith.index_cast %add3A_401 : i32 to index
        %swap3A_418 = tpu.vector_load %arg7[%swap3A_416, %swap3A_417] {strides = array<i32>} : memref<4x4096xf32, #tpu.memory_space<vmem>>, vector<1x16xf32>,
        %swap3A_419 = vector.shape_cast %swap3A_418 : vector<1x16xf32> to vector<16xf32>
        %swap3A_420 = vector.shape_cast %select_n3A_414 : vector<16xf32> to vector<1x16xf32>
        tpu.vector_store %arg7[%swap3A_416, %swap3A_417], %swap3A_420 {strides = array<i32>} : memref<4x4096xf32, #tpu.memory_space<vmem>>, vector<1x16xf32>,
        %add3A_421 = arith.constant 208 : i32
        %add3A_422 = arith.addi %mul3A_153, %add3A_421 : i32
        %get3A_423 = arith.constant 1 : i32
        %get3A_424 = arith.index_cast %get3A_423 : i32 to index
        %get3A_425 = arith.index_cast %add3A_422 : i32 to index
        %get3A_426 = tpu.vector_load %arg5[%get3A_424, %get3A_425] {strides = array<i32>} : memref<4x4096xf32, #tpu.memory_space<vmem>>, vector<1x16xf32>,
        %get3A_427 = vector.shape_cast %get3A_426 : vector<1x16xf32> to vector<16xf32>
        %gather3A_428 = vector.shape_cast %reshape3A : vector<16x1xi32> to vector<16xi32>
        %gather3A_429 = tpu.dynamic_gather %get3A_427[%gather3A_428] in [0] : vector<16xf32>, vector<16xi32> -> vector<16xf32>
        %eq3A_430 = arith.cmpf oeq, %convert_element_type3A, %broadcast_in_dim3A_8 : vector<16xf32>
        %gt3A_431 = arith.cmpf ogt, %get3A_427, %gather3A_429 : vector<16xf32>
        %eq3A_432 = arith.cmpf oeq, %get3A_427, %gather3A_429 : vector<16xf32>
        %and3A_433 = arith.andi %eq3A_430, %eq3A_432 : vector<16xi1>
        %or3A_434 = arith.ori %gt3A_431, %and3A_433 : vector<16xi1>
        %select_n3A_435 = arith.select %or3A_434, %get3A_427, %broadcast_in_dim3A_8 : vector<16xi1>, vector<16xf32>
        %swap3A_436 = arith.constant 1 : i32
        %swap3A_437 = arith.index_cast %swap3A_436 : i32 to index
        %swap3A_438 = arith.index_cast %add3A_422 : i32 to index
        %swap3A_439 = tpu.vector_load %arg7[%swap3A_437, %swap3A_438] {strides = array<i32>} : memref<4x4096xf32, #tpu.memory_space<vmem>>, vector<1x16xf32>,
        %swap3A_440 = vector.shape_cast %swap3A_439 : vector<1x16xf32> to vector<16xf32>
        %swap3A_441 = vector.shape_cast %select_n3A_435 : vector<16xf32> to vector<1x16xf32>
        tpu.vector_store %arg7[%swap3A_437, %swap3A_438], %swap3A_441 {strides = array<i32>} : memref<4x4096xf32, #tpu.memory_space<vmem>>, vector<1x16xf32>,
        %add3A_442 = arith.constant 224 : i32
        %add3A_443 = arith.addi %mul3A_153, %add3A_442 : i32
        %get3A_444 = arith.constant 1 : i32
        %get3A_445 = arith.index_cast %get3A_444 : i32 to index
        %get3A_446 = arith.index_cast %add3A_443 : i32 to index
        %get3A_447 = tpu.vector_load %arg5[%get3A_445, %get3A_446] {strides = array<i32>} : memref<4x4096xf32, #tpu.memory_space<vmem>>, vector<1x16xf32>,
        %get3A_448 = vector.shape_cast %get3A_447 : vector<1x16xf32> to vector<16xf32>
        %gather3A_449 = vector.shape_cast %reshape3A : vector<16x1xi32> to vector<16xi32>
        %gather3A_450 = tpu.dynamic_gather %get3A_448[%gather3A_449] in [0] : vector<16xf32>, vector<16xi32> -> vector<16xf32>
        %eq3A_451 = arith.cmpf oeq, %convert_element_type3A, %broadcast_in_dim3A_8 : vector<16xf32>
        %gt3A_452 = arith.cmpf ogt, %get3A_448, %gather3A_450 : vector<16xf32>
        %eq3A_453 = arith.cmpf oeq, %get3A_448, %gather3A_450 : vector<16xf32>
        %and3A_454 = arith.andi %eq3A_451, %eq3A_453 : vector<16xi1>
        %or3A_455 = arith.ori %gt3A_452, %and3A_454 : vector<16xi1>
        %select_n3A_456 = arith.select %or3A_455, %get3A_448, %broadcast_in_dim3A_8 : vector<16xi1>, vector<16xf32>
        %swap3A_457 = arith.constant 1 : i32
        %swap3A_458 = arith.index_cast %swap3A_457 : i32 to index
        %swap3A_459 = arith.index_cast %add3A_443 : i32 to index
        %swap3A_460 = tpu.vector_load %arg7[%swap3A_458, %swap3A_459] {strides = array<i32>} : memref<4x4096xf32, #tpu.memory_space<vmem>>, vector<1x16xf32>,
        %swap3A_461 = vector.shape_cast %swap3A_460 : vector<1x16xf32> to vector<16xf32>
        %swap3A_462 = vector.shape_cast %select_n3A_456 : vector<16xf32> to vector<1x16xf32>
        tpu.vector_store %arg7[%swap3A_458, %swap3A_459], %swap3A_462 {strides = array<i32>} : memref<4x4096xf32, #tpu.memory_space<vmem>>, vector<1x16xf32>,
        %add3A_463 = arith.constant 240 : i32
        %add3A_464 = arith.addi %mul3A_153, %add3A_463 : i32
        %get3A_465 = arith.constant 1 : i32
        %get3A_466 = arith.index_cast %get3A_465 : i32 to index
        %get3A_467 = arith.index_cast %add3A_464 : i32 to index
        %get3A_468 = tpu.vector_load %arg5[%get3A_466, %get3A_467] {strides = array<i32>} : memref<4x4096xf32, #tpu.memory_space<vmem>>, vector<1x16xf32>,
        %get3A_469 = vector.shape_cast %get3A_468 : vector<1x16xf32> to vector<16xf32>
        %gather3A_470 = vector.shape_cast %reshape3A : vector<16x1xi32> to vector<16xi32>
        %gather3A_471 = tpu.dynamic_gather %get3A_469[%gather3A_470] in [0] : vector<16xf32>, vector<16xi32> -> vector<16xf32>
        %eq3A_472 = arith.cmpf oeq, %convert_element_type3A, %broadcast_in_dim3A_8 : vector<16xf32>
        %gt3A_473 = arith.cmpf ogt, %get3A_469, %gather3A_471 : vector<16xf32>
        %eq3A_474 = arith.cmpf oeq, %get3A_469, %gather3A_471 : vector<16xf32>
        %and3A_475 = arith.andi %eq3A_472, %eq3A_474 : vector<16xi1>
        %or3A_476 = arith.ori %gt3A_473, %and3A_475 : vector<16xi1>
        %select_n3A_477 = arith.select %or3A_476, %get3A_469, %broadcast_in_dim3A_8 : vector<16xi1>, vector<16xf32>
        %swap3A_478 = arith.constant 1 : i32
        %swap3A_479 = arith.index_cast %swap3A_478 : i32 to index
        %swap3A_480 = arith.index_cast %add3A_464 : i32 to index
        %swap3A_481 = tpu.vector_load %arg7[%swap3A_479, %swap3A_480] {strides = array<i32>} : memref<4x4096xf32, #tpu.memory_space<vmem>>, vector<1x16xf32>,
        %swap3A_482 = vector.shape_cast %swap3A_481 : vector<1x16xf32> to vector<16xf32>
        %swap3A_483 = vector.shape_cast %select_n3A_477 : vector<16xf32> to vector<1x16xf32>
        tpu.vector_store %arg7[%swap3A_479, %swap3A_480], %swap3A_483 {strides = array<i32>} : memref<4x4096xf32, #tpu.memory_space<vmem>>, vector<1x16xf32>,
        %scan3A_484 = arith.constant 0 : i32
        scf.yield %scan3A_484 : i32
      }
      %scan3A_121 = arith.constant 16 : i32
      %scan3A_122 = arith.constant 0 : i32
      %scan3A_123 = arith.constant 0 : i32
      %scan3A_124 = arith.constant 16 : i32
      %scan3A_125 = arith.addi %scan3A_123, %scan3A_124 : i32
      %scan3A_126 = arith.constant 1 : i32
      %scan3A_127 = scf.for %scan3A_150 = %scan3A_123 to %scan3A_125 step %scan3A_126 iter_args(%scan3A_151 = %scan3A_122) -> (i32)  : i32 {
        %mul3A_152 = arith.constant 256 : i32
        %mul3A_153 = arith.muli %scan3A_150, %mul3A_152 : i32
        %add3A_154 = arith.constant 0 : i32
        %add3A_155 = arith.addi %mul3A_153, %add3A_154 : i32
        %get3A = arith.constant 2 : i32
        %get3A_156 = arith.index_cast %get3A : i32 to index
        %get3A_157 = arith.index_cast %add3A_155 : i32 to index
        %get3A_158 = tpu.vector_load %arg5[%get3A_156, %get3A_157] {strides = array<i32>} : memref<4x4096xf32, #tpu.memory_space<vmem>>, vector<1x16xf32>,
        %get3A_159 = vector.shape_cast %get3A_158 : vector<1x16xf32> to vector<16xf32>
        %gather3A = vector.shape_cast %reshape3A : vector<16x1xi32> to vector<16xi32>
        %gather3A_160 = tpu.dynamic_gather %get3A_159[%gather3A] in [0] : vector<16xf32>, vector<16xi32> -> vector<16xf32>
        %eq3A = arith.cmpf oeq, %convert_element_type3A, %broadcast_in_dim3A_8 : vector<16xf32>
        %gt3A_161 = arith.cmpf ogt, %get3A_159, %gather3A_160 : vector<16xf32>
        %eq3A_162 = arith.cmpf oeq, %get3A_159, %gather3A_160 : vector<16xf32>
        %and3A_163 = arith.andi %eq3A, %eq3A_162 : vector<16xi1>
        %or3A = arith.ori %gt3A_161, %and3A_163 : vector<16xi1>
        %select_n3A = arith.select %or3A, %get3A_159, %broadcast_in_dim3A_8 : vector<16xi1>, vector<16xf32>
        %swap3A = arith.constant 2 : i32
        %swap3A_164 = arith.index_cast %swap3A : i32 to index
        %swap3A_165 = arith.index_cast %add3A_155 : i32 to index
        %swap3A_166 = tpu.vector_load %arg7[%swap3A_164, %swap3A_165] {strides = array<i32>} : memref<4x4096xf32, #tpu.memory_space<vmem>>, vector<1x16xf32>,
        %swap3A_167 = vector.shape_cast %swap3A_166 : vector<1x16xf32> to vector<16xf32>
        %swap3A_168 = vector.shape_cast %select_n3A : vector<16xf32> to vector<1x16xf32>
        tpu.vector_store %arg7[%swap3A_164, %swap3A_165], %swap3A_168 {strides = array<i32>} : memref<4x4096xf32, #tpu.memory_space<vmem>>, vector<1x16xf32>,
        %add3A_169 = arith.constant 16 : i32
        %add3A_170 = arith.addi %mul3A_153, %add3A_169 : i32
        %get3A_171 = arith.constant 2 : i32
        %get3A_172 = arith.index_cast %get3A_171 : i32 to index
        %get3A_173 = arith.index_cast %add3A_170 : i32 to index
        %get3A_174 = tpu.vector_load %arg5[%get3A_172, %get3A_173] {strides = array<i32>} : memref<4x4096xf32, #tpu.memory_space<vmem>>, vector<1x16xf32>,
        %get3A_175 = vector.shape_cast %get3A_174 : vector<1x16xf32> to vector<16xf32>
        %gather3A_176 = vector.shape_cast %reshape3A : vector<16x1xi32> to vector<16xi32>
        %gather3A_177 = tpu.dynamic_gather %get3A_175[%gather3A_176] in [0] : vector<16xf32>, vector<16xi32> -> vector<16xf32>
        %eq3A_178 = arith.cmpf oeq, %convert_element_type3A, %broadcast_in_dim3A_8 : vector<16xf32>
        %gt3A_179 = arith.cmpf ogt, %get3A_175, %gather3A_177 : vector<16xf32>
        %eq3A_180 = arith.cmpf oeq, %get3A_175, %gather3A_177 : vector<16xf32>
        %and3A_181 = arith.andi %eq3A_178, %eq3A_180 : vector<16xi1>
        %or3A_182 = arith.ori %gt3A_179, %and3A_181 : vector<16xi1>
        %select_n3A_183 = arith.select %or3A_182, %get3A_175, %broadcast_in_dim3A_8 : vector<16xi1>, vector<16xf32>
        %swap3A_184 = arith.constant 2 : i32
        %swap3A_185 = arith.index_cast %swap3A_184 : i32 to index
        %swap3A_186 = arith.index_cast %add3A_170 : i32 to index
        %swap3A_187 = tpu.vector_load %arg7[%swap3A_185, %swap3A_186] {strides = array<i32>} : memref<4x4096xf32, #tpu.memory_space<vmem>>, vector<1x16xf32>,
        %swap3A_188 = vector.shape_cast %swap3A_187 : vector<1x16xf32> to vector<16xf32>
        %swap3A_189 = vector.shape_cast %select_n3A_183 : vector<16xf32> to vector<1x16xf32>
        tpu.vector_store %arg7[%swap3A_185, %swap3A_186], %swap3A_189 {strides = array<i32>} : memref<4x4096xf32, #tpu.memory_space<vmem>>, vector<1x16xf32>,
        %add3A_190 = arith.constant 32 : i32
        %add3A_191 = arith.addi %mul3A_153, %add3A_190 : i32
        %get3A_192 = arith.constant 2 : i32
        %get3A_193 = arith.index_cast %get3A_192 : i32 to index
        %get3A_194 = arith.index_cast %add3A_191 : i32 to index
        %get3A_195 = tpu.vector_load %arg5[%get3A_193, %get3A_194] {strides = array<i32>} : memref<4x4096xf32, #tpu.memory_space<vmem>>, vector<1x16xf32>,
        %get3A_196 = vector.shape_cast %get3A_195 : vector<1x16xf32> to vector<16xf32>
        %gather3A_197 = vector.shape_cast %reshape3A : vector<16x1xi32> to vector<16xi32>
        %gather3A_198 = tpu.dynamic_gather %get3A_196[%gather3A_197] in [0] : vector<16xf32>, vector<16xi32> -> vector<16xf32>
        %eq3A_199 = arith.cmpf oeq, %convert_element_type3A, %broadcast_in_dim3A_8 : vector<16xf32>
        %gt3A_200 = arith.cmpf ogt, %get3A_196, %gather3A_198 : vector<16xf32>
        %eq3A_201 = arith.cmpf oeq, %get3A_196, %gather3A_198 : vector<16xf32>
        %and3A_202 = arith.andi %eq3A_199, %eq3A_201 : vector<16xi1>
        %or3A_203 = arith.ori %gt3A_200, %and3A_202 : vector<16xi1>
        %select_n3A_204 = arith.select %or3A_203, %get3A_196, %broadcast_in_dim3A_8 : vector<16xi1>, vector<16xf32>
        %swap3A_205 = arith.constant 2 : i32
        %swap3A_206 = arith.index_cast %swap3A_205 : i32 to index
        %swap3A_207 = arith.index_cast %add3A_191 : i32 to index
        %swap3A_208 = tpu.vector_load %arg7[%swap3A_206, %swap3A_207] {strides = array<i32>} : memref<4x4096xf32, #tpu.memory_space<vmem>>, vector<1x16xf32>,
        %swap3A_209 = vector.shape_cast %swap3A_208 : vector<1x16xf32> to vector<16xf32>
        %swap3A_210 = vector.shape_cast %select_n3A_204 : vector<16xf32> to vector<1x16xf32>
        tpu.vector_store %arg7[%swap3A_206, %swap3A_207], %swap3A_210 {strides = array<i32>} : memref<4x4096xf32, #tpu.memory_space<vmem>>, vector<1x16xf32>,
        %add3A_211 = arith.constant 48 : i32
        %add3A_212 = arith.addi %mul3A_153, %add3A_211 : i32
        %get3A_213 = arith.constant 2 : i32
        %get3A_214 = arith.index_cast %get3A_213 : i32 to index
        %get3A_215 = arith.index_cast %add3A_212 : i32 to index
        %get3A_216 = tpu.vector_load %arg5[%get3A_214, %get3A_215] {strides = array<i32>} : memref<4x4096xf32, #tpu.memory_space<vmem>>, vector<1x16xf32>,
        %get3A_217 = vector.shape_cast %get3A_216 : vector<1x16xf32> to vector<16xf32>
        %gather3A_218 = vector.shape_cast %reshape3A : vector<16x1xi32> to vector<16xi32>
        %gather3A_219 = tpu.dynamic_gather %get3A_217[%gather3A_218] in [0] : vector<16xf32>, vector<16xi32> -> vector<16xf32>
        %eq3A_220 = arith.cmpf oeq, %convert_element_type3A, %broadcast_in_dim3A_8 : vector<16xf32>
        %gt3A_221 = arith.cmpf ogt, %get3A_217, %gather3A_219 : vector<16xf32>
        %eq3A_222 = arith.cmpf oeq, %get3A_217, %gather3A_219 : vector<16xf32>
        %and3A_223 = arith.andi %eq3A_220, %eq3A_222 : vector<16xi1>
        %or3A_224 = arith.ori %gt3A_221, %and3A_223 : vector<16xi1>
        %select_n3A_225 = arith.select %or3A_224, %get3A_217, %broadcast_in_dim3A_8 : vector<16xi1>, vector<16xf32>
        %swap3A_226 = arith.constant 2 : i32
        %swap3A_227 = arith.index_cast %swap3A_226 : i32 to index
        %swap3A_228 = arith.index_cast %add3A_212 : i32 to index
        %swap3A_229 = tpu.vector_load %arg7[%swap3A_227, %swap3A_228] {strides = array<i32>} : memref<4x4096xf32, #tpu.memory_space<vmem>>, vector<1x16xf32>,
        %swap3A_230 = vector.shape_cast %swap3A_229 : vector<1x16xf32> to vector<16xf32>
        %swap3A_231 = vector.shape_cast %select_n3A_225 : vector<16xf32> to vector<1x16xf32>
        tpu.vector_store %arg7[%swap3A_227, %swap3A_228], %swap3A_231 {strides = array<i32>} : memref<4x4096xf32, #tpu.memory_space<vmem>>, vector<1x16xf32>,
        %add3A_232 = arith.constant 64 : i32
        %add3A_233 = arith.addi %mul3A_153, %add3A_232 : i32
        %get3A_234 = arith.constant 2 : i32
        %get3A_235 = arith.index_cast %get3A_234 : i32 to index
        %get3A_236 = arith.index_cast %add3A_233 : i32 to index
        %get3A_237 = tpu.vector_load %arg5[%get3A_235, %get3A_236] {strides = array<i32>} : memref<4x4096xf32, #tpu.memory_space<vmem>>, vector<1x16xf32>,
        %get3A_238 = vector.shape_cast %get3A_237 : vector<1x16xf32> to vector<16xf32>
        %gather3A_239 = vector.shape_cast %reshape3A : vector<16x1xi32> to vector<16xi32>
        %gather3A_240 = tpu.dynamic_gather %get3A_238[%gather3A_239] in [0] : vector<16xf32>, vector<16xi32> -> vector<16xf32>
        %eq3A_241 = arith.cmpf oeq, %convert_element_type3A, %broadcast_in_dim3A_8 : vector<16xf32>
        %gt3A_242 = arith.cmpf ogt, %get3A_238, %gather3A_240 : vector<16xf32>
        %eq3A_243 = arith.cmpf oeq, %get3A_238, %gather3A_240 : vector<16xf32>
        %and3A_244 = arith.andi %eq3A_241, %eq3A_243 : vector<16xi1>
        %or3A_245 = arith.ori %gt3A_242, %and3A_244 : vector<16xi1>
        %select_n3A_246 = arith.select %or3A_245, %get3A_238, %broadcast_in_dim3A_8 : vector<16xi1>, vector<16xf32>
        %swap3A_247 = arith.constant 2 : i32
        %swap3A_248 = arith.index_cast %swap3A_247 : i32 to index
        %swap3A_249 = arith.index_cast %add3A_233 : i32 to index
        %swap3A_250 = tpu.vector_load %arg7[%swap3A_248, %swap3A_249] {strides = array<i32>} : memref<4x4096xf32, #tpu.memory_space<vmem>>, vector<1x16xf32>,
        %swap3A_251 = vector.shape_cast %swap3A_250 : vector<1x16xf32> to vector<16xf32>
        %swap3A_252 = vector.shape_cast %select_n3A_246 : vector<16xf32> to vector<1x16xf32>
        tpu.vector_store %arg7[%swap3A_248, %swap3A_249], %swap3A_252 {strides = array<i32>} : memref<4x4096xf32, #tpu.memory_space<vmem>>, vector<1x16xf32>,
        %add3A_253 = arith.constant 80 : i32
        %add3A_254 = arith.addi %mul3A_153, %add3A_253 : i32
        %get3A_255 = arith.constant 2 : i32
        %get3A_256 = arith.index_cast %get3A_255 : i32 to index
        %get3A_257 = arith.index_cast %add3A_254 : i32 to index
        %get3A_258 = tpu.vector_load %arg5[%get3A_256, %get3A_257] {strides = array<i32>} : memref<4x4096xf32, #tpu.memory_space<vmem>>, vector<1x16xf32>,
        %get3A_259 = vector.shape_cast %get3A_258 : vector<1x16xf32> to vector<16xf32>
        %gather3A_260 = vector.shape_cast %reshape3A : vector<16x1xi32> to vector<16xi32>
        %gather3A_261 = tpu.dynamic_gather %get3A_259[%gather3A_260] in [0] : vector<16xf32>, vector<16xi32> -> vector<16xf32>
        %eq3A_262 = arith.cmpf oeq, %convert_element_type3A, %broadcast_in_dim3A_8 : vector<16xf32>
        %gt3A_263 = arith.cmpf ogt, %get3A_259, %gather3A_261 : vector<16xf32>
        %eq3A_264 = arith.cmpf oeq, %get3A_259, %gather3A_261 : vector<16xf32>
        %and3A_265 = arith.andi %eq3A_262, %eq3A_264 : vector<16xi1>
        %or3A_266 = arith.ori %gt3A_263, %and3A_265 : vector<16xi1>
        %select_n3A_267 = arith.select %or3A_266, %get3A_259, %broadcast_in_dim3A_8 : vector<16xi1>, vector<16xf32>
        %swap3A_268 = arith.constant 2 : i32
        %swap3A_269 = arith.index_cast %swap3A_268 : i32 to index
        %swap3A_270 = arith.index_cast %add3A_254 : i32 to index
        %swap3A_271 = tpu.vector_load %arg7[%swap3A_269, %swap3A_270] {strides = array<i32>} : memref<4x4096xf32, #tpu.memory_space<vmem>>, vector<1x16xf32>,
        %swap3A_272 = vector.shape_cast %swap3A_271 : vector<1x16xf32> to vector<16xf32>
        %swap3A_273 = vector.shape_cast %select_n3A_267 : vector<16xf32> to vector<1x16xf32>
        tpu.vector_store %arg7[%swap3A_269, %swap3A_270], %swap3A_273 {strides = array<i32>} : memref<4x4096xf32, #tpu.memory_space<vmem>>, vector<1x16xf32>,
        %add3A_274 = arith.constant 96 : i32
        %add3A_275 = arith.addi %mul3A_153, %add3A_274 : i32
        %get3A_276 = arith.constant 2 : i32
        %get3A_277 = arith.index_cast %get3A_276 : i32 to index
        %get3A_278 = arith.index_cast %add3A_275 : i32 to index
        %get3A_279 = tpu.vector_load %arg5[%get3A_277, %get3A_278] {strides = array<i32>} : memref<4x4096xf32, #tpu.memory_space<vmem>>, vector<1x16xf32>,
        %get3A_280 = vector.shape_cast %get3A_279 : vector<1x16xf32> to vector<16xf32>
        %gather3A_281 = vector.shape_cast %reshape3A : vector<16x1xi32> to vector<16xi32>
        %gather3A_282 = tpu.dynamic_gather %get3A_280[%gather3A_281] in [0] : vector<16xf32>, vector<16xi32> -> vector<16xf32>
        %eq3A_283 = arith.cmpf oeq, %convert_element_type3A, %broadcast_in_dim3A_8 : vector<16xf32>
        %gt3A_284 = arith.cmpf ogt, %get3A_280, %gather3A_282 : vector<16xf32>
        %eq3A_285 = arith.cmpf oeq, %get3A_280, %gather3A_282 : vector<16xf32>
        %and3A_286 = arith.andi %eq3A_283, %eq3A_285 : vector<16xi1>
        %or3A_287 = arith.ori %gt3A_284, %and3A_286 : vector<16xi1>
        %select_n3A_288 = arith.select %or3A_287, %get3A_280, %broadcast_in_dim3A_8 : vector<16xi1>, vector<16xf32>
        %swap3A_289 = arith.constant 2 : i32
        %swap3A_290 = arith.index_cast %swap3A_289 : i32 to index
        %swap3A_291 = arith.index_cast %add3A_275 : i32 to index
        %swap3A_292 = tpu.vector_load %arg7[%swap3A_290, %swap3A_291] {strides = array<i32>} : memref<4x4096xf32, #tpu.memory_space<vmem>>, vector<1x16xf32>,
        %swap3A_293 = vector.shape_cast %swap3A_292 : vector<1x16xf32> to vector<16xf32>
        %swap3A_294 = vector.shape_cast %select_n3A_288 : vector<16xf32> to vector<1x16xf32>
        tpu.vector_store %arg7[%swap3A_290, %swap3A_291], %swap3A_294 {strides = array<i32>} : memref<4x4096xf32, #tpu.memory_space<vmem>>, vector<1x16xf32>,
        %add3A_295 = arith.constant 112 : i32
        %add3A_296 = arith.addi %mul3A_153, %add3A_295 : i32
        %get3A_297 = arith.constant 2 : i32
        %get3A_298 = arith.index_cast %get3A_297 : i32 to index
        %get3A_299 = arith.index_cast %add3A_296 : i32 to index
        %get3A_300 = tpu.vector_load %arg5[%get3A_298, %get3A_299] {strides = array<i32>} : memref<4x4096xf32, #tpu.memory_space<vmem>>, vector<1x16xf32>,
        %get3A_301 = vector.shape_cast %get3A_300 : vector<1x16xf32> to vector<16xf32>
        %gather3A_302 = vector.shape_cast %reshape3A : vector<16x1xi32> to vector<16xi32>
        %gather3A_303 = tpu.dynamic_gather %get3A_301[%gather3A_302] in [0] : vector<16xf32>, vector<16xi32> -> vector<16xf32>
        %eq3A_304 = arith.cmpf oeq, %convert_element_type3A, %broadcast_in_dim3A_8 : vector<16xf32>
        %gt3A_305 = arith.cmpf ogt, %get3A_301, %gather3A_303 : vector<16xf32>
        %eq3A_306 = arith.cmpf oeq, %get3A_301, %gather3A_303 : vector<16xf32>
        %and3A_307 = arith.andi %eq3A_304, %eq3A_306 : vector<16xi1>
        %or3A_308 = arith.ori %gt3A_305, %and3A_307 : vector<16xi1>
        %select_n3A_309 = arith.select %or3A_308, %get3A_301, %broadcast_in_dim3A_8 : vector<16xi1>, vector<16xf32>
        %swap3A_310 = arith.constant 2 : i32
        %swap3A_311 = arith.index_cast %swap3A_310 : i32 to index
        %swap3A_312 = arith.index_cast %add3A_296 : i32 to index
        %swap3A_313 = tpu.vector_load %arg7[%swap3A_311, %swap3A_312] {strides = array<i32>} : memref<4x4096xf32, #tpu.memory_space<vmem>>, vector<1x16xf32>,
        %swap3A_314 = vector.shape_cast %swap3A_313 : vector<1x16xf32> to vector<16xf32>
        %swap3A_315 = vector.shape_cast %select_n3A_309 : vector<16xf32> to vector<1x16xf32>
        tpu.vector_store %arg7[%swap3A_311, %swap3A_312], %swap3A_315 {strides = array<i32>} : memref<4x4096xf32, #tpu.memory_space<vmem>>, vector<1x16xf32>,
        %add3A_316 = arith.constant 128 : i32
        %add3A_317 = arith.addi %mul3A_153, %add3A_316 : i32
        %get3A_318 = arith.constant 2 : i32
        %get3A_319 = arith.index_cast %get3A_318 : i32 to index
        %get3A_320 = arith.index_cast %add3A_317 : i32 to index
        %get3A_321 = tpu.vector_load %arg5[%get3A_319, %get3A_320] {strides = array<i32>} : memref<4x4096xf32, #tpu.memory_space<vmem>>, vector<1x16xf32>,
        %get3A_322 = vector.shape_cast %get3A_321 : vector<1x16xf32> to vector<16xf32>
        %gather3A_323 = vector.shape_cast %reshape3A : vector<16x1xi32> to vector<16xi32>
        %gather3A_324 = tpu.dynamic_gather %get3A_322[%gather3A_323] in [0] : vector<16xf32>, vector<16xi32> -> vector<16xf32>
        %eq3A_325 = arith.cmpf oeq, %convert_element_type3A, %broadcast_in_dim3A_8 : vector<16xf32>
        %gt3A_326 = arith.cmpf ogt, %get3A_322, %gather3A_324 : vector<16xf32>
        %eq3A_327 = arith.cmpf oeq, %get3A_322, %gather3A_324 : vector<16xf32>
        %and3A_328 = arith.andi %eq3A_325, %eq3A_327 : vector<16xi1>
        %or3A_329 = arith.ori %gt3A_326, %and3A_328 : vector<16xi1>
        %select_n3A_330 = arith.select %or3A_329, %get3A_322, %broadcast_in_dim3A_8 : vector<16xi1>, vector<16xf32>
        %swap3A_331 = arith.constant 2 : i32
        %swap3A_332 = arith.index_cast %swap3A_331 : i32 to index
        %swap3A_333 = arith.index_cast %add3A_317 : i32 to index
        %swap3A_334 = tpu.vector_load %arg7[%swap3A_332, %swap3A_333] {strides = array<i32>} : memref<4x4096xf32, #tpu.memory_space<vmem>>, vector<1x16xf32>,
        %swap3A_335 = vector.shape_cast %swap3A_334 : vector<1x16xf32> to vector<16xf32>
        %swap3A_336 = vector.shape_cast %select_n3A_330 : vector<16xf32> to vector<1x16xf32>
        tpu.vector_store %arg7[%swap3A_332, %swap3A_333], %swap3A_336 {strides = array<i32>} : memref<4x4096xf32, #tpu.memory_space<vmem>>, vector<1x16xf32>,
        %add3A_337 = arith.constant 144 : i32
        %add3A_338 = arith.addi %mul3A_153, %add3A_337 : i32
        %get3A_339 = arith.constant 2 : i32
        %get3A_340 = arith.index_cast %get3A_339 : i32 to index
        %get3A_341 = arith.index_cast %add3A_338 : i32 to index
        %get3A_342 = tpu.vector_load %arg5[%get3A_340, %get3A_341] {strides = array<i32>} : memref<4x4096xf32, #tpu.memory_space<vmem>>, vector<1x16xf32>,
        %get3A_343 = vector.shape_cast %get3A_342 : vector<1x16xf32> to vector<16xf32>
        %gather3A_344 = vector.shape_cast %reshape3A : vector<16x1xi32> to vector<16xi32>
        %gather3A_345 = tpu.dynamic_gather %get3A_343[%gather3A_344] in [0] : vector<16xf32>, vector<16xi32> -> vector<16xf32>
        %eq3A_346 = arith.cmpf oeq, %convert_element_type3A, %broadcast_in_dim3A_8 : vector<16xf32>
        %gt3A_347 = arith.cmpf ogt, %get3A_343, %gather3A_345 : vector<16xf32>
        %eq3A_348 = arith.cmpf oeq, %get3A_343, %gather3A_345 : vector<16xf32>
        %and3A_349 = arith.andi %eq3A_346, %eq3A_348 : vector<16xi1>
        %or3A_350 = arith.ori %gt3A_347, %and3A_349 : vector<16xi1>
        %select_n3A_351 = arith.select %or3A_350, %get3A_343, %broadcast_in_dim3A_8 : vector<16xi1>, vector<16xf32>
        %swap3A_352 = arith.constant 2 : i32
        %swap3A_353 = arith.index_cast %swap3A_352 : i32 to index
        %swap3A_354 = arith.index_cast %add3A_338 : i32 to index
        %swap3A_355 = tpu.vector_load %arg7[%swap3A_353, %swap3A_354] {strides = array<i32>} : memref<4x4096xf32, #tpu.memory_space<vmem>>, vector<1x16xf32>,
        %swap3A_356 = vector.shape_cast %swap3A_355 : vector<1x16xf32> to vector<16xf32>
        %swap3A_357 = vector.shape_cast %select_n3A_351 : vector<16xf32> to vector<1x16xf32>
        tpu.vector_store %arg7[%swap3A_353, %swap3A_354], %swap3A_357 {strides = array<i32>} : memref<4x4096xf32, #tpu.memory_space<vmem>>, vector<1x16xf32>,
        %add3A_358 = arith.constant 160 : i32
        %add3A_359 = arith.addi %mul3A_153, %add3A_358 : i32
        %get3A_360 = arith.constant 2 : i32
        %get3A_361 = arith.index_cast %get3A_360 : i32 to index
        %get3A_362 = arith.index_cast %add3A_359 : i32 to index
        %get3A_363 = tpu.vector_load %arg5[%get3A_361, %get3A_362] {strides = array<i32>} : memref<4x4096xf32, #tpu.memory_space<vmem>>, vector<1x16xf32>,
        %get3A_364 = vector.shape_cast %get3A_363 : vector<1x16xf32> to vector<16xf32>
        %gather3A_365 = vector.shape_cast %reshape3A : vector<16x1xi32> to vector<16xi32>
        %gather3A_366 = tpu.dynamic_gather %get3A_364[%gather3A_365] in [0] : vector<16xf32>, vector<16xi32> -> vector<16xf32>
        %eq3A_367 = arith.cmpf oeq, %convert_element_type3A, %broadcast_in_dim3A_8 : vector<16xf32>
        %gt3A_368 = arith.cmpf ogt, %get3A_364, %gather3A_366 : vector<16xf32>
        %eq3A_369 = arith.cmpf oeq, %get3A_364, %gather3A_366 : vector<16xf32>
        %and3A_370 = arith.andi %eq3A_367, %eq3A_369 : vector<16xi1>
        %or3A_371 = arith.ori %gt3A_368, %and3A_370 : vector<16xi1>
        %select_n3A_372 = arith.select %or3A_371, %get3A_364, %broadcast_in_dim3A_8 : vector<16xi1>, vector<16xf32>
        %swap3A_373 = arith.constant 2 : i32
        %swap3A_374 = arith.index_cast %swap3A_373 : i32 to index
        %swap3A_375 = arith.index_cast %add3A_359 : i32 to index
        %swap3A_376 = tpu.vector_load %arg7[%swap3A_374, %swap3A_375] {strides = array<i32>} : memref<4x4096xf32, #tpu.memory_space<vmem>>, vector<1x16xf32>,
        %swap3A_377 = vector.shape_cast %swap3A_376 : vector<1x16xf32> to vector<16xf32>
        %swap3A_378 = vector.shape_cast %select_n3A_372 : vector<16xf32> to vector<1x16xf32>
        tpu.vector_store %arg7[%swap3A_374, %swap3A_375], %swap3A_378 {strides = array<i32>} : memref<4x4096xf32, #tpu.memory_space<vmem>>, vector<1x16xf32>,
        %add3A_379 = arith.constant 176 : i32
        %add3A_380 = arith.addi %mul3A_153, %add3A_379 : i32
        %get3A_381 = arith.constant 2 : i32
        %get3A_382 = arith.index_cast %get3A_381 : i32 to index
        %get3A_383 = arith.index_cast %add3A_380 : i32 to index
        %get3A_384 = tpu.vector_load %arg5[%get3A_382, %get3A_383] {strides = array<i32>} : memref<4x4096xf32, #tpu.memory_space<vmem>>, vector<1x16xf32>,
        %get3A_385 = vector.shape_cast %get3A_384 : vector<1x16xf32> to vector<16xf32>
        %gather3A_386 = vector.shape_cast %reshape3A : vector<16x1xi32> to vector<16xi32>
        %gather3A_387 = tpu.dynamic_gather %get3A_385[%gather3A_386] in [0] : vector<16xf32>, vector<16xi32> -> vector<16xf32>
        %eq3A_388 = arith.cmpf oeq, %convert_element_type3A, %broadcast_in_dim3A_8 : vector<16xf32>
        %gt3A_389 = arith.cmpf ogt, %get3A_385, %gather3A_387 : vector<16xf32>
        %eq3A_390 = arith.cmpf oeq, %get3A_385, %gather3A_387 : vector<16xf32>
        %and3A_391 = arith.andi %eq3A_388, %eq3A_390 : vector<16xi1>
        %or3A_392 = arith.ori %gt3A_389, %and3A_391 : vector<16xi1>
        %select_n3A_393 = arith.select %or3A_392, %get3A_385, %broadcast_in_dim3A_8 : vector<16xi1>, vector<16xf32>
        %swap3A_394 = arith.constant 2 : i32
        %swap3A_395 = arith.index_cast %swap3A_394 : i32 to index
        %swap3A_396 = arith.index_cast %add3A_380 : i32 to index
        %swap3A_397 = tpu.vector_load %arg7[%swap3A_395, %swap3A_396] {strides = array<i32>} : memref<4x4096xf32, #tpu.memory_space<vmem>>, vector<1x16xf32>,
        %swap3A_398 = vector.shape_cast %swap3A_397 : vector<1x16xf32> to vector<16xf32>
        %swap3A_399 = vector.shape_cast %select_n3A_393 : vector<16xf32> to vector<1x16xf32>
        tpu.vector_store %arg7[%swap3A_395, %swap3A_396], %swap3A_399 {strides = array<i32>} : memref<4x4096xf32, #tpu.memory_space<vmem>>, vector<1x16xf32>,
        %add3A_400 = arith.constant 192 : i32
        %add3A_401 = arith.addi %mul3A_153, %add3A_400 : i32
        %get3A_402 = arith.constant 2 : i32
        %get3A_403 = arith.index_cast %get3A_402 : i32 to index
        %get3A_404 = arith.index_cast %add3A_401 : i32 to index
        %get3A_405 = tpu.vector_load %arg5[%get3A_403, %get3A_404] {strides = array<i32>} : memref<4x4096xf32, #tpu.memory_space<vmem>>, vector<1x16xf32>,
        %get3A_406 = vector.shape_cast %get3A_405 : vector<1x16xf32> to vector<16xf32>
        %gather3A_407 = vector.shape_cast %reshape3A : vector<16x1xi32> to vector<16xi32>
        %gather3A_408 = tpu.dynamic_gather %get3A_406[%gather3A_407] in [0] : vector<16xf32>, vector<16xi32> -> vector<16xf32>
        %eq3A_409 = arith.cmpf oeq, %convert_element_type3A, %broadcast_in_dim3A_8 : vector<16xf32>
        %gt3A_410 = arith.cmpf ogt, %get3A_406, %gather3A_408 : vector<16xf32>
        %eq3A_411 = arith.cmpf oeq, %get3A_406, %gather3A_408 : vector<16xf32>
        %and3A_412 = arith.andi %eq3A_409, %eq3A_411 : vector<16xi1>
        %or3A_413 = arith.ori %gt3A_410, %and3A_412 : vector<16xi1>
        %select_n3A_414 = arith.select %or3A_413, %get3A_406, %broadcast_in_dim3A_8 : vector<16xi1>, vector<16xf32>
        %swap3A_415 = arith.constant 2 : i32
        %swap3A_416 = arith.index_cast %swap3A_415 : i32 to index
        %swap3A_417 = arith.index_cast %add3A_401 : i32 to index
        %swap3A_418 = tpu.vector_load %arg7[%swap3A_416, %swap3A_417] {strides = array<i32>} : memref<4x4096xf32, #tpu.memory_space<vmem>>, vector<1x16xf32>,
        %swap3A_419 = vector.shape_cast %swap3A_418 : vector<1x16xf32> to vector<16xf32>
        %swap3A_420 = vector.shape_cast %select_n3A_414 : vector<16xf32> to vector<1x16xf32>
        tpu.vector_store %arg7[%swap3A_416, %swap3A_417], %swap3A_420 {strides = array<i32>} : memref<4x4096xf32, #tpu.memory_space<vmem>>, vector<1x16xf32>,
        %add3A_421 = arith.constant 208 : i32
        %add3A_422 = arith.addi %mul3A_153, %add3A_421 : i32
        %get3A_423 = arith.constant 2 : i32
        %get3A_424 = arith.index_cast %get3A_423 : i32 to index
        %get3A_425 = arith.index_cast %add3A_422 : i32 to index
        %get3A_426 = tpu.vector_load %arg5[%get3A_424, %get3A_425] {strides = array<i32>} : memref<4x4096xf32, #tpu.memory_space<vmem>>, vector<1x16xf32>,
        %get3A_427 = vector.shape_cast %get3A_426 : vector<1x16xf32> to vector<16xf32>
        %gather3A_428 = vector.shape_cast %reshape3A : vector<16x1xi32> to vector<16xi32>
        %gather3A_429 = tpu.dynamic_gather %get3A_427[%gather3A_428] in [0] : vector<16xf32>, vector<16xi32> -> vector<16xf32>
        %eq3A_430 = arith.cmpf oeq, %convert_element_type3A, %broadcast_in_dim3A_8 : vector<16xf32>
        %gt3A_431 = arith.cmpf ogt, %get3A_427, %gather3A_429 : vector<16xf32>
        %eq3A_432 = arith.cmpf oeq, %get3A_427, %gather3A_429 : vector<16xf32>
        %and3A_433 = arith.andi %eq3A_430, %eq3A_432 : vector<16xi1>
        %or3A_434 = arith.ori %gt3A_431, %and3A_433 : vector<16xi1>
        %select_n3A_435 = arith.select %or3A_434, %get3A_427, %broadcast_in_dim3A_8 : vector<16xi1>, vector<16xf32>
        %swap3A_436 = arith.constant 2 : i32
        %swap3A_437 = arith.index_cast %swap3A_436 : i32 to index
        %swap3A_438 = arith.index_cast %add3A_422 : i32 to index
        %swap3A_439 = tpu.vector_load %arg7[%swap3A_437, %swap3A_438] {strides = array<i32>} : memref<4x4096xf32, #tpu.memory_space<vmem>>, vector<1x16xf32>,
        %swap3A_440 = vector.shape_cast %swap3A_439 : vector<1x16xf32> to vector<16xf32>
        %swap3A_441 = vector.shape_cast %select_n3A_435 : vector<16xf32> to vector<1x16xf32>
        tpu.vector_store %arg7[%swap3A_437, %swap3A_438], %swap3A_441 {strides = array<i32>} : memref<4x4096xf32, #tpu.memory_space<vmem>>, vector<1x16xf32>,
        %add3A_442 = arith.constant 224 : i32
        %add3A_443 = arith.addi %mul3A_153, %add3A_442 : i32
        %get3A_444 = arith.constant 2 : i32
        %get3A_445 = arith.index_cast %get3A_444 : i32 to index
        %get3A_446 = arith.index_cast %add3A_443 : i32 to index
        %get3A_447 = tpu.vector_load %arg5[%get3A_445, %get3A_446] {strides = array<i32>} : memref<4x4096xf32, #tpu.memory_space<vmem>>, vector<1x16xf32>,
        %get3A_448 = vector.shape_cast %get3A_447 : vector<1x16xf32> to vector<16xf32>
        %gather3A_449 = vector.shape_cast %reshape3A : vector<16x1xi32> to vector<16xi32>
        %gather3A_450 = tpu.dynamic_gather %get3A_448[%gather3A_449] in [0] : vector<16xf32>, vector<16xi32> -> vector<16xf32>
        %eq3A_451 = arith.cmpf oeq, %convert_element_type3A, %broadcast_in_dim3A_8 : vector<16xf32>
        %gt3A_452 = arith.cmpf ogt, %get3A_448, %gather3A_450 : vector<16xf32>
        %eq3A_453 = arith.cmpf oeq, %get3A_448, %gather3A_450 : vector<16xf32>
        %and3A_454 = arith.andi %eq3A_451, %eq3A_453 : vector<16xi1>
        %or3A_455 = arith.ori %gt3A_452, %and3A_454 : vector<16xi1>
        %select_n3A_456 = arith.select %or3A_455, %get3A_448, %broadcast_in_dim3A_8 : vector<16xi1>, vector<16xf32>
        %swap3A_457 = arith.constant 2 : i32
        %swap3A_458 = arith.index_cast %swap3A_457 : i32 to index
        %swap3A_459 = arith.index_cast %add3A_443 : i32 to index
        %swap3A_460 = tpu.vector_load %arg7[%swap3A_458, %swap3A_459] {strides = array<i32>} : memref<4x4096xf32, #tpu.memory_space<vmem>>, vector<1x16xf32>,
        %swap3A_461 = vector.shape_cast %swap3A_460 : vector<1x16xf32> to vector<16xf32>
        %swap3A_462 = vector.shape_cast %select_n3A_456 : vector<16xf32> to vector<1x16xf32>
        tpu.vector_store %arg7[%swap3A_458, %swap3A_459], %swap3A_462 {strides = array<i32>} : memref<4x4096xf32, #tpu.memory_space<vmem>>, vector<1x16xf32>,
        %add3A_463 = arith.constant 240 : i32
        %add3A_464 = arith.addi %mul3A_153, %add3A_463 : i32
        %get3A_465 = arith.constant 2 : i32
        %get3A_466 = arith.index_cast %get3A_465 : i32 to index
        %get3A_467 = arith.index_cast %add3A_464 : i32 to index
        %get3A_468 = tpu.vector_load %arg5[%get3A_466, %get3A_467] {strides = array<i32>} : memref<4x4096xf32, #tpu.memory_space<vmem>>, vector<1x16xf32>,
        %get3A_469 = vector.shape_cast %get3A_468 : vector<1x16xf32> to vector<16xf32>
        %gather3A_470 = vector.shape_cast %reshape3A : vector<16x1xi32> to vector<16xi32>
        %gather3A_471 = tpu.dynamic_gather %get3A_469[%gather3A_470] in [0] : vector<16xf32>, vector<16xi32> -> vector<16xf32>
        %eq3A_472 = arith.cmpf oeq, %convert_element_type3A, %broadcast_in_dim3A_8 : vector<16xf32>
        %gt3A_473 = arith.cmpf ogt, %get3A_469, %gather3A_471 : vector<16xf32>
        %eq3A_474 = arith.cmpf oeq, %get3A_469, %gather3A_471 : vector<16xf32>
        %and3A_475 = arith.andi %eq3A_472, %eq3A_474 : vector<16xi1>
        %or3A_476 = arith.ori %gt3A_473, %and3A_475 : vector<16xi1>
        %select_n3A_477 = arith.select %or3A_476, %get3A_469, %broadcast_in_dim3A_8 : vector<16xi1>, vector<16xf32>
        %swap3A_478 = arith.constant 2 : i32
        %swap3A_479 = arith.index_cast %swap3A_478 : i32 to index
        %swap3A_480 = arith.index_cast %add3A_464 : i32 to index
        %swap3A_481 = tpu.vector_load %arg7[%swap3A_479, %swap3A_480] {strides = array<i32>} : memref<4x4096xf32, #tpu.memory_space<vmem>>, vector<1x16xf32>,
        %swap3A_482 = vector.shape_cast %swap3A_481 : vector<1x16xf32> to vector<16xf32>
        %swap3A_483 = vector.shape_cast %select_n3A_477 : vector<16xf32> to vector<1x16xf32>
        tpu.vector_store %arg7[%swap3A_479, %swap3A_480], %swap3A_483 {strides = array<i32>} : memref<4x4096xf32, #tpu.memory_space<vmem>>, vector<1x16xf32>,
        %scan3A_484 = arith.constant 0 : i32
        scf.yield %scan3A_484 : i32
      }
      %scan3A_128 = arith.constant 16 : i32
      %scan3A_129 = arith.constant 0 : i32
      %scan3A_130 = arith.constant 0 : i32
      %scan3A_131 = arith.constant 16 : i32
      %scan3A_132 = arith.addi %scan3A_130, %scan3A_131 : i32
      %scan3A_133 = arith.constant 1 : i32
      %scan3A_134 = scf.for %scan3A_150 = %scan3A_130 to %scan3A_132 step %scan3A_133 iter_args(%scan3A_151 = %scan3A_129) -> (i32)  : i32 {
        %mul3A_152 = arith.constant 256 : i32
        %mul3A_153 = arith.muli %scan3A_150, %mul3A_152 : i32
        %add3A_154 = arith.constant 0 : i32
        %add3A_155 = arith.addi %mul3A_153, %add3A_154 : i32
        %get3A = arith.constant 3 : i32
        %get3A_156 = arith.index_cast %get3A : i32 to index
        %get3A_157 = arith.index_cast %add3A_155 : i32 to index
        %get3A_158 = tpu.vector_load %arg5[%get3A_156, %get3A_157] {strides = array<i32>} : memref<4x4096xf32, #tpu.memory_space<vmem>>, vector<1x16xf32>,
        %get3A_159 = vector.shape_cast %get3A_158 : vector<1x16xf32> to vector<16xf32>
        %gather3A = vector.shape_cast %reshape3A : vector<16x1xi32> to vector<16xi32>
        %gather3A_160 = tpu.dynamic_gather %get3A_159[%gather3A] in [0] : vector<16xf32>, vector<16xi32> -> vector<16xf32>
        %eq3A = arith.cmpf oeq, %convert_element_type3A, %broadcast_in_dim3A_8 : vector<16xf32>
        %gt3A_161 = arith.cmpf ogt, %get3A_159, %gather3A_160 : vector<16xf32>
        %eq3A_162 = arith.cmpf oeq, %get3A_159, %gather3A_160 : vector<16xf32>
        %and3A_163 = arith.andi %eq3A, %eq3A_162 : vector<16xi1>
        %or3A = arith.ori %gt3A_161, %and3A_163 : vector<16xi1>
        %select_n3A = arith.select %or3A, %get3A_159, %broadcast_in_dim3A_8 : vector<16xi1>, vector<16xf32>
        %swap3A = arith.constant 3 : i32
        %swap3A_164 = arith.index_cast %swap3A : i32 to index
        %swap3A_165 = arith.index_cast %add3A_155 : i32 to index
        %swap3A_166 = tpu.vector_load %arg7[%swap3A_164, %swap3A_165] {strides = array<i32>} : memref<4x4096xf32, #tpu.memory_space<vmem>>, vector<1x16xf32>,
        %swap3A_167 = vector.shape_cast %swap3A_166 : vector<1x16xf32> to vector<16xf32>
        %swap3A_168 = vector.shape_cast %select_n3A : vector<16xf32> to vector<1x16xf32>
        tpu.vector_store %arg7[%swap3A_164, %swap3A_165], %swap3A_168 {strides = array<i32>} : memref<4x4096xf32, #tpu.memory_space<vmem>>, vector<1x16xf32>,
        %add3A_169 = arith.constant 16 : i32
        %add3A_170 = arith.addi %mul3A_153, %add3A_169 : i32
        %get3A_171 = arith.constant 3 : i32
        %get3A_172 = arith.index_cast %get3A_171 : i32 to index
        %get3A_173 = arith.index_cast %add3A_170 : i32 to index
        %get3A_174 = tpu.vector_load %arg5[%get3A_172, %get3A_173] {strides = array<i32>} : memref<4x4096xf32, #tpu.memory_space<vmem>>, vector<1x16xf32>,
        %get3A_175 = vector.shape_cast %get3A_174 : vector<1x16xf32> to vector<16xf32>
        %gather3A_176 = vector.shape_cast %reshape3A : vector<16x1xi32> to vector<16xi32>
        %gather3A_177 = tpu.dynamic_gather %get3A_175[%gather3A_176] in [0] : vector<16xf32>, vector<16xi32> -> vector<16xf32>
        %eq3A_178 = arith.cmpf oeq, %convert_element_type3A, %broadcast_in_dim3A_8 : vector<16xf32>
        %gt3A_179 = arith.cmpf ogt, %get3A_175, %gather3A_177 : vector<16xf32>
        %eq3A_180 = arith.cmpf oeq, %get3A_175, %gather3A_177 : vector<16xf32>
        %and3A_181 = arith.andi %eq3A_178, %eq3A_180 : vector<16xi1>
        %or3A_182 = arith.ori %gt3A_179, %and3A_181 : vector<16xi1>
        %select_n3A_183 = arith.select %or3A_182, %get3A_175, %broadcast_in_dim3A_8 : vector<16xi1>, vector<16xf32>
        %swap3A_184 = arith.constant 3 : i32
        %swap3A_185 = arith.index_cast %swap3A_184 : i32 to index
        %swap3A_186 = arith.index_cast %add3A_170 : i32 to index
        %swap3A_187 = tpu.vector_load %arg7[%swap3A_185, %swap3A_186] {strides = array<i32>} : memref<4x4096xf32, #tpu.memory_space<vmem>>, vector<1x16xf32>,
        %swap3A_188 = vector.shape_cast %swap3A_187 : vector<1x16xf32> to vector<16xf32>
        %swap3A_189 = vector.shape_cast %select_n3A_183 : vector<16xf32> to vector<1x16xf32>
        tpu.vector_store %arg7[%swap3A_185, %swap3A_186], %swap3A_189 {strides = array<i32>} : memref<4x4096xf32, #tpu.memory_space<vmem>>, vector<1x16xf32>,
        %add3A_190 = arith.constant 32 : i32
        %add3A_191 = arith.addi %mul3A_153, %add3A_190 : i32
        %get3A_192 = arith.constant 3 : i32
        %get3A_193 = arith.index_cast %get3A_192 : i32 to index
        %get3A_194 = arith.index_cast %add3A_191 : i32 to index
        %get3A_195 = tpu.vector_load %arg5[%get3A_193, %get3A_194] {strides = array<i32>} : memref<4x4096xf32, #tpu.memory_space<vmem>>, vector<1x16xf32>,
        %get3A_196 = vector.shape_cast %get3A_195 : vector<1x16xf32> to vector<16xf32>
        %gather3A_197 = vector.shape_cast %reshape3A : vector<16x1xi32> to vector<16xi32>
        %gather3A_198 = tpu.dynamic_gather %get3A_196[%gather3A_197] in [0] : vector<16xf32>, vector<16xi32> -> vector<16xf32>
        %eq3A_199 = arith.cmpf oeq, %convert_element_type3A, %broadcast_in_dim3A_8 : vector<16xf32>
        %gt3A_200 = arith.cmpf ogt, %get3A_196, %gather3A_198 : vector<16xf32>
        %eq3A_201 = arith.cmpf oeq, %get3A_196, %gather3A_198 : vector<16xf32>
        %and3A_202 = arith.andi %eq3A_199, %eq3A_201 : vector<16xi1>
        %or3A_203 = arith.ori %gt3A_200, %and3A_202 : vector<16xi1>
        %select_n3A_204 = arith.select %or3A_203, %get3A_196, %broadcast_in_dim3A_8 : vector<16xi1>, vector<16xf32>
        %swap3A_205 = arith.constant 3 : i32
        %swap3A_206 = arith.index_cast %swap3A_205 : i32 to index
        %swap3A_207 = arith.index_cast %add3A_191 : i32 to index
        %swap3A_208 = tpu.vector_load %arg7[%swap3A_206, %swap3A_207] {strides = array<i32>} : memref<4x4096xf32, #tpu.memory_space<vmem>>, vector<1x16xf32>,
        %swap3A_209 = vector.shape_cast %swap3A_208 : vector<1x16xf32> to vector<16xf32>
        %swap3A_210 = vector.shape_cast %select_n3A_204 : vector<16xf32> to vector<1x16xf32>
        tpu.vector_store %arg7[%swap3A_206, %swap3A_207], %swap3A_210 {strides = array<i32>} : memref<4x4096xf32, #tpu.memory_space<vmem>>, vector<1x16xf32>,
        %add3A_211 = arith.constant 48 : i32
        %add3A_212 = arith.addi %mul3A_153, %add3A_211 : i32
        %get3A_213 = arith.constant 3 : i32
        %get3A_214 = arith.index_cast %get3A_213 : i32 to index
        %get3A_215 = arith.index_cast %add3A_212 : i32 to index
        %get3A_216 = tpu.vector_load %arg5[%get3A_214, %get3A_215] {strides = array<i32>} : memref<4x4096xf32, #tpu.memory_space<vmem>>, vector<1x16xf32>,
        %get3A_217 = vector.shape_cast %get3A_216 : vector<1x16xf32> to vector<16xf32>
        %gather3A_218 = vector.shape_cast %reshape3A : vector<16x1xi32> to vector<16xi32>
        %gather3A_219 = tpu.dynamic_gather %get3A_217[%gather3A_218] in [0] : vector<16xf32>, vector<16xi32> -> vector<16xf32>
        %eq3A_220 = arith.cmpf oeq, %convert_element_type3A, %broadcast_in_dim3A_8 : vector<16xf32>
        %gt3A_221 = arith.cmpf ogt, %get3A_217, %gather3A_219 : vector<16xf32>
        %eq3A_222 = arith.cmpf oeq, %get3A_217, %gather3A_219 : vector<16xf32>
        %and3A_223 = arith.andi %eq3A_220, %eq3A_222 : vector<16xi1>
        %or3A_224 = arith.ori %gt3A_221, %and3A_223 : vector<16xi1>
        %select_n3A_225 = arith.select %or3A_224, %get3A_217, %broadcast_in_dim3A_8 : vector<16xi1>, vector<16xf32>
        %swap3A_226 = arith.constant 3 : i32
        %swap3A_227 = arith.index_cast %swap3A_226 : i32 to index
        %swap3A_228 = arith.index_cast %add3A_212 : i32 to index
        %swap3A_229 = tpu.vector_load %arg7[%swap3A_227, %swap3A_228] {strides = array<i32>} : memref<4x4096xf32, #tpu.memory_space<vmem>>, vector<1x16xf32>,
        %swap3A_230 = vector.shape_cast %swap3A_229 : vector<1x16xf32> to vector<16xf32>
        %swap3A_231 = vector.shape_cast %select_n3A_225 : vector<16xf32> to vector<1x16xf32>
        tpu.vector_store %arg7[%swap3A_227, %swap3A_228], %swap3A_231 {strides = array<i32>} : memref<4x4096xf32, #tpu.memory_space<vmem>>, vector<1x16xf32>,
        %add3A_232 = arith.constant 64 : i32
        %add3A_233 = arith.addi %mul3A_153, %add3A_232 : i32
        %get3A_234 = arith.constant 3 : i32
        %get3A_235 = arith.index_cast %get3A_234 : i32 to index
        %get3A_236 = arith.index_cast %add3A_233 : i32 to index
        %get3A_237 = tpu.vector_load %arg5[%get3A_235, %get3A_236] {strides = array<i32>} : memref<4x4096xf32, #tpu.memory_space<vmem>>, vector<1x16xf32>,
        %get3A_238 = vector.shape_cast %get3A_237 : vector<1x16xf32> to vector<16xf32>
        %gather3A_239 = vector.shape_cast %reshape3A : vector<16x1xi32> to vector<16xi32>
        %gather3A_240 = tpu.dynamic_gather %get3A_238[%gather3A_239] in [0] : vector<16xf32>, vector<16xi32> -> vector<16xf32>
        %eq3A_241 = arith.cmpf oeq, %convert_element_type3A, %broadcast_in_dim3A_8 : vector<16xf32>
        %gt3A_242 = arith.cmpf ogt, %get3A_238, %gather3A_240 : vector<16xf32>
        %eq3A_243 = arith.cmpf oeq, %get3A_238, %gather3A_240 : vector<16xf32>
        %and3A_244 = arith.andi %eq3A_241, %eq3A_243 : vector<16xi1>
        %or3A_245 = arith.ori %gt3A_242, %and3A_244 : vector<16xi1>
        %select_n3A_246 = arith.select %or3A_245, %get3A_238, %broadcast_in_dim3A_8 : vector<16xi1>, vector<16xf32>
        %swap3A_247 = arith.constant 3 : i32
        %swap3A_248 = arith.index_cast %swap3A_247 : i32 to index
        %swap3A_249 = arith.index_cast %add3A_233 : i32 to index
        %swap3A_250 = tpu.vector_load %arg7[%swap3A_248, %swap3A_249] {strides = array<i32>} : memref<4x4096xf32, #tpu.memory_space<vmem>>, vector<1x16xf32>,
        %swap3A_251 = vector.shape_cast %swap3A_250 : vector<1x16xf32> to vector<16xf32>
        %swap3A_252 = vector.shape_cast %select_n3A_246 : vector<16xf32> to vector<1x16xf32>
        tpu.vector_store %arg7[%swap3A_248, %swap3A_249], %swap3A_252 {strides = array<i32>} : memref<4x4096xf32, #tpu.memory_space<vmem>>, vector<1x16xf32>,
        %add3A_253 = arith.constant 80 : i32
        %add3A_254 = arith.addi %mul3A_153, %add3A_253 : i32
        %get3A_255 = arith.constant 3 : i32
        %get3A_256 = arith.index_cast %get3A_255 : i32 to index
        %get3A_257 = arith.index_cast %add3A_254 : i32 to index
        %get3A_258 = tpu.vector_load %arg5[%get3A_256, %get3A_257] {strides = array<i32>} : memref<4x4096xf32, #tpu.memory_space<vmem>>, vector<1x16xf32>,
        %get3A_259 = vector.shape_cast %get3A_258 : vector<1x16xf32> to vector<16xf32>
        %gather3A_260 = vector.shape_cast %reshape3A : vector<16x1xi32> to vector<16xi32>
        %gather3A_261 = tpu.dynamic_gather %get3A_259[%gather3A_260] in [0] : vector<16xf32>, vector<16xi32> -> vector<16xf32>
        %eq3A_262 = arith.cmpf oeq, %convert_element_type3A, %broadcast_in_dim3A_8 : vector<16xf32>
        %gt3A_263 = arith.cmpf ogt, %get3A_259, %gather3A_261 : vector<16xf32>
        %eq3A_264 = arith.cmpf oeq, %get3A_259, %gather3A_261 : vector<16xf32>
        %and3A_265 = arith.andi %eq3A_262, %eq3A_264 : vector<16xi1>
        %or3A_266 = arith.ori %gt3A_263, %and3A_265 : vector<16xi1>
        %select_n3A_267 = arith.select %or3A_266, %get3A_259, %broadcast_in_dim3A_8 : vector<16xi1>, vector<16xf32>
        %swap3A_268 = arith.constant 3 : i32
        %swap3A_269 = arith.index_cast %swap3A_268 : i32 to index
        %swap3A_270 = arith.index_cast %add3A_254 : i32 to index
        %swap3A_271 = tpu.vector_load %arg7[%swap3A_269, %swap3A_270] {strides = array<i32>} : memref<4x4096xf32, #tpu.memory_space<vmem>>, vector<1x16xf32>,
        %swap3A_272 = vector.shape_cast %swap3A_271 : vector<1x16xf32> to vector<16xf32>
        %swap3A_273 = vector.shape_cast %select_n3A_267 : vector<16xf32> to vector<1x16xf32>
        tpu.vector_store %arg7[%swap3A_269, %swap3A_270], %swap3A_273 {strides = array<i32>} : memref<4x4096xf32, #tpu.memory_space<vmem>>, vector<1x16xf32>,
        %add3A_274 = arith.constant 96 : i32
        %add3A_275 = arith.addi %mul3A_153, %add3A_274 : i32
        %get3A_276 = arith.constant 3 : i32
        %get3A_277 = arith.index_cast %get3A_276 : i32 to index
        %get3A_278 = arith.index_cast %add3A_275 : i32 to index
        %get3A_279 = tpu.vector_load %arg5[%get3A_277, %get3A_278] {strides = array<i32>} : memref<4x4096xf32, #tpu.memory_space<vmem>>, vector<1x16xf32>,
        %get3A_280 = vector.shape_cast %get3A_279 : vector<1x16xf32> to vector<16xf32>
        %gather3A_281 = vector.shape_cast %reshape3A : vector<16x1xi32> to vector<16xi32>
        %gather3A_282 = tpu.dynamic_gather %get3A_280[%gather3A_281] in [0] : vector<16xf32>, vector<16xi32> -> vector<16xf32>
        %eq3A_283 = arith.cmpf oeq, %convert_element_type3A, %broadcast_in_dim3A_8 : vector<16xf32>
        %gt3A_284 = arith.cmpf ogt, %get3A_280, %gather3A_282 : vector<16xf32>
        %eq3A_285 = arith.cmpf oeq, %get3A_280, %gather3A_282 : vector<16xf32>
        %and3A_286 = arith.andi %eq3A_283, %eq3A_285 : vector<16xi1>
        %or3A_287 = arith.ori %gt3A_284, %and3A_286 : vector<16xi1>
        %select_n3A_288 = arith.select %or3A_287, %get3A_280, %broadcast_in_dim3A_8 : vector<16xi1>, vector<16xf32>
        %swap3A_289 = arith.constant 3 : i32
        %swap3A_290 = arith.index_cast %swap3A_289 : i32 to index
        %swap3A_291 = arith.index_cast %add3A_275 : i32 to index
        %swap3A_292 = tpu.vector_load %arg7[%swap3A_290, %swap3A_291] {strides = array<i32>} : memref<4x4096xf32, #tpu.memory_space<vmem>>, vector<1x16xf32>,
        %swap3A_293 = vector.shape_cast %swap3A_292 : vector<1x16xf32> to vector<16xf32>
        %swap3A_294 = vector.shape_cast %select_n3A_288 : vector<16xf32> to vector<1x16xf32>
        tpu.vector_store %arg7[%swap3A_290, %swap3A_291], %swap3A_294 {strides = array<i32>} : memref<4x4096xf32, #tpu.memory_space<vmem>>, vector<1x16xf32>,
        %add3A_295 = arith.constant 112 : i32
        %add3A_296 = arith.addi %mul3A_153, %add3A_295 : i32
        %get3A_297 = arith.constant 3 : i32
        %get3A_298 = arith.index_cast %get3A_297 : i32 to index
        %get3A_299 = arith.index_cast %add3A_296 : i32 to index
        %get3A_300 = tpu.vector_load %arg5[%get3A_298, %get3A_299] {strides = array<i32>} : memref<4x4096xf32, #tpu.memory_space<vmem>>, vector<1x16xf32>,
        %get3A_301 = vector.shape_cast %get3A_300 : vector<1x16xf32> to vector<16xf32>
        %gather3A_302 = vector.shape_cast %reshape3A : vector<16x1xi32> to vector<16xi32>
        %gather3A_303 = tpu.dynamic_gather %get3A_301[%gather3A_302] in [0] : vector<16xf32>, vector<16xi32> -> vector<16xf32>
        %eq3A_304 = arith.cmpf oeq, %convert_element_type3A, %broadcast_in_dim3A_8 : vector<16xf32>
        %gt3A_305 = arith.cmpf ogt, %get3A_301, %gather3A_303 : vector<16xf32>
        %eq3A_306 = arith.cmpf oeq, %get3A_301, %gather3A_303 : vector<16xf32>
        %and3A_307 = arith.andi %eq3A_304, %eq3A_306 : vector<16xi1>
        %or3A_308 = arith.ori %gt3A_305, %and3A_307 : vector<16xi1>
        %select_n3A_309 = arith.select %or3A_308, %get3A_301, %broadcast_in_dim3A_8 : vector<16xi1>, vector<16xf32>
        %swap3A_310 = arith.constant 3 : i32
        %swap3A_311 = arith.index_cast %swap3A_310 : i32 to index
        %swap3A_312 = arith.index_cast %add3A_296 : i32 to index
        %swap3A_313 = tpu.vector_load %arg7[%swap3A_311, %swap3A_312] {strides = array<i32>} : memref<4x4096xf32, #tpu.memory_space<vmem>>, vector<1x16xf32>,
        %swap3A_314 = vector.shape_cast %swap3A_313 : vector<1x16xf32> to vector<16xf32>
        %swap3A_315 = vector.shape_cast %select_n3A_309 : vector<16xf32> to vector<1x16xf32>
        tpu.vector_store %arg7[%swap3A_311, %swap3A_312], %swap3A_315 {strides = array<i32>} : memref<4x4096xf32, #tpu.memory_space<vmem>>, vector<1x16xf32>,
        %add3A_316 = arith.constant 128 : i32
        %add3A_317 = arith.addi %mul3A_153, %add3A_316 : i32
        %get3A_318 = arith.constant 3 : i32
        %get3A_319 = arith.index_cast %get3A_318 : i32 to index
        %get3A_320 = arith.index_cast %add3A_317 : i32 to index
        %get3A_321 = tpu.vector_load %arg5[%get3A_319, %get3A_320] {strides = array<i32>} : memref<4x4096xf32, #tpu.memory_space<vmem>>, vector<1x16xf32>,
        %get3A_322 = vector.shape_cast %get3A_321 : vector<1x16xf32> to vector<16xf32>
        %gather3A_323 = vector.shape_cast %reshape3A : vector<16x1xi32> to vector<16xi32>
        %gather3A_324 = tpu.dynamic_gather %get3A_322[%gather3A_323] in [0] : vector<16xf32>, vector<16xi32> -> vector<16xf32>
        %eq3A_325 = arith.cmpf oeq, %convert_element_type3A, %broadcast_in_dim3A_8 : vector<16xf32>
        %gt3A_326 = arith.cmpf ogt, %get3A_322, %gather3A_324 : vector<16xf32>
        %eq3A_327 = arith.cmpf oeq, %get3A_322, %gather3A_324 : vector<16xf32>
        %and3A_328 = arith.andi %eq3A_325, %eq3A_327 : vector<16xi1>
        %or3A_329 = arith.ori %gt3A_326, %and3A_328 : vector<16xi1>
        %select_n3A_330 = arith.select %or3A_329, %get3A_322, %broadcast_in_dim3A_8 : vector<16xi1>, vector<16xf32>
        %swap3A_331 = arith.constant 3 : i32
        %swap3A_332 = arith.index_cast %swap3A_331 : i32 to index
        %swap3A_333 = arith.index_cast %add3A_317 : i32 to index
        %swap3A_334 = tpu.vector_load %arg7[%swap3A_332, %swap3A_333] {strides = array<i32>} : memref<4x4096xf32, #tpu.memory_space<vmem>>, vector<1x16xf32>,
        %swap3A_335 = vector.shape_cast %swap3A_334 : vector<1x16xf32> to vector<16xf32>
        %swap3A_336 = vector.shape_cast %select_n3A_330 : vector<16xf32> to vector<1x16xf32>
        tpu.vector_store %arg7[%swap3A_332, %swap3A_333], %swap3A_336 {strides = array<i32>} : memref<4x4096xf32, #tpu.memory_space<vmem>>, vector<1x16xf32>,
        %add3A_337 = arith.constant 144 : i32
        %add3A_338 = arith.addi %mul3A_153, %add3A_337 : i32
        %get3A_339 = arith.constant 3 : i32
        %get3A_340 = arith.index_cast %get3A_339 : i32 to index
        %get3A_341 = arith.index_cast %add3A_338 : i32 to index
        %get3A_342 = tpu.vector_load %arg5[%get3A_340, %get3A_341] {strides = array<i32>} : memref<4x4096xf32, #tpu.memory_space<vmem>>, vector<1x16xf32>,
        %get3A_343 = vector.shape_cast %get3A_342 : vector<1x16xf32> to vector<16xf32>
        %gather3A_344 = vector.shape_cast %reshape3A : vector<16x1xi32> to vector<16xi32>
        %gather3A_345 = tpu.dynamic_gather %get3A_343[%gather3A_344] in [0] : vector<16xf32>, vector<16xi32> -> vector<16xf32>
        %eq3A_346 = arith.cmpf oeq, %convert_element_type3A, %broadcast_in_dim3A_8 : vector<16xf32>
        %gt3A_347 = arith.cmpf ogt, %get3A_343, %gather3A_345 : vector<16xf32>
        %eq3A_348 = arith.cmpf oeq, %get3A_343, %gather3A_345 : vector<16xf32>
        %and3A_349 = arith.andi %eq3A_346, %eq3A_348 : vector<16xi1>
        %or3A_350 = arith.ori %gt3A_347, %and3A_349 : vector<16xi1>
        %select_n3A_351 = arith.select %or3A_350, %get3A_343, %broadcast_in_dim3A_8 : vector<16xi1>, vector<16xf32>
        %swap3A_352 = arith.constant 3 : i32
        %swap3A_353 = arith.index_cast %swap3A_352 : i32 to index
        %swap3A_354 = arith.index_cast %add3A_338 : i32 to index
        %swap3A_355 = tpu.vector_load %arg7[%swap3A_353, %swap3A_354] {strides = array<i32>} : memref<4x4096xf32, #tpu.memory_space<vmem>>, vector<1x16xf32>,
        %swap3A_356 = vector.shape_cast %swap3A_355 : vector<1x16xf32> to vector<16xf32>
        %swap3A_357 = vector.shape_cast %select_n3A_351 : vector<16xf32> to vector<1x16xf32>
        tpu.vector_store %arg7[%swap3A_353, %swap3A_354], %swap3A_357 {strides = array<i32>} : memref<4x4096xf32, #tpu.memory_space<vmem>>, vector<1x16xf32>,
        %add3A_358 = arith.constant 160 : i32
        %add3A_359 = arith.addi %mul3A_153, %add3A_358 : i32
        %get3A_360 = arith.constant 3 : i32
        %get3A_361 = arith.index_cast %get3A_360 : i32 to index
        %get3A_362 = arith.index_cast %add3A_359 : i32 to index
        %get3A_363 = tpu.vector_load %arg5[%get3A_361, %get3A_362] {strides = array<i32>} : memref<4x4096xf32, #tpu.memory_space<vmem>>, vector<1x16xf32>,
        %get3A_364 = vector.shape_cast %get3A_363 : vector<1x16xf32> to vector<16xf32>
        %gather3A_365 = vector.shape_cast %reshape3A : vector<16x1xi32> to vector<16xi32>
        %gather3A_366 = tpu.dynamic_gather %get3A_364[%gather3A_365] in [0] : vector<16xf32>, vector<16xi32> -> vector<16xf32>
        %eq3A_367 = arith.cmpf oeq, %convert_element_type3A, %broadcast_in_dim3A_8 : vector<16xf32>
        %gt3A_368 = arith.cmpf ogt, %get3A_364, %gather3A_366 : vector<16xf32>
        %eq3A_369 = arith.cmpf oeq, %get3A_364, %gather3A_366 : vector<16xf32>
        %and3A_370 = arith.andi %eq3A_367, %eq3A_369 : vector<16xi1>
        %or3A_371 = arith.ori %gt3A_368, %and3A_370 : vector<16xi1>
        %select_n3A_372 = arith.select %or3A_371, %get3A_364, %broadcast_in_dim3A_8 : vector<16xi1>, vector<16xf32>
        %swap3A_373 = arith.constant 3 : i32
        %swap3A_374 = arith.index_cast %swap3A_373 : i32 to index
        %swap3A_375 = arith.index_cast %add3A_359 : i32 to index
        %swap3A_376 = tpu.vector_load %arg7[%swap3A_374, %swap3A_375] {strides = array<i32>} : memref<4x4096xf32, #tpu.memory_space<vmem>>, vector<1x16xf32>,
        %swap3A_377 = vector.shape_cast %swap3A_376 : vector<1x16xf32> to vector<16xf32>
        %swap3A_378 = vector.shape_cast %select_n3A_372 : vector<16xf32> to vector<1x16xf32>
        tpu.vector_store %arg7[%swap3A_374, %swap3A_375], %swap3A_378 {strides = array<i32>} : memref<4x4096xf32, #tpu.memory_space<vmem>>, vector<1x16xf32>,
        %add3A_379 = arith.constant 176 : i32
        %add3A_380 = arith.addi %mul3A_153, %add3A_379 : i32
        %get3A_381 = arith.constant 3 : i32
        %get3A_382 = arith.index_cast %get3A_381 : i32 to index
        %get3A_383 = arith.index_cast %add3A_380 : i32 to index
        %get3A_384 = tpu.vector_load %arg5[%get3A_382, %get3A_383] {strides = array<i32>} : memref<4x4096xf32, #tpu.memory_space<vmem>>, vector<1x16xf32>,
        %get3A_385 = vector.shape_cast %get3A_384 : vector<1x16xf32> to vector<16xf32>
        %gather3A_386 = vector.shape_cast %reshape3A : vector<16x1xi32> to vector<16xi32>
        %gather3A_387 = tpu.dynamic_gather %get3A_385[%gather3A_386] in [0] : vector<16xf32>, vector<16xi32> -> vector<16xf32>
        %eq3A_388 = arith.cmpf oeq, %convert_element_type3A, %broadcast_in_dim3A_8 : vector<16xf32>
        %gt3A_389 = arith.cmpf ogt, %get3A_385, %gather3A_387 : vector<16xf32>
        %eq3A_390 = arith.cmpf oeq, %get3A_385, %gather3A_387 : vector<16xf32>
        %and3A_391 = arith.andi %eq3A_388, %eq3A_390 : vector<16xi1>
        %or3A_392 = arith.ori %gt3A_389, %and3A_391 : vector<16xi1>
        %select_n3A_393 = arith.select %or3A_392, %get3A_385, %broadcast_in_dim3A_8 : vector<16xi1>, vector<16xf32>
        %swap3A_394 = arith.constant 3 : i32
        %swap3A_395 = arith.index_cast %swap3A_394 : i32 to index
        %swap3A_396 = arith.index_cast %add3A_380 : i32 to index
        %swap3A_397 = tpu.vector_load %arg7[%swap3A_395, %swap3A_396] {strides = array<i32>} : memref<4x4096xf32, #tpu.memory_space<vmem>>, vector<1x16xf32>,
        %swap3A_398 = vector.shape_cast %swap3A_397 : vector<1x16xf32> to vector<16xf32>
        %swap3A_399 = vector.shape_cast %select_n3A_393 : vector<16xf32> to vector<1x16xf32>
        tpu.vector_store %arg7[%swap3A_395, %swap3A_396], %swap3A_399 {strides = array<i32>} : memref<4x4096xf32, #tpu.memory_space<vmem>>, vector<1x16xf32>,
        %add3A_400 = arith.constant 192 : i32
        %add3A_401 = arith.addi %mul3A_153, %add3A_400 : i32
        %get3A_402 = arith.constant 3 : i32
        %get3A_403 = arith.index_cast %get3A_402 : i32 to index
        %get3A_404 = arith.index_cast %add3A_401 : i32 to index
        %get3A_405 = tpu.vector_load %arg5[%get3A_403, %get3A_404] {strides = array<i32>} : memref<4x4096xf32, #tpu.memory_space<vmem>>, vector<1x16xf32>,
        %get3A_406 = vector.shape_cast %get3A_405 : vector<1x16xf32> to vector<16xf32>
        %gather3A_407 = vector.shape_cast %reshape3A : vector<16x1xi32> to vector<16xi32>
        %gather3A_408 = tpu.dynamic_gather %get3A_406[%gather3A_407] in [0] : vector<16xf32>, vector<16xi32> -> vector<16xf32>
        %eq3A_409 = arith.cmpf oeq, %convert_element_type3A, %broadcast_in_dim3A_8 : vector<16xf32>
        %gt3A_410 = arith.cmpf ogt, %get3A_406, %gather3A_408 : vector<16xf32>
        %eq3A_411 = arith.cmpf oeq, %get3A_406, %gather3A_408 : vector<16xf32>
        %and3A_412 = arith.andi %eq3A_409, %eq3A_411 : vector<16xi1>
        %or3A_413 = arith.ori %gt3A_410, %and3A_412 : vector<16xi1>
        %select_n3A_414 = arith.select %or3A_413, %get3A_406, %broadcast_in_dim3A_8 : vector<16xi1>, vector<16xf32>
        %swap3A_415 = arith.constant 3 : i32
        %swap3A_416 = arith.index_cast %swap3A_415 : i32 to index
        %swap3A_417 = arith.index_cast %add3A_401 : i32 to index
        %swap3A_418 = tpu.vector_load %arg7[%swap3A_416, %swap3A_417] {strides = array<i32>} : memref<4x4096xf32, #tpu.memory_space<vmem>>, vector<1x16xf32>,
        %swap3A_419 = vector.shape_cast %swap3A_418 : vector<1x16xf32> to vector<16xf32>
        %swap3A_420 = vector.shape_cast %select_n3A_414 : vector<16xf32> to vector<1x16xf32>
        tpu.vector_store %arg7[%swap3A_416, %swap3A_417], %swap3A_420 {strides = array<i32>} : memref<4x4096xf32, #tpu.memory_space<vmem>>, vector<1x16xf32>,
        %add3A_421 = arith.constant 208 : i32
        %add3A_422 = arith.addi %mul3A_153, %add3A_421 : i32
        %get3A_423 = arith.constant 3 : i32
        %get3A_424 = arith.index_cast %get3A_423 : i32 to index
        %get3A_425 = arith.index_cast %add3A_422 : i32 to index
        %get3A_426 = tpu.vector_load %arg5[%get3A_424, %get3A_425] {strides = array<i32>} : memref<4x4096xf32, #tpu.memory_space<vmem>>, vector<1x16xf32>,
        %get3A_427 = vector.shape_cast %get3A_426 : vector<1x16xf32> to vector<16xf32>
        %gather3A_428 = vector.shape_cast %reshape3A : vector<16x1xi32> to vector<16xi32>
        %gather3A_429 = tpu.dynamic_gather %get3A_427[%gather3A_428] in [0] : vector<16xf32>, vector<16xi32> -> vector<16xf32>
        %eq3A_430 = arith.cmpf oeq, %convert_element_type3A, %broadcast_in_dim3A_8 : vector<16xf32>
        %gt3A_431 = arith.cmpf ogt, %get3A_427, %gather3A_429 : vector<16xf32>
        %eq3A_432 = arith.cmpf oeq, %get3A_427, %gather3A_429 : vector<16xf32>
        %and3A_433 = arith.andi %eq3A_430, %eq3A_432 : vector<16xi1>
        %or3A_434 = arith.ori %gt3A_431, %and3A_433 : vector<16xi1>
        %select_n3A_435 = arith.select %or3A_434, %get3A_427, %broadcast_in_dim3A_8 : vector<16xi1>, vector<16xf32>
        %swap3A_436 = arith.constant 3 : i32
        %swap3A_437 = arith.index_cast %swap3A_436 : i32 to index
        %swap3A_438 = arith.index_cast %add3A_422 : i32 to index
        %swap3A_439 = tpu.vector_load %arg7[%swap3A_437, %swap3A_438] {strides = array<i32>} : memref<4x4096xf32, #tpu.memory_space<vmem>>, vector<1x16xf32>,
        %swap3A_440 = vector.shape_cast %swap3A_439 : vector<1x16xf32> to vector<16xf32>
        %swap3A_441 = vector.shape_cast %select_n3A_435 : vector<16xf32> to vector<1x16xf32>
        tpu.vector_store %arg7[%swap3A_437, %swap3A_438], %swap3A_441 {strides = array<i32>} : memref<4x4096xf32, #tpu.memory_space<vmem>>, vector<1x16xf32>,
        %add3A_442 = arith.constant 224 : i32
        %add3A_443 = arith.addi %mul3A_153, %add3A_442 : i32
        %get3A_444 = arith.constant 3 : i32
        %get3A_445 = arith.index_cast %get3A_444 : i32 to index
        %get3A_446 = arith.index_cast %add3A_443 : i32 to index
        %get3A_447 = tpu.vector_load %arg5[%get3A_445, %get3A_446] {strides = array<i32>} : memref<4x4096xf32, #tpu.memory_space<vmem>>, vector<1x16xf32>,
        %get3A_448 = vector.shape_cast %get3A_447 : vector<1x16xf32> to vector<16xf32>
        %gather3A_449 = vector.shape_cast %reshape3A : vector<16x1xi32> to vector<16xi32>
        %gather3A_450 = tpu.dynamic_gather %get3A_448[%gather3A_449] in [0] : vector<16xf32>, vector<16xi32> -> vector<16xf32>
        %eq3A_451 = arith.cmpf oeq, %convert_element_type3A, %broadcast_in_dim3A_8 : vector<16xf32>
        %gt3A_452 = arith.cmpf ogt, %get3A_448, %gather3A_450 : vector<16xf32>
        %eq3A_453 = arith.cmpf oeq, %get3A_448, %gather3A_450 : vector<16xf32>
        %and3A_454 = arith.andi %eq3A_451, %eq3A_453 : vector<16xi1>
        %or3A_455 = arith.ori %gt3A_452, %and3A_454 : vector<16xi1>
        %select_n3A_456 = arith.select %or3A_455, %get3A_448, %broadcast_in_dim3A_8 : vector<16xi1>, vector<16xf32>
        %swap3A_457 = arith.constant 3 : i32
        %swap3A_458 = arith.index_cast %swap3A_457 : i32 to index
        %swap3A_459 = arith.index_cast %add3A_443 : i32 to index
        %swap3A_460 = tpu.vector_load %arg7[%swap3A_458, %swap3A_459] {strides = array<i32>} : memref<4x4096xf32, #tpu.memory_space<vmem>>, vector<1x16xf32>,
        %swap3A_461 = vector.shape_cast %swap3A_460 : vector<1x16xf32> to vector<16xf32>
        %swap3A_462 = vector.shape_cast %select_n3A_456 : vector<16xf32> to vector<1x16xf32>
        tpu.vector_store %arg7[%swap3A_458, %swap3A_459], %swap3A_462 {strides = array<i32>} : memref<4x4096xf32, #tpu.memory_space<vmem>>, vector<1x16xf32>,
        %add3A_463 = arith.constant 240 : i32
        %add3A_464 = arith.addi %mul3A_153, %add3A_463 : i32
        %get3A_465 = arith.constant 3 : i32
        %get3A_466 = arith.index_cast %get3A_465 : i32 to index
        %get3A_467 = arith.index_cast %add3A_464 : i32 to index
        %get3A_468 = tpu.vector_load %arg5[%get3A_466, %get3A_467] {strides = array<i32>} : memref<4x4096xf32, #tpu.memory_space<vmem>>, vector<1x16xf32>,
        %get3A_469 = vector.shape_cast %get3A_468 : vector<1x16xf32> to vector<16xf32>
        %gather3A_470 = vector.shape_cast %reshape3A : vector<16x1xi32> to vector<16xi32>
        %gather3A_471 = tpu.dynamic_gather %get3A_469[%gather3A_470] in [0] : vector<16xf32>, vector<16xi32> -> vector<16xf32>
        %eq3A_472 = arith.cmpf oeq, %convert_element_type3A, %broadcast_in_dim3A_8 : vector<16xf32>
        %gt3A_473 = arith.cmpf ogt, %get3A_469, %gather3A_471 : vector<16xf32>
        %eq3A_474 = arith.cmpf oeq, %get3A_469, %gather3A_471 : vector<16xf32>
        %and3A_475 = arith.andi %eq3A_472, %eq3A_474 : vector<16xi1>
        %or3A_476 = arith.ori %gt3A_473, %and3A_475 : vector<16xi1>
        %select_n3A_477 = arith.select %or3A_476, %get3A_469, %broadcast_in_dim3A_8 : vector<16xi1>, vector<16xf32>
        %swap3A_478 = arith.constant 3 : i32
        %swap3A_479 = arith.index_cast %swap3A_478 : i32 to index
        %swap3A_480 = arith.index_cast %add3A_464 : i32 to index
        %swap3A_481 = tpu.vector_load %arg7[%swap3A_479, %swap3A_480] {strides = array<i32>} : memref<4x4096xf32, #tpu.memory_space<vmem>>, vector<1x16xf32>,
        %swap3A_482 = vector.shape_cast %swap3A_481 : vector<1x16xf32> to vector<16xf32>
        %swap3A_483 = vector.shape_cast %select_n3A_477 : vector<16xf32> to vector<1x16xf32>
        tpu.vector_store %arg7[%swap3A_479, %swap3A_480], %swap3A_483 {strides = array<i32>} : memref<4x4096xf32, #tpu.memory_space<vmem>>, vector<1x16xf32>,
        %scan3A_484 = arith.constant 0 : i32
        scf.yield %scan3A_484 : i32
      }
      %scan3A_135 = arith.constant 16 : i32
      %mul3A_136 = arith.constant 4 : i32
      %mul3A_137 = arith.muli %add3A_95, %mul3A_136 : i32
      %add3A_138 = arith.addi %mul3A_2, %mul3A_137 : i32
      %dma_start3A_139 = arith.constant 0 : i32
      %dma_start3A_140 = tpu.memref_slice %arg3[%add3A_138, %dma_start3A_139] : memref<16384x4096xf32, #tpu.memory_space<hbm>> -> memref<4x4096xf32, #tpu.memory_space<hbm>>
      %dma_start3A_141 = arith.constant 0 : i32
      %dma_start3A_142 = tpu.memref_slice %arg3[%add3A_138, %dma_start3A_141] : memref<16384x4096xf32, #tpu.memory_space<hbm>> -> memref<4x4096xf32, #tpu.memory_space<hbm>>
      tpu.enqueue_dma source(%arg7 : memref<4x4096xf32, #tpu.memory_space<vmem>>) target(%dma_start3A_142 : memref<4x4096xf32, #tpu.memory_space<hbm>>) target_semaphore(%arg11 : memref<!tpu.dma_semaphore, #tpu.memory_space<semaphore_mem>>)
      %add3A_143 = arith.constant 2 : i32
      %add3A_144 = arith.addi %add3A_95, %add3A_143 : i32
      %lt3A_145 = arith.constant 128 : i32
      %lt3A_146 = arith.cmpi slt, %add3A_144, %lt3A_145 : i32
      %convert_element_type3A_147 = arith.extui %lt3A_146 : i1 to i32
      %cond3A_148 = arith.constant 0 : i32
      %cond3A_149 = arith.cmpi ne, %convert_element_type3A_147, %cond3A_148 : i32
      scf.if %cond3A_149 {
        %add3A_150 = arith.constant 2 : i32
        %add3A_151 = arith.addi %add3A_95, %add3A_150 : i32
        %mul3A_152 = arith.constant 4 : i32
        %mul3A_153 = arith.muli %add3A_151, %mul3A_152 : i32
        %add3A_154 = arith.addi %mul3A_2, %mul3A_153 : i32
        %dma_start3A_155 = arith.constant 0 : i32
        %dma_start3A_156 = tpu.memref_slice %arg2[%add3A_154, %dma_start3A_155] : memref<16384x4096xf32, #tpu.memory_space<hbm>> -> memref<4x4096xf32, #tpu.memory_space<hbm>>
        %dma_start3A_157 = arith.constant 0 : i32
        %dma_start3A_158 = tpu.memref_slice %arg2[%add3A_154, %dma_start3A_157] : memref<16384x4096xf32, #tpu.memory_space<hbm>> -> memref<4x4096xf32, #tpu.memory_space<hbm>>
        tpu.enqueue_dma source(%dma_start3A_158 : memref<4x4096xf32, #tpu.memory_space<hbm>>) target(%arg5 : memref<4x4096xf32, #tpu.memory_space<vmem>>) target_semaphore(%arg9 : memref<!tpu.dma_semaphore, #tpu.memory_space<semaphore_mem>>)
      } else {
      }
    }
    %scan3A_24 = arith.constant 64 : i32
    %add3A_25 = arith.constant 504 : i32
    %add3A_26 = arith.addi %mul3A_2, %add3A_25 : i32
    %dma_wait3A = arith.constant 0 : i32
    %dma_wait3A_27 = tpu.memref_slice %arg3[%add3A_26, %dma_wait3A] : memref<16384x4096xf32, #tpu.memory_space<hbm>> -> memref<4x4096xf32, #tpu.memory_space<hbm>>
    %dma_wait3A_28 = arith.constant 0 : i32
    %dma_wait3A_29 = tpu.memref_slice %arg3[%add3A_26, %dma_wait3A_28] : memref<16384x4096xf32, #tpu.memory_space<hbm>> -> memref<4x4096xf32, #tpu.memory_space<hbm>>
    tpu.wait_dma2 semaphore(%arg10 : memref<!tpu.dma_semaphore, #tpu.memory_space<semaphore_mem>>) src(%arg6 : memref<4x4096xf32, #tpu.memory_space<vmem>>) dst(%dma_wait3A_29 : memref<4x4096xf32, #tpu.memory_space<hbm>>)
    %add3A_30 = arith.constant 508 : i32
    %add3A_31 = arith.addi %mul3A_2, %add3A_30 : i32
    %dma_wait3A_32 = arith.constant 0 : i32
    %dma_wait3A_33 = tpu.memref_slice %arg3[%add3A_31, %dma_wait3A_32] : memref<16384x4096xf32, #tpu.memory_space<hbm>> -> memref<4x4096xf32, #tpu.memory_space<hbm>>
    %dma_wait3A_34 = arith.constant 0 : i32
    %dma_wait3A_35 = tpu.memref_slice %arg3[%add3A_31, %dma_wait3A_34] : memref<16384x4096xf32, #tpu.memory_space<hbm>> -> memref<4x4096xf32, #tpu.memory_space<hbm>>
    tpu.wait_dma2 semaphore(%arg11 : memref<!tpu.dma_semaphore, #tpu.memory_space<semaphore_mem>>) src(%arg7 : memref<4x4096xf32, #tpu.memory_space<vmem>>) dst(%dma_wait3A_35 : memref<4x4096xf32, #tpu.memory_space<hbm>>)
    return
  }
}

</mosaic_0001>

<sc_bundles>
// kernel: kernel.3.cloned.1.call-start
scs
__scs_entry_jumppad:
0x0: {  	(pc) =	sbr.rel $0x88, $3  }
0x1: {  	(tag) =	ssettag $0x0;
	lr =	simm.s32 $0x1  }
0x2: {  	[smem:$0x3FA0] =	sst lr;
	_ =	strace $0xD0000000  }
0x3: {  	_ = 	snop  }
0x4: {  	_ = 	snop  }
0x5: {  	_ = 	snop  }
0x6: {  	_ = 	snop  }
0x7: {  	_ = 	snop  }
__scs_overlays_trampoline_lowered:
0x8: {  	[smem:$0x3FAF] =	sst s0  }
0x9: {  	[smem:$0x3FB0] =	sst s1  }
0xa: {  	[smem:$0x3FB1] =	sst s2  }
0xb: {  	[smem:$0x3FB2] =	sst s3  }
0xc: {  	[smem:$0x3FB3] =	sst s4  }
0xd: {  	[smem:$0x3FB4] =	sst s5  }
0xe: {  	[smem:$0x3FB5] =	sst s6  }
0xf: {  	[smem:$0x3FB6] =	sst s7  }
0x10: {  	[smem:$0x3FB7] =	sst s8  }
0x11: {  	[smem:$0x3FB8] =	sst s9;
	s0 =	simm.s32 @!p0 $0x0  }
0x12: {  	s1 =	sld [smem:$0x3F9E];
	s0 =	simm.s32 @p0 $0x1  }
0x13: {  	[smem:$0x3FB9] =	sst s0;
	s0 =	simm.s32 @!p1 $0x0  }
0x14: {  	s2 =	sld [smem:$0x3F9D];
	s0 =	simm.s32 @p1 $0x1  }
0x15: {  	[smem:$0x3FBA] =	sst s0;
	s0 =	simm.s32 @!p2 $0x0  }
0x16: {  	s3 =	sld [smem:$0x3FDB];
	s0 =	simm.s32 @p2 $0x1  }
0x17: {  	s4 =	simm.s32 $0x1BF5;
	[smem:$0x3FBC] =	sst s0  }
0x18: {  	s0 =	sld [smem:$0x3F9F];
	_ =	swait.ge [sflag:s4], $0x0  }
0x19: {  	s7 =	sld [smem:$0x3FA0]  }
0x1a: {  	s8 =	sadd.s32 $0xFFFFE003, lr  }
0x1b: {  	s9 =	sadd.s32 $0xFFFFFEF7, lr;
	s5 =	simm.s32 $0xFFFFFFFF;
	p2 =	slt.u32 s8, $0xFFFFF086  }
0x1c: {  	p1 =	slt.u32 s9, $0xF7A;
	s5 =	simm.s32 @!p2 $0x0  }
0x1d: {  	s5 =	simm.s32 @p1 $0x1;
	p0 =	seq.s32 s7, s2  }
0x1e: {  	s7 =	smul.u32 @!p0 $0xF7A, s2;
	p2 =	seq.s32 @!p0 s5, $0x0  }
0x1f: {  	s9 =	smul.u32 $0xF7A, s1;
	s8 =	simm.s32 @!p0 $0x1BF5;
	p2 =	por !p2, p0  }
0x20: {  	[sflag:s8] =	ssyncset.s32 @!p0 $0xFFFFF086;
	s6 =	sadd.s32 @!p0 s3, s7;
	s7 =	simm.s32 @!p0 $0x108  }
0x21: {  	s3 =	sadd.s32 s3, s9;
	s6 =	sadd.s32 @!p0 $0x88, s6;
	s7 =	simm.s32 @p2 $0x1082  }
0x22: {  	[simem:s7], [sflag:s8] =	dma.local @!p0 [hbm:s6], $0xF7A  }
0x23: {  	s9 =	sor.u32 $0xD0000000, s2;
	s6 =	simm.s32 $0x108;
	_ =	swait.ge @!p0 [sflag:s8], $0x0  }
0x24: {  	s3 =	sadd.s32 $0x88, s3;
	s6 =	simm.s32 @!p1 $0x1082;
	[sflag:s4] =	ssyncset.s32 $0xFFFFF086  }
0x25: {  	[simem:s6], [sflag:s4] =	dma.local [hbm:s3], $0xF7A  }
0x26: {  	[smem:$0x3FA0] =	sst s1;
	(tag) =	ssettag s2;
	_ =	strace s9  }
0x27: {  	s1 =	sld [smem:$0x3FB0]  }
0x28: {  	s2 =	sld [smem:$0x3FB1]  }
0x29: {  	s4 =	sld [smem:$0x3FB3]  }
0x2a: {  	p0 =	seq.s32 s5, $0x0;
	s5 =	sld [smem:$0x3FB4]  }
0x2b: {  	s6 =	sld [smem:$0x3FB5]  }
0x2c: {  	s7 =	sld [smem:$0x3FB6]  }
0x2d: {  	s3 =	simm.s32 $0x108;
	s8 =	sld [smem:$0x3FB7]  }
0x2e: {  	s3 =	simm.s32 @!p0 $0x1082;
	s9 =	sld [smem:$0x3FB8]  }
0x2f: {  	lr =	sadd.s32 s0, s3;
	s0 =	sld [smem:$0x3FAF]  }
0x30: {  	s3 =	sld [smem:$0x3FB2]  }
0x31: {  	[smem:$0x3FBB] =	sst s10  }
0x32: {  	s10 =	sld [smem:$0x3FB9];
	_ =	sdelay $0x3  }
0x33: {  	p0 =	seq.s32 s10, $0x1;
	s10 =	sld [smem:$0x3FBB];
	_ =	sdelay $0x3  }
0x34: {  	[smem:$0x3FBB] =	sst s10  }
0x35: {  	s10 =	sld [smem:$0x3FBA];
	_ =	sdelay $0x3  }
0x36: {  	p1 =	seq.s32 s10, $0x1;
	s10 =	sld [smem:$0x3FBB];
	_ =	sdelay $0x3  }
0x37: {  	[smem:$0x3FBB] =	sst s10  }
0x38: {  	s10 =	sld [smem:$0x3FBC]  }
0x39: {  	_ = 	snop;
	(pc) =	sbr.ind lr, $3  }
0x3a: {  	_ = 	snop  }
0x3b: {  	_ = 	snop  }
0x3c: {  	p2 =	seq.s32 s10, $0x1;
	s10 =	sld [smem:$0x3FBB]  }
0x3d: {  	_ =	shalt  }
0x3e: {  	_ =	shalt  }
0x3f: {  	_ =	shalt  }
0x40: {  	_ =	shalt  }
0x41: {  	_ =	shalt  }
0x42: {  	_ =	shalt  }
0x43: {  	_ =	shalt  }
0x44: {  	_ =	shalt  }
0x45: {  	_ =	shalt  }
0x46: {  	_ =	shalt  }
0x47: {  	_ =	shalt  }
0x48: {  	_ =	shalt  }
0x49: {  	_ =	shalt  }
0x4a: {  	_ =	shalt  }
0x4b: {  	_ =	shalt  }
0x4c: {  	_ =	shalt  }
0x4d: {  	_ =	shalt  }
0x4e: {  	_ =	shalt  }
0x4f: {  	_ =	shalt  }
0x50: {  	_ =	shalt  }
0x51: {  	_ =	shalt  }
0x52: {  	_ =	shalt  }
0x53: {  	_ =	shalt  }
0x54: {  	_ =	shalt  }
0x55: {  	_ =	shalt  }
0x56: {  	_ =	shalt  }
0x57: {  	_ =	shalt  }
0x58: {  	_ =	shalt  }
0x59: {  	_ =	shalt  }
0x5a: {  	_ =	shalt  }
0x5b: {  	_ =	shalt  }
0x5c: {  	_ =	shalt  }
0x5d: {  	_ =	shalt  }
0x5e: {  	_ =	shalt  }
0x5f: {  	_ =	shalt  }
0x60: {  	_ =	shalt  }
0x61: {  	_ =	shalt  }
0x62: {  	_ =	shalt  }
0x63: {  	_ =	shalt  }
0x64: {  	_ =	shalt  }
0x65: {  	_ =	shalt  }
0x66: {  	_ =	shalt  }
0x67: {  	_ =	shalt  }
0x68: {  	_ =	shalt  }
0x69: {  	_ =	shalt  }
0x6a: {  	_ =	shalt  }
0x6b: {  	_ =	shalt  }
0x6c: {  	_ =	shalt  }
0x6d: {  	_ =	shalt  }
0x6e: {  	_ =	shalt  }
0x6f: {  	_ =	shalt  }
0x70: {  	_ =	shalt  }
0x71: {  	_ =	shalt  }
0x72: {  	_ =	shalt  }
0x73: {  	_ =	shalt  }
0x74: {  	_ =	shalt  }
0x75: {  	_ =	shalt  }
0x76: {  	_ =	shalt  }
0x77: {  	_ =	shalt  }
0x78: {  	_ =	shalt  }
0x79: {  	_ =	shalt  }
0x7a: {  	_ =	shalt  }
0x7b: {  	_ =	shalt  }
0x7c: {  	_ =	shalt  }
0x7d: {  	_ =	shalt  }
0x7e: {  	_ =	shalt  }
0x7f: {  	_ =	shalt  }
0x80: {  	_ =	shalt  }
0x81: {  	_ =	shalt  }
0x82: {  	_ =	shalt  }
0x83: {  	_ =	shalt  }
0x84: {  	_ =	shalt  }
0x85: {  	_ =	shalt  }
0x86: {  	_ =	shalt  }
0x87: {  	_ =	shalt  }
.Lfunc_end0:
.L_simem_size_0:
called_computation_lowered:
.L_overlay_start_0:
0x88: {  	s2 =	sld [smem:$0x3FD9]  }
0x89: {  	s3 =	sld [smem:$0x3FFE];
	_ =	sdelay $0x1  }
0x8a: {  	s1 =	srdreg.scid  }
0x8b: {  	s0 =	sand.u32 $0x1, s1  }
0x8c: {  	s18 =	sshll.u32 s0, $0xA;
	s2 =	sadd.s32 s3, s2  }
0x8d: {  	s2 =	sadd.s32 s2, s18  }
0x8e: {  	[smem:$0x3FC7] =	sst s2  }
0x8f: {  	_ = 	snop  }
0x90: {  	s2 =	sld [smem:$0x3FC9]  }
0x91: {  	s19 =	sld [smem:$0x3FD0];
	(tm) =	ssettm $0x1  }
0x92: {  	s4 =	sld [smem:$0x3FFB];
	_ =	sdelay $0x3  }
0x93: {  	_ =	strace s4  }
0x94: {  	s4 =	sld [smem:$0x3FFC];
	_ =	sdelay $0x3  }
0x95: {  	_ =	strace s4  }
0x96: {  	s4 =	sld [smem:$0x3FFD];
	_ =	sdelay $0x3  }
0x97: {  	_ =	strace s4  }
0x98: {  	_ =	strace $0x8FFFFFFF  }
0x99: {  	s20 =	sld [smem:$0x3FDB];
	_ =	sdelay $0x1  }
0x9a: {  	s5 =	simm.s32 $_scs_section_size  }
0x9b: {  	s6 =	simm.s32 $_size__tile_overlayer_lowered;
	s7 =	simm.s32 $_tile_overlayer_lowered  }
0x9c: {  	s23 =	simm.s32 $0x1BFF;
	s22 =	sshll.u32 s7, $0x1;
	s4 =	sadd.s32 s5, s20  }
0x9d: {  	s8 =	simm.s32 $0x0;
	s21 =	sshll.u32 s6, $0x1;
	s6 =	sadd.s32 s22, s4  }
0x9e: {  	[timem:s8], [sflag:s23] =	dma.local [hbm:s6], s21  }
0x9f: {  	_ =	swait.ge [sflag:s23], s21  }
0xa0: {  	s5 =	ssub.s32 $0x0, s21;
	[sflag:s23] =	ssyncset.done $0x0  }
0xa1: {  	[sflag:s23] =	ssyncadd.s32 s5;
	_ =	sdelay $0x1  }
0xa2: {  	s24 =	simm.s32 $0x1B8B  }
0xa3: {  	_ =	swait.ge [sflag:s24], $0x1  }
0xa4: {  	[sflag:s24] =	ssyncset.done $0x0  }
0xa5: {  	s25 =	simm.s32 $0x1B8E;
	[sflag:s24] =	ssyncadd.s32 $0xFFFFFFFF  }
0xa6: {  	s26 =	simm.s32 $execute0_lowered;
	[smem:$0x3FD2] =	sst s25  }
0xa7: {  	s5 =	sshll.u32 s26, $0x1;
	_ =	strace $0x80000046;
	[dreg:$0x1] =	wrdreg $0xFFFFFFFF  }
0xa8: {  	s28 =	simm.s32 $_size_execute0_lowered;
	s4 =	sadd.s32 s4, s5;
	[dreg:$0x0] =	wrdreg $0x0  }
0xa9: {  	s5 =	sshll.u32 s28, $0x1;
	[dreg:$0x2] =	wrdreg s4  }
0xaa: {  	[dreg:$0x3] =	wrdreg s5  }
0xab: {  	[dreg:$0x4] =	wrdreg $0xC0  }
0xac: {  	_ =	task [dreg:s8], $0x5FFFF  }
0xad: {  	[dreg:$0x1] =	wrdreg $0xFFFFFFFF  }
0xae: {  	[dreg:$0x0] =	wrdreg $0x60  }
0xaf: {  	[dreg:$0x2] =	wrdreg s2  }
0xb0: {  	[dreg:$0x3] =	wrdreg s19  }
0xb1: {  	[dreg:$0x4] =	wrdreg $0x9  }
0xb2: {  	_ =	task.clear_ibuf [dreg:s8], $0x5FFFF;
	_ =	strace $0x90000046  }
0xb3: {  	s29 =	simm.s32 $0x9;
	_ =	strace $0x80000048  }
0xb4: {  	_ =	swait.ge [sflag:s29], $0x1  }
0xb5: {  	[sflag:s29] =	ssyncadd.s32 $0xFFFFFFFF  }
0xb6: {  	_ =	strace $0x90000048  }
0xb7: {  	_ =	sfence  }
0xb8: {  	s30 =	sld [smem:$0x0];
	_ =	sdelay $0x2  }
0xb9: {  	s31 =	sshll.u32 s1, $0xD;
	s1 =	sshrl.u32 s1, $0x2  }
0xba: {  	s3 =	sand.u32 $0x4000, s31;
	s1 =	sadd.s32 s1, s30  }
0xbb: {  	s0 =	sor.u32 s3, s0;
	s1 =	sshll.u32 s1, $0x11  }
0xbc: {  	s0 =	sor.u32 s1, s0  }
0xbd: {  	s0 =	sadd.s32 $0x8F2B, s0  }
0xbe: {  	[sflag:s0] =	ssyncadd.remote.s32 $0x1  }
0xbf: {  	_ =	sfence.sel $0xFFFF  }
0xc0: {  	[dreg:$0x0] =	wrdreg $0xFFFFFFFF;
	(pc) =	sbr.abs _section_cstart, $3  }
0xc1: {  	[dreg:$0x1] =	wrdreg $0xFFFFFFFF  }
0xc2: {  	_ =	task.clear_ibuf [dreg:s8], $0x2FFFF;
	_ =	strace $0x9FFFFFFF  }
0xc3: {  	(tm) =	ssettm $0x7FFFFFFF  }
tec
execute0_lowered:
.L_overlay_start_1:
0x0: {  	(tag) =	ssettag $0x1  }
0x1: {  	s1 =	srdreg.scid;
	s5 =	rddreg [dreg:$0x0]  }
0x2: {  	s0 =	stileid.u32;
	s2 =	rddreg [dreg:$0x1];
	v0 =	vimm.s32 $0xEFCDAB89  }
0x3: {  	vm0 =	vcmask $0xB08;
	vm1 =	vcmask $0x300;
	s12 =	simm.s32 $0x200;
	s13 =	simm.s32 $0x400;
	s14 =	simm.s32 $0x4000  }
0x4: {  	v1 =	vimm.s32 $0x67452301;
	vm6 =	vcmask $0x1310;
	s15 =	simm.s32 $0x1;
	s16 =	simm.s32 $0x8000;
	s17 =	simm.s32 $0x2;
	vm0 =	vmor vm1, vm0  }
0x5: {  	vm7 =	vcmask $0x1B18;
	vm8 =	vcmask $0x2320;
	s18 =	simm.s32 $0xC000;
	s19 =	simm.s32 $0x3;
	s20 =	simm.s32 $0x4;
	vm0 =	vmor vm0, vm6  }
0x6: {  	s21 =	simm.s32 $0x0;
	s4 =	sand.u32 $0x1, s1;
	s3 =	sshll.u32 s0, $0xA;
	v0 =	vunpack.c.l.s4.s8 v0;
	v1 =	vunpack.c.l.s4.s8 v1;
	vm0 =	vmor vm0, vm7  }
0x7: {  	vm9 =	vcmask $0x2B28;
	vm10 =	vcmask $0x3330;
	s1 =	rddreg [dreg:$0x2];
	s9 =	sadd.s32 $0x40, s2;
	s6 =	sshll.u32 s4, $0x9;
	vm0 =	vmor vm0, vm8  }
.Ltmp0:
0x8: {  	s31 =	ssub.s32 $0x2, s4;
	s7 =	sor.u32 s6, s3;
	v0 =	vunpack.c.0.s8.s32 v0;
	v1 =	vunpack.c.0.s8.s32 v1;
	vm0 =	vmor vm0, vm9;
	(pc) =	sbr.rel .LBB2_1-.Ltmp0, $4  }
0x9: {  	vm11 =	vcmask $0x3B38;
	s3 =	simm.s32 $0x0;
	s8 =	sshrl.u32 s31, $0x1;
	s4 =	sshll.u32 s7, $0x9;
	vm0 =	vmor vm0, vm10  }
0xa: {  	[smem:$0x7FF] =	sst s3;
	s11 =	ssub.s32 s31, s8;
	s7 =	sshrl.u32 s7, $0x3;
	v0 =	vcombine.low v1, v0;
	v1 =	vimm.s32 $0x0;
	vm12 =	vmor vm0, vm11  }
0xb: {  	s5 =	sadd.s32 s5, s4;
	_ =	strace $0x80000047;
	s11 =	smax.u32 s11, $0x1;
	v1 =	vsel vm12, $0xFFFFFFFF, v1  }
0xc: {  	s6 =	sadd.s32 $0x40, s5;
	s8 =	sadd.s32 $0x1000, s5;
	s10 =	sadd.s32 $0x1040, s5;
	v0 =	vand.u32 $0xF, v0;
	[tilespmem:$0x1FFF0] =	vst v1  }
.LBB2_34:
0xd: {  	s21 =	sadd.s32 $0x1, s21  }
0xe: {  	_ =	swait.ge [sflag:s19], $0x4000;
	p0 =	sne.s32 s21, s11  }
.Ltmp1:
0xf: {  	[sflag:s19] =	ssyncset.done $0x0;
	(pc) =	sbr.rel @!p0 .LBB2_35-.Ltmp1, $4  }
0x10: {  	[sflag:s19] =	ssyncadd.s32 $0xFFFFC000  }
0x11: {  	_ =	swait.ge [sflag:s20], $0x4000  }
0x12: {  	[sflag:s20] =	ssyncset.done $0x0  }
0x13: {  	[sflag:s20] =	ssyncadd.s32 $0xFFFFC000  }
.LBB2_1:
0x14: {  	[tilespmem:s3], [sflag:$0x1] =	stream.strided.gather [hbm4b:s5+s12], $0x4000, s13, s12, $0x38;
	[tilespmem:$0x10000] =	vst v63  }
0x15: {  	s22 =	simm.s32 $0x0  }
0x16: {  	[tilespmem:s14], [sflag:$0x2] =	stream.strided.gather [hbm4b:s6+s12], $0x4000, s13, s12, $0x38;
	[tilespmem:$0x10000] =	vst v63  }
.LBB2_2:
0x17: {  	p0 =	seq.s32 s22, $0x0  }
0x18: {  	s23 =	simm.s32 @!p0 $0x3  }
0x19: {  	_ =	swait.ge @!p0 [sflag:s23], $0x4000  }
0x1a: {  	[sflag:s23] =	ssyncset.done @!p0 $0x0  }
0x1b: {  	[sflag:s23] =	ssyncadd.s32 @!p0 $0xFFFFC000  }
0x1c: {  	_ =	swait.ge [sflag:s15], $0x4000  }
0x1d: {  	[sflag:s15] =	ssyncset.done $0x0  }
0x1e: {  	s24 =	simm.s32 $0x0;
	[sflag:s15] =	ssyncadd.s32 $0xFFFFC000  }
0x1f: {  	v11 =	vld [tilespmem:s24+$0x270]  }
0x20: {  	v3 =	vld [tilespmem:s24+$0x0]  }
0x21: {  	v1 =	vld [tilespmem:s24+$0x10]  }
0x22: {  	v2 =	vld [tilespmem:s24+$0x20]  }
0x23: {  	v4 =	vld [tilespmem:s24+$0x30]  }
0x24: {  	v5 =	vld [tilespmem:s24+$0x40]  }
0x25: {  	v6 =	vld [tilespmem:s24+$0x50]  }
0x26: {  	v8 =	vld [tilespmem:s24+$0x60]  }
0x27: {  	v7 =	vld [tilespmem:s24+$0x70]  }
0x28: {  	v10 =	vld [tilespmem:s24+$0x210]  }
0x29: {  	v13 =	vld [tilespmem:s24+$0x240]  }
0x2a: {  	v14 =	vld [tilespmem:s24+$0x250];
	v9 =	vperm.xlane v11, v0;
	v16 =	vperm.xlane v3, v0  }
0x2b: {  	v15 =	vld [tilespmem:s24+$0x260];
	v17 =	vperm.xlane v1, v0;
	v18 =	vperm.xlane v2, v0  }
0x2c: {  	v31 =	vimm.s32 $0x0;
	v19 =	vperm.xlane v4, v0;
	v20 =	vperm.xlane v5, v0  }
0x2d: {  	v61 =	vimm.s32 $0x0;
	v21 =	vperm.xlane v6, v0;
	v22 =	vperm.xlane v8, v0  }
0x2e: {  	v62 =	vimm.s32 $0x0;
	v23 =	vperm.xlane v7, v0;
	v25 =	vperm.xlane v10, v0  }
0x2f: {  	v63 =	vimm.s32 $0x0;
	v28 =	vperm.xlane v13, v0;
	v29 =	vperm.xlane v14, v0  }
0x30: {  	v30 =	vperm.xlane v15, v0;
	vm0 =	veq.f32 v11, v9;
	vm1 =	vgt.f32 v11, v9  }
0x31: {  	vm2 =	veq.f32 v3, v16;
	vm3 =	veq.f32 v2, v18;
	vm0 =	vmand vm0, vm12  }
0x32: {  	v9 =	vld [tilespmem:s24+$0x200];
	vm4 =	veq.f32 v4, v19;
	vm5 =	veq.f32 v5, v20;
	vm0 =	vmor vm1, vm0  }
0x33: {  	vm6 =	veq.f32 v6, v21;
	vm7 =	veq.f32 v7, v23;
	v12 =	vnsel vm0, $0x0, v11;
	v11 =	vld [tilespmem:s24+$0x220]  }
0x34: {  	vm9 =	veq.f32 v10, v25;
	vm13 =	vmand vm2, vm12;
	vm2 =	vmand vm3, vm12;
	[tilespmem:s24+$0x8270] =	vst v12;
	v12 =	vld [tilespmem:s24+$0x230]  }
0x35: {  	vm3 =	veq.f32 v8, v22;
	vm4 =	vmand vm4, vm12;
	vm5 =	vmand vm5, vm12  }
0x36: {  	vm6 =	vmand vm6, vm12;
	vm7 =	vmand vm7, vm12;
	vm1 =	veq.f32 v1, v17  }
0x37: {  	vm3 =	vmand vm3, vm12;
	vm0 =	vmmov vm12;
	v24 =	vperm.xlane v9, v0  }
0x38: {  	vm14 =	vmand vm1, vm12;
	vm1 =	vmand vm9, vm0;
	v26 =	vperm.xlane v11, v0  }
0x39: {  	v31 =	vsel vm1, $0xFFFFFFFF, v31;
	vm8 =	veq.f32 v9, v24;
	v27 =	vperm.xlane v12, v0  }
0x3a: {  	vm8 =	vmand vm8, vm12;
	vm12 =	veq.f32 v13, v28;
	vm10 =	veq.f32 v11, v26  }
0x3b: {  	vm11 =	veq.f32 v12, v27;
	vm1 =	vmand vm10, vm0;
	vm10 =	vgt.f32 v1, v17  }
0x3c: {  	[tilespmem:$0x1FFE0] =	vst v31;
	v31 =	vsel vm1, $0xFFFFFFFF, v61;
	vm1 =	veq.f32 v14, v29;
	vm9 =	vmand vm11, vm0  }
0x3d: {  	vm14 =	vmor vm10, vm14;
	vm10 =	vgt.f32 v4, v19;
	[tilespmem:$0x1FF90] =	vst v31;
	v31 =	vsel vm9, $0xFFFFFFFF, v62  }
0x3e: {  	vm9 =	vmand vm12, vm0;
	vm12 =	vmor vm10, vm4;
	vm4 =	vgt.f32 v6, v21  }
0x3f: {  	vm1 =	vmand vm1, vm0;
	[tilespmem:$0x1FFA0] =	vst v31;
	v31 =	vsel vm9, $0xFFFFFFFF, v63;
	vm9 =	vgt.f32 v3, v16  }
0x40: {  	v16 =	vimm.s32 $0x0;
	vm15 =	vmor vm9, vm13;
	vm9 =	vgt.f32 v2, v18  }
0x41: {  	v16 =	vsel vm1, $0xFFFFFFFF, v16;
	vm13 =	vmor vm9, vm2;
	vm2 =	vgt.f32 v5, v20  }
0x42: {  	vm11 =	vmor vm2, vm5;
	vm5 =	vmor vm4, vm6;
	vm4 =	veq.f32 v15, v30  }
0x43: {  	[tilespmem:$0x1FFC0] =	vst v16;
	v16 =	vimm.s32 $0x0;
	vm0 =	vmand vm4, vm0  }
0x44: {  	v16 =	vsel vm0, $0xFFFFFFFF, v16  }
0x45: {  	[tilespmem:$0x1FFD0] =	vst v16;
	v16 =	vld [tilespmem:$0x1FFE0];
	_ =	sdelay $0x1  }
0x46: {  	vm1 =	vgt.f32 v9, v24;
	vm2 =	vgt.f32 v8, v22  }
0x47: {  	vm9 =	vmor vm2, vm3;
	vm2 =	vgt.f32 v7, v23;
	vm4 =	vgt.f32 v11, v26  }
0x48: {  	vm3 =	vgt.f32 v15, v30;
	vm6 =	vmor vm2, vm7;
	vm7 =	vmor vm1, vm8  }
0x49: {  	s25 =	simm.s32 $0x400;
	vm1 =	vgt.f32 v10, v25;
	vm2 =	vgt.f32 v14, v29;
	vm0 =	vnez.u8 v16  }
0x4a: {  	s28 =	simm.s32 $0x2000;
	s26 =	simm.s32 $0x0;
	s23 =	sshll.u32 s22, $0xC;
	[tilespmem:$0x1FFB0] =	vst v31;
	vm8 =	vmor vm1, vm0;
	vm1 =	vgt.f32 v12, v27;
	vm0 =	vgt.f32 v13, v28  }
.LBB2_3:
0x4b: {  	v17 =	vld [tilespmem:$0x1FF90];
	_ =	sdelay $0x4  }
0x4c: {  	vm10 =	vnez.u8 v17;
	v17 =	vld [tilespmem:$0x1FFA0];
	_ =	sdelay $0x4  }
0x4d: {  	vm4 =	vmor vm4, vm10;
	vm10 =	vnez.u8 v17;
	v17 =	vld [tilespmem:$0x1FFB0];
	_ =	sdelay $0x2  }
0x4e: {  	v16 =	vld [tilespmem:s25+$0x270]  }
0x4f: {  	v18 =	vld [tilespmem:$0x1FFC0];
	v43 =	vnsel vm13, $0x0, v2;
	v19 =	vnsel vm12, $0x0, v4  }
0x50: {  	v42 =	vld [tilespmem:$0x1FFD0];
	vm1 =	vmor vm1, vm10;
	vm10 =	vnez.u8 v17;
	v17 =	vnsel vm15, $0x0, v3  }
0x51: {  	v20 =	vnsel vm5, $0x0, v6;
	v21 =	vnsel vm9, $0x0, v8;
	v44 =	vnsel vm6, $0x0, v7;
	v3 =	vld [tilespmem:s25+$0x0];
	[tilespmem:s26+$0x8000] =	vst v17  }
0x52: {  	v22 =	vnsel vm7, $0x0, v9;
	v23 =	vnsel vm8, $0x0, v10;
	v17 =	vnsel vm14, $0x0, v1;
	v1 =	vld [tilespmem:s25+$0x10]  }
0x53: {  	v53 =	vimm.s32 $0x0;
	v55 =	vimm.s32 $0x0;
	v29 =	vimm.s32 $0x0;
	v2 =	vld [tilespmem:s25+$0x20];
	[tilespmem:s26+$0x8010] =	vst v17  }
0x54: {  	v30 =	vimm.s32 $0x0;
	v31 =	vimm.s32 $0x0;
	v59 =	vimm.s32 $0x0;
	v4 =	vld [tilespmem:s25+$0x30];
	[tilespmem:s26+$0x8020] =	vst v43  }
0x55: {  	v60 =	vimm.s32 $0x0;
	v9 =	vperm.xlane v16, v0;
	v17 =	vnsel vm11, $0x0, v5;
	v5 =	vld [tilespmem:s25+$0x40];
	[tilespmem:s26+$0x8030] =	vst v19  }
0x56: {  	v61 =	vimm.s32 $0x0;
	v24 =	vnsel vm1, $0x0, v12;
	vm0 =	vmor vm0, vm10;
	v6 =	vld [tilespmem:s25+$0x50]  }
0x57: {  	vm1 =	vgt.f32 v16, v9;
	[tilespmem:s26+$0x8040] =	vst v17;
	v17 =	vnsel vm0, $0x0, v13;
	vm0 =	veq.f32 v16, v9;
	v9 =	vld [tilespmem:$0x1FFF0]  }
0x58: {  	v62 =	vimm.s32 $0x0;
	v63 =	vimm.s32 $0x0;
	vm10 =	vnez.u8 v18  }
0x59: {  	v45 =	vnsel vm4, $0x0, v11;
	vm15 =	vmor vm2, vm10;
	vm2 =	vnez.u8 v42  }
0x5a: {  	vm2 =	vmor vm3, vm2;
	v26 =	vnsel vm15, $0x0, v14;
	v14 =	vimm.s32 $0x0;
	v8 =	vld [tilespmem:s25+$0x60];
	[tilespmem:s26+$0x8050] =	vst v20  }
0x5b: {  	v46 =	vnsel vm2, $0x0, v15;
	v25 =	vperm.xlane v3, v0;
	v13 =	vimm.s32 $0x0;
	v7 =	vld [tilespmem:s25+$0x70]  }
0x5c: {  	v27 =	vperm.xlane v1, v0;
	v47 =	vperm.xlane v4, v0;
	vm5 =	vnez.u8 v9  }
0x5d: {  	v28 =	vperm.xlane v2, v0;
	[tilespmem:s26+$0x8060] =	vst v21;
	v48 =	vperm.xlane v5, v0;
	vm0 =	vmand vm0, vm5  }
0x5e: {  	vm2 =	veq.f32 v3, v25;
	v9 =	vld [tilespmem:s25+$0x200];
	[tilespmem:s26+$0x8070] =	vst v44;
	vm3 =	veq.f32 v4, v47;
	vm0 =	vmor vm1, vm0  }
0x5f: {  	v10 =	vld [tilespmem:s25+$0x210];
	[tilespmem:s26+$0x8200] =	vst v22;
	vm4 =	veq.f32 v5, v48;
	vm1 =	veq.f32 v1, v27;
	v12 =	vnsel vm0, $0x0, v16  }
0x60: {  	v49 =	vperm.xlane v8, v0;
	v11 =	vld [tilespmem:s25+$0x220];
	v50 =	vperm.xlane v7, v0;
	vm1 =	vmand vm1, vm5;
	[tilespmem:s25+$0x8270] =	vst v12  }
0x61: {  	vm0 =	veq.f32 v2, v28;
	v16 =	vperm.xlane v6, v0;
	v12 =	vld [tilespmem:s25+$0x230];
	v13 =	vsel vm1, $0xFFFFFFFF, v13;
	[tilespmem:s26+$0x8210] =	vst v23  }
0x62: {  	vm12 =	vmand vm3, vm5;
	vm11 =	vmand vm4, vm5;
	vm0 =	vmand vm0, vm5;
	[tilespmem:$0x1FF00] =	vst v13  }
0x63: {  	vm3 =	veq.f32 v7, v50;
	vm1 =	veq.f32 v6, v16;
	v14 =	vsel vm0, $0xFFFFFFFF, v14;
	v13 =	vld [tilespmem:s25+$0x240];
	[tilespmem:s26+$0x8220] =	vst v45  }
0x64: {  	vm0 =	veq.f32 v8, v49;
	v51 =	vperm.xlane v9, v0;
	vm3 =	vmand vm3, vm5;
	[tilespmem:$0x1FF10] =	vst v14  }
0x65: {  	vm8 =	vgt.f32 v6, v16;
	v52 =	vperm.xlane v10, v0;
	vm1 =	vmand vm1, vm5;
	v14 =	vld [tilespmem:s25+$0x250];
	[tilespmem:s26+$0x8230] =	vst v24  }
0x66: {  	vm0 =	vmand vm0, vm5;
	v29 =	vsel vm3, $0xFFFFFFFF, v29;
	vm4 =	veq.f32 v9, v51;
	v15 =	vld [tilespmem:s25+$0x260];
	[tilespmem:s26+$0x8240] =	vst v17  }
0x67: {  	v20 =	vsel vm0, $0xFFFFFFFF, v55;
	v17 =	vperm.xlane v11, v0;
	[tilespmem:s26+$0x8250] =	vst v26;
	v26 =	vsel vm1, $0xFFFFFFFF, v53  }
0x68: {  	vm1 =	veq.f32 v10, v52;
	vm4 =	vmand vm4, vm5;
	v54 =	vperm.xlane v12, v0  }
0x69: {  	v30 =	vsel vm4, $0xFFFFFFFF, v30;
	vm1 =	vmand vm1, vm5;
	vm0 =	veq.f32 v11, v17  }
0x6a: {  	v31 =	vsel vm1, $0xFFFFFFFF, v31;
	v56 =	vperm.xlane v13, v0;
	vm0 =	vmand vm0, vm5  }
0x6b: {  	vm3 =	veq.f32 v12, v54;
	[tilespmem:$0x1FF70] =	vst v31;
	v57 =	vperm.xlane v14, v0;
	v31 =	vsel vm0, $0xFFFFFFFF, v59  }
0x6c: {  	vm1 =	vmand vm3, vm5;
	vm4 =	veq.f32 v13, v56;
	v58 =	vperm.xlane v15, v0  }
0x6d: {  	[tilespmem:$0x1FF90] =	vst v31;
	v31 =	vsel vm1, $0xFFFFFFFF, v60;
	vm0 =	veq.f32 v14, v57;
	vm1 =	vmand vm4, vm5  }
0x6e: {  	[tilespmem:$0x1FFA0] =	vst v31;
	v31 =	vsel vm1, $0xFFFFFFFF, v61;
	vm1 =	veq.f32 v15, v58;
	vm0 =	vmand vm0, vm5  }
0x6f: {  	vm3 =	vgt.f32 v3, v25;
	v25 =	vsel vm0, $0xFFFFFFFF, v62;
	vm0 =	vmand vm1, vm5  }
0x70: {  	v16 =	vimm.s32 $0x0;
	[tilespmem:$0x1FFC0] =	vst v25;
	v25 =	vsel vm0, $0xFFFFFFFF, v63;
	vm0 =	vgt.f32 v9, v51  }
0x71: {  	v16 =	vsel vm0, $0xFFFFFFFF, v16  }
0x72: {  	vm0 =	vgt.f32 v10, v52;
	[tilespmem:$0x1FF60] =	vst v16;
	v16 =	vimm.s32 $0x0  }
0x73: {  	v16 =	vsel vm0, $0xFFFFFFFF, v16  }
0x74: {  	[tilespmem:$0x1FF80] =	vst v16;
	v16 =	vld [tilespmem:$0x1FF00];
	_ =	sdelay $0x4  }
0x75: {  	vm13 =	vnez.u8 v16;
	v16 =	vld [tilespmem:$0x1FF10];
	_ =	sdelay $0x3  }
0x76: {  	vm14 =	vgt.f32 v1, v27;
	[tilespmem:$0x1FF20] =	vst v26  }
0x77: {  	vm14 =	vmor vm14, vm13;
	vm13 =	vnez.u8 v16;
	v16 =	vld [tilespmem:$0x1FF20];
	_ =	sdelay $0x3  }
0x78: {  	vm2 =	vmand vm2, vm5;
	[tilespmem:$0x1FF30] =	vst v20;
	vm5 =	vgt.f32 v2, v28  }
0x79: {  	vm13 =	vmor vm5, vm13;
	vm5 =	vnez.u8 v16;
	v16 =	vld [tilespmem:$0x1FF30];
	_ =	sdelay $0x3  }
0x7a: {  	vm6 =	vgt.f32 v4, v47;
	[tilespmem:$0x1FF40] =	vst v29  }
0x7b: {  	vm12 =	vmor vm6, vm12;
	vm6 =	vnez.u8 v16;
	v16 =	vld [tilespmem:$0x1FF40];
	_ =	sdelay $0x3  }
0x7c: {  	vm9 =	vgt.f32 v8, v49;
	[tilespmem:$0x1FF50] =	vst v30  }
0x7d: {  	vm9 =	vmor vm9, vm6;
	vm6 =	vnez.u8 v16;
	v16 =	vld [tilespmem:$0x1FF50];
	_ =	sdelay $0x3  }
0x7e: {  	vm7 =	vgt.f32 v5, v48  }
0x7f: {  	vm11 =	vmor vm7, vm11;
	vm7 =	vnez.u8 v16;
	v16 =	vld [tilespmem:$0x1FF60];
	_ =	sdelay $0x4  }
0x80: {  	vm5 =	vmor vm8, vm5;
	vm8 =	vnez.u8 v16;
	v16 =	vld [tilespmem:$0x1FF70];
	_ =	sdelay $0x4  }
0x81: {  	vm7 =	vmor vm8, vm7;
	vm8 =	vnez.u8 v16;
	v16 =	vld [tilespmem:$0x1FF80]  }
0x82: {  	p0 =	sne.s32 s28, $0xF000  }
.Ltmp2:
0x83: {  	_ = 	snop;
	(pc) =	sbr.rel @p0 .LBB2_3-.Ltmp2, $4  }
0x84: {  	vm10 =	vgt.f32 v7, v50  }
0x85: {  	[tilespmem:s26+$0x8260] =	vst v46;
	vm15 =	vmor vm3, vm2;
	vm4 =	vgt.f32 v11, v17;
	vm2 =	vgt.f32 v14, v57  }
0x86: {  	vm3 =	vgt.f32 v15, v58;
	[tilespmem:$0x1FFB0] =	vst v31;
	vm6 =	vmor vm10, vm6;
	vm10 =	vnez.u8 v16  }
0x87: {  	s26 =	smov.u32 s25;
	s25 =	sshra.s32 s28, $0x2;
	s28 =	sadd.s32 $0x1000, s28;
	vm1 =	vgt.f32 v12, v54;
	[tilespmem:$0x1FFD0] =	vst v25;
	vm0 =	vgt.f32 v13, v56;
	vm8 =	vmor vm10, vm8  }
0x88: {  	v16 =	vld [tilespmem:s25+$0x270]  }
0x89: {  	v17 =	vld [tilespmem:s25+$0x0];
	v3 =	vnsel vm15, $0x0, v3  }
0x8a: {  	v18 =	vld [tilespmem:s25+$0x10];
	v1 =	vnsel vm14, $0x0, v1;
	[tilespmem:s26+$0x8000] =	vst v3  }
0x8b: {  	v3 =	vld [tilespmem:s25+$0x20];
	[tilespmem:s26+$0x8010] =	vst v1;
	v1 =	vnsel vm13, $0x0, v2  }
0x8c: {  	v2 =	vld [tilespmem:s25+$0x30];
	[tilespmem:s26+$0x8020] =	vst v1;
	v1 =	vnsel vm12, $0x0, v4  }
0x8d: {  	v4 =	vld [tilespmem:s25+$0x40];
	[tilespmem:s26+$0x8030] =	vst v1;
	v1 =	vnsel vm11, $0x0, v5  }
0x8e: {  	v5 =	vld [tilespmem:s25+$0x50];
	[tilespmem:s26+$0x8040] =	vst v1  }
0x8f: {  	v1 =	vnsel vm5, $0x0, v6;
	v6 =	vld [tilespmem:s25+$0x60]  }
0x90: {  	[tilespmem:s26+$0x8050] =	vst v1;
	v1 =	vld [tilespmem:$0x1FF90];
	_ =	sdelay $0x2  }
0x91: {  	v19 =	vld [tilespmem:$0x1FFA0]  }
0x92: {  	v43 =	vld [tilespmem:$0x1FFB0]  }
0x93: {  	vm5 =	vnez.u8 v1;
	v1 =	vnsel vm9, $0x0, v8;
	v8 =	vld [tilespmem:s25+$0x70]  }
0x94: {  	[tilespmem:s26+$0x8060] =	vst v1;
	v1 =	vld [tilespmem:$0x1FFC0];
	_ =	sdelay $0x2  }
0x95: {  	vm4 =	vmor vm4, vm5;
	vm5 =	vnez.u8 v19  }
0x96: {  	vm1 =	vmor vm1, vm5;
	vm5 =	vnez.u8 v43  }
0x97: {  	vm0 =	vmor vm0, vm5;
	vm5 =	vnez.u8 v1;
	v1 =	vld [tilespmem:$0x1FFD0];
	_ =	sdelay $0x4  }
0x98: {  	vm2 =	vmor vm2, vm5;
	vm5 =	vnez.u8 v1;
	v1 =	vnsel vm6, $0x0, v7;
	v7 =	vld [tilespmem:s25+$0x200]  }
0x99: {  	[tilespmem:s26+$0x8070] =	vst v1;
	v1 =	vnsel vm4, $0x0, v11;
	v11 =	vld [tilespmem:$0x1FFF0];
	_ =	sdelay $0x2  }
0x9a: {  	v9 =	vnsel vm7, $0x0, v9;
	v44 =	vperm.xlane v16, v0  }
0x9b: {  	v10 =	vnsel vm8, $0x0, v10;
	v45 =	vperm.xlane v17, v0;
	v21 =	vperm.xlane v3, v0  }
0x9c: {  	vm3 =	vmor vm3, vm5;
	vm5 =	veq.f32 v16, v44;
	vm7 =	vnez.u8 v11  }
0x9d: {  	vm15 =	vgt.f32 v17, v45;
	vm4 =	vgt.f32 v16, v44;
	vm5 =	vmand vm5, vm7  }
0x9e: {  	v22 =	vperm.xlane v2, v0;
	v12 =	vnsel vm1, $0x0, v12;
	vm1 =	vmor vm4, vm5  }
0x9f: {  	v25 =	vperm.xlane v6, v0;
	v26 =	vperm.xlane v8, v0;
	v11 =	vld [tilespmem:s25+$0x210];
	[tilespmem:s26+$0x8200] =	vst v9;
	v16 =	vnsel vm1, $0x0, v16  }
0xa0: {  	v14 =	vnsel vm2, $0x0, v14;
	vm2 =	veq.f32 v3, v21;
	v15 =	vnsel vm3, $0x0, v15;
	v20 =	vld [tilespmem:s25+$0x220];
	[tilespmem:s25+$0x8270] =	vst v16  }
0xa1: {  	vm3 =	veq.f32 v2, v22;
	v9 =	vnsel vm0, $0x0, v13;
	vm0 =	veq.f32 v17, v45;
	v23 =	vld [tilespmem:s25+$0x230];
	[tilespmem:s26+$0x8210] =	vst v10  }
0xa2: {  	v13 =	vperm.xlane v18, v0;
	vm0 =	vmand vm0, vm7;
	vm10 =	vmand vm2, vm7;
	v24 =	vld [tilespmem:s25+$0x240]  }
0xa3: {  	vm2 =	veq.f32 v6, v25;
	vm12 =	vmand vm3, vm7;
	vm3 =	veq.f32 v8, v26  }
0xa4: {  	vm8 =	vmand vm2, vm7;
	vm1 =	veq.f32 v18, v13;
	v16 =	vperm.xlane v4, v0  }
0xa5: {  	vm5 =	vmand vm3, vm7;
	vm9 =	vmand vm1, vm7;
	v10 =	vperm.xlane v5, v0  }
0xa6: {  	vm4 =	veq.f32 v4, v16;
	[tilespmem:s26+$0x8220] =	vst v1;
	v1 =	vperm.xlane v7, v0;
	v29 =	vperm.xlane v20, v0  }
0xa7: {  	v30 =	vperm.xlane v23, v0;
	vm1 =	veq.f32 v5, v10;
	v31 =	vperm.xlane v24, v0  }
0xa8: {  	v27 =	vld [tilespmem:s25+$0x250];
	[tilespmem:s26+$0x8230] =	vst v12;
	v12 =	vperm.xlane v11, v0;
	vm13 =	vmand vm4, vm7;
	vm4 =	veq.f32 v7, v1  }
0xa9: {  	vm11 =	vmand vm1, vm7;
	vm2 =	veq.f32 v20, v29;
	vm14 =	veq.f32 v24, v31  }
0xaa: {  	v28 =	vld [tilespmem:s25+$0x260];
	[tilespmem:s26+$0x8240] =	vst v9;
	v9 =	vimm.s32 $0x0;
	vm1 =	veq.f32 v11, v12;
	vm14 =	vmand vm14, vm7  }
0xab: {  	[tilespmem:s26+$0x8250] =	vst v14;
	v9 =	vsel vm14, $0xFFFFFFFF, v9;
	vm14 =	vmor vm15, vm0;
	vm15 =	vgt.f32 v18, v13  }
0xac: {  	vm3 =	veq.f32 v23, v30;
	[tilespmem:s26+$0x8260] =	vst v15;
	vm6 =	vmand vm1, vm7;
	vm9 =	vmor vm15, vm9  }
0xad: {  	[tilespmem:$0x1FE90] =	vst v9;
	vm15 =	vgt.f32 v3, v21;
	v9 =	vnsel vm14, $0x0, v17;
	vm14 =	vgt.f32 v2, v22  }
0xae: {  	vm10 =	vmor vm15, vm10;
	[tilespmem:s25+$0x8000] =	vst v9;
	v9 =	vnsel vm9, $0x0, v18;
	vm9 =	vgt.f32 v4, v16  }
0xaf: {  	vm12 =	vmor vm14, vm12;
	v3 =	vnsel vm10, $0x0, v3;
	vm10 =	vgt.f32 v5, v10  }
0xb0: {  	vm9 =	vmor vm9, vm13;
	v2 =	vnsel vm12, $0x0, v2;
	vm12 =	vgt.f32 v6, v25  }
0xb1: {  	[tilespmem:s25+$0x8020] =	vst v3;
	vm10 =	vmor vm10, vm11;
	v3 =	vnsel vm9, $0x0, v4;
	vm9 =	vgt.f32 v8, v26  }
0xb2: {  	[tilespmem:s25+$0x8030] =	vst v2;
	vm8 =	vmor vm12, vm8;
	v2 =	vnsel vm10, $0x0, v5;
	vm10 =	vgt.f32 v7, v1  }
0xb3: {  	vm9 =	vmor vm9, vm5;
	v1 =	vnsel vm8, $0x0, v6;
	vm8 =	vgt.f32 v11, v12  }
0xb4: {  	v32 =	vperm.xlane v27, v0;
	[tilespmem:s25+$0x8050] =	vst v2;
	v2 =	vnsel vm9, $0x0, v8;
	vm6 =	vmor vm8, vm6  }
0xb5: {  	vm4 =	vmand vm4, vm7;
	v46 =	vperm.xlane v28, v0;
	[tilespmem:s25+$0x8070] =	vst v2;
	v2 =	vnsel vm6, $0x0, v11  }
0xb6: {  	vm3 =	vmand vm3, vm7;
	vm1 =	vmand vm2, vm7;
	vm2 =	veq.f32 v27, v32;
	[tilespmem:s25+$0x8210] =	vst v2;
	v2 =	vld [tilespmem:$0x1FE90]  }
0xb7: {  	vm0 =	veq.f32 v28, v46;
	vm2 =	vmand vm2, vm7;
	[tilespmem:s25+$0x8010] =	vst v9;
	vm5 =	vmor vm10, vm4  }
0xb8: {  	vm0 =	vmand vm0, vm7;
	[tilespmem:s25+$0x8060] =	vst v1;
	vm4 =	vgt.f32 v20, v29;
	v1 =	vnsel vm5, $0x0, v7  }
0xb9: {  	[tilespmem:s25+$0x8040] =	vst v3;
	vm5 =	vgt.f32 v23, v30;
	vm4 =	vmor vm4, vm1;
	vm6 =	vgt.f32 v24, v31  }
0xba: {  	[tilespmem:s25+$0x8200] =	vst v1;
	vm3 =	vmor vm5, vm3;
	v1 =	vnsel vm4, $0x0, v20;
	vm4 =	vgt.f32 v27, v32  }
0xbb: {  	[tilespmem:s25+$0x8220] =	vst v1;
	vm2 =	vmor vm4, vm2;
	vm1 =	vnez.u8 v2;
	v2 =	vnsel vm3, $0x0, v23  }
0xbc: {  	vm3 =	vgt.f32 v28, v46;
	vm1 =	vmor vm6, vm1;
	[tilespmem:s25+$0x8230] =	vst v2;
	v2 =	vnsel vm2, $0x0, v27  }
0xbd: {  	vm0 =	vmor vm3, vm0;
	v1 =	vnsel vm1, $0x0, v24;
	[tilespmem:s25+$0x8250] =	vst v2  }
0xbe: {  	[tilespmem:s25+$0x8240] =	vst v1;
	v1 =	vnsel vm0, $0x0, v28  }
0xbf: {  	[tilespmem:s25+$0x8260] =	vst v1  }
0xc0: {  	v11 =	vld [tilespmem:s24+$0x2F0]  }
0xc1: {  	v3 =	vld [tilespmem:s24+$0x80]  }
0xc2: {  	v1 =	vld [tilespmem:s24+$0x90]  }
0xc3: {  	v2 =	vld [tilespmem:s24+$0xA0]  }
0xc4: {  	v4 =	vld [tilespmem:s24+$0xB0]  }
0xc5: {  	v5 =	vld [tilespmem:s24+$0xC0]  }
0xc6: {  	v6 =	vld [tilespmem:s24+$0xD0]  }
0xc7: {  	v8 =	vld [tilespmem:s24+$0xE0]  }
0xc8: {  	v7 =	vld [tilespmem:s24+$0xF0]  }
0xc9: {  	v10 =	vld [tilespmem:s24+$0x290]  }
0xca: {  	v55 =	vimm.s32 $0x0;
	v13 =	vld [tilespmem:s24+$0x2C0];
	v9 =	vperm.xlane v11, v0  }
0xcb: {  	v61 =	vimm.s32 $0x0;
	v14 =	vld [tilespmem:s24+$0x2D0];
	v16 =	vperm.xlane v3, v0;
	v17 =	vperm.xlane v1, v0  }
0xcc: {  	v62 =	vimm.s32 $0x0;
	v15 =	vld [tilespmem:s24+$0x2E0];
	v47 =	vperm.xlane v2, v0;
	v48 =	vperm.xlane v4, v0  }
0xcd: {  	v63 =	vimm.s32 $0x0;
	v49 =	vperm.xlane v5, v0;
	v50 =	vperm.xlane v6, v0  }
0xce: {  	v51 =	vperm.xlane v8, v0;
	v52 =	vperm.xlane v7, v0;
	vm0 =	veq.f32 v11, v9  }
0xcf: {  	v54 =	vperm.xlane v10, v0;
	vm1 =	vgt.f32 v11, v9;
	vm0 =	vmand vm0, vm7  }
0xd0: {  	v58 =	vperm.xlane v13, v0;
	v59 =	vperm.xlane v14, v0;
	vm0 =	vmor vm1, vm0  }
0xd1: {  	v60 =	vperm.xlane v15, v0;
	vm2 =	veq.f32 v3, v16;
	v12 =	vnsel vm0, $0x0, v11;
	v11 =	vld [tilespmem:s24+$0x2A0]  }
0xd2: {  	vm3 =	veq.f32 v2, v47;
	vm4 =	veq.f32 v4, v48;
	vm5 =	veq.f32 v5, v49;
	[tilespmem:s24+$0x82F0] =	vst v12;
	v12 =	vld [tilespmem:s24+$0x2B0]  }
0xd3: {  	vm6 =	veq.f32 v6, v50;
	vm9 =	veq.f32 v10, v54;
	vm12 =	veq.f32 v13, v58  }
0xd4: {  	v9 =	vld [tilespmem:s24+$0x280];
	vm13 =	vmand vm2, vm7;
	vm2 =	vmand vm3, vm7;
	vm3 =	veq.f32 v8, v51  }
0xd5: {  	vm4 =	vmand vm4, vm7;
	vm1 =	veq.f32 v1, v17;
	vm3 =	vmand vm3, vm7  }
0xd6: {  	vm14 =	vmand vm1, vm7;
	vm0 =	veq.f32 v7, v52;
	v56 =	vperm.xlane v11, v0  }
0xd7: {  	vm1 =	vmand vm5, vm7;
	vm5 =	vmand vm6, vm7;
	v57 =	vperm.xlane v12, v0  }
0xd8: {  	v26 =	vsel vm1, $0xFFFFFFFF, v55;
	vm6 =	vmand vm0, vm7;
	vm10 =	veq.f32 v11, v56  }
0xd9: {  	v53 =	vperm.xlane v9, v0;
	vm11 =	veq.f32 v12, v57;
	vm1 =	vmand vm10, vm7  }
0xda: {  	vm0 =	vmand vm9, vm7;
	[tilespmem:$0x1FED0] =	vst v26;
	v31 =	vsel vm1, $0xFFFFFFFF, v61;
	vm9 =	vmand vm11, vm7  }
0xdb: {  	vm8 =	veq.f32 v9, v53;
	[tilespmem:$0x1FEA0] =	vst v31;
	v31 =	vsel vm9, $0xFFFFFFFF, v62;
	vm9 =	vmand vm12, vm7  }
0xdc: {  	vm10 =	vgt.f32 v1, v17;
	[tilespmem:$0x1FEB0] =	vst v31;
	v31 =	vsel vm9, $0xFFFFFFFF, v63;
	vm9 =	vgt.f32 v3, v16;
	v16 =	vld [tilespmem:$0x1FED0]  }
0xdd: {  	vm8 =	vmand vm8, vm7;
	vm14 =	vmor vm10, vm14;
	vm10 =	vgt.f32 v4, v48  }
0xde: {  	vm1 =	veq.f32 v14, v59;
	vm12 =	vmor vm10, vm4;
	vm4 =	vgt.f32 v6, v50  }
0xdf: {  	vm1 =	vmand vm1, vm7;
	vm15 =	vmor vm9, vm13;
	vm9 =	vgt.f32 v2, v47  }
0xe0: {  	vm5 =	vmor vm4, vm5;
	vm4 =	veq.f32 v15, v60;
	vm13 =	vmor vm9, vm2  }
0xe1: {  	vm2 =	vgt.f32 v5, v49;
	vm9 =	vnez.u8 v16;
	v16 =	vimm.s32 $0x0  }
0xe2: {  	vm11 =	vmor vm2, vm9;
	vm2 =	vgt.f32 v8, v51;
	v16 =	vsel vm1, $0xFFFFFFFF, v16  }
0xe3: {  	vm1 =	vgt.f32 v9, v53;
	vm9 =	vmor vm2, vm3;
	vm2 =	vgt.f32 v7, v52  }
0xe4: {  	[tilespmem:$0x1FEE0] =	vst v16;
	v16 =	vimm.s32 $0x0;
	vm3 =	vgt.f32 v12, v57;
	vm6 =	vmor vm2, vm6  }
0xe5: {  	vm2 =	vmand vm4, vm7;
	vm7 =	vmor vm1, vm8;
	vm1 =	vgt.f32 v10, v54  }
0xe6: {  	[tilespmem:$0x1FEC0] =	vst v31;
	vm4 =	vgt.f32 v13, v58;
	v16 =	vsel vm2, $0xFFFFFFFF, v16;
	vm8 =	vmor vm1, vm0  }
0xe7: {  	s26 =	simm.s32 $0x2000;
	s25 =	simm.s32 $0x400;
	vm0 =	vgt.f32 v11, v56;
	vm1 =	vgt.f32 v14, v59;
	vm2 =	vgt.f32 v15, v60;
	[tilespmem:$0x1FEF0] =	vst v16  }
.LBB2_5:
0xe8: {  	v17 =	vld [tilespmem:$0x1FEA0];
	_ =	sdelay $0x4  }
0xe9: {  	vm10 =	vnez.u8 v17;
	v17 =	vld [tilespmem:$0x1FEB0];
	_ =	sdelay $0x4  }
0xea: {  	vm0 =	vmor vm0, vm10;
	vm10 =	vnez.u8 v17;
	v17 =	vld [tilespmem:$0x1FEC0]  }
0xeb: {  	v16 =	vld [tilespmem:s25+$0x2F0];
	v43 =	vnsel vm13, $0x0, v2  }
0xec: {  	v18 =	vld [tilespmem:$0x1FEE0];
	v19 =	vnsel vm12, $0x0, v4;
	v20 =	vnsel vm5, $0x0, v6;
	v21 =	vnsel vm9, $0x0, v8  }
0xed: {  	v42 =	vld [tilespmem:$0x1FEF0];
	v44 =	vnsel vm6, $0x0, v7;
	v22 =	vnsel vm7, $0x0, v9;
	v23 =	vnsel vm8, $0x0, v10  }
0xee: {  	v53 =	vimm.s32 $0x0;
	v55 =	vimm.s32 $0x0;
	v29 =	vimm.s32 $0x0  }
0xef: {  	vm3 =	vmor vm3, vm10;
	vm10 =	vnez.u8 v17;
	v17 =	vnsel vm15, $0x0, v3  }
0xf0: {  	v30 =	vimm.s32 $0x0;
	v31 =	vimm.s32 $0x0;
	v59 =	vimm.s32 $0x0;
	v3 =	vld [tilespmem:s25+$0x80];
	[tilespmem:s24+$0x8080] =	vst v17  }
0xf1: {  	vm4 =	vmor vm4, vm10;
	vm10 =	vnez.u8 v18;
	v17 =	vnsel vm14, $0x0, v1;
	v1 =	vld [tilespmem:s25+$0x90]  }
0xf2: {  	v9 =	vperm.xlane v16, v0;
	vm15 =	vmor vm1, vm10;
	vm1 =	vnez.u8 v42;
	v2 =	vld [tilespmem:s25+$0xA0];
	[tilespmem:s24+$0x8090] =	vst v17  }
0xf3: {  	v60 =	vimm.s32 $0x0;
	v45 =	vnsel vm0, $0x0, v11;
	vm1 =	vmor vm2, vm1;
	v4 =	vld [tilespmem:s25+$0xB0]  }
0xf4: {  	vm0 =	veq.f32 v16, v9;
	[tilespmem:s24+$0x80A0] =	vst v43;
	v46 =	vnsel vm1, $0x0, v15;
	vm1 =	vgt.f32 v16, v9;
	v9 =	vld [tilespmem:$0x1FFF0]  }
0xf5: {  	v61 =	vimm.s32 $0x0;
	v62 =	vimm.s32 $0x0;
	v17 =	vnsel vm11, $0x0, v5;
	v5 =	vld [tilespmem:s25+$0xC0]  }
0xf6: {  	v63 =	vimm.s32 $0x0;
	v24 =	vnsel vm3, $0x0, v12;
	[tilespmem:s24+$0x80B0] =	vst v19;
	v25 =	vperm.xlane v3, v0  }
0xf7: {  	v26 =	vnsel vm15, $0x0, v14;
	v6 =	vld [tilespmem:s25+$0xD0];
	[tilespmem:s24+$0x80C0] =	vst v17;
	v17 =	vnsel vm4, $0x0, v13;
	v13 =	vimm.s32 $0x0  }
0xf8: {  	v8 =	vld [tilespmem:s25+$0xE0];
	[tilespmem:s24+$0x80D0] =	vst v20;
	v27 =	vperm.xlane v1, v0;
	v28 =	vperm.xlane v2, v0;
	vm2 =	veq.f32 v3, v25  }
0xf9: {  	v7 =	vld [tilespmem:s25+$0xF0];
	vm14 =	vgt.f32 v3, v25;
	v47 =	vperm.xlane v4, v0;
	vm5 =	vnez.u8 v9  }
0xfa: {  	[tilespmem:s24+$0x80E0] =	vst v21;
	vm3 =	veq.f32 v1, v27;
	v48 =	vperm.xlane v5, v0;
	vm0 =	vmand vm0, vm5  }
0xfb: {  	v9 =	vld [tilespmem:s25+$0x280];
	[tilespmem:s24+$0x80F0] =	vst v44;
	vm4 =	veq.f32 v4, v47;
	vm3 =	vmand vm3, vm5;
	vm0 =	vmor vm1, vm0  }
0xfc: {  	v10 =	vld [tilespmem:s25+$0x290];
	[tilespmem:s24+$0x8280] =	vst v22;
	vm1 =	vmand vm2, vm5;
	vm2 =	veq.f32 v5, v48;
	v13 =	vsel vm3, $0xFFFFFFFF, v13  }
0xfd: {  	v49 =	vperm.xlane v8, v0;
	vm12 =	vmand vm4, vm5;
	v12 =	vnsel vm0, $0x0, v16;
	[tilespmem:$0x1FE00] =	vst v13  }
0xfe: {  	v11 =	vld [tilespmem:s25+$0x2A0];
	vm0 =	veq.f32 v2, v28;
	v16 =	vperm.xlane v6, v0;
	v50 =	vperm.xlane v7, v0;
	[tilespmem:s25+$0x82F0] =	vst v12  }
0xff: {  	vm11 =	vmand vm2, vm5;
	v12 =	vld [tilespmem:s25+$0x2B0];
	vm13 =	vmand vm0, vm5;
	vm0 =	veq.f32 v8, v49;
	[tilespmem:s24+$0x8290] =	vst v23  }
0x100: {  	vm3 =	veq.f32 v6, v16;
	v51 =	vperm.xlane v9, v0;
	vm4 =	veq.f32 v7, v50;
	v13 =	vld [tilespmem:s25+$0x2C0];
	[tilespmem:s24+$0x82A0] =	vst v45  }
0x101: {  	vm0 =	vmand vm0, vm5;
	v52 =	vperm.xlane v10, v0;
	vm3 =	vmand vm3, vm5;
	v14 =	vld [tilespmem:s25+$0x2D0];
	[tilespmem:s24+$0x82B0] =	vst v24  }
0x102: {  	v20 =	vsel vm0, $0xFFFFFFFF, v55;
	vm4 =	vmand vm4, vm5;
	vm2 =	veq.f32 v9, v51;
	v15 =	vld [tilespmem:s25+$0x2E0];
	[tilespmem:s24+$0x82C0] =	vst v17  }
0x103: {  	v29 =	vsel vm4, $0xFFFFFFFF, v29;
	v17 =	vperm.xlane v11, v0;
	[tilespmem:s24+$0x82D0] =	vst v26;
	v26 =	vsel vm3, $0xFFFFFFFF, v53  }
0x104: {  	vm3 =	veq.f32 v10, v52;
	vm2 =	vmand vm2, vm5;
	v54 =	vperm.xlane v12, v0  }
0x105: {  	v30 =	vsel vm2, $0xFFFFFFFF, v30;
	vm3 =	vmand vm3, vm5;
	vm0 =	veq.f32 v11, v17  }
0x106: {  	v31 =	vsel vm3, $0xFFFFFFFF, v31;
	v56 =	vperm.xlane v13, v0;
	vm0 =	vmand vm0, vm5  }
0x107: {  	vm4 =	veq.f32 v12, v54;
	[tilespmem:$0x1FE70] =	vst v31;
	v57 =	vperm.xlane v14, v0;
	v31 =	vsel vm0, $0xFFFFFFFF, v59  }
0x108: {  	vm3 =	vmand vm4, vm5;
	vm2 =	veq.f32 v13, v56;
	v58 =	vperm.xlane v15, v0  }
0x109: {  	[tilespmem:$0x1FEA0] =	vst v31;
	v31 =	vsel vm3, $0xFFFFFFFF, v60;
	vm0 =	veq.f32 v14, v57;
	vm2 =	vmand vm2, vm5  }
0x10a: {  	[tilespmem:$0x1FEB0] =	vst v31;
	v31 =	vsel vm2, $0xFFFFFFFF, v61;
	vm2 =	veq.f32 v15, v58;
	vm0 =	vmand vm0, vm5  }
0x10b: {  	vm9 =	vgt.f32 v6, v16;
	v25 =	vsel vm0, $0xFFFFFFFF, v62;
	vm0 =	vmand vm2, vm5  }
0x10c: {  	v16 =	vimm.s32 $0x0;
	[tilespmem:$0x1FEE0] =	vst v25;
	v25 =	vsel vm0, $0xFFFFFFFF, v63;
	vm0 =	vgt.f32 v7, v50  }
0x10d: {  	v16 =	vsel vm0, $0xFFFFFFFF, v16  }
0x10e: {  	vm0 =	vgt.f32 v9, v51;
	[tilespmem:$0x1FE40] =	vst v16;
	v16 =	vimm.s32 $0x0  }
0x10f: {  	v16 =	vsel vm0, $0xFFFFFFFF, v16  }
0x110: {  	vm0 =	vgt.f32 v10, v52;
	[tilespmem:$0x1FE60] =	vst v16;
	v16 =	vimm.s32 $0x0  }
0x111: {  	v16 =	vsel vm0, $0xFFFFFFFF, v16  }
0x112: {  	[tilespmem:$0x1FE80] =	vst v16;
	v16 =	vld [tilespmem:$0x1FE00];
	_ =	sdelay $0x3  }
0x113: {  	[tilespmem:$0x1FE10] =	vst v26  }
0x114: {  	vm15 =	vmor vm14, vm1;
	vm14 =	vnez.u8 v16;
	v16 =	vld [tilespmem:$0x1FE10];
	_ =	sdelay $0x3  }
0x115: {  	[tilespmem:$0x1FE20] =	vst v20;
	vm5 =	vgt.f32 v1, v27  }
0x116: {  	vm14 =	vmor vm5, vm14;
	vm5 =	vnez.u8 v16;
	v16 =	vld [tilespmem:$0x1FE20];
	_ =	sdelay $0x3  }
0x117: {  	vm6 =	vgt.f32 v2, v28;
	[tilespmem:$0x1FE30] =	vst v29  }
0x118: {  	vm13 =	vmor vm6, vm13;
	vm6 =	vnez.u8 v16;
	v16 =	vld [tilespmem:$0x1FE30];
	_ =	sdelay $0x3  }
0x119: {  	vm10 =	vgt.f32 v8, v49  }
0x11a: {  	vm5 =	vmor vm9, vm5;
	vm9 =	vmor vm10, vm6;
	vm6 =	vnez.u8 v16;
	v16 =	vld [tilespmem:$0x1FE40];
	_ =	sdelay $0x3  }
0x11b: {  	vm7 =	vgt.f32 v4, v47;
	[tilespmem:$0x1FE50] =	vst v30  }
0x11c: {  	vm12 =	vmor vm7, vm12;
	vm7 =	vnez.u8 v16;
	v16 =	vld [tilespmem:$0x1FE50];
	_ =	sdelay $0x4  }
0x11d: {  	vm6 =	vmor vm7, vm6;
	vm7 =	vnez.u8 v16;
	v16 =	vld [tilespmem:$0x1FE60];
	_ =	sdelay $0x3  }
0x11e: {  	vm8 =	vgt.f32 v5, v48  }
0x11f: {  	vm11 =	vmor vm8, vm11;
	vm8 =	vnez.u8 v16;
	v16 =	vld [tilespmem:$0x1FE70];
	_ =	sdelay $0x4  }
0x120: {  	vm7 =	vmor vm8, vm7;
	vm8 =	vnez.u8 v16;
	v16 =	vld [tilespmem:$0x1FE80]  }
0x121: {  	p0 =	sne.s32 s26, $0xF000  }
.Ltmp3:
0x122: {  	_ = 	snop;
	(pc) =	sbr.rel @p0 .LBB2_5-.Ltmp3, $4  }
0x123: {  	_ = 	snop  }
0x124: {  	[tilespmem:s24+$0x82E0] =	vst v46;
	vm3 =	vgt.f32 v12, v54  }
0x125: {  	vm4 =	vgt.f32 v13, v56;
	vm1 =	vgt.f32 v14, v57;
	[tilespmem:$0x1FEC0] =	vst v31;
	vm10 =	vnez.u8 v16  }
0x126: {  	s24 =	smov.u32 s25;
	s25 =	sshra.s32 s26, $0x2;
	s26 =	sadd.s32 $0x1000, s26;
	vm2 =	vgt.f32 v15, v58;
	[tilespmem:$0x1FEF0] =	vst v25;
	vm0 =	vgt.f32 v11, v17;
	vm8 =	vmor vm10, vm8  }
0x127: {  	v16 =	vld [tilespmem:s25+$0x2F0]  }
0x128: {  	v17 =	vld [tilespmem:s25+$0x80];
	v3 =	vnsel vm15, $0x0, v3  }
0x129: {  	v18 =	vld [tilespmem:s25+$0x90];
	v1 =	vnsel vm14, $0x0, v1;
	[tilespmem:s24+$0x8080] =	vst v3  }
0x12a: {  	v3 =	vld [tilespmem:s25+$0xA0];
	[tilespmem:s24+$0x8090] =	vst v1;
	v1 =	vnsel vm13, $0x0, v2  }
0x12b: {  	v2 =	vld [tilespmem:s25+$0xB0];
	[tilespmem:s24+$0x80A0] =	vst v1;
	v1 =	vnsel vm12, $0x0, v4  }
0x12c: {  	v4 =	vld [tilespmem:s25+$0xC0];
	[tilespmem:s24+$0x80B0] =	vst v1;
	v1 =	vnsel vm11, $0x0, v5  }
0x12d: {  	v5 =	vld [tilespmem:s25+$0xD0];
	[tilespmem:s24+$0x80C0] =	vst v1  }
0x12e: {  	v1 =	vnsel vm5, $0x0, v6;
	v6 =	vld [tilespmem:s25+$0xE0]  }
0x12f: {  	[tilespmem:s24+$0x80D0] =	vst v1;
	v1 =	vld [tilespmem:$0x1FEA0];
	_ =	sdelay $0x2  }
0x130: {  	v19 =	vld [tilespmem:$0x1FEB0]  }
0x131: {  	v60 =	vld [tilespmem:$0x1FEC0]  }
0x132: {  	vm5 =	vnez.u8 v1;
	v1 =	vnsel vm9, $0x0, v8;
	v8 =	vld [tilespmem:s25+$0xF0]  }
0x133: {  	[tilespmem:s24+$0x80E0] =	vst v1;
	v1 =	vld [tilespmem:$0x1FEE0];
	_ =	sdelay $0x2  }
0x134: {  	vm0 =	vmor vm0, vm5;
	vm5 =	vnez.u8 v19  }
0x135: {  	vm3 =	vmor vm3, vm5;
	vm5 =	vnez.u8 v60  }
0x136: {  	vm4 =	vmor vm4, vm5;
	vm5 =	vnez.u8 v1;
	v1 =	vld [tilespmem:$0x1FEF0];
	_ =	sdelay $0x4  }
0x137: {  	vm1 =	vmor vm1, vm5;
	vm5 =	vnez.u8 v1;
	v1 =	vnsel vm6, $0x0, v7;
	v7 =	vld [tilespmem:s25+$0x280]  }
0x138: {  	[tilespmem:s24+$0x80F0] =	vst v1;
	v1 =	vnsel vm0, $0x0, v11;
	v11 =	vld [tilespmem:$0x1FFF0];
	_ =	sdelay $0x2  }
0x139: {  	v61 =	vperm.xlane v16, v0  }
0x13a: {  	v9 =	vnsel vm7, $0x0, v9  }
0x13b: {  	vm2 =	vmor vm2, vm5;
	vm5 =	veq.f32 v16, v61;
	vm9 =	vnez.u8 v11  }
0x13c: {  	v62 =	vperm.xlane v17, v0;
	vm0 =	vgt.f32 v16, v61;
	vm5 =	vmand vm5, vm9  }
0x13d: {  	v10 =	vnsel vm8, $0x0, v10;
	v22 =	vperm.xlane v2, v0;
	vm0 =	vmor vm0, vm5  }
0x13e: {  	v21 =	vperm.xlane v3, v0;
	vm15 =	vgt.f32 v17, v62;
	v11 =	vld [tilespmem:s25+$0x290];
	[tilespmem:s24+$0x8280] =	vst v9;
	v16 =	vnsel vm0, $0x0, v16  }
0x13f: {  	v25 =	vperm.xlane v6, v0;
	v12 =	vnsel vm3, $0x0, v12;
	vm3 =	veq.f32 v2, v22;
	v20 =	vld [tilespmem:s25+$0x2A0];
	[tilespmem:s25+$0x82F0] =	vst v16  }
0x140: {  	v26 =	vperm.xlane v8, v0;
	v14 =	vnsel vm1, $0x0, v14;
	v15 =	vnsel vm2, $0x0, v15;
	v23 =	vld [tilespmem:s25+$0x2B0];
	[tilespmem:s24+$0x8290] =	vst v10  }
0x141: {  	vm2 =	veq.f32 v3, v21;
	v9 =	vnsel vm4, $0x0, v13;
	v13 =	vperm.xlane v18, v0;
	v24 =	vld [tilespmem:s25+$0x2C0]  }
0x142: {  	vm10 =	vmand vm2, vm9;
	vm2 =	veq.f32 v6, v25;
	vm12 =	vmand vm3, vm9  }
0x143: {  	vm3 =	veq.f32 v8, v26;
	vm1 =	veq.f32 v18, v13;
	vm8 =	vmand vm2, vm9  }
0x144: {  	vm7 =	vmand vm3, vm9;
	vm0 =	veq.f32 v17, v62;
	v16 =	vperm.xlane v4, v0  }
0x145: {  	vm5 =	vmand vm1, vm9;
	vm0 =	vmand vm0, vm9;
	v10 =	vperm.xlane v5, v0  }
0x146: {  	vm4 =	veq.f32 v4, v16;
	[tilespmem:s24+$0x82A0] =	vst v1;
	v1 =	vperm.xlane v7, v0;
	v31 =	vperm.xlane v24, v0  }
0x147: {  	v30 =	vperm.xlane v23, v0;
	vm1 =	veq.f32 v5, v10;
	v27 =	vld [tilespmem:s25+$0x2D0];
	[tilespmem:s24+$0x82B0] =	vst v12;
	v12 =	vperm.xlane v11, v0  }
0x148: {  	vm13 =	vmand vm4, vm9;
	vm11 =	vmand vm1, vm9;
	vm14 =	veq.f32 v24, v31  }
0x149: {  	v28 =	vld [tilespmem:s25+$0x2E0];
	[tilespmem:s24+$0x82C0] =	vst v9;
	v9 =	vimm.s32 $0x0;
	vm1 =	veq.f32 v11, v12;
	vm14 =	vmand vm14, vm9  }
0x14a: {  	[tilespmem:s24+$0x82D0] =	vst v14;
	v9 =	vsel vm14, $0xFFFFFFFF, v9;
	vm14 =	vmor vm15, vm0;
	vm15 =	vgt.f32 v18, v13  }
0x14b: {  	vm4 =	veq.f32 v7, v1;
	[tilespmem:s24+$0x82E0] =	vst v15;
	vm6 =	vmand vm1, vm9;
	vm5 =	vmor vm15, vm5  }
0x14c: {  	[tilespmem:$0x1FDF0] =	vst v9;
	vm15 =	vgt.f32 v3, v21;
	v9 =	vnsel vm14, $0x0, v17;
	vm14 =	vgt.f32 v2, v22  }
0x14d: {  	vm10 =	vmor vm15, vm10;
	[tilespmem:s25+$0x8080] =	vst v9;
	v9 =	vnsel vm5, $0x0, v18;
	vm5 =	vgt.f32 v4, v16  }
0x14e: {  	vm12 =	vmor vm14, vm12;
	v3 =	vnsel vm10, $0x0, v3;
	vm10 =	vgt.f32 v5, v10  }
0x14f: {  	vm5 =	vmor vm5, vm13;
	v2 =	vnsel vm12, $0x0, v2;
	vm12 =	vgt.f32 v6, v25  }
0x150: {  	[tilespmem:s25+$0x80A0] =	vst v3;
	vm10 =	vmor vm10, vm11;
	v3 =	vnsel vm5, $0x0, v4;
	vm5 =	vgt.f32 v8, v26  }
0x151: {  	[tilespmem:s25+$0x80B0] =	vst v2;
	vm8 =	vmor vm12, vm8;
	v2 =	vnsel vm10, $0x0, v5;
	vm10 =	vgt.f32 v7, v1  }
0x152: {  	vm7 =	vmor vm5, vm7;
	v1 =	vnsel vm8, $0x0, v6;
	vm8 =	vgt.f32 v11, v12  }
0x153: {  	v29 =	vperm.xlane v20, v0;
	[tilespmem:s25+$0x80D0] =	vst v2;
	v2 =	vnsel vm7, $0x0, v8;
	vm6 =	vmor vm8, vm6  }
0x154: {  	vm3 =	veq.f32 v23, v30;
	v32 =	vperm.xlane v27, v0;
	[tilespmem:s25+$0x80F0] =	vst v2;
	v2 =	vnsel vm6, $0x0, v11  }
0x155: {  	vm2 =	veq.f32 v20, v29;
	vm4 =	vmand vm4, vm9;
	vm3 =	vmand vm3, vm9;
	[tilespmem:s25+$0x8290] =	vst v2;
	v2 =	vld [tilespmem:$0x1FDF0]  }
0x156: {  	vm1 =	vmand vm2, vm9;
	v63 =	vperm.xlane v28, v0;
	vm2 =	veq.f32 v27, v32  }
0x157: {  	vm2 =	vmand vm2, vm9;
	[tilespmem:s25+$0x8090] =	vst v9;
	vm5 =	vmor vm10, vm4;
	vm7 =	vgt.f32 v20, v29  }
0x158: {  	[tilespmem:s25+$0x80E0] =	vst v1;
	v1 =	vnsel vm5, $0x0, v7;
	vm5 =	vgt.f32 v23, v30;
	vm4 =	vmor vm7, vm1  }
0x159: {  	[tilespmem:s25+$0x8280] =	vst v1;
	vm3 =	vmor vm5, vm3;
	v1 =	vnsel vm4, $0x0, v20;
	vm4 =	vgt.f32 v27, v32  }
0x15a: {  	p1 =	por $0x1, $0x1;
	[tilespmem:s25+$0x80C0] =	vst v3;
	vm2 =	vmor vm4, vm2;
	vm1 =	vnez.u8 v2;
	v2 =	vnsel vm3, $0x0, v23  }
.Ltmp4:
0x15b: {  	vm0 =	veq.f32 v28, v63;
	vm6 =	vgt.f32 v24, v31;
	[tilespmem:s25+$0x82B0] =	vst v2;
	v2 =	vnsel vm2, $0x0, v27;
	(pc) =	sbr.rel @!p1 .LBB2_11-.Ltmp4, $4  }
0x15c: {  	vm0 =	vmand vm0, vm9;
	[tilespmem:s25+$0x82A0] =	vst v1;
	vm3 =	vgt.f32 v28, v63;
	vm1 =	vmor vm6, vm1  }
0x15d: {  	vm0 =	vmor vm3, vm0;
	v1 =	vnsel vm1, $0x0, v24;
	[tilespmem:s25+$0x82D0] =	vst v2  }
0x15e: {  	p0 =	por $0x0, $0x0;
	[tilespmem:s25+$0x82C0] =	vst v1;
	v1 =	vnsel vm0, $0x0, v28  }
0x15f: {  	p2 =	por $0x0, $0x0;
	s24 =	simm.s32 $0x0;
	[tilespmem:s25+$0x82E0] =	vst v1;
	s25 =	simm.s32 $0x0  }
0x160: {  	v11 =	vld [tilespmem:s24+$0x370]  }
0x161: {  	v1 =	vld [tilespmem:s24+$0x100]  }
0x162: {  	v2 =	vld [tilespmem:s24+$0x110]  }
0x163: {  	v3 =	vld [tilespmem:s24+$0x120]  }
0x164: {  	v5 =	vld [tilespmem:s24+$0x130]  }
0x165: {  	v4 =	vld [tilespmem:s24+$0x140]  }
0x166: {  	v6 =	vld [tilespmem:s24+$0x150]  }
0x167: {  	v7 =	vld [tilespmem:s24+$0x160]  }
0x168: {  	v8 =	vld [tilespmem:s24+$0x170]  }
0x169: {  	v10 =	vld [tilespmem:s24+$0x310]  }
0x16a: {  	v13 =	vld [tilespmem:s24+$0x340]  }
0x16b: {  	v14 =	vld [tilespmem:s24+$0x350];
	v9 =	vperm.xlane v11, v0;
	v16 =	vperm.xlane v1, v0  }
0x16c: {  	v55 =	vimm.s32 $0x0;
	v17 =	vperm.xlane v2, v0;
	v18 =	vperm.xlane v3, v0  }
0x16d: {  	v57 =	vimm.s32 $0x0;
	v19 =	vperm.xlane v5, v0;
	v20 =	vperm.xlane v4, v0  }
0x16e: {  	v60 =	vimm.s32 $0x0;
	v21 =	vperm.xlane v6, v0;
	v22 =	vperm.xlane v7, v0  }
0x16f: {  	v62 =	vimm.s32 $0x0;
	v23 =	vperm.xlane v8, v0;
	v25 =	vperm.xlane v10, v0  }
0x170: {  	v63 =	vimm.s32 $0x0;
	v28 =	vperm.xlane v13, v0;
	v56 =	vperm.xlane v14, v0  }
0x171: {  	v29 =	vld [tilespmem:$0x1FFF0];
	vm0 =	veq.f32 v11, v9;
	vm1 =	vgt.f32 v11, v9;
	vm2 =	veq.f32 v1, v16  }
0x172: {  	v9 =	vld [tilespmem:s24+$0x300];
	vm3 =	veq.f32 v3, v18;
	vm4 =	veq.f32 v5, v19;
	vm5 =	veq.f32 v4, v20  }
0x173: {  	v30 =	vld [tilespmem:$0x1FFF0];
	vm6 =	veq.f32 v6, v21;
	vm7 =	veq.f32 v8, v23;
	vm0 =	vmand vm0, vm9  }
0x174: {  	v31 =	vld [tilespmem:$0x1FFF0];
	vm10 =	vmand vm2, vm9;
	vm2 =	vmand vm3, vm9;
	vm0 =	vmor vm1, vm0  }
0x175: {  	vm3 =	veq.f32 v7, v22;
	vm4 =	vmand vm4, vm9;
	v12 =	vnsel vm0, $0x0, v11;
	v11 =	vld [tilespmem:s24+$0x320]  }
0x176: {  	vm13 =	vmand vm5, vm9;
	vm11 =	vmand vm6, vm9;
	vm6 =	veq.f32 v10, v25;
	[tilespmem:s24+$0x8370] =	vst v12;
	v12 =	vld [tilespmem:s24+$0x330]  }
0x177: {  	v59 =	vld [tilespmem:$0x1FFF0];
	vm1 =	veq.f32 v2, v17;
	vm0 =	vnez.u8 v29;
	v24 =	vperm.xlane v9, v0  }
0x178: {  	v61 =	vld [tilespmem:$0x1FFF0];
	vm3 =	vmand vm3, vm9;
	vm14 =	vmand vm1, vm9;
	vm0 =	vmand vm7, vm0  }
0x179: {  	v29 =	vsel vm0, $0xFFFFFFFF, v55;
	vm0 =	vnez.u8 v30;
	vm8 =	veq.f32 v9, v24  }
0x17a: {  	v26 =	vperm.xlane v11, v0;
	vm0 =	vmand vm8, vm0;
	vm8 =	veq.f32 v13, v28  }
0x17b: {  	v27 =	vperm.xlane v12, v0;
	v30 =	vsel vm0, $0xFFFFFFFF, v57;
	vm0 =	vnez.u8 v31  }
0x17c: {  	vm9 =	veq.f32 v11, v26;
	vm5 =	vmand vm6, vm0;
	vm0 =	vnez.u8 v59  }
0x17d: {  	vm7 =	veq.f32 v12, v27;
	vm0 =	vmand vm9, vm0;
	vm9 =	vnez.u8 v61  }
0x17e: {  	vm6 =	vgt.f32 v1, v16;
	v31 =	vsel vm0, $0xFFFFFFFF, v60;
	vm0 =	vmand vm7, vm9  }
0x17f: {  	[tilespmem:$0x1FD70] =	vst v31;
	v31 =	vsel vm0, $0xFFFFFFFF, v62;
	vm0 =	vmand vm8, vm9;
	vm8 =	vgt.f32 v2, v17  }
0x180: {  	v16 =	vimm.s32 $0x0;
	[tilespmem:$0x1FD80] =	vst v31;
	v31 =	vsel vm0, $0xFFFFFFFF, v63;
	vm0 =	vmor vm8, vm14  }
0x181: {  	v15 =	vld [tilespmem:s24+$0x360];
	vm1 =	veq.f32 v14, v56;
	v16 =	vsel vm0, $0xFFFFFFFF, v16;
	vm0 =	vgt.f32 v4, v20  }
0x182: {  	[tilespmem:$0x1FDA0] =	vst v16;
	vm13 =	vmor vm0, vm13;
	vm0 =	vmand vm1, vm9;
	v16 =	vimm.s32 $0x0  }
0x183: {  	[tilespmem:$0x1FDC0] =	vst v29;
	v16 =	vsel vm0, $0xFFFFFFFF, v16  }
0x184: {  	[tilespmem:$0x1FDB0] =	vst v16;
	v16 =	vld [tilespmem:$0x1FDC0];
	_ =	sdelay $0x1  }
0x185: {  	v58 =	vperm.xlane v15, v0;
	vm8 =	vgt.f32 v5, v19  }
0x186: {  	vm12 =	vmor vm8, vm4;
	vm4 =	vgt.f32 v6, v21  }
0x187: {  	vm7 =	vmor vm4, vm11;
	vm4 =	veq.f32 v15, v58  }
0x188: {  	vm1 =	vmand vm4, vm9;
	vm0 =	vnez.u8 v16;
	v16 =	vimm.s32 $0x0  }
0x189: {  	[tilespmem:$0x1FDE0] =	vst v30;
	v16 =	vsel vm1, $0xFFFFFFFF, v16  }
0x18a: {  	[tilespmem:$0x1FDD0] =	vst v16;
	v16 =	vld [tilespmem:$0x1FDE0];
	_ =	sdelay $0x1  }
0x18b: {  	p3 =	por $0x1, $0x1;
	vm15 =	vmor vm6, vm10;
	vm6 =	vgt.f32 v3, v18  }
.Ltmp5:
0x18c: {  	vm10 =	vgt.f32 v15, v58;
	vm2 =	vmor vm6, vm2;
	vm6 =	vgt.f32 v7, v22;
	(pc) =	sbr.rel @!p3 .LBB2_8-.Ltmp5, $4  }
0x18d: {  	vm6 =	vmor vm6, vm3;
	vm3 =	vgt.f32 v8, v23;
	vm11 =	vgt.f32 v14, v56  }
0x18e: {  	vm8 =	vmor vm3, vm0;
	vm0 =	vgt.f32 v9, v24;
	vm1 =	vnez.u8 v16  }
0x18f: {  	s25 =	simm.s32 $0x400;
	vm14 =	vmor vm0, vm1;
	vm0 =	vgt.f32 v10, v25;
	vm1 =	vgt.f32 v12, v27  }
0x190: {  	s28 =	simm.s32 $0x2000;
	p2 =	por $0x1, $0x1;
	s26 =	simm.s32 $0x0;
	[tilespmem:$0x1FD90] =	vst v31;
	vm4 =	vmor vm0, vm5;
	vm0 =	vgt.f32 v11, v26;
	vm5 =	vgt.f32 v13, v28  }
.LBB2_9:
0x191: {  	v17 =	vld [tilespmem:$0x1FD70];
	_ =	sdelay $0x4  }
0x192: {  	vm3 =	vnez.u8 v17;
	v17 =	vld [tilespmem:$0x1FD80];
	_ =	sdelay $0x4  }
0x193: {  	vm3 =	vmor vm0, vm3;
	vm0 =	vnez.u8 v17;
	v17 =	vld [tilespmem:$0x1FD90];
	_ =	sdelay $0x4  }
0x194: {  	vm0 =	vmor vm1, vm0;
	vm1 =	vnez.u8 v17  }
0x195: {  	v16 =	vld [tilespmem:s25+$0x370];
	v17 =	vimm.s32 $0x0;
	vm1 =	vmor vm5, vm1  }
0x196: {  	v42 =	vld [tilespmem:$0x1FDD0];
	v17 =	vsel vm1, $0xFFFFFFFF, v17  }
0x197: {  	[tilespmem:$0x1FC90] =	vst v17;
	v17 =	vnsel vm15, $0x0, v1;
	v1 =	vld [tilespmem:s25+$0x100]  }
0x198: {  	v43 =	vnsel vm2, $0x0, v3;
	v19 =	vnsel vm12, $0x0, v5;
	v20 =	vnsel vm7, $0x0, v6;
	[tilespmem:s26+$0x8100] =	vst v17;
	v17 =	vld [tilespmem:$0x1FDA0]  }
0x199: {  	v21 =	vnsel vm6, $0x0, v7;
	v44 =	vnsel vm8, $0x0, v8;
	v22 =	vnsel vm14, $0x0, v9  }
0x19a: {  	v18 =	vld [tilespmem:$0x1FDB0];
	v23 =	vnsel vm4, $0x0, v10;
	v55 =	vimm.s32 $0x0;
	v29 =	vimm.s32 $0x0  }
0x19b: {  	v30 =	vimm.s32 $0x0;
	v31 =	vimm.s32 $0x0;
	v59 =	vimm.s32 $0x0  }
0x19c: {  	v60 =	vimm.s32 $0x0;
	v61 =	vimm.s32 $0x0;
	vm5 =	vnez.u8 v42  }
0x19d: {  	v62 =	vimm.s32 $0x0;
	vm5 =	vmor vm10, vm5;
	v7 =	vld [tilespmem:$0x1FC90];
	vm10 =	vnez.u8 v17  }
0x19e: {  	v63 =	vimm.s32 $0x0;
	v9 =	vperm.xlane v16, v0;
	v3 =	vld [tilespmem:s25+$0x120];
	v17 =	vnsel vm10, $0x0, v2  }
0x19f: {  	v45 =	vnsel vm3, $0x0, v11;
	v24 =	vnsel vm0, $0x0, v12;
	vm1 =	vnez.u8 v18;
	v2 =	vld [tilespmem:s25+$0x110];
	[tilespmem:s26+$0x8110] =	vst v17  }
0x1a0: {  	vm1 =	vmor vm11, vm1;
	v46 =	vnsel vm5, $0x0, v15;
	v15 =	vimm.s32 $0x0;
	v5 =	vld [tilespmem:s25+$0x130];
	[tilespmem:s26+$0x8120] =	vst v43  }
0x1a1: {  	v26 =	vnsel vm1, $0x0, v14;
	vm1 =	veq.f32 v16, v9;
	v17 =	vnsel vm13, $0x0, v4;
	v4 =	vld [tilespmem:s25+$0x140];
	[tilespmem:s26+$0x8130] =	vst v19  }
0x1a2: {  	vm1 =	vmand vm1, vm9;
	v25 =	vperm.xlane v1, v0;
	vm0 =	vnez.u8 v7;
	v6 =	vld [tilespmem:s25+$0x150];
	[tilespmem:s26+$0x8140] =	vst v17  }
0x1a3: {  	v28 =	vperm.xlane v3, v0;
	v17 =	vnsel vm0, $0x0, v13;
	vm0 =	vgt.f32 v16, v9;
	v7 =	vld [tilespmem:s25+$0x160];
	[tilespmem:s26+$0x8150] =	vst v20  }
0x1a4: {  	vm2 =	veq.f32 v1, v25;
	v27 =	vperm.xlane v2, v0;
	vm0 =	vmor vm0, vm1;
	v8 =	vld [tilespmem:s25+$0x170];
	[tilespmem:s26+$0x8160] =	vst v21  }
0x1a5: {  	vm15 =	vgt.f32 v1, v25;
	v12 =	vnsel vm0, $0x0, v16;
	vm0 =	veq.f32 v3, v28;
	v9 =	vld [tilespmem:s25+$0x300];
	[tilespmem:s26+$0x8170] =	vst v44  }
0x1a6: {  	v47 =	vperm.xlane v5, v0;
	vm3 =	veq.f32 v2, v27;
	v48 =	vperm.xlane v4, v0;
	v10 =	vld [tilespmem:s25+$0x310];
	[tilespmem:s26+$0x8300] =	vst v22  }
0x1a7: {  	vm10 =	vmand vm2, vm9;
	vm14 =	vmand vm0, vm9;
	vm13 =	vmand vm3, vm9;
	v11 =	vld [tilespmem:s25+$0x320];
	[tilespmem:s25+$0x8370] =	vst v12  }
0x1a8: {  	vm4 =	veq.f32 v5, v47;
	v16 =	vperm.xlane v6, v0;
	v12 =	vld [tilespmem:s25+$0x330];
	vm2 =	veq.f32 v4, v48;
	[tilespmem:s26+$0x8310] =	vst v23  }
0x1a9: {  	v49 =	vperm.xlane v7, v0;
	vm1 =	vmand vm4, vm9;
	v50 =	vperm.xlane v8, v0;
	v13 =	vld [tilespmem:s25+$0x340];
	[tilespmem:s26+$0x8320] =	vst v45  }
0x1aa: {  	vm3 =	veq.f32 v6, v16;
	v15 =	vsel vm1, $0xFFFFFFFF, v15;
	vm1 =	vmand vm2, vm9;
	v14 =	vld [tilespmem:s25+$0x350];
	[tilespmem:s26+$0x8330] =	vst v24  }
0x1ab: {  	vm0 =	veq.f32 v7, v49;
	v51 =	vperm.xlane v9, v0;
	[tilespmem:$0x1FCA0] =	vst v15;
	vm4 =	veq.f32 v8, v50  }
0x1ac: {  	v52 =	vperm.xlane v10, v0;
	v15 =	vld [tilespmem:s25+$0x360];
	[tilespmem:s26+$0x8340] =	vst v17;
	v17 =	vimm.s32 $0x0;
	vm0 =	vmand vm0, vm9  }
0x1ad: {  	v17 =	vsel vm1, $0xFFFFFFFF, v17;
	vm2 =	veq.f32 v9, v51;
	v54 =	vperm.xlane v12, v0  }
0x1ae: {  	v20 =	vsel vm0, $0xFFFFFFFF, v55;
	vm0 =	vmand vm4, vm9;
	[tilespmem:$0x1FCB0] =	vst v17;
	v17 =	vperm.xlane v11, v0  }
0x1af: {  	vm5 =	veq.f32 v10, v52;
	v29 =	vsel vm0, $0xFFFFFFFF, v29;
	vm0 =	vmand vm2, vm9  }
0x1b0: {  	v56 =	vperm.xlane v13, v0;
	vm12 =	veq.f32 v12, v54;
	v30 =	vsel vm0, $0xFFFFFFFF, v30  }
0x1b1: {  	vm0 =	vmand vm5, vm9;
	vm7 =	veq.f32 v11, v17;
	v57 =	vperm.xlane v14, v0  }
0x1b2: {  	v31 =	vsel vm0, $0xFFFFFFFF, v31;
	vm2 =	veq.f32 v13, v56;
	vm0 =	vmand vm7, vm9  }
0x1b3: {  	v58 =	vperm.xlane v15, v0;
	[tilespmem:$0x1FD20] =	vst v31;
	v31 =	vsel vm0, $0xFFFFFFFF, v59;
	vm0 =	vmand vm12, vm9  }
0x1b4: {  	vm7 =	veq.f32 v14, v57;
	[tilespmem:$0x1FD70] =	vst v31;
	v31 =	vsel vm0, $0xFFFFFFFF, v60;
	vm0 =	vmand vm2, vm9  }
0x1b5: {  	vm2 =	veq.f32 v15, v58;
	[tilespmem:$0x1FD80] =	vst v31;
	v31 =	vsel vm0, $0xFFFFFFFF, v61;
	vm0 =	vmand vm7, vm9  }
0x1b6: {  	vm8 =	vgt.f32 v6, v16;
	v25 =	vsel vm0, $0xFFFFFFFF, v62;
	vm0 =	vmand vm2, vm9  }
0x1b7: {  	v16 =	vimm.s32 $0x0;
	[tilespmem:$0x1FDB0] =	vst v25;
	v25 =	vsel vm0, $0xFFFFFFFF, v63;
	vm0 =	vgt.f32 v8, v50  }
0x1b8: {  	v16 =	vsel vm0, $0xFFFFFFFF, v16  }
0x1b9: {  	vm0 =	vgt.f32 v9, v51;
	[tilespmem:$0x1FCF0] =	vst v16;
	v16 =	vimm.s32 $0x0  }
0x1ba: {  	vm2 =	vgt.f32 v2, v27;
	v16 =	vsel vm0, $0xFFFFFFFF, v16  }
0x1bb: {  	vm2 =	vmor vm2, vm13;
	[tilespmem:$0x1FD10] =	vst v16;
	v16 =	vimm.s32 $0x0  }
0x1bc: {  	v16 =	vsel vm2, $0xFFFFFFFF, v16  }
0x1bd: {  	[tilespmem:$0x1FDA0] =	vst v16;
	v16 =	vld [tilespmem:$0x1FCA0];
	_ =	sdelay $0x4  }
0x1be: {  	vm4 =	vnez.u8 v16;
	v16 =	vld [tilespmem:$0x1FCB0];
	_ =	sdelay $0x1  }
0x1bf: {  	v53 =	vimm.s32 $0x0;
	vm1 =	vmand vm3, vm9  }
0x1c0: {  	[tilespmem:s26+$0x8350] =	vst v26;
	v26 =	vsel vm1, $0xFFFFFFFF, v53  }
0x1c1: {  	[tilespmem:$0x1FCC0] =	vst v26;
	vm12 =	vgt.f32 v5, v47  }
0x1c2: {  	vm12 =	vmor vm12, vm4;
	vm4 =	vnez.u8 v16;
	v16 =	vld [tilespmem:$0x1FCC0];
	_ =	sdelay $0x3  }
0x1c3: {  	vm6 =	vgt.f32 v4, v48;
	[tilespmem:$0x1FCD0] =	vst v20  }
0x1c4: {  	vm13 =	vmor vm6, vm4;
	vm4 =	vnez.u8 v16;
	v16 =	vld [tilespmem:$0x1FCD0];
	_ =	sdelay $0x3  }
0x1c5: {  	vm7 =	vgt.f32 v3, v28  }
0x1c6: {  	vm2 =	vmor vm7, vm14;
	vm7 =	vmor vm8, vm4;
	vm4 =	vnez.u8 v16;
	v16 =	vld [tilespmem:$0x1FFF0];
	_ =	sdelay $0x3  }
0x1c7: {  	[tilespmem:$0x1FCE0] =	vst v29;
	vm9 =	vgt.f32 v7, v49  }
0x1c8: {  	vm6 =	vmor vm9, vm4;
	vm9 =	vnez.u8 v16;
	v16 =	vld [tilespmem:$0x1FCE0];
	_ =	sdelay $0x4  }
0x1c9: {  	vm4 =	vnez.u8 v16;
	v16 =	vld [tilespmem:$0x1FCF0];
	_ =	sdelay $0x3  }
0x1ca: {  	[tilespmem:$0x1FD00] =	vst v30  }
0x1cb: {  	vm8 =	vnez.u8 v16;
	v16 =	vld [tilespmem:$0x1FD00];
	_ =	sdelay $0x4  }
0x1cc: {  	vm8 =	vmor vm8, vm4;
	vm4 =	vnez.u8 v16;
	v16 =	vld [tilespmem:$0x1FD10];
	_ =	sdelay $0x4  }
0x1cd: {  	vm14 =	vnez.u8 v16;
	v16 =	vld [tilespmem:$0x1FD20]  }
0x1ce: {  	p3 =	sne.s32 s28, $0xF000  }
.Ltmp6:
0x1cf: {  	_ = 	snop;
	(pc) =	sbr.rel @p3 .LBB2_9-.Ltmp6, $4  }
0x1d0: {  	vm15 =	vmor vm15, vm10  }
0x1d1: {  	[tilespmem:s26+$0x8360] =	vst v46;
	vm3 =	vgt.f32 v10, v52;
	vm1 =	vgt.f32 v12, v54;
	vm5 =	vgt.f32 v13, v56  }
0x1d2: {  	vm11 =	vgt.f32 v14, v57;
	[tilespmem:$0x1FD90] =	vst v31;
	vm14 =	vmor vm14, vm4;
	vm4 =	vnez.u8 v16  }
0x1d3: {  	s26 =	smov.u32 s25;
	s25 =	sshra.s32 s28, $0x2;
	s28 =	sadd.s32 $0x1000, s28;
	vm10 =	vgt.f32 v15, v58;
	[tilespmem:$0x1FDD0] =	vst v25;
	vm0 =	vgt.f32 v11, v17;
	vm4 =	vmor vm3, vm4  }
0x1d4: {  	v16 =	vimm.s32 $0x0  }
0x1d5: {  	v16 =	vsel vm4, $0xFFFFFFFF, v16  }
0x1d6: {  	[tilespmem:$0x1FD30] =	vst v16;
	v16 =	vimm.s32 $0x0  }
0x1d7: {  	v16 =	vsel vm5, $0xFFFFFFFF, v16  }
0x1d8: {  	[tilespmem:$0x1FD40] =	vst v16;
	v16 =	vimm.s32 $0x0  }
0x1d9: {  	v16 =	vsel vm7, $0xFFFFFFFF, v16  }
0x1da: {  	[tilespmem:$0x1FD50] =	vst v16;
	v16 =	vld [tilespmem:$0x1FD70];
	_ =	sdelay $0x4  }
0x1db: {  	vm5 =	vnez.u8 v16;
	v16 =	vld [tilespmem:$0x1FD80];
	_ =	sdelay $0x4  }
0x1dc: {  	vm3 =	vnez.u8 v16;
	v16 =	vld [tilespmem:$0x1FD90];
	_ =	sdelay $0x4  }
0x1dd: {  	vm7 =	vnez.u8 v16;
	v16 =	vld [tilespmem:$0x1FDA0];
	_ =	sdelay $0x4  }
0x1de: {  	vm4 =	vnez.u8 v16;
	v16 =	vimm.s32 $0x0  }
0x1df: {  	v16 =	vsel vm11, $0xFFFFFFFF, v16  }
0x1e0: {  	vm11 =	vmmov vm14;
	vm14 =	vmmov vm5;
	vm5 =	vmmov vm3;
	[tilespmem:$0x1FD60] =	vst v16  }
.LBB2_11:
0x1e1: {  	v16 =	vld [tilespmem:s25+$0x370]  }
0x1e2: {  	v17 =	vld [tilespmem:s25+$0x100]  }
0x1e3: {  	v18 =	vld [tilespmem:s25+$0x110]  }
0x1e4: {  	v19 =	vld [tilespmem:$0x1FD40]  }
0x1e5: {  	v42 =	vld [tilespmem:$0x1FD60]  }
0x1e6: {  	v1 =	vnsel @p2 vm15, $0x0, v1;
	v43 =	vld [tilespmem:$0x1FD50]  }
0x1e7: {  	vm0 =	vmor @p2 vm0, vm14;
	v41 =	vld [tilespmem:$0x1FDB0];
	[tilespmem:s26+$0x8100] =	vst @p2 v1;
	v1 =	vnsel @p2 vm4, $0x0, v2  }
0x1e8: {  	v7 =	vnsel @p2 vm6, $0x0, v7;
	v8 =	vnsel @p2 vm8, $0x0, v8;
	v2 =	vld [tilespmem:s25+$0x120];
	[tilespmem:s26+$0x8110] =	vst @p2 v1;
	v1 =	vnsel @p2 vm2, $0x0, v3  }
0x1e9: {  	v9 =	vnsel @p2 vm11, $0x0, v9;
	vm14 =	vmmov vm9;
	vm4 =	vmor @p2 vm1, vm5;
	v3 =	vld [tilespmem:s25+$0x130];
	[tilespmem:s26+$0x8120] =	vst @p2 v1  }
0x1ea: {  	v11 =	vnsel @p2 vm0, $0x0, v11;
	v12 =	vnsel @p2 vm4, $0x0, v12;
	v1 =	vnsel @p2 vm12, $0x0, v5;
	v40 =	vld [tilespmem:s25+$0x140]  }
0x1eb: {  	[tilespmem:s26+$0x8130] =	vst @p2 v1;
	v1 =	vld [tilespmem:$0x1FDD0];
	vm1 =	vnez.u8 v19;
	vm2 =	vnez.u8 v42;
	vm5 =	vnez.u8 v43  }
0x1ec: {  	v45 =	vperm.xlane v16, v0;
	vm7 =	vmor @p2 vm1, vm7;
	vm1 =	vnez.u8 v41  }
0x1ed: {  	v20 =	vperm.xlane v17, v0;
	v47 =	vperm.xlane v18, v0;
	vm1 =	vmor @p2 vm2, vm1  }
0x1ee: {  	v44 =	vld [tilespmem:s25+$0x150];
	v13 =	vnsel @p2 vm7, $0x0, v13;
	v22 =	vperm.xlane v2, v0;
	vm6 =	vgt.f32 v16, v45  }
0x1ef: {  	vm7 =	veq.f32 v17, v20;
	vm8 =	veq.f32 v18, v47;
	v48 =	vperm.xlane v3, v0  }
0x1f0: {  	vm2 =	vnez.u8 v1;
	v1 =	vnsel @p2 vm13, $0x0, v4;
	v4 =	vnsel @p2 vm5, $0x0, v6  }
0x1f1: {  	vm5 =	veq.f32 v16, v45;
	v50 =	vperm.xlane v40, v0;
	vm2 =	vmor @p2 vm10, vm2  }
0x1f2: {  	[tilespmem:s26+$0x8140] =	vst @p2 v1;
	v1 =	vld [tilespmem:$0x1FD30];
	vm0 =	vmand vm5, vm9;
	vm10 =	veq.f32 v2, v22;
	vm11 =	veq.f32 v3, v48  }
0x1f3: {  	v24 =	vperm.xlane v44, v0;
	v46 =	vld [tilespmem:s25+$0x160];
	[tilespmem:s26+$0x8150] =	vst @p2 v4;
	v4 =	vnsel @p2 vm1, $0x0, v14;
	v15 =	vnsel @p2 vm2, $0x0, v15  }
0x1f4: {  	vm0 =	vmor vm6, vm0;
	vm2 =	vmand vm7, vm9;
	vm4 =	veq.f32 v40, v50  }
0x1f5: {  	vm1 =	vmand vm8, vm9;
	vm6 =	vgt.f32 v17, v20;
	v21 =	vld [tilespmem:s25+$0x170];
	v16 =	vnsel vm0, $0x0, v16  }
0x1f6: {  	[tilespmem:s26+$0x8160] =	vst @p2 v7;
	vm0 =	vmand vm10, vm9;
	vm10 =	vmor vm6, vm2;
	vm6 =	vgt.f32 v2, v22  }
0x1f7: {  	vm5 =	veq.f32 v44, v24;
	vm4 =	vmand vm4, vm9;
	v49 =	vld [tilespmem:s25+$0x300];
	vm6 =	vmor vm6, vm0  }
0x1f8: {  	[tilespmem:s26+$0x8170] =	vst @p2 v8;
	vm0 =	vgt.f32 v40, v50;
	v56 =	vnsel vm10, $0x0, v17;
	vm3 =	vnez.u8 v1  }
0x1f9: {  	v23 =	vld [tilespmem:s25+$0x310];
	v2 =	vnsel vm6, $0x0, v2;
	v1 =	vnsel @p2 vm3, $0x0, v10;
	v25 =	vperm.xlane v46, v0  }
0x1fa: {  	vm3 =	vmand vm11, vm9;
	vm9 =	vgt.f32 v18, v47;
	v51 =	vperm.xlane v21, v0  }
0x1fb: {  	[tilespmem:s26+$0x8300] =	vst @p2 v9;
	vm9 =	vmor vm9, vm1;
	vm1 =	vgt.f32 v3, v48;
	vm7 =	veq.f32 v46, v25  }
0x1fc: {  	v26 =	vld [tilespmem:s25+$0x320];
	[tilespmem:s25+$0x8370] =	vst v16;
	v52 =	vperm.xlane v49, v0;
	vm2 =	vmor vm1, vm3;
	vm1 =	vmand vm5, vm14  }
0x1fd: {  	v27 =	vld [tilespmem:s25+$0x330];
	[tilespmem:s26+$0x8310] =	vst @p2 v1;
	vm3 =	vmor vm0, vm4;
	vm0 =	vgt.f32 v44, v24;
	v57 =	vnsel vm9, $0x0, v18  }
0x1fe: {  	v1 =	vld [tilespmem:s25+$0x340];
	[tilespmem:s26+$0x8320] =	vst @p2 v11;
	vm8 =	veq.f32 v21, v51;
	v28 =	vperm.xlane v23, v0;
	vm5 =	vmand vm7, vm14  }
0x1ff: {  	v53 =	vld [tilespmem:s25+$0x350];
	[tilespmem:s26+$0x8330] =	vst @p2 v12;
	vm4 =	vmor vm0, vm1;
	vm7 =	vgt.f32 v46, v25;
	v3 =	vnsel vm2, $0x0, v3  }
0x200: {  	vm11 =	veq.f32 v49, v52;
	v54 =	vld [tilespmem:s25+$0x360];
	vm1 =	vmand vm8, vm14;
	vm0 =	vmor vm7, vm5;
	[tilespmem:s26+$0x8340] =	vst @p2 v13  }
0x201: {  	vm5 =	vgt.f32 v21, v51;
	vm8 =	vgt.f32 v49, v52;
	v55 =	vperm.xlane v26, v0;
	[tilespmem:s26+$0x8350] =	vst @p2 v4  }
0x202: {  	[tilespmem:s26+$0x8360] =	vst @p2 v15;
	v58 =	vperm.xlane v27, v0;
	v60 =	vnsel vm4, $0x0, v44;
	vm11 =	vmand vm11, vm14  }
0x203: {  	vm5 =	vmor vm5, vm1;
	[tilespmem:s25+$0x8120] =	vst v2;
	v2 =	vnsel vm3, $0x0, v40;
	vm1 =	vmor vm8, vm11  }
0x204: {  	[tilespmem:s25+$0x8100] =	vst v56;
	vm11 =	veq.f32 v23, v28;
	vm8 =	vgt.f32 v23, v28;
	vm10 =	veq.f32 v26, v55  }
0x205: {  	[tilespmem:s25+$0x8140] =	vst v2;
	v2 =	vnsel vm0, $0x0, v46;
	v61 =	vnsel vm5, $0x0, v21;
	vm7 =	vmand vm11, vm14  }
0x206: {  	[tilespmem:s25+$0x8110] =	vst v57;
	v59 =	vperm.xlane v1, v0;
	vm6 =	vmand vm10, vm14;
	vm11 =	vgt.f32 v26, v55  }
0x207: {  	vm10 =	vgt.f32 v27, v58;
	[tilespmem:s25+$0x8160] =	vst v2;
	v2 =	vnsel vm1, $0x0, v49;
	vm7 =	vmor vm8, vm7  }
0x208: {  	[tilespmem:s25+$0x8130] =	vst v3;
	vm2 =	vmor vm11, vm6;
	vm8 =	veq.f32 v27, v58;
	v3 =	vperm.xlane v53, v0  }
0x209: {  	[tilespmem:s25+$0x8150] =	vst v60;
	vm9 =	veq.f32 v1, v59;
	vm3 =	vmand vm8, vm14;
	vm11 =	vgt.f32 v1, v59  }
0x20a: {  	[tilespmem:s25+$0x8300] =	vst v2;
	v62 =	vperm.xlane v54, v0;
	v63 =	vnsel vm7, $0x0, v23;
	v2 =	vnsel vm2, $0x0, v26  }
0x20b: {  	[tilespmem:s25+$0x8170] =	vst v61;
	vm4 =	vmand vm9, vm14;
	vm0 =	vmor vm10, vm3;
	vm8 =	veq.f32 v53, v3  }
0x20c: {  	vm9 =	vgt.f32 v53, v3;
	[tilespmem:s25+$0x8310] =	vst v63;
	vm6 =	vmor vm11, vm4;
	vm1 =	vmand vm8, vm14  }
.Ltmp7:
0x20d: {  	[tilespmem:s25+$0x8320] =	vst v2;
	v3 =	vnsel vm0, $0x0, v27;
	vm10 =	veq.f32 v54, v62;
	vm11 =	vgt.f32 v54, v62;
	(pc) =	sbr.rel @!p1 .LBB2_12-.Ltmp7, $4  }
0x20e: {  	vm1 =	vmor vm9, vm1;
	vm0 =	vmand vm10, vm14;
	v1 =	vnsel vm6, $0x0, v1;
	[tilespmem:s25+$0x8330] =	vst v3  }
0x20f: {  	vm0 =	vmor vm11, vm0;
	v2 =	vnsel vm1, $0x0, v53;
	[tilespmem:s25+$0x8340] =	vst v1  }
0x210: {  	v1 =	vnsel vm0, $0x0, v54;
	[tilespmem:s25+$0x8350] =	vst v2  }
0x211: {  	[tilespmem:s25+$0x8360] =	vst v1  }
0x212: {  	v11 =	vld [tilespmem:s24+$0x3F0]  }
0x213: {  	v1 =	vld [tilespmem:s24+$0x180]  }
0x214: {  	v2 =	vld [tilespmem:s24+$0x190]  }
0x215: {  	v3 =	vld [tilespmem:s24+$0x1A0]  }
0x216: {  	v5 =	vld [tilespmem:s24+$0x1B0]  }
0x217: {  	v4 =	vld [tilespmem:s24+$0x1C0]  }
0x218: {  	v6 =	vld [tilespmem:s24+$0x1D0]  }
0x219: {  	v7 =	vld [tilespmem:s24+$0x1E0]  }
0x21a: {  	v8 =	vld [tilespmem:s24+$0x1F0];
	v9 =	vperm.xlane v11, v0  }
0x21b: {  	v10 =	vld [tilespmem:s24+$0x390];
	v13 =	vimm.s32 $0x0;
	v31 =	vimm.s32 $0x0;
	v62 =	vimm.s32 $0x0  }
0x21c: {  	v14 =	vld [tilespmem:s24+$0x3D0];
	v16 =	vperm.xlane v1, v0;
	v17 =	vperm.xlane v2, v0;
	vm0 =	veq.f32 v11, v9  }
0x21d: {  	v15 =	vld [tilespmem:s24+$0x3E0];
	v18 =	vperm.xlane v3, v0;
	vm1 =	vgt.f32 v11, v9;
	vm0 =	vmand vm0, vm14  }
0x21e: {  	v19 =	vperm.xlane v5, v0;
	v9 =	vld [tilespmem:s24+$0x380];
	vm0 =	vmor vm1, vm0;
	vm1 =	veq.f32 v2, v17  }
0x21f: {  	v20 =	vperm.xlane v4, v0;
	v12 =	vnsel vm0, $0x0, v11;
	v11 =	vld [tilespmem:s24+$0x3A0];
	vm0 =	vmand vm1, vm14  }
0x220: {  	v21 =	vperm.xlane v6, v0;
	v22 =	vperm.xlane v7, v0;
	[tilespmem:s24+$0x83F0] =	vst v12;
	v12 =	vld [tilespmem:s24+$0x3B0];
	v13 =	vsel vm0, $0xFFFFFFFF, v13  }
0x221: {  	v63 =	vimm.s32 $0x0;
	v23 =	vperm.xlane v8, v0;
	v25 =	vperm.xlane v10, v0;
	[tilespmem:$0x1FC50] =	vst v13;
	v13 =	vld [tilespmem:s24+$0x3C0]  }
0x222: {  	v29 =	vperm.xlane v14, v0;
	v30 =	vperm.xlane v15, v0;
	vm2 =	veq.f32 v1, v16  }
0x223: {  	vm3 =	veq.f32 v3, v18;
	vm4 =	veq.f32 v5, v19;
	vm5 =	veq.f32 v4, v20  }
0x224: {  	vm6 =	veq.f32 v6, v21;
	v24 =	vperm.xlane v9, v0;
	v26 =	vperm.xlane v11, v0  }
0x225: {  	vm7 =	veq.f32 v8, v23;
	vm15 =	vmand vm2, vm14;
	v27 =	vperm.xlane v12, v0  }
0x226: {  	vm8 =	veq.f32 v9, v24;
	vm9 =	veq.f32 v11, v26;
	v28 =	vperm.xlane v13, v0  }
0x227: {  	vm10 =	vmand vm8, vm14;
	vm0 =	veq.f32 v12, v27;
	vm1 =	vmand vm9, vm14  }
0x228: {  	vm8 =	veq.f32 v13, v28;
	v31 =	vsel vm1, $0xFFFFFFFF, v31;
	vm0 =	vmand vm0, vm14  }
0x229: {  	vm2 =	vmand vm3, vm14;
	[tilespmem:$0x1FC20] =	vst v31;
	v31 =	vsel vm0, $0xFFFFFFFF, v62;
	vm0 =	vmand vm8, vm14  }
0x22a: {  	vm3 =	veq.f32 v7, v22;
	[tilespmem:$0x1FC30] =	vst v31;
	v31 =	vsel vm0, $0xFFFFFFFF, v63;
	vm0 =	vgt.f32 v1, v16;
	v16 =	vld [tilespmem:$0x1FC50]  }
0x22b: {  	vm4 =	vmand vm4, vm14;
	vm12 =	vmand vm5, vm14;
	vm11 =	vmand vm6, vm14  }
0x22c: {  	vm6 =	veq.f32 v10, v25;
	vm13 =	vmand vm7, vm14;
	vm7 =	vgt.f32 v3, v18  }
0x22d: {  	vm3 =	vmand vm3, vm14;
	vm7 =	vmor vm7, vm2;
	vm2 =	vgt.f32 v4, v20  }
0x22e: {  	vm5 =	vmand vm6, vm14;
	vm12 =	vmor vm2, vm12;
	vm2 =	vgt.f32 v7, v22  }
0x22f: {  	vm8 =	vgt.f32 v2, v17;
	vm15 =	vmor vm0, vm15;
	vm0 =	vnez.u8 v16  }
0x230: {  	vm9 =	vmor vm2, vm3;
	vm8 =	vmor vm8, vm0;
	vm0 =	vgt.f32 v5, v19  }
0x231: {  	vm2 =	vgt.f32 v8, v23;
	vm6 =	vmor vm0, vm4;
	vm4 =	vgt.f32 v6, v21  }
0x232: {  	vm1 =	veq.f32 v14, v29;
	v16 =	vimm.s32 $0x0;
	vm0 =	vmor vm4, vm11  }
0x233: {  	p1 =	por $0x1, $0x1;
	vm3 =	vgt.f32 v13, v28;
	vm1 =	vmand vm1, vm14;
	v16 =	vsel vm0, $0xFFFFFFFF, v16  }
.Ltmp8:
0x234: {  	vm4 =	veq.f32 v15, v30;
	vm11 =	vmor vm2, vm13;
	[tilespmem:$0x1FC60] =	vst v16;
	v16 =	vimm.s32 $0x0;
	(pc) =	sbr.rel @!p1 .LBB2_14-.Ltmp8, $4  }
0x235: {  	vm2 =	vgt.f32 v9, v24;
	vm0 =	vmand vm4, vm14;
	v16 =	vsel vm1, $0xFFFFFFFF, v16  }
0x236: {  	vm13 =	vmor vm2, vm10;
	vm2 =	vgt.f32 v10, v25;
	[tilespmem:$0x1FC70] =	vst v16;
	v16 =	vimm.s32 $0x0  }
0x237: {  	[tilespmem:$0x1FC40] =	vst v31;
	vm4 =	vgt.f32 v14, v29;
	vm1 =	vgt.f32 v11, v26;
	v16 =	vsel vm0, $0xFFFFFFFF, v16  }
0x238: {  	s25 =	simm.s32 $0x400;
	s26 =	simm.s32 $0x2000;
	p0 =	por $0x1, $0x1;
	vm0 =	vmor vm2, vm5;
	vm2 =	vgt.f32 v12, v27;
	vm5 =	vgt.f32 v15, v30;
	[tilespmem:$0x1FC80] =	vst v16  }
.LBB2_15:
0x239: {  	v17 =	vld [tilespmem:$0x1FC20];
	_ =	sdelay $0x4  }
0x23a: {  	vm10 =	vnez.u8 v17;
	v17 =	vld [tilespmem:$0x1FC30];
	_ =	sdelay $0x4  }
0x23b: {  	vm10 =	vmor vm1, vm10;
	vm1 =	vnez.u8 v17;
	v17 =	vld [tilespmem:$0x1FC40];
	_ =	sdelay $0x4  }
0x23c: {  	vm1 =	vmor vm2, vm1;
	vm2 =	vnez.u8 v17  }
0x23d: {  	v16 =	vld [tilespmem:s25+$0x3F0];
	v17 =	vimm.s32 $0x0;
	vm2 =	vmor vm3, vm2  }
0x23e: {  	v18 =	vld [tilespmem:$0x1FC70];
	v17 =	vsel vm2, $0xFFFFFFFF, v17  }
0x23f: {  	v42 =	vld [tilespmem:$0x1FC80];
	v43 =	vnsel vm7, $0x0, v3;
	v19 =	vnsel vm6, $0x0, v5;
	[tilespmem:$0x1FB60] =	vst v17;
	v17 =	vnsel vm15, $0x0, v1  }
0x240: {  	v21 =	vnsel vm9, $0x0, v7;
	v44 =	vnsel vm11, $0x0, v8;
	v22 =	vnsel vm13, $0x0, v9;
	v1 =	vld [tilespmem:s25+$0x180];
	[tilespmem:s24+$0x8180] =	vst v17  }
0x241: {  	v23 =	vnsel vm0, $0x0, v10;
	v53 =	vimm.s32 $0x0;
	v17 =	vnsel vm8, $0x0, v2;
	v2 =	vld [tilespmem:s25+$0x190]  }
0x242: {  	v55 =	vimm.s32 $0x0;
	v29 =	vimm.s32 $0x0;
	v30 =	vimm.s32 $0x0;
	v3 =	vld [tilespmem:s25+$0x1A0]  }
0x243: {  	v31 =	vimm.s32 $0x0;
	v59 =	vimm.s32 $0x0;
	[tilespmem:s24+$0x8190] =	vst v17;
	v17 =	vnsel vm12, $0x0, v4;
	v4 =	vld [tilespmem:$0x1FC60]  }
0x244: {  	v60 =	vimm.s32 $0x0;
	v61 =	vimm.s32 $0x0;
	v62 =	vimm.s32 $0x0;
	v7 =	vld [tilespmem:$0x1FB60]  }
0x245: {  	v63 =	vimm.s32 $0x0;
	v9 =	vperm.xlane v16, v0;
	vm2 =	vnez.u8 v18;
	v5 =	vld [tilespmem:s25+$0x1B0]  }
0x246: {  	v45 =	vnsel vm10, $0x0, v11;
	vm3 =	vmor vm4, vm2;
	vm2 =	vnez.u8 v42  }
0x247: {  	v24 =	vnsel vm1, $0x0, v12;
	vm1 =	vgt.f32 v16, v9;
	vm2 =	vmor vm5, vm2;
	[tilespmem:s24+$0x81A0] =	vst v43  }
0x248: {  	v26 =	vnsel vm3, $0x0, v14;
	v14 =	vimm.s32 $0x0;
	vm4 =	vnez.u8 v4;
	v4 =	vld [tilespmem:s25+$0x1C0];
	[tilespmem:s24+$0x81B0] =	vst v19  }
0x249: {  	v46 =	vnsel vm2, $0x0, v15;
	vm0 =	vnez.u8 v7;
	v20 =	vnsel vm4, $0x0, v6;
	v6 =	vld [tilespmem:s25+$0x1D0];
	[tilespmem:s24+$0x81C0] =	vst v17  }
0x24a: {  	v17 =	vnsel vm0, $0x0, v13;
	vm0 =	veq.f32 v16, v9;
	v47 =	vperm.xlane v5, v0;
	v7 =	vld [tilespmem:s25+$0x1E0];
	[tilespmem:s24+$0x81D0] =	vst v20  }
0x24b: {  	v15 =	vimm.s32 $0x0;
	v25 =	vperm.xlane v1, v0;
	vm0 =	vmand vm0, vm14;
	v8 =	vld [tilespmem:s25+$0x1F0];
	[tilespmem:s24+$0x81E0] =	vst v21  }
0x24c: {  	v28 =	vperm.xlane v3, v0;
	vm0 =	vmor vm1, vm0;
	vm4 =	veq.f32 v5, v47;
	v9 =	vld [tilespmem:s25+$0x380];
	[tilespmem:s24+$0x81F0] =	vst v44  }
0x24d: {  	v27 =	vperm.xlane v2, v0;
	v12 =	vnsel vm0, $0x0, v16;
	vm1 =	vmand vm4, vm14;
	v10 =	vld [tilespmem:s25+$0x390];
	[tilespmem:s24+$0x8380] =	vst v22  }
0x24e: {  	vm2 =	veq.f32 v1, v25;
	vm0 =	veq.f32 v3, v28;
	v15 =	vsel vm1, $0xFFFFFFFF, v15;
	[tilespmem:s25+$0x83F0] =	vst v12  }
0x24f: {  	vm8 =	vmand vm2, vm14;
	v48 =	vperm.xlane v4, v0;
	vm0 =	vmand vm0, vm14;
	v11 =	vld [tilespmem:s25+$0x3A0];
	[tilespmem:$0x1FB80] =	vst v15  }
0x250: {  	vm3 =	veq.f32 v2, v27;
	v16 =	vperm.xlane v6, v0;
	v12 =	vld [tilespmem:s25+$0x3B0];
	v14 =	vsel vm0, $0xFFFFFFFF, v14;
	[tilespmem:s24+$0x8390] =	vst v23  }
0x251: {  	vm13 =	vmand vm3, vm14;
	vm2 =	veq.f32 v4, v48;
	v49 =	vperm.xlane v7, v0;
	[tilespmem:$0x1FB70] =	vst v14  }
0x252: {  	vm3 =	veq.f32 v6, v16;
	v50 =	vperm.xlane v8, v0;
	v13 =	vld [tilespmem:s25+$0x3C0];
	[tilespmem:s24+$0x83A0] =	vst v45;
	vm1 =	vmand vm2, vm14  }
0x253: {  	vm11 =	vgt.f32 v6, v16;
	v16 =	vimm.s32 $0x0;
	vm0 =	veq.f32 v7, v49;
	v14 =	vld [tilespmem:s25+$0x3D0];
	[tilespmem:s24+$0x83B0] =	vst v24  }
0x254: {  	v51 =	vperm.xlane v9, v0;
	vm4 =	veq.f32 v8, v50;
	v15 =	vld [tilespmem:s25+$0x3E0];
	[tilespmem:s24+$0x83C0] =	vst v17;
	v17 =	vimm.s32 $0x0  }
0x255: {  	v52 =	vperm.xlane v10, v0;
	vm0 =	vmand vm0, vm14;
	v17 =	vsel vm1, $0xFFFFFFFF, v17  }
0x256: {  	vm2 =	veq.f32 v9, v51;
	vm1 =	vmand vm3, vm14;
	v54 =	vperm.xlane v12, v0  }
0x257: {  	v20 =	vsel vm0, $0xFFFFFFFF, v55;
	vm0 =	vmand vm4, vm14;
	[tilespmem:$0x1FB90] =	vst v17;
	v17 =	vperm.xlane v11, v0  }
0x258: {  	[tilespmem:s24+$0x83D0] =	vst v26;
	v26 =	vsel vm1, $0xFFFFFFFF, v53;
	vm5 =	veq.f32 v10, v52;
	v29 =	vsel vm0, $0xFFFFFFFF, v29  }
0x259: {  	vm0 =	vmand vm2, vm14;
	vm1 =	vgt.f32 v9, v51;
	v56 =	vperm.xlane v13, v0  }
0x25a: {  	vm12 =	veq.f32 v12, v54;
	v30 =	vsel vm0, $0xFFFFFFFF, v30;
	vm0 =	vmand vm5, vm14  }
0x25b: {  	v16 =	vsel vm1, $0xFFFFFFFF, v16;
	vm1 =	vgt.f32 v10, v52;
	vm7 =	veq.f32 v11, v17  }
0x25c: {  	v57 =	vperm.xlane v14, v0;
	v31 =	vsel vm0, $0xFFFFFFFF, v31;
	[tilespmem:$0x1FBE0] =	vst v16;
	v16 =	vimm.s32 $0x0  }
0x25d: {  	vm2 =	veq.f32 v13, v56;
	[tilespmem:$0x1FBF0] =	vst v31;
	vm0 =	vmand vm7, vm14;
	v16 =	vsel vm1, $0xFFFFFFFF, v16  }
0x25e: {  	v58 =	vperm.xlane v15, v0;
	v31 =	vsel vm0, $0xFFFFFFFF, v59;
	vm0 =	vmand vm12, vm14;
	[tilespmem:$0x1FC00] =	vst v16;
	v16 =	vld [tilespmem:$0x1FB70]  }
0x25f: {  	vm7 =	veq.f32 v14, v57;
	[tilespmem:$0x1FC20] =	vst v31;
	v31 =	vsel vm0, $0xFFFFFFFF, v60;
	vm0 =	vmand vm2, vm14  }
0x260: {  	vm2 =	veq.f32 v15, v58;
	[tilespmem:$0x1FC30] =	vst v31;
	v31 =	vsel vm0, $0xFFFFFFFF, v61;
	vm0 =	vmand vm7, vm14  }
0x261: {  	vm15 =	vgt.f32 v1, v25;
	v25 =	vsel vm0, $0xFFFFFFFF, v62;
	vm0 =	vmand vm2, vm14  }
0x262: {  	[tilespmem:$0x1FC70] =	vst v25;
	v25 =	vsel vm0, $0xFFFFFFFF, v63;
	vm0 =	vgt.f32 v2, v27  }
0x263: {  	vm15 =	vmor vm15, vm8;
	vm8 =	vmor vm0, vm13;
	vm0 =	vnez.u8 v16;
	v16 =	vld [tilespmem:$0x1FB80];
	_ =	sdelay $0x3  }
0x264: {  	vm7 =	vgt.f32 v3, v28  }
0x265: {  	vm7 =	vmor vm7, vm0;
	vm0 =	vnez.u8 v16;
	v16 =	vld [tilespmem:$0x1FB90];
	_ =	sdelay $0x3  }
0x266: {  	vm6 =	vgt.f32 v5, v47;
	[tilespmem:$0x1FBA0] =	vst v26  }
0x267: {  	vm6 =	vmor vm6, vm0;
	vm0 =	vnez.u8 v16;
	v16 =	vld [tilespmem:$0x1FBA0];
	_ =	sdelay $0x3  }
0x268: {  	vm12 =	vgt.f32 v4, v48  }
0x269: {  	vm12 =	vmor vm12, vm0;
	vm0 =	vnez.u8 v16  }
0x26a: {  	v16 =	vimm.s32 $0x0;
	vm0 =	vmor vm11, vm0  }
0x26b: {  	[tilespmem:$0x1FBB0] =	vst v20;
	v16 =	vsel vm0, $0xFFFFFFFF, v16  }
0x26c: {  	[tilespmem:$0x1FC60] =	vst v16;
	v16 =	vld [tilespmem:$0x1FBB0];
	_ =	sdelay $0x3  }
0x26d: {  	[tilespmem:$0x1FBC0] =	vst v29  }
0x26e: {  	vm0 =	vnez.u8 v16;
	v16 =	vld [tilespmem:$0x1FBC0];
	_ =	sdelay $0x3  }
0x26f: {  	vm9 =	vgt.f32 v7, v49;
	[tilespmem:$0x1FBD0] =	vst v30  }
0x270: {  	vm9 =	vmor vm9, vm0;
	vm0 =	vnez.u8 v16;
	v16 =	vld [tilespmem:$0x1FBD0];
	_ =	sdelay $0x3  }
0x271: {  	vm10 =	vgt.f32 v8, v50  }
0x272: {  	vm11 =	vmor vm10, vm0;
	vm0 =	vnez.u8 v16;
	v16 =	vld [tilespmem:$0x1FBE0];
	_ =	sdelay $0x4  }
0x273: {  	vm10 =	vnez.u8 v16;
	v16 =	vld [tilespmem:$0x1FBF0];
	_ =	sdelay $0x4  }
0x274: {  	vm13 =	vmor vm10, vm0;
	vm0 =	vnez.u8 v16;
	v16 =	vld [tilespmem:$0x1FC00]  }
0x275: {  	p1 =	sne.s32 s26, $0xF000  }
.Ltmp9:
0x276: {  	_ = 	snop;
	(pc) =	sbr.rel @p1 .LBB2_15-.Ltmp9, $4  }
0x277: {  	_ = 	snop  }
0x278: {  	[tilespmem:s24+$0x83E0] =	vst v46;
	vm1 =	vgt.f32 v11, v17  }
0x279: {  	vm3 =	vgt.f32 v13, v56;
	vm4 =	vgt.f32 v14, v57;
	[tilespmem:$0x1FC40] =	vst v31;
	vm10 =	vnez.u8 v16  }
0x27a: {  	s24 =	smov.u32 s25;
	s25 =	sshra.s32 s26, $0x2;
	s26 =	sadd.s32 $0x1000, s26;
	vm5 =	vgt.f32 v15, v58;
	vm2 =	vgt.f32 v12, v54;
	[tilespmem:$0x1FC80] =	vst v25;
	vm0 =	vmor vm10, vm0  }
0x27b: {  	v16 =	vimm.s32 $0x0  }
0x27c: {  	v16 =	vsel vm5, $0xFFFFFFFF, v16  }
0x27d: {  	[tilespmem:$0x1FC10] =	vst v16;
	v16 =	vld [tilespmem:$0x1FC40];
	_ =	sdelay $0x4  }
0x27e: {  	vm10 =	vnez.u8 v16;
	v16 =	vld [tilespmem:$0x1FC80];
	_ =	sdelay $0x4  }
0x27f: {  	vm14 =	vmmov vm0;
	vm0 =	vmmov vm8;
	vm5 =	vnez.u8 v16  }
.LBB2_17:
0x280: {  	v16 =	vld [tilespmem:s25+$0x3F0]  }
0x281: {  	v17 =	vld [tilespmem:s25+$0x180];
	v1 =	vnsel @p0 vm15, $0x0, v1  }
0x282: {  	v18 =	vld [tilespmem:s25+$0x190];
	[tilespmem:s24+$0x8180] =	vst @p0 v1;
	v1 =	vnsel @p0 vm0, $0x0, v2  }
0x283: {  	v2 =	vld [tilespmem:s25+$0x1A0];
	[tilespmem:s24+$0x8190] =	vst @p0 v1  }
0x284: {  	v1 =	vnsel @p0 vm7, $0x0, v3;
	v3 =	vld [tilespmem:s25+$0x1B0]  }
0x285: {  	[tilespmem:s24+$0x81A0] =	vst @p0 v1;
	v1 =	vld [tilespmem:$0x1FC20];
	_ =	sdelay $0x3  }
0x286: {  	v19 =	vld [tilespmem:$0x1FC30]  }
0x287: {  	vm0 =	vnez.u8 v1;
	v1 =	vnsel @p0 vm6, $0x0, v5;
	v5 =	vld [tilespmem:s25+$0x1C0]  }
0x288: {  	[tilespmem:s24+$0x81B0] =	vst @p0 v1;
	v1 =	vld [tilespmem:$0x1FC10];
	_ =	sdelay $0x3  }
0x289: {  	vm0 =	vmor @p0 vm1, vm0;
	vm1 =	vnez.u8 v19  }
0x28a: {  	vm6 =	vmor @p0 vm2, vm1;
	vm2 =	vnez.u8 v1;
	v1 =	vnsel @p0 vm12, $0x0, v4;
	v4 =	vld [tilespmem:$0x1FC60];
	_ =	sdelay $0x1  }
0x28b: {  	v48 =	vld [tilespmem:$0x1FC70];
	_ =	sdelay $0x1  }
0x28c: {  	v7 =	vnsel @p0 vm9, $0x0, v7  }
0x28d: {  	v8 =	vnsel @p0 vm11, $0x0, v8;
	vm7 =	vmor @p0 vm3, vm10;
	vm3 =	vnez.u8 v4  }
0x28e: {  	v9 =	vnsel @p0 vm13, $0x0, v9;
	v13 =	vnsel @p0 vm7, $0x0, v13;
	v4 =	vnsel @p0 vm3, $0x0, v6;
	v6 =	vld [tilespmem:s25+$0x1D0];
	[tilespmem:s24+$0x81C0] =	vst @p0 v1  }
0x28f: {  	v20 =	vperm.xlane v17, v0;
	v22 =	vperm.xlane v2, v0;
	vm1 =	vnez.u8 v48;
	v49 =	vld [tilespmem:s25+$0x1E0];
	[tilespmem:s24+$0x81D0] =	vst @p0 v4  }
0x290: {  	v11 =	vnsel @p0 vm0, $0x0, v11;
	vm1 =	vmor @p0 vm4, vm1;
	v12 =	vnsel @p0 vm6, $0x0, v12;
	v21 =	vld [tilespmem:s25+$0x1F0]  }
0x291: {  	vm6 =	vgt.f32 v17, v20;
	v1 =	vnsel @p0 vm14, $0x0, v10;
	v10 =	vperm.xlane v16, v0;
	[tilespmem:s24+$0x81E0] =	vst @p0 v7;
	v7 =	vld [tilespmem:$0x1FFF0]  }
0x292: {  	vm2 =	vmor @p0 vm2, vm5;
	v4 =	vnsel @p0 vm1, $0x0, v14;
	v14 =	vperm.xlane v18, v0  }
0x293: {  	vm0 =	veq.f32 v16, v10;
	vm1 =	vgt.f32 v16, v10;
	v10 =	vld [tilespmem:s25+$0x380];
	[tilespmem:s24+$0x81F0] =	vst @p0 v8;
	v8 =	vperm.xlane v5, v0  }
0x294: {  	v15 =	vnsel @p0 vm2, $0x0, v15;
	vm2 =	veq.f32 v17, v20;
	vm9 =	vgt.f32 v18, v14  }
0x295: {  	v23 =	vld [tilespmem:s25+$0x390];
	v24 =	vperm.xlane v6, v0;
	vm4 =	veq.f32 v5, v8;
	v25 =	vperm.xlane v49, v0  }
0x296: {  	[tilespmem:s24+$0x8380] =	vst @p0 v9;
	vm12 =	vnez.u8 v7;
	v7 =	vperm.xlane v3, v0;
	v9 =	vperm.xlane v21, v0  }
0x297: {  	vm5 =	veq.f32 v6, v24;
	vm0 =	vmand vm0, vm12;
	vm2 =	vmand vm2, vm12  }
0x298: {  	vm7 =	veq.f32 v49, v25;
	vm4 =	vmand vm4, vm12;
	vm0 =	vmor vm1, vm0  }
0x299: {  	vm1 =	veq.f32 v18, v14;
	vm3 =	veq.f32 v3, v7;
	vm8 =	veq.f32 v21, v9  }
0x29a: {  	v28 =	vperm.xlane v23, v0;
	vm10 =	vmor vm6, vm2;
	vm2 =	vgt.f32 v2, v22  }
0x29b: {  	v16 =	vnsel vm0, $0x0, v16;
	vm0 =	veq.f32 v2, v22;
	vm1 =	vmand vm1, vm12  }
0x29c: {  	vm3 =	vmand vm3, vm12;
	vm0 =	vmand vm0, vm12;
	[tilespmem:s25+$0x83F0] =	vst v16;
	v16 =	vperm.xlane v10, v0  }
0x29d: {  	vm9 =	vmor vm9, vm1;
	vm1 =	vgt.f32 v3, v7;
	vm6 =	vmor vm2, vm0  }
0x29e: {  	v27 =	vld [tilespmem:s25+$0x3B0];
	vm2 =	vmor vm1, vm3;
	vm0 =	vgt.f32 v5, v8;
	vm1 =	vmand vm5, vm12  }
0x29f: {  	v26 =	vld [tilespmem:s25+$0x3A0];
	[tilespmem:s24+$0x8390] =	vst @p0 v1;
	vm5 =	vmand vm7, vm12;
	vm11 =	veq.f32 v10, v16;
	vm3 =	vmor vm0, vm4  }
0x2a0: {  	v1 =	vld [tilespmem:s25+$0x3C0];
	[tilespmem:s24+$0x83A0] =	vst @p0 v11;
	vm0 =	vgt.f32 v6, v24;
	v11 =	vnsel vm9, $0x0, v18;
	v2 =	vnsel vm6, $0x0, v2  }
0x2a1: {  	v3 =	vnsel vm2, $0x0, v3;
	v7 =	vld [tilespmem:s25+$0x3D0];
	[tilespmem:s24+$0x83B0] =	vst @p0 v12;
	vm4 =	vmor vm0, vm1;
	vm0 =	vgt.f32 v49, v25  }
0x2a2: {  	vm1 =	vmand vm8, vm12;
	vm7 =	vmand vm11, vm12;
	vm8 =	vgt.f32 v23, v28;
	v8 =	vld [tilespmem:s25+$0x3E0];
	[tilespmem:s24+$0x83C0] =	vst @p0 v13  }
0x2a3: {  	v12 =	vperm.xlane v27, v0;
	vm0 =	vmor vm0, vm5;
	vm5 =	vgt.f32 v21, v9;
	[tilespmem:s24+$0x83D0] =	vst @p0 v4  }
0x2a4: {  	v9 =	vperm.xlane v26, v0;
	[tilespmem:s24+$0x83E0] =	vst @p0 v15;
	v4 =	vnsel vm10, $0x0, v17;
	vm5 =	vmor vm5, vm1  }
0x2a5: {  	vm1 =	vgt.f32 v10, v16;
	[tilespmem:s25+$0x81A0] =	vst v2;
	v2 =	vnsel vm3, $0x0, v5;
	vm3 =	veq.f32 v27, v12  }
0x2a6: {  	[tilespmem:s25+$0x8180] =	vst v4;
	v5 =	vnsel vm4, $0x0, v6;
	vm1 =	vmor vm1, vm7;
	vm7 =	veq.f32 v23, v28  }
0x2a7: {  	vm6 =	veq.f32 v26, v9;
	vm2 =	vgt.f32 v26, v9;
	[tilespmem:s25+$0x81C0] =	vst v2;
	vm3 =	vmand vm3, vm12  }
0x2a8: {  	v2 =	vnsel vm0, $0x0, v49;
	[tilespmem:s25+$0x81D0] =	vst v5;
	vm0 =	vgt.f32 v27, v12;
	v5 =	vnsel vm5, $0x0, v21  }
0x2a9: {  	[tilespmem:s25+$0x8190] =	vst v11;
	vm7 =	vmand vm7, vm12;
	v4 =	vperm.xlane v1, v0;
	vm6 =	vmand vm6, vm12  }
0x2aa: {  	[tilespmem:s25+$0x81E0] =	vst v2;
	vm0 =	vmor vm0, vm3;
	v2 =	vnsel vm1, $0x0, v10;
	vm7 =	vmor vm8, vm7  }
0x2ab: {  	[tilespmem:s25+$0x81B0] =	vst v3;
	vm2 =	vmor vm2, vm6;
	v3 =	vperm.xlane v7, v0;
	vm4 =	veq.f32 v1, v4  }
0x2ac: {  	[tilespmem:s25+$0x81F0] =	vst v5;
	vm5 =	vgt.f32 v1, v4;
	v4 =	vperm.xlane v8, v0;
	v5 =	vnsel vm7, $0x0, v23  }
0x2ad: {  	[tilespmem:s25+$0x8380] =	vst v2;
	v2 =	vnsel vm2, $0x0, v26;
	vm4 =	vmand vm4, vm12;
	vm1 =	veq.f32 v7, v3  }
0x2ae: {  	vm2 =	vgt.f32 v7, v3;
	[tilespmem:s25+$0x8390] =	vst v5;
	v3 =	vnsel vm0, $0x0, v27;
	vm1 =	vmand vm1, vm12  }
0x2af: {  	[tilespmem:s25+$0x83A0] =	vst v2;
	vm3 =	vmor vm5, vm4;
	vm0 =	veq.f32 v8, v4;
	vm1 =	vmor vm2, vm1  }
0x2b0: {  	s31 =	sadd.s32 s7, s22;
	[tilespmem:s25+$0x83B0] =	vst v3;
	vm0 =	vmand vm0, vm12;
	v1 =	vnsel vm3, $0x0, v1;
	vm2 =	vgt.f32 v8, v4  }
0x2b1: {  	s24 =	sshll.u32 s31, $0xC;
	vm0 =	vmor vm2, vm0;
	v2 =	vnsel vm1, $0x0, v7;
	[tilespmem:s25+$0x83C0] =	vst v1  }
0x2b2: {  	p0 =	seq.s32 s22, $0x3F;
	s24 =	sadd.s32 s2, s24;
	v1 =	vnsel vm0, $0x0, v8;
	[tilespmem:s25+$0x83D0] =	vst v2  }
0x2b3: {  	p1 =	seq.s32 @!p0 s22, $0x0;
	s26 =	simm.s32 @!p0 $0x400;
	s28 =	simm.s32 @!p0 $0x0;
	[tilespmem:s25+$0x83E0] =	vst v1  }
0x2b4: {  	[hbm4b:s24+s12] =	stream.strided.scatter [tilespmem:s16], [sflag:$0x3], $0x4000, s13, s12, $0x38;
	[tilespmem:$0x10000] =	vst v63  }
0x2b5: {  	p1 =	por p0, !p1;
	s25 =	simm.s32 @!p0 $0x200;
	s24 =	sadd.s32 @!p0 s23, s8  }
0x2b6: {  	[tilespmem:s28], [sflag:$0x1] =	stream.strided.gather @!p0 [hbm4b:s24+s25], $0x4000, s26, s25, $0x38;
	[tilespmem:$0x10000] =	vst v63  }
0x2b7: {  	_ =	swait.ge @p1 [sflag:s20], $0x4000  }
0x2b8: {  	[sflag:s20] =	ssyncset.done @p1 $0x0  }
0x2b9: {  	[sflag:s20] =	ssyncadd.s32 @p1 $0xFFFFC000  }
0x2ba: {  	_ =	swait.ge [sflag:s17], $0x4000  }
0x2bb: {  	[sflag:s17] =	ssyncset.done $0x0  }
0x2bc: {  	s24 =	simm.s32 $0x0;
	[sflag:s17] =	ssyncadd.s32 $0xFFFFC000  }
0x2bd: {  	v11 =	vld [tilespmem:s24+$0x4270]  }
0x2be: {  	v3 =	vld [tilespmem:s24+$0x4000]  }
0x2bf: {  	v1 =	vld [tilespmem:s24+$0x4010]  }
0x2c0: {  	v2 =	vld [tilespmem:s24+$0x4020]  }
0x2c1: {  	v4 =	vld [tilespmem:s24+$0x4030]  }
0x2c2: {  	v5 =	vld [tilespmem:s24+$0x4040]  }
0x2c3: {  	v6 =	vld [tilespmem:s24+$0x4050]  }
0x2c4: {  	v8 =	vld [tilespmem:s24+$0x4060]  }
0x2c5: {  	v7 =	vld [tilespmem:s24+$0x4070]  }
0x2c6: {  	v10 =	vld [tilespmem:s24+$0x4210]  }
0x2c7: {  	v58 =	vimm.s32 $0x0;
	v13 =	vld [tilespmem:s24+$0x4240];
	v9 =	vperm.xlane v11, v0;
	v16 =	vperm.xlane v3, v0  }
0x2c8: {  	v31 =	vimm.s32 $0x0;
	v17 =	vperm.xlane v1, v0;
	v50 =	vperm.xlane v2, v0  }
0x2c9: {  	v62 =	vimm.s32 $0x0;
	v51 =	vperm.xlane v4, v0;
	v52 =	vperm.xlane v5, v0  }
0x2ca: {  	v63 =	vimm.s32 $0x0;
	v53 =	vperm.xlane v6, v0;
	v54 =	vperm.xlane v8, v0  }
0x2cb: {  	v55 =	vperm.xlane v7, v0;
	v57 =	vperm.xlane v10, v0;
	vm0 =	veq.f32 v11, v9  }
0x2cc: {  	v61 =	vperm.xlane v13, v0;
	vm1 =	vgt.f32 v11, v9;
	vm0 =	vmand vm0, vm12  }
0x2cd: {  	v9 =	vld [tilespmem:s24+$0x4200];
	vm2 =	veq.f32 v3, v16;
	vm3 =	veq.f32 v2, v50;
	vm0 =	vmor vm1, vm0  }
0x2ce: {  	vm4 =	veq.f32 v4, v51;
	vm5 =	veq.f32 v5, v52;
	v12 =	vnsel vm0, $0x0, v11;
	v11 =	vld [tilespmem:s24+$0x4220]  }
0x2cf: {  	vm6 =	veq.f32 v6, v53;
	vm7 =	veq.f32 v7, v55;
	vm9 =	veq.f32 v10, v57;
	[tilespmem:s24+$0xC270] =	vst v12;
	v12 =	vld [tilespmem:s24+$0x4230]  }
0x2d0: {  	vm13 =	vmand vm2, vm12;
	vm2 =	vmand vm3, vm12;
	vm3 =	veq.f32 v8, v54  }
0x2d1: {  	vm4 =	vmand vm4, vm12;
	vm6 =	vmand vm6, vm12;
	vm1 =	veq.f32 v1, v17  }
0x2d2: {  	vm7 =	vmand vm7, vm12;
	vm0 =	vmmov vm12;
	vm14 =	vmand vm1, vm12  }
0x2d3: {  	v14 =	vld [tilespmem:s24+$0x4250];
	vm1 =	vmand vm5, vm12;
	v56 =	vperm.xlane v9, v0;
	v59 =	vperm.xlane v11, v0  }
0x2d4: {  	vm5 =	vmand vm3, vm12;
	v26 =	vsel vm1, $0xFFFFFFFF, v58;
	v60 =	vperm.xlane v12, v0  }
0x2d5: {  	v15 =	vld [tilespmem:s24+$0x4260];
	vm3 =	vmand vm9, vm0;
	vm8 =	veq.f32 v9, v56;
	vm10 =	veq.f32 v11, v59  }
0x2d6: {  	vm8 =	vmand vm8, vm12;
	vm11 =	veq.f32 v12, v60;
	vm1 =	vmand vm10, vm0  }
0x2d7: {  	[tilespmem:$0x1FB30] =	vst v26;
	vm12 =	veq.f32 v13, v61;
	v31 =	vsel vm1, $0xFFFFFFFF, v31;
	vm9 =	vmand vm11, vm0  }
0x2d8: {  	v29 =	vperm.xlane v14, v0;
	[tilespmem:$0x1FB00] =	vst v31;
	v31 =	vsel vm9, $0xFFFFFFFF, v62;
	vm9 =	vmand vm12, vm0  }
0x2d9: {  	vm10 =	vgt.f32 v1, v17;
	[tilespmem:$0x1FB10] =	vst v31;
	v31 =	vsel vm9, $0xFFFFFFFF, v63;
	vm9 =	vgt.f32 v3, v16;
	v16 =	vld [tilespmem:$0x1FB30]  }
0x2da: {  	v30 =	vperm.xlane v15, v0;
	vm14 =	vmor vm10, vm14;
	vm10 =	vgt.f32 v4, v51  }
0x2db: {  	vm1 =	veq.f32 v14, v29;
	vm12 =	vmor vm10, vm4;
	vm4 =	vgt.f32 v6, v53  }
0x2dc: {  	vm1 =	vmand vm1, vm0;
	vm10 =	vmor vm4, vm6;
	vm4 =	veq.f32 v15, v30  }
0x2dd: {  	vm15 =	vmor vm9, vm13;
	vm9 =	vgt.f32 v2, v50;
	vm0 =	vmand vm4, vm0  }
0x2de: {  	vm13 =	vmor vm9, vm2;
	vm2 =	vgt.f32 v5, v52;
	vm9 =	vnez.u8 v16  }
0x2df: {  	vm4 =	vgt.f32 v11, v59;
	v16 =	vimm.s32 $0x0;
	vm11 =	vmor vm2, vm9  }
0x2e0: {  	vm2 =	vgt.f32 v8, v54;
	v16 =	vsel vm1, $0xFFFFFFFF, v16;
	vm1 =	vgt.f32 v9, v56  }
0x2e1: {  	vm9 =	vmor vm2, vm5;
	vm2 =	vgt.f32 v7, v55;
	[tilespmem:$0x1FB40] =	vst v16;
	v16 =	vimm.s32 $0x0  }
0x2e2: {  	vm6 =	vmor vm2, vm7;
	v16 =	vsel vm0, $0xFFFFFFFF, v16;
	vm7 =	vmor vm1, vm8  }
0x2e3: {  	[tilespmem:$0x1FB20] =	vst v31;
	vm1 =	vgt.f32 v10, v57;
	vm0 =	vgt.f32 v13, v61;
	vm2 =	vgt.f32 v14, v29  }
0x2e4: {  	s25 =	simm.s32 $0x400;
	s28 =	simm.s32 $0x2000;
	s26 =	simm.s32 $0x0;
	[tilespmem:$0x1FB50] =	vst v16;
	vm8 =	vmor vm1, vm3;
	vm1 =	vgt.f32 v12, v60;
	vm3 =	vgt.f32 v15, v30  }
.LBB2_18:
0x2e5: {  	v17 =	vld [tilespmem:$0x1FB00];
	_ =	sdelay $0x4  }
0x2e6: {  	vm5 =	vnez.u8 v17;
	v17 =	vld [tilespmem:$0x1FB10];
	_ =	sdelay $0x4  }
0x2e7: {  	vm4 =	vmor vm4, vm5;
	vm5 =	vnez.u8 v17;
	v17 =	vld [tilespmem:$0x1FB20];
	_ =	sdelay $0x2  }
0x2e8: {  	v16 =	vld [tilespmem:s25+$0x4270]  }
0x2e9: {  	v18 =	vld [tilespmem:$0x1FB40];
	v44 =	vnsel vm13, $0x0, v2;
	v19 =	vnsel vm12, $0x0, v4;
	v20 =	vnsel vm10, $0x0, v6  }
0x2ea: {  	v43 =	vld [tilespmem:$0x1FB50];
	vm1 =	vmor vm1, vm5;
	vm5 =	vnez.u8 v17;
	v17 =	vnsel vm15, $0x0, v3  }
0x2eb: {  	v21 =	vnsel vm9, $0x0, v8;
	v45 =	vnsel vm6, $0x0, v7;
	v22 =	vnsel vm7, $0x0, v9;
	v3 =	vld [tilespmem:s25+$0x4000];
	[tilespmem:s26+$0xC000] =	vst v17  }
0x2ec: {  	v23 =	vnsel vm8, $0x0, v10;
	v55 =	vimm.s32 $0x0;
	v17 =	vnsel vm14, $0x0, v1;
	v1 =	vld [tilespmem:s25+$0x4010]  }
0x2ed: {  	v29 =	vimm.s32 $0x0;
	v30 =	vimm.s32 $0x0;
	v31 =	vimm.s32 $0x0;
	v2 =	vld [tilespmem:s25+$0x4020];
	[tilespmem:s26+$0xC010] =	vst v17  }
0x2ee: {  	v59 =	vimm.s32 $0x0;
	v60 =	vimm.s32 $0x0;
	v9 =	vperm.xlane v16, v0;
	v4 =	vld [tilespmem:s25+$0x4030];
	[tilespmem:s26+$0xC020] =	vst v44  }
0x2ef: {  	v61 =	vimm.s32 $0x0;
	v62 =	vimm.s32 $0x0;
	v17 =	vnsel vm11, $0x0, v5;
	v5 =	vld [tilespmem:s25+$0x4040];
	[tilespmem:s26+$0xC030] =	vst v19  }
0x2f0: {  	v24 =	vnsel vm1, $0x0, v12;
	vm1 =	vgt.f32 v16, v9;
	vm0 =	vmor vm0, vm5;
	v6 =	vld [tilespmem:s25+$0x4050]  }
0x2f1: {  	vm5 =	vnez.u8 v18;
	[tilespmem:s26+$0xC040] =	vst v17;
	v17 =	vnsel vm0, $0x0, v13;
	vm0 =	veq.f32 v16, v9;
	v9 =	vld [tilespmem:$0x1FFF0]  }
0x2f2: {  	v63 =	vimm.s32 $0x0;
	vm15 =	vmor vm2, vm5;
	vm2 =	vnez.u8 v43  }
0x2f3: {  	v46 =	vnsel vm4, $0x0, v11;
	vm2 =	vmor vm3, vm2;
	v26 =	vnsel vm15, $0x0, v14;
	v8 =	vld [tilespmem:s25+$0x4060]  }
0x2f4: {  	v14 =	vimm.s32 $0x0;
	v47 =	vnsel vm2, $0x0, v15;
	v25 =	vperm.xlane v3, v0;
	[tilespmem:s26+$0xC050] =	vst v20  }
0x2f5: {  	v13 =	vimm.s32 $0x0;
	v27 =	vperm.xlane v1, v0;
	v7 =	vld [tilespmem:s25+$0x4070];
	v48 =	vperm.xlane v4, v0  }
0x2f6: {  	v28 =	vperm.xlane v2, v0;
	v49 =	vperm.xlane v5, v0;
	vm5 =	vnez.u8 v9  }
0x2f7: {  	[tilespmem:s26+$0xC060] =	vst v21;
	vm2 =	veq.f32 v3, v25;
	vm3 =	veq.f32 v4, v48;
	vm0 =	vmand vm0, vm5  }
0x2f8: {  	v9 =	vld [tilespmem:s25+$0x4200];
	[tilespmem:s26+$0xC070] =	vst v45;
	vm4 =	veq.f32 v5, v49;
	v50 =	vperm.xlane v8, v0;
	vm0 =	vmor vm1, vm0  }
0x2f9: {  	v10 =	vld [tilespmem:s25+$0x4210];
	[tilespmem:s26+$0xC200] =	vst v22;
	vm12 =	vmand vm3, vm5;
	vm1 =	veq.f32 v1, v27;
	v12 =	vnsel vm0, $0x0, v16  }
0x2fa: {  	v11 =	vld [tilespmem:s25+$0x4220];
	v51 =	vperm.xlane v7, v0;
	v16 =	vperm.xlane v6, v0;
	vm1 =	vmand vm1, vm5;
	[tilespmem:s25+$0xC270] =	vst v12  }
0x2fb: {  	vm11 =	vmand vm4, vm5;
	vm0 =	veq.f32 v2, v28;
	v12 =	vld [tilespmem:s25+$0x4230];
	v13 =	vsel vm1, $0xFFFFFFFF, v13;
	[tilespmem:s26+$0xC210] =	vst v23  }
0x2fc: {  	vm0 =	vmand vm0, vm5;
	vm3 =	veq.f32 v7, v51;
	[tilespmem:$0x1FA70] =	vst v13;
	vm1 =	veq.f32 v6, v16  }
0x2fd: {  	v14 =	vsel vm0, $0xFFFFFFFF, v14;
	vm0 =	veq.f32 v8, v50;
	v52 =	vperm.xlane v9, v0;
	v13 =	vld [tilespmem:s25+$0x4240];
	[tilespmem:s26+$0xC220] =	vst v46  }
0x2fe: {  	vm3 =	vmand vm3, vm5;
	vm8 =	vgt.f32 v6, v16;
	[tilespmem:$0x1FA80] =	vst v14;
	v53 =	vperm.xlane v10, v0  }
0x2ff: {  	vm10 =	vmand vm1, vm5;
	vm0 =	vmand vm0, vm5;
	v29 =	vsel vm3, $0xFFFFFFFF, v29;
	v14 =	vld [tilespmem:s25+$0x4250];
	[tilespmem:s26+$0xC230] =	vst v24  }
0x300: {  	vm4 =	veq.f32 v9, v52;
	v20 =	vsel vm0, $0xFFFFFFFF, v55;
	v15 =	vld [tilespmem:s25+$0x4260];
	[tilespmem:s26+$0xC240] =	vst v17;
	v17 =	vperm.xlane v11, v0  }
0x301: {  	vm1 =	veq.f32 v10, v53;
	vm4 =	vmand vm4, vm5;
	v54 =	vperm.xlane v12, v0  }
0x302: {  	v30 =	vsel vm4, $0xFFFFFFFF, v30;
	vm1 =	vmand vm1, vm5;
	vm0 =	veq.f32 v11, v17  }
0x303: {  	v31 =	vsel vm1, $0xFFFFFFFF, v31;
	v56 =	vperm.xlane v13, v0;
	vm0 =	vmand vm0, vm5  }
0x304: {  	vm3 =	veq.f32 v12, v54;
	[tilespmem:$0x1FAE0] =	vst v31;
	v57 =	vperm.xlane v14, v0;
	v31 =	vsel vm0, $0xFFFFFFFF, v59  }
0x305: {  	vm1 =	vmand vm3, vm5;
	vm4 =	veq.f32 v13, v56;
	v58 =	vperm.xlane v15, v0  }
0x306: {  	[tilespmem:$0x1FB00] =	vst v31;
	v31 =	vsel vm1, $0xFFFFFFFF, v60;
	vm0 =	veq.f32 v14, v57;
	vm1 =	vmand vm4, vm5  }
0x307: {  	[tilespmem:$0x1FB10] =	vst v31;
	v31 =	vsel vm1, $0xFFFFFFFF, v61;
	vm1 =	veq.f32 v15, v58;
	vm0 =	vmand vm0, vm5  }
0x308: {  	vm3 =	vgt.f32 v3, v25;
	v25 =	vsel vm0, $0xFFFFFFFF, v62;
	vm0 =	vmand vm1, vm5  }
0x309: {  	v16 =	vimm.s32 $0x0;
	[tilespmem:$0x1FB40] =	vst v25;
	v25 =	vsel vm0, $0xFFFFFFFF, v63;
	vm0 =	vgt.f32 v7, v51  }
0x30a: {  	v16 =	vsel vm0, $0xFFFFFFFF, v16  }
0x30b: {  	vm0 =	vgt.f32 v9, v52;
	[tilespmem:$0x1FAB0] =	vst v16;
	v16 =	vimm.s32 $0x0  }
0x30c: {  	v16 =	vsel vm0, $0xFFFFFFFF, v16  }
0x30d: {  	vm0 =	vgt.f32 v10, v53;
	[tilespmem:$0x1FAD0] =	vst v16;
	v16 =	vimm.s32 $0x0  }
0x30e: {  	v16 =	vsel vm0, $0xFFFFFFFF, v16  }
0x30f: {  	[tilespmem:$0x1FAF0] =	vst v16;
	v16 =	vld [tilespmem:$0x1FA70];
	_ =	sdelay $0x4  }
0x310: {  	vm13 =	vnez.u8 v16;
	v16 =	vld [tilespmem:$0x1FA80];
	_ =	sdelay $0x3  }
0x311: {  	vm14 =	vgt.f32 v1, v27;
	[tilespmem:$0x1FA90] =	vst v20  }
0x312: {  	vm14 =	vmor vm14, vm13;
	vm13 =	vnez.u8 v16;
	v16 =	vld [tilespmem:$0x1FA90];
	_ =	sdelay $0x3  }
0x313: {  	vm2 =	vmand vm2, vm5;
	[tilespmem:$0x1FAA0] =	vst v29;
	vm5 =	vgt.f32 v2, v28  }
0x314: {  	vm13 =	vmor vm5, vm13;
	vm5 =	vnez.u8 v16;
	v16 =	vld [tilespmem:$0x1FAA0];
	_ =	sdelay $0x3  }
0x315: {  	vm9 =	vgt.f32 v8, v50  }
0x316: {  	vm9 =	vmor vm9, vm5;
	vm5 =	vnez.u8 v16;
	v16 =	vld [tilespmem:$0x1FAB0];
	_ =	sdelay $0x3  }
0x317: {  	vm6 =	vgt.f32 v4, v48;
	[tilespmem:$0x1FAC0] =	vst v30  }
0x318: {  	vm12 =	vmor vm6, vm12;
	vm6 =	vnez.u8 v16;
	v16 =	vld [tilespmem:$0x1FAC0];
	_ =	sdelay $0x4  }
0x319: {  	vm6 =	vmor vm6, vm5;
	vm5 =	vnez.u8 v16;
	v16 =	vld [tilespmem:$0x1FAD0];
	_ =	sdelay $0x3  }
0x31a: {  	vm7 =	vgt.f32 v5, v49  }
0x31b: {  	vm11 =	vmor vm7, vm11;
	vm7 =	vnez.u8 v16;
	v16 =	vld [tilespmem:$0x1FAE0];
	_ =	sdelay $0x4  }
0x31c: {  	vm7 =	vmor vm7, vm5;
	vm5 =	vnez.u8 v16;
	v16 =	vld [tilespmem:$0x1FAF0]  }
0x31d: {  	p1 =	sne.s32 s28, $0xF000  }
.Ltmp10:
0x31e: {  	_ = 	snop;
	(pc) =	sbr.rel @p1 .LBB2_18-.Ltmp10, $4  }
0x31f: {  	[tilespmem:s26+$0xC250] =	vst v26  }
0x320: {  	vm10 =	vmor vm8, vm10;
	[tilespmem:s26+$0xC260] =	vst v47;
	vm15 =	vmor vm3, vm2;
	vm4 =	vgt.f32 v11, v17  }
0x321: {  	vm2 =	vgt.f32 v14, v57;
	vm3 =	vgt.f32 v15, v58;
	[tilespmem:$0x1FB20] =	vst v31;
	vm8 =	vnez.u8 v16  }
0x322: {  	s26 =	smov.u32 s25;
	s25 =	sshra.s32 s28, $0x2;
	s28 =	sadd.s32 $0x1000, s28;
	vm1 =	vgt.f32 v12, v54;
	[tilespmem:$0x1FB50] =	vst v25;
	vm0 =	vgt.f32 v13, v56;
	vm8 =	vmor vm8, vm5  }
0x323: {  	v16 =	vld [tilespmem:s25+$0x4270]  }
0x324: {  	v17 =	vld [tilespmem:s25+$0x4000];
	v3 =	vnsel vm15, $0x0, v3  }
0x325: {  	v18 =	vld [tilespmem:s25+$0x4010];
	v1 =	vnsel vm14, $0x0, v1;
	[tilespmem:s26+$0xC000] =	vst v3  }
0x326: {  	v3 =	vld [tilespmem:s25+$0x4020];
	[tilespmem:s26+$0xC010] =	vst v1;
	v1 =	vnsel vm13, $0x0, v2  }
0x327: {  	v2 =	vld [tilespmem:s25+$0x4030];
	[tilespmem:s26+$0xC020] =	vst v1;
	v1 =	vnsel vm12, $0x0, v4  }
0x328: {  	v4 =	vld [tilespmem:s25+$0x4040];
	[tilespmem:s26+$0xC030] =	vst v1;
	v1 =	vnsel vm11, $0x0, v5  }
0x329: {  	v5 =	vld [tilespmem:s25+$0x4050];
	[tilespmem:s26+$0xC040] =	vst v1  }
0x32a: {  	v1 =	vnsel vm10, $0x0, v6;
	v6 =	vld [tilespmem:s25+$0x4060]  }
0x32b: {  	[tilespmem:s26+$0xC050] =	vst v1;
	v1 =	vld [tilespmem:$0x1FB00];
	_ =	sdelay $0x2  }
0x32c: {  	v19 =	vld [tilespmem:$0x1FB10]  }
0x32d: {  	v43 =	vld [tilespmem:$0x1FB20]  }
0x32e: {  	vm5 =	vnez.u8 v1;
	v1 =	vnsel vm9, $0x0, v8;
	v8 =	vld [tilespmem:s25+$0x4070]  }
0x32f: {  	[tilespmem:s26+$0xC060] =	vst v1;
	v1 =	vld [tilespmem:$0x1FB40];
	_ =	sdelay $0x2  }
0x330: {  	vm4 =	vmor vm4, vm5;
	vm5 =	vnez.u8 v19  }
0x331: {  	vm1 =	vmor vm1, vm5;
	vm5 =	vnez.u8 v43  }
0x332: {  	vm0 =	vmor vm0, vm5;
	vm5 =	vnez.u8 v1;
	v1 =	vld [tilespmem:$0x1FB50];
	_ =	sdelay $0x4  }
0x333: {  	vm2 =	vmor vm2, vm5;
	vm5 =	vnez.u8 v1;
	v1 =	vnsel vm6, $0x0, v7;
	v7 =	vld [tilespmem:s25+$0x4200]  }
0x334: {  	[tilespmem:s26+$0xC070] =	vst v1;
	v1 =	vnsel vm4, $0x0, v11;
	v11 =	vld [tilespmem:$0x1FFF0];
	_ =	sdelay $0x2  }
0x335: {  	v9 =	vnsel vm7, $0x0, v9;
	v44 =	vperm.xlane v16, v0  }
0x336: {  	v10 =	vnsel vm8, $0x0, v10;
	v45 =	vperm.xlane v17, v0;
	v21 =	vperm.xlane v3, v0  }
0x337: {  	vm3 =	vmor vm3, vm5;
	vm5 =	veq.f32 v16, v44;
	vm7 =	vnez.u8 v11  }
0x338: {  	vm15 =	vgt.f32 v17, v45;
	vm4 =	vgt.f32 v16, v44;
	vm5 =	vmand vm5, vm7  }
0x339: {  	v22 =	vperm.xlane v2, v0;
	v12 =	vnsel vm1, $0x0, v12;
	vm1 =	vmor vm4, vm5  }
0x33a: {  	v25 =	vperm.xlane v6, v0;
	v26 =	vperm.xlane v8, v0;
	v11 =	vld [tilespmem:s25+$0x4210];
	[tilespmem:s26+$0xC200] =	vst v9;
	v16 =	vnsel vm1, $0x0, v16  }
0x33b: {  	v14 =	vnsel vm2, $0x0, v14;
	vm2 =	veq.f32 v3, v21;
	v15 =	vnsel vm3, $0x0, v15;
	v20 =	vld [tilespmem:s25+$0x4220];
	[tilespmem:s25+$0xC270] =	vst v16  }
0x33c: {  	vm3 =	veq.f32 v2, v22;
	v9 =	vnsel vm0, $0x0, v13;
	vm0 =	veq.f32 v17, v45;
	v23 =	vld [tilespmem:s25+$0x4230];
	[tilespmem:s26+$0xC210] =	vst v10  }
0x33d: {  	v13 =	vperm.xlane v18, v0;
	vm0 =	vmand vm0, vm7;
	vm10 =	vmand vm2, vm7;
	v24 =	vld [tilespmem:s25+$0x4240]  }
0x33e: {  	vm2 =	veq.f32 v6, v25;
	vm12 =	vmand vm3, vm7;
	vm3 =	veq.f32 v8, v26  }
0x33f: {  	vm8 =	vmand vm2, vm7;
	vm1 =	veq.f32 v18, v13;
	v16 =	vperm.xlane v4, v0  }
0x340: {  	vm5 =	vmand vm3, vm7;
	vm9 =	vmand vm1, vm7;
	v10 =	vperm.xlane v5, v0  }
0x341: {  	vm4 =	veq.f32 v4, v16;
	[tilespmem:s26+$0xC220] =	vst v1;
	v1 =	vperm.xlane v7, v0;
	v29 =	vperm.xlane v20, v0  }
0x342: {  	v30 =	vperm.xlane v23, v0;
	vm1 =	veq.f32 v5, v10;
	v31 =	vperm.xlane v24, v0  }
0x343: {  	v27 =	vld [tilespmem:s25+$0x4250];
	[tilespmem:s26+$0xC230] =	vst v12;
	v12 =	vperm.xlane v11, v0;
	vm13 =	vmand vm4, vm7;
	vm4 =	veq.f32 v7, v1  }
0x344: {  	vm11 =	vmand vm1, vm7;
	vm2 =	veq.f32 v20, v29;
	vm14 =	veq.f32 v24, v31  }
0x345: {  	v28 =	vld [tilespmem:s25+$0x4260];
	[tilespmem:s26+$0xC240] =	vst v9;
	v9 =	vimm.s32 $0x0;
	vm1 =	veq.f32 v11, v12;
	vm14 =	vmand vm14, vm7  }
0x346: {  	[tilespmem:s26+$0xC250] =	vst v14;
	v9 =	vsel vm14, $0xFFFFFFFF, v9;
	vm14 =	vmor vm15, vm0;
	vm15 =	vgt.f32 v18, v13  }
0x347: {  	vm3 =	veq.f32 v23, v30;
	[tilespmem:s26+$0xC260] =	vst v15;
	vm6 =	vmand vm1, vm7;
	vm9 =	vmor vm15, vm9  }
0x348: {  	[tilespmem:$0x1FA00] =	vst v9;
	vm15 =	vgt.f32 v3, v21;
	v9 =	vnsel vm14, $0x0, v17;
	vm14 =	vgt.f32 v2, v22  }
0x349: {  	vm10 =	vmor vm15, vm10;
	[tilespmem:s25+$0xC000] =	vst v9;
	v9 =	vnsel vm9, $0x0, v18;
	vm9 =	vgt.f32 v4, v16  }
0x34a: {  	vm12 =	vmor vm14, vm12;
	v3 =	vnsel vm10, $0x0, v3;
	vm10 =	vgt.f32 v5, v10  }
0x34b: {  	vm9 =	vmor vm9, vm13;
	v2 =	vnsel vm12, $0x0, v2;
	vm12 =	vgt.f32 v6, v25  }
0x34c: {  	[tilespmem:s25+$0xC020] =	vst v3;
	vm10 =	vmor vm10, vm11;
	v3 =	vnsel vm9, $0x0, v4;
	vm9 =	vgt.f32 v8, v26  }
0x34d: {  	[tilespmem:s25+$0xC030] =	vst v2;
	vm8 =	vmor vm12, vm8;
	v2 =	vnsel vm10, $0x0, v5;
	vm10 =	vgt.f32 v7, v1  }
0x34e: {  	vm9 =	vmor vm9, vm5;
	v1 =	vnsel vm8, $0x0, v6;
	vm8 =	vgt.f32 v11, v12  }
0x34f: {  	v32 =	vperm.xlane v27, v0;
	[tilespmem:s25+$0xC050] =	vst v2;
	v2 =	vnsel vm9, $0x0, v8;
	vm6 =	vmor vm8, vm6  }
0x350: {  	vm4 =	vmand vm4, vm7;
	v46 =	vperm.xlane v28, v0;
	[tilespmem:s25+$0xC070] =	vst v2;
	v2 =	vnsel vm6, $0x0, v11  }
0x351: {  	vm3 =	vmand vm3, vm7;
	vm1 =	vmand vm2, vm7;
	vm2 =	veq.f32 v27, v32;
	[tilespmem:s25+$0xC210] =	vst v2;
	v2 =	vld [tilespmem:$0x1FA00]  }
0x352: {  	vm0 =	veq.f32 v28, v46;
	vm2 =	vmand vm2, vm7;
	[tilespmem:s25+$0xC010] =	vst v9;
	vm5 =	vmor vm10, vm4  }
0x353: {  	vm0 =	vmand vm0, vm7;
	[tilespmem:s25+$0xC060] =	vst v1;
	vm4 =	vgt.f32 v20, v29;
	v1 =	vnsel vm5, $0x0, v7  }
0x354: {  	[tilespmem:s25+$0xC040] =	vst v3;
	vm5 =	vgt.f32 v23, v30;
	vm4 =	vmor vm4, vm1;
	vm6 =	vgt.f32 v24, v31  }
0x355: {  	[tilespmem:s25+$0xC200] =	vst v1;
	vm3 =	vmor vm5, vm3;
	v1 =	vnsel vm4, $0x0, v20;
	vm4 =	vgt.f32 v27, v32  }
0x356: {  	[tilespmem:s25+$0xC220] =	vst v1;
	vm2 =	vmor vm4, vm2;
	vm1 =	vnez.u8 v2;
	v2 =	vnsel vm3, $0x0, v23  }
0x357: {  	vm3 =	vgt.f32 v28, v46;
	vm1 =	vmor vm6, vm1;
	[tilespmem:s25+$0xC230] =	vst v2;
	v2 =	vnsel vm2, $0x0, v27  }
0x358: {  	vm0 =	vmor vm3, vm0;
	v1 =	vnsel vm1, $0x0, v24;
	[tilespmem:s25+$0xC250] =	vst v2  }
0x359: {  	[tilespmem:s25+$0xC240] =	vst v1;
	v1 =	vnsel vm0, $0x0, v28  }
0x35a: {  	[tilespmem:s25+$0xC260] =	vst v1  }
0x35b: {  	v11 =	vld [tilespmem:s24+$0x42F0]  }
0x35c: {  	v3 =	vld [tilespmem:s24+$0x4080]  }
0x35d: {  	v1 =	vld [tilespmem:s24+$0x4090]  }
0x35e: {  	v2 =	vld [tilespmem:s24+$0x40A0]  }
0x35f: {  	v4 =	vld [tilespmem:s24+$0x40B0]  }
0x360: {  	v5 =	vld [tilespmem:s24+$0x40C0]  }
0x361: {  	v6 =	vld [tilespmem:s24+$0x40D0]  }
0x362: {  	v8 =	vld [tilespmem:s24+$0x40E0]  }
0x363: {  	v7 =	vld [tilespmem:s24+$0x40F0]  }
0x364: {  	v10 =	vld [tilespmem:s24+$0x4290]  }
0x365: {  	v55 =	vimm.s32 $0x0;
	v13 =	vld [tilespmem:s24+$0x42C0];
	v9 =	vperm.xlane v11, v0  }
0x366: {  	v61 =	vimm.s32 $0x0;
	v14 =	vld [tilespmem:s24+$0x42D0];
	v16 =	vperm.xlane v3, v0;
	v17 =	vperm.xlane v1, v0  }
0x367: {  	v62 =	vimm.s32 $0x0;
	v15 =	vld [tilespmem:s24+$0x42E0];
	v47 =	vperm.xlane v2, v0;
	v48 =	vperm.xlane v4, v0  }
0x368: {  	v63 =	vimm.s32 $0x0;
	v49 =	vperm.xlane v5, v0;
	v50 =	vperm.xlane v6, v0  }
0x369: {  	v51 =	vperm.xlane v8, v0;
	v52 =	vperm.xlane v7, v0;
	vm0 =	veq.f32 v11, v9  }
0x36a: {  	v54 =	vperm.xlane v10, v0;
	vm1 =	vgt.f32 v11, v9;
	vm0 =	vmand vm0, vm7  }
0x36b: {  	v58 =	vperm.xlane v13, v0;
	v59 =	vperm.xlane v14, v0;
	vm0 =	vmor vm1, vm0  }
0x36c: {  	v60 =	vperm.xlane v15, v0;
	vm2 =	veq.f32 v3, v16;
	v12 =	vnsel vm0, $0x0, v11;
	v11 =	vld [tilespmem:s24+$0x42A0]  }
0x36d: {  	vm3 =	veq.f32 v2, v47;
	vm4 =	veq.f32 v4, v48;
	vm5 =	veq.f32 v5, v49;
	[tilespmem:s24+$0xC2F0] =	vst v12;
	v12 =	vld [tilespmem:s24+$0x42B0]  }
0x36e: {  	vm6 =	veq.f32 v6, v50;
	vm9 =	veq.f32 v10, v54;
	vm12 =	veq.f32 v13, v58  }
0x36f: {  	v9 =	vld [tilespmem:s24+$0x4280];
	vm13 =	vmand vm2, vm7;
	vm2 =	vmand vm3, vm7;
	vm3 =	veq.f32 v8, v51  }
0x370: {  	vm4 =	vmand vm4, vm7;
	vm1 =	veq.f32 v1, v17;
	vm3 =	vmand vm3, vm7  }
0x371: {  	vm14 =	vmand vm1, vm7;
	vm0 =	veq.f32 v7, v52;
	v56 =	vperm.xlane v11, v0  }
0x372: {  	vm1 =	vmand vm5, vm7;
	vm5 =	vmand vm6, vm7;
	v57 =	vperm.xlane v12, v0  }
0x373: {  	v26 =	vsel vm1, $0xFFFFFFFF, v55;
	vm6 =	vmand vm0, vm7;
	vm10 =	veq.f32 v11, v56  }
0x374: {  	v53 =	vperm.xlane v9, v0;
	vm11 =	veq.f32 v12, v57;
	vm1 =	vmand vm10, vm7  }
0x375: {  	vm0 =	vmand vm9, vm7;
	[tilespmem:$0x1FA40] =	vst v26;
	v31 =	vsel vm1, $0xFFFFFFFF, v61;
	vm9 =	vmand vm11, vm7  }
0x376: {  	vm8 =	veq.f32 v9, v53;
	[tilespmem:$0x1FA10] =	vst v31;
	v31 =	vsel vm9, $0xFFFFFFFF, v62;
	vm9 =	vmand vm12, vm7  }
0x377: {  	vm10 =	vgt.f32 v1, v17;
	[tilespmem:$0x1FA20] =	vst v31;
	v31 =	vsel vm9, $0xFFFFFFFF, v63;
	vm9 =	vgt.f32 v3, v16;
	v16 =	vld [tilespmem:$0x1FA40]  }
0x378: {  	vm8 =	vmand vm8, vm7;
	vm14 =	vmor vm10, vm14;
	vm10 =	vgt.f32 v4, v48  }
0x379: {  	vm1 =	veq.f32 v14, v59;
	vm12 =	vmor vm10, vm4;
	vm4 =	vgt.f32 v6, v50  }
0x37a: {  	vm1 =	vmand vm1, vm7;
	vm15 =	vmor vm9, vm13;
	vm9 =	vgt.f32 v2, v47  }
0x37b: {  	vm5 =	vmor vm4, vm5;
	vm4 =	veq.f32 v15, v60;
	vm13 =	vmor vm9, vm2  }
0x37c: {  	vm2 =	vgt.f32 v5, v49;
	vm9 =	vnez.u8 v16;
	v16 =	vimm.s32 $0x0  }
0x37d: {  	vm11 =	vmor vm2, vm9;
	vm2 =	vgt.f32 v8, v51;
	v16 =	vsel vm1, $0xFFFFFFFF, v16  }
0x37e: {  	vm1 =	vgt.f32 v9, v53;
	vm9 =	vmor vm2, vm3;
	vm2 =	vgt.f32 v7, v52  }
0x37f: {  	[tilespmem:$0x1FA50] =	vst v16;
	v16 =	vimm.s32 $0x0;
	vm3 =	vgt.f32 v12, v57;
	vm6 =	vmor vm2, vm6  }
0x380: {  	vm2 =	vmand vm4, vm7;
	vm7 =	vmor vm1, vm8;
	vm1 =	vgt.f32 v10, v54  }
0x381: {  	[tilespmem:$0x1FA30] =	vst v31;
	vm4 =	vgt.f32 v13, v58;
	v16 =	vsel vm2, $0xFFFFFFFF, v16;
	vm8 =	vmor vm1, vm0  }
0x382: {  	s26 =	simm.s32 $0x2000;
	s25 =	simm.s32 $0x400;
	vm0 =	vgt.f32 v11, v56;
	vm1 =	vgt.f32 v14, v59;
	vm2 =	vgt.f32 v15, v60;
	[tilespmem:$0x1FA60] =	vst v16  }
.LBB2_20:
0x383: {  	v17 =	vld [tilespmem:$0x1FA10];
	_ =	sdelay $0x4  }
0x384: {  	vm10 =	vnez.u8 v17;
	v17 =	vld [tilespmem:$0x1FA20];
	_ =	sdelay $0x4  }
0x385: {  	vm0 =	vmor vm0, vm10;
	vm10 =	vnez.u8 v17;
	v17 =	vld [tilespmem:$0x1FA30]  }
0x386: {  	v16 =	vld [tilespmem:s25+$0x42F0];
	v43 =	vnsel vm13, $0x0, v2  }
0x387: {  	v18 =	vld [tilespmem:$0x1FA50];
	v19 =	vnsel vm12, $0x0, v4;
	v20 =	vnsel vm5, $0x0, v6;
	v21 =	vnsel vm9, $0x0, v8  }
0x388: {  	v42 =	vld [tilespmem:$0x1FA60];
	v44 =	vnsel vm6, $0x0, v7;
	v22 =	vnsel vm7, $0x0, v9;
	v23 =	vnsel vm8, $0x0, v10  }
0x389: {  	v53 =	vimm.s32 $0x0;
	v55 =	vimm.s32 $0x0;
	v29 =	vimm.s32 $0x0  }
0x38a: {  	vm3 =	vmor vm3, vm10;
	vm10 =	vnez.u8 v17;
	v17 =	vnsel vm15, $0x0, v3  }
0x38b: {  	v30 =	vimm.s32 $0x0;
	v31 =	vimm.s32 $0x0;
	v59 =	vimm.s32 $0x0;
	v3 =	vld [tilespmem:s25+$0x4080];
	[tilespmem:s24+$0xC080] =	vst v17  }
0x38c: {  	vm4 =	vmor vm4, vm10;
	vm10 =	vnez.u8 v18;
	v17 =	vnsel vm14, $0x0, v1;
	v1 =	vld [tilespmem:s25+$0x4090]  }
0x38d: {  	v9 =	vperm.xlane v16, v0;
	vm15 =	vmor vm1, vm10;
	vm1 =	vnez.u8 v42;
	v2 =	vld [tilespmem:s25+$0x40A0];
	[tilespmem:s24+$0xC090] =	vst v17  }
0x38e: {  	v60 =	vimm.s32 $0x0;
	v45 =	vnsel vm0, $0x0, v11;
	vm1 =	vmor vm2, vm1;
	v4 =	vld [tilespmem:s25+$0x40B0]  }
0x38f: {  	vm0 =	veq.f32 v16, v9;
	[tilespmem:s24+$0xC0A0] =	vst v43;
	v46 =	vnsel vm1, $0x0, v15;
	vm1 =	vgt.f32 v16, v9;
	v9 =	vld [tilespmem:$0x1FFF0]  }
0x390: {  	v61 =	vimm.s32 $0x0;
	v62 =	vimm.s32 $0x0;
	v17 =	vnsel vm11, $0x0, v5;
	v5 =	vld [tilespmem:s25+$0x40C0]  }
0x391: {  	v63 =	vimm.s32 $0x0;
	v24 =	vnsel vm3, $0x0, v12;
	[tilespmem:s24+$0xC0B0] =	vst v19;
	v25 =	vperm.xlane v3, v0  }
0x392: {  	v26 =	vnsel vm15, $0x0, v14;
	v6 =	vld [tilespmem:s25+$0x40D0];
	[tilespmem:s24+$0xC0C0] =	vst v17;
	v17 =	vnsel vm4, $0x0, v13;
	v13 =	vimm.s32 $0x0  }
0x393: {  	v8 =	vld [tilespmem:s25+$0x40E0];
	[tilespmem:s24+$0xC0D0] =	vst v20;
	v27 =	vperm.xlane v1, v0;
	v28 =	vperm.xlane v2, v0;
	vm2 =	veq.f32 v3, v25  }
0x394: {  	v7 =	vld [tilespmem:s25+$0x40F0];
	vm14 =	vgt.f32 v3, v25;
	v47 =	vperm.xlane v4, v0;
	vm5 =	vnez.u8 v9  }
0x395: {  	[tilespmem:s24+$0xC0E0] =	vst v21;
	vm3 =	veq.f32 v1, v27;
	v48 =	vperm.xlane v5, v0;
	vm0 =	vmand vm0, vm5  }
0x396: {  	v9 =	vld [tilespmem:s25+$0x4280];
	[tilespmem:s24+$0xC0F0] =	vst v44;
	vm4 =	veq.f32 v4, v47;
	vm3 =	vmand vm3, vm5;
	vm0 =	vmor vm1, vm0  }
0x397: {  	v10 =	vld [tilespmem:s25+$0x4290];
	[tilespmem:s24+$0xC280] =	vst v22;
	vm1 =	vmand vm2, vm5;
	vm2 =	veq.f32 v5, v48;
	v13 =	vsel vm3, $0xFFFFFFFF, v13  }
0x398: {  	v49 =	vperm.xlane v8, v0;
	vm12 =	vmand vm4, vm5;
	v12 =	vnsel vm0, $0x0, v16;
	[tilespmem:$0x1F970] =	vst v13  }
0x399: {  	v11 =	vld [tilespmem:s25+$0x42A0];
	vm0 =	veq.f32 v2, v28;
	v16 =	vperm.xlane v6, v0;
	v50 =	vperm.xlane v7, v0;
	[tilespmem:s25+$0xC2F0] =	vst v12  }
0x39a: {  	vm11 =	vmand vm2, vm5;
	v12 =	vld [tilespmem:s25+$0x42B0];
	vm13 =	vmand vm0, vm5;
	vm0 =	veq.f32 v8, v49;
	[tilespmem:s24+$0xC290] =	vst v23  }
0x39b: {  	vm3 =	veq.f32 v6, v16;
	v51 =	vperm.xlane v9, v0;
	vm4 =	veq.f32 v7, v50;
	v13 =	vld [tilespmem:s25+$0x42C0];
	[tilespmem:s24+$0xC2A0] =	vst v45  }
0x39c: {  	vm0 =	vmand vm0, vm5;
	v52 =	vperm.xlane v10, v0;
	vm3 =	vmand vm3, vm5;
	v14 =	vld [tilespmem:s25+$0x42D0];
	[tilespmem:s24+$0xC2B0] =	vst v24  }
0x39d: {  	v20 =	vsel vm0, $0xFFFFFFFF, v55;
	vm4 =	vmand vm4, vm5;
	vm2 =	veq.f32 v9, v51;
	v15 =	vld [tilespmem:s25+$0x42E0];
	[tilespmem:s24+$0xC2C0] =	vst v17  }
0x39e: {  	v29 =	vsel vm4, $0xFFFFFFFF, v29;
	v17 =	vperm.xlane v11, v0;
	[tilespmem:s24+$0xC2D0] =	vst v26;
	v26 =	vsel vm3, $0xFFFFFFFF, v53  }
0x39f: {  	vm3 =	veq.f32 v10, v52;
	vm2 =	vmand vm2, vm5;
	v54 =	vperm.xlane v12, v0  }
0x3a0: {  	v30 =	vsel vm2, $0xFFFFFFFF, v30;
	vm3 =	vmand vm3, vm5;
	vm0 =	veq.f32 v11, v17  }
0x3a1: {  	v31 =	vsel vm3, $0xFFFFFFFF, v31;
	v56 =	vperm.xlane v13, v0;
	vm0 =	vmand vm0, vm5  }
0x3a2: {  	vm4 =	veq.f32 v12, v54;
	[tilespmem:$0x1F9E0] =	vst v31;
	v57 =	vperm.xlane v14, v0;
	v31 =	vsel vm0, $0xFFFFFFFF, v59  }
0x3a3: {  	vm3 =	vmand vm4, vm5;
	vm2 =	veq.f32 v13, v56;
	v58 =	vperm.xlane v15, v0  }
0x3a4: {  	[tilespmem:$0x1FA10] =	vst v31;
	v31 =	vsel vm3, $0xFFFFFFFF, v60;
	vm0 =	veq.f32 v14, v57;
	vm2 =	vmand vm2, vm5  }
0x3a5: {  	[tilespmem:$0x1FA20] =	vst v31;
	v31 =	vsel vm2, $0xFFFFFFFF, v61;
	vm2 =	veq.f32 v15, v58;
	vm0 =	vmand vm0, vm5  }
0x3a6: {  	vm9 =	vgt.f32 v6, v16;
	v25 =	vsel vm0, $0xFFFFFFFF, v62;
	vm0 =	vmand vm2, vm5  }
0x3a7: {  	v16 =	vimm.s32 $0x0;
	[tilespmem:$0x1FA50] =	vst v25;
	v25 =	vsel vm0, $0xFFFFFFFF, v63;
	vm0 =	vgt.f32 v7, v50  }
0x3a8: {  	v16 =	vsel vm0, $0xFFFFFFFF, v16  }
0x3a9: {  	vm0 =	vgt.f32 v9, v51;
	[tilespmem:$0x1F9B0] =	vst v16;
	v16 =	vimm.s32 $0x0  }
0x3aa: {  	v16 =	vsel vm0, $0xFFFFFFFF, v16  }
0x3ab: {  	vm0 =	vgt.f32 v10, v52;
	[tilespmem:$0x1F9D0] =	vst v16;
	v16 =	vimm.s32 $0x0  }
0x3ac: {  	v16 =	vsel vm0, $0xFFFFFFFF, v16  }
0x3ad: {  	[tilespmem:$0x1F9F0] =	vst v16;
	v16 =	vld [tilespmem:$0x1F970];
	_ =	sdelay $0x3  }
0x3ae: {  	[tilespmem:$0x1F980] =	vst v26  }
0x3af: {  	vm15 =	vmor vm14, vm1;
	vm14 =	vnez.u8 v16;
	v16 =	vld [tilespmem:$0x1F980];
	_ =	sdelay $0x3  }
0x3b0: {  	[tilespmem:$0x1F990] =	vst v20;
	vm5 =	vgt.f32 v1, v27  }
0x3b1: {  	vm14 =	vmor vm5, vm14;
	vm5 =	vnez.u8 v16;
	v16 =	vld [tilespmem:$0x1F990];
	_ =	sdelay $0x3  }
0x3b2: {  	vm6 =	vgt.f32 v2, v28;
	[tilespmem:$0x1F9A0] =	vst v29  }
0x3b3: {  	vm13 =	vmor vm6, vm13;
	vm6 =	vnez.u8 v16;
	v16 =	vld [tilespmem:$0x1F9A0];
	_ =	sdelay $0x3  }
0x3b4: {  	vm10 =	vgt.f32 v8, v49  }
0x3b5: {  	vm5 =	vmor vm9, vm5;
	vm9 =	vmor vm10, vm6;
	vm6 =	vnez.u8 v16;
	v16 =	vld [tilespmem:$0x1F9B0];
	_ =	sdelay $0x3  }
0x3b6: {  	vm7 =	vgt.f32 v4, v47;
	[tilespmem:$0x1F9C0] =	vst v30  }
0x3b7: {  	vm12 =	vmor vm7, vm12;
	vm7 =	vnez.u8 v16;
	v16 =	vld [tilespmem:$0x1F9C0];
	_ =	sdelay $0x4  }
0x3b8: {  	vm6 =	vmor vm7, vm6;
	vm7 =	vnez.u8 v16;
	v16 =	vld [tilespmem:$0x1F9D0];
	_ =	sdelay $0x3  }
0x3b9: {  	vm8 =	vgt.f32 v5, v48  }
0x3ba: {  	vm11 =	vmor vm8, vm11;
	vm8 =	vnez.u8 v16;
	v16 =	vld [tilespmem:$0x1F9E0];
	_ =	sdelay $0x4  }
0x3bb: {  	vm7 =	vmor vm8, vm7;
	vm8 =	vnez.u8 v16;
	v16 =	vld [tilespmem:$0x1F9F0]  }
0x3bc: {  	p1 =	sne.s32 s26, $0xF000  }
.Ltmp11:
0x3bd: {  	_ = 	snop;
	(pc) =	sbr.rel @p1 .LBB2_20-.Ltmp11, $4  }
0x3be: {  	_ = 	snop  }
0x3bf: {  	[tilespmem:s24+$0xC2E0] =	vst v46;
	vm3 =	vgt.f32 v12, v54  }
0x3c0: {  	vm4 =	vgt.f32 v13, v56;
	vm1 =	vgt.f32 v14, v57;
	[tilespmem:$0x1FA30] =	vst v31;
	vm10 =	vnez.u8 v16  }
0x3c1: {  	s24 =	smov.u32 s25;
	s25 =	sshra.s32 s26, $0x2;
	s26 =	sadd.s32 $0x1000, s26;
	vm2 =	vgt.f32 v15, v58;
	[tilespmem:$0x1FA60] =	vst v25;
	vm0 =	vgt.f32 v11, v17;
	vm8 =	vmor vm10, vm8  }
0x3c2: {  	v16 =	vld [tilespmem:s25+$0x42F0]  }
0x3c3: {  	v17 =	vld [tilespmem:s25+$0x4080];
	v3 =	vnsel vm15, $0x0, v3  }
0x3c4: {  	v18 =	vld [tilespmem:s25+$0x4090];
	v1 =	vnsel vm14, $0x0, v1;
	[tilespmem:s24+$0xC080] =	vst v3  }
0x3c5: {  	v3 =	vld [tilespmem:s25+$0x40A0];
	[tilespmem:s24+$0xC090] =	vst v1;
	v1 =	vnsel vm13, $0x0, v2  }
0x3c6: {  	v2 =	vld [tilespmem:s25+$0x40B0];
	[tilespmem:s24+$0xC0A0] =	vst v1;
	v1 =	vnsel vm12, $0x0, v4  }
0x3c7: {  	v4 =	vld [tilespmem:s25+$0x40C0];
	[tilespmem:s24+$0xC0B0] =	vst v1;
	v1 =	vnsel vm11, $0x0, v5  }
0x3c8: {  	v5 =	vld [tilespmem:s25+$0x40D0];
	[tilespmem:s24+$0xC0C0] =	vst v1  }
0x3c9: {  	v1 =	vnsel vm5, $0x0, v6;
	v6 =	vld [tilespmem:s25+$0x40E0]  }
0x3ca: {  	[tilespmem:s24+$0xC0D0] =	vst v1;
	v1 =	vld [tilespmem:$0x1FA10];
	_ =	sdelay $0x2  }
0x3cb: {  	v19 =	vld [tilespmem:$0x1FA20]  }
0x3cc: {  	v60 =	vld [tilespmem:$0x1FA30]  }
0x3cd: {  	vm5 =	vnez.u8 v1;
	v1 =	vnsel vm9, $0x0, v8;
	v8 =	vld [tilespmem:s25+$0x40F0]  }
0x3ce: {  	[tilespmem:s24+$0xC0E0] =	vst v1;
	v1 =	vld [tilespmem:$0x1FA50];
	_ =	sdelay $0x2  }
0x3cf: {  	vm0 =	vmor vm0, vm5;
	vm5 =	vnez.u8 v19  }
0x3d0: {  	vm3 =	vmor vm3, vm5;
	vm5 =	vnez.u8 v60  }
0x3d1: {  	vm4 =	vmor vm4, vm5;
	vm5 =	vnez.u8 v1;
	v1 =	vld [tilespmem:$0x1FA60];
	_ =	sdelay $0x4  }
0x3d2: {  	vm1 =	vmor vm1, vm5;
	vm5 =	vnez.u8 v1;
	v1 =	vnsel vm6, $0x0, v7;
	v7 =	vld [tilespmem:s25+$0x4280]  }
0x3d3: {  	[tilespmem:s24+$0xC0F0] =	vst v1;
	v1 =	vnsel vm0, $0x0, v11;
	v11 =	vld [tilespmem:$0x1FFF0];
	_ =	sdelay $0x2  }
0x3d4: {  	v61 =	vperm.xlane v16, v0  }
0x3d5: {  	v9 =	vnsel vm7, $0x0, v9  }
0x3d6: {  	vm2 =	vmor vm2, vm5;
	vm5 =	veq.f32 v16, v61;
	vm9 =	vnez.u8 v11  }
0x3d7: {  	v62 =	vperm.xlane v17, v0;
	vm0 =	vgt.f32 v16, v61;
	vm5 =	vmand vm5, vm9  }
0x3d8: {  	v10 =	vnsel vm8, $0x0, v10;
	v22 =	vperm.xlane v2, v0;
	vm0 =	vmor vm0, vm5  }
0x3d9: {  	v21 =	vperm.xlane v3, v0;
	vm15 =	vgt.f32 v17, v62;
	v11 =	vld [tilespmem:s25+$0x4290];
	[tilespmem:s24+$0xC280] =	vst v9;
	v16 =	vnsel vm0, $0x0, v16  }
0x3da: {  	v25 =	vperm.xlane v6, v0;
	v12 =	vnsel vm3, $0x0, v12;
	vm3 =	veq.f32 v2, v22;
	v20 =	vld [tilespmem:s25+$0x42A0];
	[tilespmem:s25+$0xC2F0] =	vst v16  }
0x3db: {  	v26 =	vperm.xlane v8, v0;
	v14 =	vnsel vm1, $0x0, v14;
	v15 =	vnsel vm2, $0x0, v15;
	v23 =	vld [tilespmem:s25+$0x42B0];
	[tilespmem:s24+$0xC290] =	vst v10  }
0x3dc: {  	vm2 =	veq.f32 v3, v21;
	v9 =	vnsel vm4, $0x0, v13;
	v13 =	vperm.xlane v18, v0;
	v24 =	vld [tilespmem:s25+$0x42C0]  }
0x3dd: {  	vm10 =	vmand vm2, vm9;
	vm2 =	veq.f32 v6, v25;
	vm12 =	vmand vm3, vm9  }
0x3de: {  	vm3 =	veq.f32 v8, v26;
	vm1 =	veq.f32 v18, v13;
	vm8 =	vmand vm2, vm9  }
0x3df: {  	vm7 =	vmand vm3, vm9;
	vm0 =	veq.f32 v17, v62;
	v16 =	vperm.xlane v4, v0  }
0x3e0: {  	vm5 =	vmand vm1, vm9;
	vm0 =	vmand vm0, vm9;
	v10 =	vperm.xlane v5, v0  }
0x3e1: {  	vm4 =	veq.f32 v4, v16;
	[tilespmem:s24+$0xC2A0] =	vst v1;
	v1 =	vperm.xlane v7, v0;
	v31 =	vperm.xlane v24, v0  }
0x3e2: {  	v30 =	vperm.xlane v23, v0;
	vm1 =	veq.f32 v5, v10;
	v27 =	vld [tilespmem:s25+$0x42D0];
	[tilespmem:s24+$0xC2B0] =	vst v12;
	v12 =	vperm.xlane v11, v0  }
0x3e3: {  	vm13 =	vmand vm4, vm9;
	vm11 =	vmand vm1, vm9;
	vm14 =	veq.f32 v24, v31  }
0x3e4: {  	v28 =	vld [tilespmem:s25+$0x42E0];
	[tilespmem:s24+$0xC2C0] =	vst v9;
	v9 =	vimm.s32 $0x0;
	vm1 =	veq.f32 v11, v12;
	vm14 =	vmand vm14, vm9  }
0x3e5: {  	[tilespmem:s24+$0xC2D0] =	vst v14;
	v9 =	vsel vm14, $0xFFFFFFFF, v9;
	vm14 =	vmor vm15, vm0;
	vm15 =	vgt.f32 v18, v13  }
0x3e6: {  	vm4 =	veq.f32 v7, v1;
	[tilespmem:s24+$0xC2E0] =	vst v15;
	vm6 =	vmand vm1, vm9;
	vm5 =	vmor vm15, vm5  }
0x3e7: {  	[tilespmem:$0x1F960] =	vst v9;
	vm15 =	vgt.f32 v3, v21;
	v9 =	vnsel vm14, $0x0, v17;
	vm14 =	vgt.f32 v2, v22  }
0x3e8: {  	vm10 =	vmor vm15, vm10;
	[tilespmem:s25+$0xC080] =	vst v9;
	v9 =	vnsel vm5, $0x0, v18;
	vm5 =	vgt.f32 v4, v16  }
0x3e9: {  	vm12 =	vmor vm14, vm12;
	v3 =	vnsel vm10, $0x0, v3;
	vm10 =	vgt.f32 v5, v10  }
0x3ea: {  	vm5 =	vmor vm5, vm13;
	v2 =	vnsel vm12, $0x0, v2;
	vm12 =	vgt.f32 v6, v25  }
0x3eb: {  	[tilespmem:s25+$0xC0A0] =	vst v3;
	vm10 =	vmor vm10, vm11;
	v3 =	vnsel vm5, $0x0, v4;
	vm5 =	vgt.f32 v8, v26  }
0x3ec: {  	[tilespmem:s25+$0xC0B0] =	vst v2;
	vm8 =	vmor vm12, vm8;
	v2 =	vnsel vm10, $0x0, v5;
	vm10 =	vgt.f32 v7, v1  }
0x3ed: {  	vm7 =	vmor vm5, vm7;
	v1 =	vnsel vm8, $0x0, v6;
	vm8 =	vgt.f32 v11, v12  }
0x3ee: {  	v29 =	vperm.xlane v20, v0;
	[tilespmem:s25+$0xC0D0] =	vst v2;
	v2 =	vnsel vm7, $0x0, v8;
	vm6 =	vmor vm8, vm6  }
0x3ef: {  	vm3 =	veq.f32 v23, v30;
	v32 =	vperm.xlane v27, v0;
	[tilespmem:s25+$0xC0F0] =	vst v2;
	v2 =	vnsel vm6, $0x0, v11  }
0x3f0: {  	vm2 =	veq.f32 v20, v29;
	vm4 =	vmand vm4, vm9;
	vm3 =	vmand vm3, vm9;
	[tilespmem:s25+$0xC290] =	vst v2;
	v2 =	vld [tilespmem:$0x1F960]  }
0x3f1: {  	vm1 =	vmand vm2, vm9;
	v63 =	vperm.xlane v28, v0;
	vm2 =	veq.f32 v27, v32  }
0x3f2: {  	vm2 =	vmand vm2, vm9;
	[tilespmem:s25+$0xC090] =	vst v9;
	vm5 =	vmor vm10, vm4;
	vm7 =	vgt.f32 v20, v29  }
0x3f3: {  	[tilespmem:s25+$0xC0E0] =	vst v1;
	v1 =	vnsel vm5, $0x0, v7;
	vm5 =	vgt.f32 v23, v30;
	vm4 =	vmor vm7, vm1  }
0x3f4: {  	[tilespmem:s25+$0xC280] =	vst v1;
	vm3 =	vmor vm5, vm3;
	v1 =	vnsel vm4, $0x0, v20;
	vm4 =	vgt.f32 v27, v32  }
0x3f5: {  	p2 =	por $0x1, $0x1;
	[tilespmem:s25+$0xC0C0] =	vst v3;
	vm2 =	vmor vm4, vm2;
	vm1 =	vnez.u8 v2;
	v2 =	vnsel vm3, $0x0, v23  }
.Ltmp12:
0x3f6: {  	vm0 =	veq.f32 v28, v63;
	vm6 =	vgt.f32 v24, v31;
	[tilespmem:s25+$0xC2B0] =	vst v2;
	v2 =	vnsel vm2, $0x0, v27;
	(pc) =	sbr.rel @!p2 .LBB2_26-.Ltmp12, $4  }
0x3f7: {  	vm0 =	vmand vm0, vm9;
	[tilespmem:s25+$0xC2A0] =	vst v1;
	vm3 =	vgt.f32 v28, v63;
	vm1 =	vmor vm6, vm1  }
0x3f8: {  	vm0 =	vmor vm3, vm0;
	v1 =	vnsel vm1, $0x0, v24;
	[tilespmem:s25+$0xC2D0] =	vst v2  }
0x3f9: {  	p1 =	por $0x0, $0x0;
	[tilespmem:s25+$0xC2C0] =	vst v1;
	v1 =	vnsel vm0, $0x0, v28  }
0x3fa: {  	p3 =	por $0x0, $0x0;
	s24 =	simm.s32 $0x0;
	[tilespmem:s25+$0xC2E0] =	vst v1;
	s25 =	simm.s32 $0x0  }
0x3fb: {  	v11 =	vld [tilespmem:s24+$0x4370]  }
0x3fc: {  	v1 =	vld [tilespmem:s24+$0x4100]  }
0x3fd: {  	v2 =	vld [tilespmem:s24+$0x4110]  }
0x3fe: {  	v3 =	vld [tilespmem:s24+$0x4120]  }
0x3ff: {  	v5 =	vld [tilespmem:s24+$0x4130]  }
0x400: {  	v4 =	vld [tilespmem:s24+$0x4140]  }
0x401: {  	v6 =	vld [tilespmem:s24+$0x4150]  }
0x402: {  	v7 =	vld [tilespmem:s24+$0x4160]  }
0x403: {  	v8 =	vld [tilespmem:s24+$0x4170]  }
0x404: {  	v10 =	vld [tilespmem:s24+$0x4310]  }
0x405: {  	v13 =	vld [tilespmem:s24+$0x4340]  }
0x406: {  	v14 =	vld [tilespmem:s24+$0x4350];
	v9 =	vperm.xlane v11, v0;
	v16 =	vperm.xlane v1, v0  }
0x407: {  	v55 =	vimm.s32 $0x0;
	v17 =	vperm.xlane v2, v0;
	v18 =	vperm.xlane v3, v0  }
0x408: {  	v57 =	vimm.s32 $0x0;
	v19 =	vperm.xlane v5, v0;
	v20 =	vperm.xlane v4, v0  }
0x409: {  	v60 =	vimm.s32 $0x0;
	v21 =	vperm.xlane v6, v0;
	v22 =	vperm.xlane v7, v0  }
0x40a: {  	v62 =	vimm.s32 $0x0;
	v23 =	vperm.xlane v8, v0;
	v25 =	vperm.xlane v10, v0  }
0x40b: {  	v63 =	vimm.s32 $0x0;
	v28 =	vperm.xlane v13, v0;
	v56 =	vperm.xlane v14, v0  }
0x40c: {  	v29 =	vld [tilespmem:$0x1FFF0];
	vm0 =	veq.f32 v11, v9;
	vm1 =	vgt.f32 v11, v9;
	vm2 =	veq.f32 v1, v16  }
0x40d: {  	v9 =	vld [tilespmem:s24+$0x4300];
	vm3 =	veq.f32 v3, v18;
	vm4 =	veq.f32 v5, v19;
	vm5 =	veq.f32 v4, v20  }
0x40e: {  	v30 =	vld [tilespmem:$0x1FFF0];
	vm6 =	veq.f32 v6, v21;
	vm7 =	veq.f32 v8, v23;
	vm0 =	vmand vm0, vm9  }
0x40f: {  	v31 =	vld [tilespmem:$0x1FFF0];
	vm10 =	vmand vm2, vm9;
	vm2 =	vmand vm3, vm9;
	vm0 =	vmor vm1, vm0  }
0x410: {  	vm3 =	veq.f32 v7, v22;
	vm4 =	vmand vm4, vm9;
	v12 =	vnsel vm0, $0x0, v11;
	v11 =	vld [tilespmem:s24+$0x4320]  }
0x411: {  	vm13 =	vmand vm5, vm9;
	vm11 =	vmand vm6, vm9;
	vm6 =	veq.f32 v10, v25;
	[tilespmem:s24+$0xC370] =	vst v12;
	v12 =	vld [tilespmem:s24+$0x4330]  }
0x412: {  	v59 =	vld [tilespmem:$0x1FFF0];
	vm1 =	veq.f32 v2, v17;
	vm0 =	vnez.u8 v29;
	v24 =	vperm.xlane v9, v0  }
0x413: {  	v61 =	vld [tilespmem:$0x1FFF0];
	vm3 =	vmand vm3, vm9;
	vm14 =	vmand vm1, vm9;
	vm0 =	vmand vm7, vm0  }
0x414: {  	v29 =	vsel vm0, $0xFFFFFFFF, v55;
	vm0 =	vnez.u8 v30;
	vm8 =	veq.f32 v9, v24  }
0x415: {  	v26 =	vperm.xlane v11, v0;
	vm0 =	vmand vm8, vm0;
	vm8 =	veq.f32 v13, v28  }
0x416: {  	v27 =	vperm.xlane v12, v0;
	v30 =	vsel vm0, $0xFFFFFFFF, v57;
	vm0 =	vnez.u8 v31  }
0x417: {  	vm9 =	veq.f32 v11, v26;
	vm5 =	vmand vm6, vm0;
	vm0 =	vnez.u8 v59  }
0x418: {  	vm7 =	veq.f32 v12, v27;
	vm0 =	vmand vm9, vm0;
	vm9 =	vnez.u8 v61  }
0x419: {  	vm6 =	vgt.f32 v1, v16;
	v31 =	vsel vm0, $0xFFFFFFFF, v60;
	vm0 =	vmand vm7, vm9  }
0x41a: {  	[tilespmem:$0x1F8E0] =	vst v31;
	v31 =	vsel vm0, $0xFFFFFFFF, v62;
	vm0 =	vmand vm8, vm9;
	vm8 =	vgt.f32 v2, v17  }
0x41b: {  	v16 =	vimm.s32 $0x0;
	[tilespmem:$0x1F8F0] =	vst v31;
	v31 =	vsel vm0, $0xFFFFFFFF, v63;
	vm0 =	vmor vm8, vm14  }
0x41c: {  	v15 =	vld [tilespmem:s24+$0x4360];
	vm1 =	veq.f32 v14, v56;
	v16 =	vsel vm0, $0xFFFFFFFF, v16;
	vm0 =	vgt.f32 v4, v20  }
0x41d: {  	[tilespmem:$0x1F910] =	vst v16;
	vm13 =	vmor vm0, vm13;
	vm0 =	vmand vm1, vm9;
	v16 =	vimm.s32 $0x0  }
0x41e: {  	[tilespmem:$0x1F930] =	vst v29;
	v16 =	vsel vm0, $0xFFFFFFFF, v16  }
0x41f: {  	[tilespmem:$0x1F920] =	vst v16;
	v16 =	vld [tilespmem:$0x1F930];
	_ =	sdelay $0x1  }
0x420: {  	v58 =	vperm.xlane v15, v0;
	vm8 =	vgt.f32 v5, v19  }
0x421: {  	vm12 =	vmor vm8, vm4;
	vm4 =	vgt.f32 v6, v21  }
0x422: {  	vm7 =	vmor vm4, vm11;
	vm4 =	veq.f32 v15, v58  }
0x423: {  	vm1 =	vmand vm4, vm9;
	vm0 =	vnez.u8 v16;
	v16 =	vimm.s32 $0x0  }
0x424: {  	[tilespmem:$0x1F950] =	vst v30;
	v16 =	vsel vm1, $0xFFFFFFFF, v16  }
0x425: {  	[tilespmem:$0x1F940] =	vst v16;
	v16 =	vld [tilespmem:$0x1F950];
	_ =	sdelay $0x1  }
0x426: {  	p4 =	por $0x1, $0x1;
	vm15 =	vmor vm6, vm10;
	vm6 =	vgt.f32 v3, v18  }
.Ltmp13:
0x427: {  	vm10 =	vgt.f32 v15, v58;
	vm2 =	vmor vm6, vm2;
	vm6 =	vgt.f32 v7, v22;
	(pc) =	sbr.rel @!p4 .LBB2_23-.Ltmp13, $4  }
0x428: {  	vm6 =	vmor vm6, vm3;
	vm3 =	vgt.f32 v8, v23;
	vm11 =	vgt.f32 v14, v56  }
0x429: {  	vm8 =	vmor vm3, vm0;
	vm0 =	vgt.f32 v9, v24;
	vm1 =	vnez.u8 v16  }
0x42a: {  	s25 =	simm.s32 $0x400;
	vm14 =	vmor vm0, vm1;
	vm0 =	vgt.f32 v10, v25;
	vm1 =	vgt.f32 v12, v27  }
0x42b: {  	s28 =	simm.s32 $0x2000;
	p3 =	por $0x1, $0x1;
	s26 =	simm.s32 $0x0;
	[tilespmem:$0x1F900] =	vst v31;
	vm4 =	vmor vm0, vm5;
	vm0 =	vgt.f32 v11, v26;
	vm5 =	vgt.f32 v13, v28  }
.LBB2_24:
0x42c: {  	v17 =	vld [tilespmem:$0x1F8E0];
	_ =	sdelay $0x4  }
0x42d: {  	vm3 =	vnez.u8 v17;
	v17 =	vld [tilespmem:$0x1F8F0];
	_ =	sdelay $0x4  }
0x42e: {  	vm3 =	vmor vm0, vm3;
	vm0 =	vnez.u8 v17;
	v17 =	vld [tilespmem:$0x1F900];
	_ =	sdelay $0x4  }
0x42f: {  	vm0 =	vmor vm1, vm0;
	vm1 =	vnez.u8 v17  }
0x430: {  	v16 =	vld [tilespmem:s25+$0x4370];
	v17 =	vimm.s32 $0x0;
	vm1 =	vmor vm5, vm1  }
0x431: {  	v42 =	vld [tilespmem:$0x1F940];
	v17 =	vsel vm1, $0xFFFFFFFF, v17  }
0x432: {  	[tilespmem:$0x1F800] =	vst v17;
	v17 =	vnsel vm15, $0x0, v1;
	v1 =	vld [tilespmem:s25+$0x4100]  }
0x433: {  	v43 =	vnsel vm2, $0x0, v3;
	v19 =	vnsel vm12, $0x0, v5;
	v20 =	vnsel vm7, $0x0, v6;
	[tilespmem:s26+$0xC100] =	vst v17;
	v17 =	vld [tilespmem:$0x1F910]  }
0x434: {  	v21 =	vnsel vm6, $0x0, v7;
	v44 =	vnsel vm8, $0x0, v8;
	v22 =	vnsel vm14, $0x0, v9  }
0x435: {  	v18 =	vld [tilespmem:$0x1F920];
	v23 =	vnsel vm4, $0x0, v10;
	v55 =	vimm.s32 $0x0;
	v29 =	vimm.s32 $0x0  }
0x436: {  	v30 =	vimm.s32 $0x0;
	v31 =	vimm.s32 $0x0;
	v59 =	vimm.s32 $0x0  }
0x437: {  	v60 =	vimm.s32 $0x0;
	v61 =	vimm.s32 $0x0;
	vm5 =	vnez.u8 v42  }
0x438: {  	v62 =	vimm.s32 $0x0;
	vm5 =	vmor vm10, vm5;
	v7 =	vld [tilespmem:$0x1F800];
	vm10 =	vnez.u8 v17  }
0x439: {  	v63 =	vimm.s32 $0x0;
	v9 =	vperm.xlane v16, v0;
	v3 =	vld [tilespmem:s25+$0x4120];
	v17 =	vnsel vm10, $0x0, v2  }
0x43a: {  	v45 =	vnsel vm3, $0x0, v11;
	v24 =	vnsel vm0, $0x0, v12;
	vm1 =	vnez.u8 v18;
	v2 =	vld [tilespmem:s25+$0x4110];
	[tilespmem:s26+$0xC110] =	vst v17  }
0x43b: {  	vm1 =	vmor vm11, vm1;
	v46 =	vnsel vm5, $0x0, v15;
	v15 =	vimm.s32 $0x0;
	v5 =	vld [tilespmem:s25+$0x4130];
	[tilespmem:s26+$0xC120] =	vst v43  }
0x43c: {  	v26 =	vnsel vm1, $0x0, v14;
	vm1 =	veq.f32 v16, v9;
	v17 =	vnsel vm13, $0x0, v4;
	v4 =	vld [tilespmem:s25+$0x4140];
	[tilespmem:s26+$0xC130] =	vst v19  }
0x43d: {  	vm1 =	vmand vm1, vm9;
	v25 =	vperm.xlane v1, v0;
	vm0 =	vnez.u8 v7;
	v6 =	vld [tilespmem:s25+$0x4150];
	[tilespmem:s26+$0xC140] =	vst v17  }
0x43e: {  	v28 =	vperm.xlane v3, v0;
	v17 =	vnsel vm0, $0x0, v13;
	vm0 =	vgt.f32 v16, v9;
	v7 =	vld [tilespmem:s25+$0x4160];
	[tilespmem:s26+$0xC150] =	vst v20  }
0x43f: {  	vm2 =	veq.f32 v1, v25;
	v27 =	vperm.xlane v2, v0;
	vm0 =	vmor vm0, vm1;
	v8 =	vld [tilespmem:s25+$0x4170];
	[tilespmem:s26+$0xC160] =	vst v21  }
0x440: {  	vm15 =	vgt.f32 v1, v25;
	v12 =	vnsel vm0, $0x0, v16;
	vm0 =	veq.f32 v3, v28;
	v9 =	vld [tilespmem:s25+$0x4300];
	[tilespmem:s26+$0xC170] =	vst v44  }
0x441: {  	v47 =	vperm.xlane v5, v0;
	vm3 =	veq.f32 v2, v27;
	v48 =	vperm.xlane v4, v0;
	v10 =	vld [tilespmem:s25+$0x4310];
	[tilespmem:s26+$0xC300] =	vst v22  }
0x442: {  	vm10 =	vmand vm2, vm9;
	vm14 =	vmand vm0, vm9;
	vm13 =	vmand vm3, vm9;
	v11 =	vld [tilespmem:s25+$0x4320];
	[tilespmem:s25+$0xC370] =	vst v12  }
0x443: {  	vm4 =	veq.f32 v5, v47;
	v16 =	vperm.xlane v6, v0;
	v12 =	vld [tilespmem:s25+$0x4330];
	vm2 =	veq.f32 v4, v48;
	[tilespmem:s26+$0xC310] =	vst v23  }
0x444: {  	v49 =	vperm.xlane v7, v0;
	vm1 =	vmand vm4, vm9;
	v50 =	vperm.xlane v8, v0;
	v13 =	vld [tilespmem:s25+$0x4340];
	[tilespmem:s26+$0xC320] =	vst v45  }
0x445: {  	vm3 =	veq.f32 v6, v16;
	v15 =	vsel vm1, $0xFFFFFFFF, v15;
	vm1 =	vmand vm2, vm9;
	v14 =	vld [tilespmem:s25+$0x4350];
	[tilespmem:s26+$0xC330] =	vst v24  }
0x446: {  	vm0 =	veq.f32 v7, v49;
	v51 =	vperm.xlane v9, v0;
	[tilespmem:$0x1F810] =	vst v15;
	vm4 =	veq.f32 v8, v50  }
0x447: {  	v52 =	vperm.xlane v10, v0;
	v15 =	vld [tilespmem:s25+$0x4360];
	[tilespmem:s26+$0xC340] =	vst v17;
	v17 =	vimm.s32 $0x0;
	vm0 =	vmand vm0, vm9  }
0x448: {  	v17 =	vsel vm1, $0xFFFFFFFF, v17;
	vm2 =	veq.f32 v9, v51;
	v54 =	vperm.xlane v12, v0  }
0x449: {  	v20 =	vsel vm0, $0xFFFFFFFF, v55;
	vm0 =	vmand vm4, vm9;
	[tilespmem:$0x1F820] =	vst v17;
	v17 =	vperm.xlane v11, v0  }
0x44a: {  	vm5 =	veq.f32 v10, v52;
	v29 =	vsel vm0, $0xFFFFFFFF, v29;
	vm0 =	vmand vm2, vm9  }
0x44b: {  	v56 =	vperm.xlane v13, v0;
	vm12 =	veq.f32 v12, v54;
	v30 =	vsel vm0, $0xFFFFFFFF, v30  }
0x44c: {  	vm0 =	vmand vm5, vm9;
	vm7 =	veq.f32 v11, v17;
	v57 =	vperm.xlane v14, v0  }
0x44d: {  	v31 =	vsel vm0, $0xFFFFFFFF, v31;
	vm2 =	veq.f32 v13, v56;
	vm0 =	vmand vm7, vm9  }
0x44e: {  	v58 =	vperm.xlane v15, v0;
	[tilespmem:$0x1F890] =	vst v31;
	v31 =	vsel vm0, $0xFFFFFFFF, v59;
	vm0 =	vmand vm12, vm9  }
0x44f: {  	vm7 =	veq.f32 v14, v57;
	[tilespmem:$0x1F8E0] =	vst v31;
	v31 =	vsel vm0, $0xFFFFFFFF, v60;
	vm0 =	vmand vm2, vm9  }
0x450: {  	vm2 =	veq.f32 v15, v58;
	[tilespmem:$0x1F8F0] =	vst v31;
	v31 =	vsel vm0, $0xFFFFFFFF, v61;
	vm0 =	vmand vm7, vm9  }
0x451: {  	vm8 =	vgt.f32 v6, v16;
	v25 =	vsel vm0, $0xFFFFFFFF, v62;
	vm0 =	vmand vm2, vm9  }
0x452: {  	v16 =	vimm.s32 $0x0;
	[tilespmem:$0x1F920] =	vst v25;
	v25 =	vsel vm0, $0xFFFFFFFF, v63;
	vm0 =	vgt.f32 v8, v50  }
0x453: {  	v16 =	vsel vm0, $0xFFFFFFFF, v16  }
0x454: {  	vm0 =	vgt.f32 v9, v51;
	[tilespmem:$0x1F860] =	vst v16;
	v16 =	vimm.s32 $0x0  }
0x455: {  	vm2 =	vgt.f32 v2, v27;
	v16 =	vsel vm0, $0xFFFFFFFF, v16  }
0x456: {  	vm2 =	vmor vm2, vm13;
	[tilespmem:$0x1F880] =	vst v16;
	v16 =	vimm.s32 $0x0  }
0x457: {  	v16 =	vsel vm2, $0xFFFFFFFF, v16  }
0x458: {  	[tilespmem:$0x1F910] =	vst v16;
	v16 =	vld [tilespmem:$0x1F810];
	_ =	sdelay $0x4  }
0x459: {  	vm4 =	vnez.u8 v16;
	v16 =	vld [tilespmem:$0x1F820];
	_ =	sdelay $0x1  }
0x45a: {  	v53 =	vimm.s32 $0x0;
	vm1 =	vmand vm3, vm9  }
0x45b: {  	[tilespmem:s26+$0xC350] =	vst v26;
	v26 =	vsel vm1, $0xFFFFFFFF, v53  }
0x45c: {  	[tilespmem:$0x1F830] =	vst v26;
	vm12 =	vgt.f32 v5, v47  }
0x45d: {  	vm12 =	vmor vm12, vm4;
	vm4 =	vnez.u8 v16;
	v16 =	vld [tilespmem:$0x1F830];
	_ =	sdelay $0x3  }
0x45e: {  	vm6 =	vgt.f32 v4, v48;
	[tilespmem:$0x1F840] =	vst v20  }
0x45f: {  	vm13 =	vmor vm6, vm4;
	vm4 =	vnez.u8 v16;
	v16 =	vld [tilespmem:$0x1F840];
	_ =	sdelay $0x3  }
0x460: {  	vm7 =	vgt.f32 v3, v28  }
0x461: {  	vm2 =	vmor vm7, vm14;
	vm7 =	vmor vm8, vm4;
	vm4 =	vnez.u8 v16;
	v16 =	vld [tilespmem:$0x1FFF0];
	_ =	sdelay $0x3  }
0x462: {  	[tilespmem:$0x1F850] =	vst v29;
	vm9 =	vgt.f32 v7, v49  }
0x463: {  	vm6 =	vmor vm9, vm4;
	vm9 =	vnez.u8 v16;
	v16 =	vld [tilespmem:$0x1F850];
	_ =	sdelay $0x4  }
0x464: {  	vm4 =	vnez.u8 v16;
	v16 =	vld [tilespmem:$0x1F860];
	_ =	sdelay $0x3  }
0x465: {  	[tilespmem:$0x1F870] =	vst v30  }
0x466: {  	vm8 =	vnez.u8 v16;
	v16 =	vld [tilespmem:$0x1F870];
	_ =	sdelay $0x4  }
0x467: {  	vm8 =	vmor vm8, vm4;
	vm4 =	vnez.u8 v16;
	v16 =	vld [tilespmem:$0x1F880];
	_ =	sdelay $0x4  }
0x468: {  	vm14 =	vnez.u8 v16;
	v16 =	vld [tilespmem:$0x1F890]  }
0x469: {  	p4 =	sne.s32 s28, $0xF000  }
.Ltmp14:
0x46a: {  	_ = 	snop;
	(pc) =	sbr.rel @p4 .LBB2_24-.Ltmp14, $4  }
0x46b: {  	vm15 =	vmor vm15, vm10  }
0x46c: {  	[tilespmem:s26+$0xC360] =	vst v46;
	vm3 =	vgt.f32 v10, v52;
	vm1 =	vgt.f32 v12, v54;
	vm5 =	vgt.f32 v13, v56  }
0x46d: {  	vm11 =	vgt.f32 v14, v57;
	[tilespmem:$0x1F900] =	vst v31;
	vm14 =	vmor vm14, vm4;
	vm4 =	vnez.u8 v16  }
0x46e: {  	s26 =	smov.u32 s25;
	s25 =	sshra.s32 s28, $0x2;
	s28 =	sadd.s32 $0x1000, s28;
	vm10 =	vgt.f32 v15, v58;
	[tilespmem:$0x1F940] =	vst v25;
	vm0 =	vgt.f32 v11, v17;
	vm4 =	vmor vm3, vm4  }
0x46f: {  	v16 =	vimm.s32 $0x0  }
0x470: {  	v16 =	vsel vm4, $0xFFFFFFFF, v16  }
0x471: {  	[tilespmem:$0x1F8A0] =	vst v16;
	v16 =	vimm.s32 $0x0  }
0x472: {  	v16 =	vsel vm5, $0xFFFFFFFF, v16  }
0x473: {  	[tilespmem:$0x1F8B0] =	vst v16;
	v16 =	vimm.s32 $0x0  }
0x474: {  	v16 =	vsel vm7, $0xFFFFFFFF, v16  }
0x475: {  	[tilespmem:$0x1F8C0] =	vst v16;
	v16 =	vld [tilespmem:$0x1F8E0];
	_ =	sdelay $0x4  }
0x476: {  	vm5 =	vnez.u8 v16;
	v16 =	vld [tilespmem:$0x1F8F0];
	_ =	sdelay $0x4  }
0x477: {  	vm3 =	vnez.u8 v16;
	v16 =	vld [tilespmem:$0x1F900];
	_ =	sdelay $0x4  }
0x478: {  	vm7 =	vnez.u8 v16;
	v16 =	vld [tilespmem:$0x1F910];
	_ =	sdelay $0x4  }
0x479: {  	vm4 =	vnez.u8 v16;
	v16 =	vimm.s32 $0x0  }
0x47a: {  	v16 =	vsel vm11, $0xFFFFFFFF, v16  }
0x47b: {  	vm11 =	vmmov vm14;
	vm14 =	vmmov vm5;
	vm5 =	vmmov vm3;
	[tilespmem:$0x1F8D0] =	vst v16  }
.LBB2_26:
0x47c: {  	v16 =	vld [tilespmem:s25+$0x4370]  }
0x47d: {  	v17 =	vld [tilespmem:s25+$0x4100]  }
0x47e: {  	v18 =	vld [tilespmem:s25+$0x4110]  }
0x47f: {  	v19 =	vld [tilespmem:$0x1F8B0]  }
0x480: {  	v42 =	vld [tilespmem:$0x1F8D0]  }
0x481: {  	v1 =	vnsel @p3 vm15, $0x0, v1;
	v43 =	vld [tilespmem:$0x1F8C0]  }
0x482: {  	vm0 =	vmor @p3 vm0, vm14;
	v41 =	vld [tilespmem:$0x1F920];
	[tilespmem:s26+$0xC100] =	vst @p3 v1;
	v1 =	vnsel @p3 vm4, $0x0, v2  }
0x483: {  	v7 =	vnsel @p3 vm6, $0x0, v7;
	v8 =	vnsel @p3 vm8, $0x0, v8;
	v2 =	vld [tilespmem:s25+$0x4120];
	[tilespmem:s26+$0xC110] =	vst @p3 v1;
	v1 =	vnsel @p3 vm2, $0x0, v3  }
0x484: {  	v9 =	vnsel @p3 vm11, $0x0, v9;
	vm14 =	vmmov vm9;
	vm4 =	vmor @p3 vm1, vm5;
	v3 =	vld [tilespmem:s25+$0x4130];
	[tilespmem:s26+$0xC120] =	vst @p3 v1  }
0x485: {  	v11 =	vnsel @p3 vm0, $0x0, v11;
	v12 =	vnsel @p3 vm4, $0x0, v12;
	v1 =	vnsel @p3 vm12, $0x0, v5;
	v40 =	vld [tilespmem:s25+$0x4140]  }
0x486: {  	[tilespmem:s26+$0xC130] =	vst @p3 v1;
	v1 =	vld [tilespmem:$0x1F940];
	vm1 =	vnez.u8 v19;
	vm2 =	vnez.u8 v42;
	vm5 =	vnez.u8 v43  }
0x487: {  	v45 =	vperm.xlane v16, v0;
	vm7 =	vmor @p3 vm1, vm7;
	vm1 =	vnez.u8 v41  }
0x488: {  	v20 =	vperm.xlane v17, v0;
	v47 =	vperm.xlane v18, v0;
	vm1 =	vmor @p3 vm2, vm1  }
0x489: {  	v44 =	vld [tilespmem:s25+$0x4150];
	v13 =	vnsel @p3 vm7, $0x0, v13;
	v22 =	vperm.xlane v2, v0;
	vm6 =	vgt.f32 v16, v45  }
0x48a: {  	vm7 =	veq.f32 v17, v20;
	vm8 =	veq.f32 v18, v47;
	v48 =	vperm.xlane v3, v0  }
0x48b: {  	vm2 =	vnez.u8 v1;
	v1 =	vnsel @p3 vm13, $0x0, v4;
	v4 =	vnsel @p3 vm5, $0x0, v6  }
0x48c: {  	vm5 =	veq.f32 v16, v45;
	v50 =	vperm.xlane v40, v0;
	vm2 =	vmor @p3 vm10, vm2  }
0x48d: {  	[tilespmem:s26+$0xC140] =	vst @p3 v1;
	v1 =	vld [tilespmem:$0x1F8A0];
	vm0 =	vmand vm5, vm9;
	vm10 =	veq.f32 v2, v22;
	vm11 =	veq.f32 v3, v48  }
0x48e: {  	v24 =	vperm.xlane v44, v0;
	v46 =	vld [tilespmem:s25+$0x4160];
	[tilespmem:s26+$0xC150] =	vst @p3 v4;
	v4 =	vnsel @p3 vm1, $0x0, v14;
	v15 =	vnsel @p3 vm2, $0x0, v15  }
0x48f: {  	vm0 =	vmor vm6, vm0;
	vm2 =	vmand vm7, vm9;
	vm4 =	veq.f32 v40, v50  }
0x490: {  	vm1 =	vmand vm8, vm9;
	vm6 =	vgt.f32 v17, v20;
	v21 =	vld [tilespmem:s25+$0x4170];
	v16 =	vnsel vm0, $0x0, v16  }
0x491: {  	[tilespmem:s26+$0xC160] =	vst @p3 v7;
	vm0 =	vmand vm10, vm9;
	vm10 =	vmor vm6, vm2;
	vm6 =	vgt.f32 v2, v22  }
0x492: {  	vm5 =	veq.f32 v44, v24;
	vm4 =	vmand vm4, vm9;
	v49 =	vld [tilespmem:s25+$0x4300];
	vm6 =	vmor vm6, vm0  }
0x493: {  	[tilespmem:s26+$0xC170] =	vst @p3 v8;
	vm0 =	vgt.f32 v40, v50;
	v56 =	vnsel vm10, $0x0, v17;
	vm3 =	vnez.u8 v1  }
0x494: {  	v23 =	vld [tilespmem:s25+$0x4310];
	v2 =	vnsel vm6, $0x0, v2;
	v1 =	vnsel @p3 vm3, $0x0, v10;
	v25 =	vperm.xlane v46, v0  }
0x495: {  	vm3 =	vmand vm11, vm9;
	vm9 =	vgt.f32 v18, v47;
	v51 =	vperm.xlane v21, v0  }
0x496: {  	[tilespmem:s26+$0xC300] =	vst @p3 v9;
	vm9 =	vmor vm9, vm1;
	vm1 =	vgt.f32 v3, v48;
	vm7 =	veq.f32 v46, v25  }
0x497: {  	v26 =	vld [tilespmem:s25+$0x4320];
	[tilespmem:s25+$0xC370] =	vst v16;
	v52 =	vperm.xlane v49, v0;
	vm2 =	vmor vm1, vm3;
	vm1 =	vmand vm5, vm14  }
0x498: {  	v27 =	vld [tilespmem:s25+$0x4330];
	[tilespmem:s26+$0xC310] =	vst @p3 v1;
	vm3 =	vmor vm0, vm4;
	vm0 =	vgt.f32 v44, v24;
	v57 =	vnsel vm9, $0x0, v18  }
0x499: {  	v1 =	vld [tilespmem:s25+$0x4340];
	[tilespmem:s26+$0xC320] =	vst @p3 v11;
	vm8 =	veq.f32 v21, v51;
	v28 =	vperm.xlane v23, v0;
	vm5 =	vmand vm7, vm14  }
0x49a: {  	v53 =	vld [tilespmem:s25+$0x4350];
	[tilespmem:s26+$0xC330] =	vst @p3 v12;
	vm4 =	vmor vm0, vm1;
	vm7 =	vgt.f32 v46, v25;
	v3 =	vnsel vm2, $0x0, v3  }
0x49b: {  	vm11 =	veq.f32 v49, v52;
	v54 =	vld [tilespmem:s25+$0x4360];
	vm1 =	vmand vm8, vm14;
	vm0 =	vmor vm7, vm5;
	[tilespmem:s26+$0xC340] =	vst @p3 v13  }
0x49c: {  	vm5 =	vgt.f32 v21, v51;
	vm8 =	vgt.f32 v49, v52;
	v55 =	vperm.xlane v26, v0;
	[tilespmem:s26+$0xC350] =	vst @p3 v4  }
0x49d: {  	[tilespmem:s26+$0xC360] =	vst @p3 v15;
	v58 =	vperm.xlane v27, v0;
	v60 =	vnsel vm4, $0x0, v44;
	vm11 =	vmand vm11, vm14  }
0x49e: {  	vm5 =	vmor vm5, vm1;
	[tilespmem:s25+$0xC120] =	vst v2;
	v2 =	vnsel vm3, $0x0, v40;
	vm1 =	vmor vm8, vm11  }
0x49f: {  	[tilespmem:s25+$0xC100] =	vst v56;
	vm11 =	veq.f32 v23, v28;
	vm8 =	vgt.f32 v23, v28;
	vm10 =	veq.f32 v26, v55  }
0x4a0: {  	[tilespmem:s25+$0xC140] =	vst v2;
	v2 =	vnsel vm0, $0x0, v46;
	v61 =	vnsel vm5, $0x0, v21;
	vm7 =	vmand vm11, vm14  }
0x4a1: {  	[tilespmem:s25+$0xC110] =	vst v57;
	v59 =	vperm.xlane v1, v0;
	vm6 =	vmand vm10, vm14;
	vm11 =	vgt.f32 v26, v55  }
0x4a2: {  	vm10 =	vgt.f32 v27, v58;
	[tilespmem:s25+$0xC160] =	vst v2;
	v2 =	vnsel vm1, $0x0, v49;
	vm7 =	vmor vm8, vm7  }
0x4a3: {  	[tilespmem:s25+$0xC130] =	vst v3;
	vm2 =	vmor vm11, vm6;
	vm8 =	veq.f32 v27, v58;
	v3 =	vperm.xlane v53, v0  }
0x4a4: {  	[tilespmem:s25+$0xC150] =	vst v60;
	vm9 =	veq.f32 v1, v59;
	vm3 =	vmand vm8, vm14;
	vm11 =	vgt.f32 v1, v59  }
0x4a5: {  	[tilespmem:s25+$0xC300] =	vst v2;
	v62 =	vperm.xlane v54, v0;
	v63 =	vnsel vm7, $0x0, v23;
	v2 =	vnsel vm2, $0x0, v26  }
0x4a6: {  	[tilespmem:s25+$0xC170] =	vst v61;
	vm4 =	vmand vm9, vm14;
	vm0 =	vmor vm10, vm3;
	vm8 =	veq.f32 v53, v3  }
0x4a7: {  	vm9 =	vgt.f32 v53, v3;
	[tilespmem:s25+$0xC310] =	vst v63;
	vm6 =	vmor vm11, vm4;
	vm1 =	vmand vm8, vm14  }
.Ltmp15:
0x4a8: {  	[tilespmem:s25+$0xC320] =	vst v2;
	v3 =	vnsel vm0, $0x0, v27;
	vm10 =	veq.f32 v54, v62;
	vm11 =	vgt.f32 v54, v62;
	(pc) =	sbr.rel @!p2 .LBB2_27-.Ltmp15, $4  }
0x4a9: {  	vm1 =	vmor vm9, vm1;
	vm0 =	vmand vm10, vm14;
	v1 =	vnsel vm6, $0x0, v1;
	[tilespmem:s25+$0xC330] =	vst v3  }
0x4aa: {  	vm0 =	vmor vm11, vm0;
	v2 =	vnsel vm1, $0x0, v53;
	[tilespmem:s25+$0xC340] =	vst v1  }
0x4ab: {  	v1 =	vnsel vm0, $0x0, v54;
	[tilespmem:s25+$0xC350] =	vst v2  }
0x4ac: {  	[tilespmem:s25+$0xC360] =	vst v1  }
0x4ad: {  	v11 =	vld [tilespmem:s24+$0x43F0]  }
0x4ae: {  	v1 =	vld [tilespmem:s24+$0x4180]  }
0x4af: {  	v2 =	vld [tilespmem:s24+$0x4190]  }
0x4b0: {  	v3 =	vld [tilespmem:s24+$0x41A0]  }
0x4b1: {  	v5 =	vld [tilespmem:s24+$0x41B0]  }
0x4b2: {  	v4 =	vld [tilespmem:s24+$0x41C0]  }
0x4b3: {  	v6 =	vld [tilespmem:s24+$0x41D0]  }
0x4b4: {  	v7 =	vld [tilespmem:s24+$0x41E0]  }
0x4b5: {  	v8 =	vld [tilespmem:s24+$0x41F0];
	v9 =	vperm.xlane v11, v0  }
0x4b6: {  	v10 =	vld [tilespmem:s24+$0x4390];
	v13 =	vimm.s32 $0x0;
	v31 =	vimm.s32 $0x0;
	v62 =	vimm.s32 $0x0  }
0x4b7: {  	v14 =	vld [tilespmem:s24+$0x43D0];
	v16 =	vperm.xlane v1, v0;
	v17 =	vperm.xlane v2, v0;
	vm0 =	veq.f32 v11, v9  }
0x4b8: {  	v15 =	vld [tilespmem:s24+$0x43E0];
	v18 =	vperm.xlane v3, v0;
	vm1 =	vgt.f32 v11, v9;
	vm0 =	vmand vm0, vm14  }
0x4b9: {  	v19 =	vperm.xlane v5, v0;
	v9 =	vld [tilespmem:s24+$0x4380];
	vm0 =	vmor vm1, vm0;
	vm1 =	veq.f32 v2, v17  }
0x4ba: {  	v20 =	vperm.xlane v4, v0;
	v12 =	vnsel vm0, $0x0, v11;
	v11 =	vld [tilespmem:s24+$0x43A0];
	vm0 =	vmand vm1, vm14  }
0x4bb: {  	v21 =	vperm.xlane v6, v0;
	v22 =	vperm.xlane v7, v0;
	[tilespmem:s24+$0xC3F0] =	vst v12;
	v12 =	vld [tilespmem:s24+$0x43B0];
	v13 =	vsel vm0, $0xFFFFFFFF, v13  }
0x4bc: {  	v63 =	vimm.s32 $0x0;
	v23 =	vperm.xlane v8, v0;
	v25 =	vperm.xlane v10, v0;
	[tilespmem:$0x1F7C0] =	vst v13;
	v13 =	vld [tilespmem:s24+$0x43C0]  }
0x4bd: {  	v29 =	vperm.xlane v14, v0;
	v30 =	vperm.xlane v15, v0;
	vm2 =	veq.f32 v1, v16  }
0x4be: {  	vm3 =	veq.f32 v3, v18;
	vm4 =	veq.f32 v5, v19;
	vm5 =	veq.f32 v4, v20  }
0x4bf: {  	vm6 =	veq.f32 v6, v21;
	v24 =	vperm.xlane v9, v0;
	v26 =	vperm.xlane v11, v0  }
0x4c0: {  	vm7 =	veq.f32 v8, v23;
	vm15 =	vmand vm2, vm14;
	v27 =	vperm.xlane v12, v0  }
0x4c1: {  	vm8 =	veq.f32 v9, v24;
	vm9 =	veq.f32 v11, v26;
	v28 =	vperm.xlane v13, v0  }
0x4c2: {  	vm10 =	vmand vm8, vm14;
	vm0 =	veq.f32 v12, v27;
	vm1 =	vmand vm9, vm14  }
0x4c3: {  	vm8 =	veq.f32 v13, v28;
	v31 =	vsel vm1, $0xFFFFFFFF, v31;
	vm0 =	vmand vm0, vm14  }
0x4c4: {  	vm2 =	vmand vm3, vm14;
	[tilespmem:$0x1F790] =	vst v31;
	v31 =	vsel vm0, $0xFFFFFFFF, v62;
	vm0 =	vmand vm8, vm14  }
0x4c5: {  	vm3 =	veq.f32 v7, v22;
	[tilespmem:$0x1F7A0] =	vst v31;
	v31 =	vsel vm0, $0xFFFFFFFF, v63;
	vm0 =	vgt.f32 v1, v16;
	v16 =	vld [tilespmem:$0x1F7C0]  }
0x4c6: {  	vm4 =	vmand vm4, vm14;
	vm12 =	vmand vm5, vm14;
	vm11 =	vmand vm6, vm14  }
0x4c7: {  	vm6 =	veq.f32 v10, v25;
	vm13 =	vmand vm7, vm14;
	vm7 =	vgt.f32 v3, v18  }
0x4c8: {  	vm3 =	vmand vm3, vm14;
	vm7 =	vmor vm7, vm2;
	vm2 =	vgt.f32 v4, v20  }
0x4c9: {  	vm5 =	vmand vm6, vm14;
	vm12 =	vmor vm2, vm12;
	vm2 =	vgt.f32 v7, v22  }
0x4ca: {  	vm8 =	vgt.f32 v2, v17;
	vm15 =	vmor vm0, vm15;
	vm0 =	vnez.u8 v16  }
0x4cb: {  	vm9 =	vmor vm2, vm3;
	vm8 =	vmor vm8, vm0;
	vm0 =	vgt.f32 v5, v19  }
0x4cc: {  	vm2 =	vgt.f32 v8, v23;
	vm6 =	vmor vm0, vm4;
	vm4 =	vgt.f32 v6, v21  }
0x4cd: {  	vm1 =	veq.f32 v14, v29;
	v16 =	vimm.s32 $0x0;
	vm0 =	vmor vm4, vm11  }
0x4ce: {  	p2 =	por $0x1, $0x1;
	vm3 =	vgt.f32 v13, v28;
	vm1 =	vmand vm1, vm14;
	v16 =	vsel vm0, $0xFFFFFFFF, v16  }
.Ltmp16:
0x4cf: {  	vm4 =	veq.f32 v15, v30;
	vm11 =	vmor vm2, vm13;
	[tilespmem:$0x1F7D0] =	vst v16;
	v16 =	vimm.s32 $0x0;
	(pc) =	sbr.rel @!p2 .LBB2_29-.Ltmp16, $4  }
0x4d0: {  	vm2 =	vgt.f32 v9, v24;
	vm0 =	vmand vm4, vm14;
	v16 =	vsel vm1, $0xFFFFFFFF, v16  }
0x4d1: {  	vm13 =	vmor vm2, vm10;
	vm2 =	vgt.f32 v10, v25;
	[tilespmem:$0x1F7E0] =	vst v16;
	v16 =	vimm.s32 $0x0  }
0x4d2: {  	[tilespmem:$0x1F7B0] =	vst v31;
	vm4 =	vgt.f32 v14, v29;
	vm1 =	vgt.f32 v11, v26;
	v16 =	vsel vm0, $0xFFFFFFFF, v16  }
0x4d3: {  	s25 =	simm.s32 $0x400;
	s26 =	simm.s32 $0x2000;
	p1 =	por $0x1, $0x1;
	vm0 =	vmor vm2, vm5;
	vm2 =	vgt.f32 v12, v27;
	vm5 =	vgt.f32 v15, v30;
	[tilespmem:$0x1F7F0] =	vst v16  }
.LBB2_30:
0x4d4: {  	v17 =	vld [tilespmem:$0x1F790];
	_ =	sdelay $0x4  }
0x4d5: {  	vm10 =	vnez.u8 v17;
	v17 =	vld [tilespmem:$0x1F7A0];
	_ =	sdelay $0x4  }
0x4d6: {  	vm10 =	vmor vm1, vm10;
	vm1 =	vnez.u8 v17;
	v17 =	vld [tilespmem:$0x1F7B0];
	_ =	sdelay $0x4  }
0x4d7: {  	vm1 =	vmor vm2, vm1;
	vm2 =	vnez.u8 v17  }
0x4d8: {  	v16 =	vld [tilespmem:s25+$0x43F0];
	v17 =	vimm.s32 $0x0;
	vm2 =	vmor vm3, vm2  }
0x4d9: {  	v18 =	vld [tilespmem:$0x1F7E0];
	v17 =	vsel vm2, $0xFFFFFFFF, v17  }
0x4da: {  	v42 =	vld [tilespmem:$0x1F7F0];
	v43 =	vnsel vm7, $0x0, v3;
	v19 =	vnsel vm6, $0x0, v5;
	[tilespmem:$0x1F6D0] =	vst v17;
	v17 =	vnsel vm15, $0x0, v1  }
0x4db: {  	v21 =	vnsel vm9, $0x0, v7;
	v44 =	vnsel vm11, $0x0, v8;
	v22 =	vnsel vm13, $0x0, v9;
	v1 =	vld [tilespmem:s25+$0x4180];
	[tilespmem:s24+$0xC180] =	vst v17  }
0x4dc: {  	v23 =	vnsel vm0, $0x0, v10;
	v53 =	vimm.s32 $0x0;
	v17 =	vnsel vm8, $0x0, v2;
	v2 =	vld [tilespmem:s25+$0x4190]  }
0x4dd: {  	v55 =	vimm.s32 $0x0;
	v29 =	vimm.s32 $0x0;
	v30 =	vimm.s32 $0x0;
	v3 =	vld [tilespmem:s25+$0x41A0]  }
0x4de: {  	v31 =	vimm.s32 $0x0;
	v59 =	vimm.s32 $0x0;
	[tilespmem:s24+$0xC190] =	vst v17;
	v17 =	vnsel vm12, $0x0, v4;
	v4 =	vld [tilespmem:$0x1F7D0]  }
0x4df: {  	v60 =	vimm.s32 $0x0;
	v61 =	vimm.s32 $0x0;
	v62 =	vimm.s32 $0x0;
	v7 =	vld [tilespmem:$0x1F6D0]  }
0x4e0: {  	v63 =	vimm.s32 $0x0;
	v9 =	vperm.xlane v16, v0;
	vm2 =	vnez.u8 v18;
	v5 =	vld [tilespmem:s25+$0x41B0]  }
0x4e1: {  	v45 =	vnsel vm10, $0x0, v11;
	vm3 =	vmor vm4, vm2;
	vm2 =	vnez.u8 v42  }
0x4e2: {  	v24 =	vnsel vm1, $0x0, v12;
	vm1 =	vgt.f32 v16, v9;
	vm2 =	vmor vm5, vm2;
	[tilespmem:s24+$0xC1A0] =	vst v43  }
0x4e3: {  	v26 =	vnsel vm3, $0x0, v14;
	v14 =	vimm.s32 $0x0;
	vm4 =	vnez.u8 v4;
	v4 =	vld [tilespmem:s25+$0x41C0];
	[tilespmem:s24+$0xC1B0] =	vst v19  }
0x4e4: {  	v46 =	vnsel vm2, $0x0, v15;
	vm0 =	vnez.u8 v7;
	v20 =	vnsel vm4, $0x0, v6;
	v6 =	vld [tilespmem:s25+$0x41D0];
	[tilespmem:s24+$0xC1C0] =	vst v17  }
0x4e5: {  	v17 =	vnsel vm0, $0x0, v13;
	vm0 =	veq.f32 v16, v9;
	v47 =	vperm.xlane v5, v0;
	v7 =	vld [tilespmem:s25+$0x41E0];
	[tilespmem:s24+$0xC1D0] =	vst v20  }
0x4e6: {  	v15 =	vimm.s32 $0x0;
	v25 =	vperm.xlane v1, v0;
	vm0 =	vmand vm0, vm14;
	v8 =	vld [tilespmem:s25+$0x41F0];
	[tilespmem:s24+$0xC1E0] =	vst v21  }
0x4e7: {  	v28 =	vperm.xlane v3, v0;
	vm0 =	vmor vm1, vm0;
	vm4 =	veq.f32 v5, v47;
	v9 =	vld [tilespmem:s25+$0x4380];
	[tilespmem:s24+$0xC1F0] =	vst v44  }
0x4e8: {  	v27 =	vperm.xlane v2, v0;
	v12 =	vnsel vm0, $0x0, v16;
	vm1 =	vmand vm4, vm14;
	v10 =	vld [tilespmem:s25+$0x4390];
	[tilespmem:s24+$0xC380] =	vst v22  }
0x4e9: {  	vm2 =	veq.f32 v1, v25;
	vm0 =	veq.f32 v3, v28;
	v15 =	vsel vm1, $0xFFFFFFFF, v15;
	[tilespmem:s25+$0xC3F0] =	vst v12  }
0x4ea: {  	vm8 =	vmand vm2, vm14;
	v48 =	vperm.xlane v4, v0;
	vm0 =	vmand vm0, vm14;
	v11 =	vld [tilespmem:s25+$0x43A0];
	[tilespmem:$0x1F6F0] =	vst v15  }
0x4eb: {  	vm3 =	veq.f32 v2, v27;
	v16 =	vperm.xlane v6, v0;
	v12 =	vld [tilespmem:s25+$0x43B0];
	v14 =	vsel vm0, $0xFFFFFFFF, v14;
	[tilespmem:s24+$0xC390] =	vst v23  }
0x4ec: {  	vm13 =	vmand vm3, vm14;
	vm2 =	veq.f32 v4, v48;
	v49 =	vperm.xlane v7, v0;
	[tilespmem:$0x1F6E0] =	vst v14  }
0x4ed: {  	vm3 =	veq.f32 v6, v16;
	v50 =	vperm.xlane v8, v0;
	v13 =	vld [tilespmem:s25+$0x43C0];
	[tilespmem:s24+$0xC3A0] =	vst v45;
	vm1 =	vmand vm2, vm14  }
0x4ee: {  	vm11 =	vgt.f32 v6, v16;
	v16 =	vimm.s32 $0x0;
	vm0 =	veq.f32 v7, v49;
	v14 =	vld [tilespmem:s25+$0x43D0];
	[tilespmem:s24+$0xC3B0] =	vst v24  }
0x4ef: {  	v51 =	vperm.xlane v9, v0;
	vm4 =	veq.f32 v8, v50;
	v15 =	vld [tilespmem:s25+$0x43E0];
	[tilespmem:s24+$0xC3C0] =	vst v17;
	v17 =	vimm.s32 $0x0  }
0x4f0: {  	v52 =	vperm.xlane v10, v0;
	vm0 =	vmand vm0, vm14;
	v17 =	vsel vm1, $0xFFFFFFFF, v17  }
0x4f1: {  	vm2 =	veq.f32 v9, v51;
	vm1 =	vmand vm3, vm14;
	v54 =	vperm.xlane v12, v0  }
0x4f2: {  	v20 =	vsel vm0, $0xFFFFFFFF, v55;
	vm0 =	vmand vm4, vm14;
	[tilespmem:$0x1F700] =	vst v17;
	v17 =	vperm.xlane v11, v0  }
0x4f3: {  	[tilespmem:s24+$0xC3D0] =	vst v26;
	v26 =	vsel vm1, $0xFFFFFFFF, v53;
	vm5 =	veq.f32 v10, v52;
	v29 =	vsel vm0, $0xFFFFFFFF, v29  }
0x4f4: {  	vm0 =	vmand vm2, vm14;
	vm1 =	vgt.f32 v9, v51;
	v56 =	vperm.xlane v13, v0  }
0x4f5: {  	vm12 =	veq.f32 v12, v54;
	v30 =	vsel vm0, $0xFFFFFFFF, v30;
	vm0 =	vmand vm5, vm14  }
0x4f6: {  	v16 =	vsel vm1, $0xFFFFFFFF, v16;
	vm1 =	vgt.f32 v10, v52;
	vm7 =	veq.f32 v11, v17  }
0x4f7: {  	v57 =	vperm.xlane v14, v0;
	v31 =	vsel vm0, $0xFFFFFFFF, v31;
	[tilespmem:$0x1F750] =	vst v16;
	v16 =	vimm.s32 $0x0  }
0x4f8: {  	vm2 =	veq.f32 v13, v56;
	[tilespmem:$0x1F760] =	vst v31;
	vm0 =	vmand vm7, vm14;
	v16 =	vsel vm1, $0xFFFFFFFF, v16  }
0x4f9: {  	v58 =	vperm.xlane v15, v0;
	v31 =	vsel vm0, $0xFFFFFFFF, v59;
	vm0 =	vmand vm12, vm14;
	[tilespmem:$0x1F770] =	vst v16;
	v16 =	vld [tilespmem:$0x1F6E0]  }
0x4fa: {  	vm7 =	veq.f32 v14, v57;
	[tilespmem:$0x1F790] =	vst v31;
	v31 =	vsel vm0, $0xFFFFFFFF, v60;
	vm0 =	vmand vm2, vm14  }
0x4fb: {  	vm2 =	veq.f32 v15, v58;
	[tilespmem:$0x1F7A0] =	vst v31;
	v31 =	vsel vm0, $0xFFFFFFFF, v61;
	vm0 =	vmand vm7, vm14  }
0x4fc: {  	vm15 =	vgt.f32 v1, v25;
	v25 =	vsel vm0, $0xFFFFFFFF, v62;
	vm0 =	vmand vm2, vm14  }
0x4fd: {  	[tilespmem:$0x1F7E0] =	vst v25;
	v25 =	vsel vm0, $0xFFFFFFFF, v63;
	vm0 =	vgt.f32 v2, v27  }
0x4fe: {  	vm15 =	vmor vm15, vm8;
	vm8 =	vmor vm0, vm13;
	vm0 =	vnez.u8 v16;
	v16 =	vld [tilespmem:$0x1F6F0];
	_ =	sdelay $0x3  }
0x4ff: {  	vm7 =	vgt.f32 v3, v28  }
0x500: {  	vm7 =	vmor vm7, vm0;
	vm0 =	vnez.u8 v16;
	v16 =	vld [tilespmem:$0x1F700];
	_ =	sdelay $0x3  }
0x501: {  	vm6 =	vgt.f32 v5, v47;
	[tilespmem:$0x1F710] =	vst v26  }
0x502: {  	vm6 =	vmor vm6, vm0;
	vm0 =	vnez.u8 v16;
	v16 =	vld [tilespmem:$0x1F710];
	_ =	sdelay $0x3  }
0x503: {  	vm12 =	vgt.f32 v4, v48  }
0x504: {  	vm12 =	vmor vm12, vm0;
	vm0 =	vnez.u8 v16  }
0x505: {  	v16 =	vimm.s32 $0x0;
	vm0 =	vmor vm11, vm0  }
0x506: {  	[tilespmem:$0x1F720] =	vst v20;
	v16 =	vsel vm0, $0xFFFFFFFF, v16  }
0x507: {  	[tilespmem:$0x1F7D0] =	vst v16;
	v16 =	vld [tilespmem:$0x1F720];
	_ =	sdelay $0x3  }
0x508: {  	[tilespmem:$0x1F730] =	vst v29  }
0x509: {  	vm0 =	vnez.u8 v16;
	v16 =	vld [tilespmem:$0x1F730];
	_ =	sdelay $0x3  }
0x50a: {  	vm9 =	vgt.f32 v7, v49;
	[tilespmem:$0x1F740] =	vst v30  }
0x50b: {  	vm9 =	vmor vm9, vm0;
	vm0 =	vnez.u8 v16;
	v16 =	vld [tilespmem:$0x1F740];
	_ =	sdelay $0x3  }
0x50c: {  	vm10 =	vgt.f32 v8, v50  }
0x50d: {  	vm11 =	vmor vm10, vm0;
	vm0 =	vnez.u8 v16;
	v16 =	vld [tilespmem:$0x1F750];
	_ =	sdelay $0x4  }
0x50e: {  	vm10 =	vnez.u8 v16;
	v16 =	vld [tilespmem:$0x1F760];
	_ =	sdelay $0x4  }
0x50f: {  	vm13 =	vmor vm10, vm0;
	vm0 =	vnez.u8 v16;
	v16 =	vld [tilespmem:$0x1F770]  }
0x510: {  	p2 =	sne.s32 s26, $0xF000  }
.Ltmp17:
0x511: {  	_ = 	snop;
	(pc) =	sbr.rel @p2 .LBB2_30-.Ltmp17, $4  }
0x512: {  	_ = 	snop  }
0x513: {  	[tilespmem:s24+$0xC3E0] =	vst v46;
	vm1 =	vgt.f32 v11, v17  }
0x514: {  	vm3 =	vgt.f32 v13, v56;
	vm4 =	vgt.f32 v14, v57;
	[tilespmem:$0x1F7B0] =	vst v31;
	vm10 =	vnez.u8 v16  }
0x515: {  	s24 =	smov.u32 s25;
	s25 =	sshra.s32 s26, $0x2;
	s26 =	sadd.s32 $0x1000, s26;
	vm5 =	vgt.f32 v15, v58;
	vm2 =	vgt.f32 v12, v54;
	[tilespmem:$0x1F7F0] =	vst v25;
	vm0 =	vmor vm10, vm0  }
0x516: {  	v16 =	vimm.s32 $0x0  }
0x517: {  	v16 =	vsel vm5, $0xFFFFFFFF, v16  }
0x518: {  	[tilespmem:$0x1F780] =	vst v16;
	v16 =	vld [tilespmem:$0x1F7B0];
	_ =	sdelay $0x4  }
0x519: {  	vm10 =	vnez.u8 v16;
	v16 =	vld [tilespmem:$0x1F7F0];
	_ =	sdelay $0x4  }
0x51a: {  	vm14 =	vmmov vm0;
	vm0 =	vmmov vm8;
	vm5 =	vnez.u8 v16  }
.LBB2_32:
0x51b: {  	v16 =	vld [tilespmem:s25+$0x43F0]  }
0x51c: {  	v17 =	vld [tilespmem:s25+$0x4180]  }
0x51d: {  	v1 =	vnsel @p1 vm15, $0x0, v1;
	v18 =	vld [tilespmem:s25+$0x4190]  }
0x51e: {  	v42 =	vld [tilespmem:$0x1F7D0];
	[tilespmem:s24+$0xC180] =	vst @p1 v1;
	v1 =	vnsel @p1 vm0, $0x0, v2  }
0x51f: {  	v2 =	vld [tilespmem:s25+$0x41A0];
	[tilespmem:s24+$0xC190] =	vst @p1 v1  }
0x520: {  	v1 =	vnsel @p1 vm7, $0x0, v3;
	v3 =	vld [tilespmem:s25+$0x41B0]  }
0x521: {  	[tilespmem:s24+$0xC1A0] =	vst @p1 v1;
	v1 =	vld [tilespmem:$0x1F790];
	_ =	sdelay $0x1  }
0x522: {  	v19 =	vld [tilespmem:$0x1F7A0];
	v7 =	vnsel @p1 vm9, $0x0, v7;
	vm7 =	vmor @p1 vm3, vm10  }
0x523: {  	v8 =	vnsel @p1 vm11, $0x0, v8;
	v9 =	vnsel @p1 vm13, $0x0, v9;
	v13 =	vnsel @p1 vm7, $0x0, v13;
	v40 =	vld [tilespmem:s25+$0x41C0]  }
0x524: {  	v41 =	vld [tilespmem:$0x1F7E0];
	vm3 =	vnez.u8 v42;
	v44 =	vperm.xlane v16, v0;
	v20 =	vperm.xlane v17, v0  }
0x525: {  	v46 =	vperm.xlane v18, v0;
	vm0 =	vnez.u8 v1;
	v1 =	vnsel @p1 vm6, $0x0, v5  }
0x526: {  	v22 =	vperm.xlane v2, v0;
	vm7 =	vgt.f32 v16, v44;
	vm8 =	veq.f32 v17, v20;
	[tilespmem:s24+$0xC1B0] =	vst @p1 v1;
	v1 =	vld [tilespmem:$0x1F780]  }
0x527: {  	v47 =	vld [tilespmem:$0x1FFF0];
	vm9 =	veq.f32 v18, v46;
	v48 =	vperm.xlane v3, v0;
	vm0 =	vmor @p1 vm1, vm0  }
0x528: {  	vm1 =	vnez.u8 v19;
	v50 =	vperm.xlane v40, v0;
	vm10 =	veq.f32 v2, v22  }
0x529: {  	vm6 =	vmor @p1 vm2, vm1;
	vm1 =	vnez.u8 v41;
	v43 =	vld [tilespmem:s25+$0x41D0];
	v11 =	vnsel @p1 vm0, $0x0, v11  }
0x52a: {  	vm11 =	veq.f32 v3, v48;
	vm1 =	vmor @p1 vm4, vm1;
	v12 =	vnsel @p1 vm6, $0x0, v12  }
0x52b: {  	vm6 =	veq.f32 v16, v44;
	vm4 =	veq.f32 v40, v50;
	vm2 =	vnez.u8 v1  }
0x52c: {  	v1 =	vnsel @p1 vm12, $0x0, v4;
	v4 =	vnsel @p1 vm3, $0x0, v6;
	vm12 =	vnez.u8 v47  }
0x52d: {  	vm2 =	vmor @p1 vm2, vm5;
	[tilespmem:s24+$0xC1C0] =	vst @p1 v1;
	v1 =	vnsel @p1 vm14, $0x0, v10;
	vm0 =	vmand vm6, vm12  }
0x52e: {  	v24 =	vperm.xlane v43, v0;
	vm3 =	vmand vm11, vm12;
	vm4 =	vmand vm4, vm12  }
0x52f: {  	vm6 =	vgt.f32 v17, v20;
	v45 =	vld [tilespmem:s25+$0x41E0];
	[tilespmem:s24+$0xC1D0] =	vst @p1 v4;
	v4 =	vnsel @p1 vm1, $0x0, v14;
	v15 =	vnsel @p1 vm2, $0x0, v15  }
0x530: {  	vm0 =	vmor vm7, vm0;
	vm2 =	vmand vm8, vm12;
	vm1 =	vmand vm9, vm12  }
0x531: {  	vm9 =	vgt.f32 v18, v46;
	v16 =	vnsel vm0, $0x0, v16;
	vm5 =	veq.f32 v43, v24  }
0x532: {  	v21 =	vld [tilespmem:s25+$0x41F0];
	[tilespmem:s24+$0xC1E0] =	vst @p1 v7;
	vm0 =	vmand vm10, vm12;
	vm10 =	vmor vm6, vm2;
	vm6 =	vgt.f32 v2, v22  }
0x533: {  	vm9 =	vmor vm9, vm1;
	vm1 =	vgt.f32 v3, v48;
	v49 =	vld [tilespmem:s25+$0x4380];
	[tilespmem:s24+$0xC1F0] =	vst @p1 v8;
	vm6 =	vmor vm6, vm0  }
0x534: {  	vm2 =	vmor vm1, vm3;
	vm0 =	vgt.f32 v40, v50;
	vm1 =	vmand vm5, vm12;
	v23 =	vld [tilespmem:s25+$0x4390];
	[tilespmem:s24+$0xC380] =	vst @p1 v9  }
0x535: {  	v56 =	vnsel vm10, $0x0, v17;
	v57 =	vnsel vm9, $0x0, v18;
	vm3 =	vmor vm0, vm4;
	v26 =	vld [tilespmem:s25+$0x43A0];
	[tilespmem:s25+$0xC3F0] =	vst v16  }
0x536: {  	vm0 =	vgt.f32 v43, v24;
	v2 =	vnsel vm6, $0x0, v2;
	v27 =	vld [tilespmem:s25+$0x43B0];
	v25 =	vperm.xlane v45, v0;
	[tilespmem:s24+$0xC390] =	vst @p1 v1  }
0x537: {  	v3 =	vnsel vm2, $0x0, v3;
	vm4 =	vmor vm0, vm1;
	v51 =	vperm.xlane v21, v0;
	v1 =	vld [tilespmem:s25+$0x43C0];
	[tilespmem:s24+$0xC3A0] =	vst @p1 v11  }
0x538: {  	v60 =	vnsel vm4, $0x0, v43;
	vm7 =	veq.f32 v45, v25;
	v52 =	vperm.xlane v49, v0;
	v53 =	vld [tilespmem:s25+$0x43D0];
	[tilespmem:s24+$0xC3B0] =	vst @p1 v12  }
0x539: {  	vm8 =	veq.f32 v21, v51;
	v28 =	vperm.xlane v23, v0;
	vm5 =	vmand vm7, vm12;
	v54 =	vld [tilespmem:s25+$0x43E0];
	[tilespmem:s24+$0xC3C0] =	vst @p1 v13  }
0x53a: {  	vm7 =	vgt.f32 v45, v25;
	[tilespmem:s24+$0xC3D0] =	vst @p1 v4;
	vm11 =	veq.f32 v49, v52;
	vm1 =	vmand vm8, vm12  }
0x53b: {  	[tilespmem:s24+$0xC3E0] =	vst @p1 v15;
	vm0 =	vmor vm7, vm5;
	vm5 =	vgt.f32 v21, v51;
	vm8 =	vgt.f32 v49, v52  }
0x53c: {  	v55 =	vperm.xlane v26, v0;
	v58 =	vperm.xlane v27, v0;
	[tilespmem:s25+$0xC1A0] =	vst v2;
	v2 =	vnsel vm3, $0x0, v40  }
0x53d: {  	vm11 =	vmand vm11, vm12;
	vm5 =	vmor vm5, vm1;
	[tilespmem:s25+$0xC1C0] =	vst v2;
	v2 =	vnsel vm0, $0x0, v45  }
0x53e: {  	vm1 =	vmor vm8, vm11;
	vm11 =	veq.f32 v23, v28;
	vm8 =	vgt.f32 v23, v28  }
0x53f: {  	[tilespmem:s25+$0xC180] =	vst v56;
	vm10 =	veq.f32 v26, v55;
	v59 =	vperm.xlane v1, v0;
	v61 =	vnsel vm5, $0x0, v21  }
0x540: {  	[tilespmem:s25+$0xC1B0] =	vst v3;
	vm7 =	vmand vm11, vm12;
	vm6 =	vmand vm10, vm12;
	vm11 =	vgt.f32 v26, v55  }
0x541: {  	[tilespmem:s25+$0xC1E0] =	vst v2;
	v3 =	vperm.xlane v53, v0;
	vm10 =	vgt.f32 v27, v58;
	v2 =	vnsel vm1, $0x0, v49  }
0x542: {  	[tilespmem:s25+$0xC190] =	vst v57;
	vm7 =	vmor vm8, vm7;
	vm2 =	vmor vm11, vm6;
	vm8 =	veq.f32 v27, v58  }
0x543: {  	[tilespmem:s25+$0xC1D0] =	vst v60;
	vm9 =	veq.f32 v1, v59;
	vm11 =	vgt.f32 v1, v59;
	v62 =	vperm.xlane v54, v0  }
0x544: {  	[tilespmem:s25+$0xC1F0] =	vst v61;
	vm3 =	vmand vm8, vm12;
	vm4 =	vmand vm9, vm12;
	v63 =	vnsel vm7, $0x0, v23  }
0x545: {  	[tilespmem:s25+$0xC380] =	vst v2;
	vm8 =	veq.f32 v53, v3;
	v2 =	vnsel vm2, $0x0, v26;
	vm9 =	vgt.f32 v53, v3  }
0x546: {  	vm0 =	vmor vm10, vm3;
	vm6 =	vmor vm11, vm4;
	vm1 =	vmand vm8, vm12;
	[tilespmem:s25+$0xC390] =	vst v63  }
0x547: {  	vm10 =	veq.f32 v54, v62;
	[tilespmem:s25+$0xC3A0] =	vst v2;
	vm11 =	vgt.f32 v54, v62;
	v3 =	vnsel vm0, $0x0, v27  }
.Ltmp18:
0x548: {  	vm1 =	vmor vm9, vm1;
	vm0 =	vmand vm10, vm12;
	v1 =	vnsel vm6, $0x0, v1;
	[tilespmem:s25+$0xC3B0] =	vst v3;
	(pc) =	sbr.rel @p0 .LBB2_34-.Ltmp18, $4  }
0x549: {  	vm0 =	vmor vm11, vm0;
	v2 =	vnsel vm1, $0x0, v53;
	[tilespmem:s25+$0xC3C0] =	vst v1  }
0x54a: {  	s31 =	sor.u32 s23, s4;
	v1 =	vnsel vm0, $0x0, v54;
	[tilespmem:s25+$0xC3D0] =	vst v2  }
0x54b: {  	s24 =	sadd.s32 s31, s9;
	[tilespmem:s25+$0xC3E0] =	vst v1  }
0x54c: {  	[hbm4b:s24+s12] =	stream.strided.scatter [tilespmem:s18], [sflag:$0x4], $0x4000, s13, s12, $0x38;
	[tilespmem:$0x10000] =	vst v63  }
.Ltmp19:
0x54d: {  	(pc) =	sbr.rel .LBB2_2-.Ltmp19, $3  }
0x54e: {  	_ =	sdelay $0x1  }
0x54f: {  	s23 =	sadd.s32 s23, s10;
	s22 =	sadd.s32 $0x1, s22  }
0x550: {  	[tilespmem:s14], [sflag:$0x2] =	stream.strided.gather [hbm4b:s23+s12], $0x4000, s13, s12, $0x38;
	[tilespmem:$0x10000] =	vst v63  }
.LBB2_12:
.Ltmp20:
0x551: {  	(pc) =	sbr.rel .LBB2_17-.Ltmp20, $4  }
0x552: {  	_ = 	snop  }
0x553: {  	_ = 	snop  }
0x554: {  	_ = 	snop  }
0x555: {  	s25 =	simm.s32 $0x0  }
.LBB2_27:
.Ltmp21:
0x556: {  	(pc) =	sbr.rel .LBB2_32-.Ltmp21, $4  }
0x557: {  	_ = 	snop  }
0x558: {  	_ = 	snop  }
0x559: {  	_ = 	snop  }
0x55a: {  	s25 =	simm.s32 $0x0  }
.LBB2_8:
0x55b: {  	v16 =	vimm.s32 $0x0  }
0x55c: {  	v16 =	vsel vm4, $0xFFFFFFFF, v16  }
0x55d: {  	[tilespmem:$0x1FD30] =	vst v16;
	v16 =	vimm.s32 $0x0  }
0x55e: {  	v16 =	vsel vm5, $0xFFFFFFFF, v16  }
0x55f: {  	[tilespmem:$0x1FD40] =	vst v16;
	v16 =	vimm.s32 $0x0  }
0x560: {  	v16 =	vsel vm7, $0xFFFFFFFF, v16  }
0x561: {  	[tilespmem:$0x1FD50] =	vst v16;
	v16 =	vld [tilespmem:$0x1FD80];
	_ =	sdelay $0x4  }
0x562: {  	vm5 =	vnez.u8 v16;
	v16 =	vld [tilespmem:$0x1FD90];
	_ =	sdelay $0x4  }
0x563: {  	vm7 =	vnez.u8 v16;
	v16 =	vld [tilespmem:$0x1FDA0];
	_ =	sdelay $0x4  }
0x564: {  	vm4 =	vnez.u8 v16;
	v16 =	vimm.s32 $0x0  }
0x565: {  	v16 =	vsel vm11, $0xFFFFFFFF, v16  }
0x566: {  	[tilespmem:$0x1FD60] =	vst v16;
	v16 =	vld [tilespmem:$0x1FD70]  }
.Ltmp22:
0x567: {  	_ = 	snop;
	(pc) =	sbr.rel .LBB2_11-.Ltmp22, $2  }
0x568: {  	_ =	sdelay $0x2  }
0x569: {  	s26 =	simm.s32 $0x0;
	vm11 =	vmmov vm14;
	vm14 =	vnez.u8 v16  }
.LBB2_14:
0x56a: {  	v16 =	vimm.s32 $0x0  }
0x56b: {  	v16 =	vsel vm5, $0xFFFFFFFF, v16  }
0x56c: {  	[tilespmem:$0x1FC10] =	vst v16;
	v16 =	vld [tilespmem:$0x1FC40];
	_ =	sdelay $0x4  }
0x56d: {  	vm10 =	vnez.u8 v16;
	v16 =	vld [tilespmem:$0x1FC80]  }
.Ltmp23:
0x56e: {  	_ = 	snop;
	(pc) =	sbr.rel .LBB2_17-.Ltmp23, $2  }
0x56f: {  	_ =	sdelay $0x2  }
0x570: {  	vm14 =	vmmov vm0;
	vm0 =	vmmov vm8;
	vm5 =	vnez.u8 v16  }
.LBB2_23:
0x571: {  	v16 =	vimm.s32 $0x0  }
0x572: {  	v16 =	vsel vm4, $0xFFFFFFFF, v16  }
0x573: {  	[tilespmem:$0x1F8A0] =	vst v16;
	v16 =	vimm.s32 $0x0  }
0x574: {  	v16 =	vsel vm5, $0xFFFFFFFF, v16  }
0x575: {  	[tilespmem:$0x1F8B0] =	vst v16;
	v16 =	vimm.s32 $0x0  }
0x576: {  	v16 =	vsel vm7, $0xFFFFFFFF, v16  }
0x577: {  	[tilespmem:$0x1F8C0] =	vst v16;
	v16 =	vld [tilespmem:$0x1F8F0];
	_ =	sdelay $0x4  }
0x578: {  	vm5 =	vnez.u8 v16;
	v16 =	vld [tilespmem:$0x1F900];
	_ =	sdelay $0x4  }
0x579: {  	vm7 =	vnez.u8 v16;
	v16 =	vld [tilespmem:$0x1F910];
	_ =	sdelay $0x4  }
0x57a: {  	vm4 =	vnez.u8 v16;
	v16 =	vimm.s32 $0x0  }
0x57b: {  	v16 =	vsel vm11, $0xFFFFFFFF, v16  }
0x57c: {  	[tilespmem:$0x1F8D0] =	vst v16;
	v16 =	vld [tilespmem:$0x1F8E0]  }
.Ltmp24:
0x57d: {  	_ = 	snop;
	(pc) =	sbr.rel .LBB2_26-.Ltmp24, $2  }
0x57e: {  	_ =	sdelay $0x2  }
0x57f: {  	s26 =	simm.s32 $0x0;
	vm11 =	vmmov vm14;
	vm14 =	vnez.u8 v16  }
.LBB2_29:
0x580: {  	v16 =	vimm.s32 $0x0  }
0x581: {  	v16 =	vsel vm5, $0xFFFFFFFF, v16  }
0x582: {  	[tilespmem:$0x1F780] =	vst v16;
	v16 =	vld [tilespmem:$0x1F7B0];
	_ =	sdelay $0x4  }
0x583: {  	vm10 =	vnez.u8 v16;
	v16 =	vld [tilespmem:$0x1F7F0]  }
.Ltmp25:
0x584: {  	_ = 	snop;
	(pc) =	sbr.rel .LBB2_32-.Ltmp25, $2  }
0x585: {  	_ =	sdelay $0x2  }
0x586: {  	vm14 =	vmmov vm0;
	vm0 =	vmmov vm8;
	vm5 =	vnez.u8 v16  }
.LBB2_35:
0x587: {  	_ =	sfence.sel $0x180000  }
0x588: {  	[bflag:$0x0] =	sbarrier.arrive $0xFFFF  }
0x589: {  	p0 =	sne.s32 s0, $0x0;
	_ =	strace $0x90000047  }
0x58a: {  	s0 =	sadd.s32 @!p0 $0x100000, s1;
	[bflag:$0x2] =	sbarrier.arrive $0xFFFF  }
0x58b: {  	[sflag:s0] =	ssyncadd.tile.s32 @!p0 $0x1;
	_ =	shalt  }
.Lfunc_end2:
_tile_overlayer_lowered:
.L_overlay_start_2:
0x58c: {  	(tag) =	ssettag $0x2  }
0x58d: {  	s0 =	rddreg [dreg:$0x0];
	s2 =	stileid.u32  }
0x58e: {  	s1 =	rddreg [dreg:$0x1];
	p0 =	sne.s32 s2, $0x0  }
0x58f: {  	s3 =	rddreg [dreg:$0x2];
	[bflag:$0x3] =	sbarrier.arrive $0xFFFF;
	s2 =	simm.s32 @!p0 $0x1C05  }
0x590: {  	[timem:s3], [sflag:s2] =	dma.local @!p0 [hbm:s0], s1  }
0x591: {  	s0 =	simm.s32 @!p0 $0x5  }
0x592: {  	_ =	swait.ge @!p0 [sflag:s0], s1  }
0x593: {  	s1 =	ssub.s32 @!p0 $0x0, s1;
	[sflag:s0] =	ssyncset.done @!p0 $0x0  }
0x594: {  	[sflag:s0] =	ssyncadd.s32 @!p0 s1  }
0x595: {  	[bflag:$0x3] =	sbarrier.arrive $0xFFFF  }
0x596: {  	_ =	shalt  }

</sc_bundles>
